<compile_context>
chip_gen: v7x
topology: tpu7x:2x2x1
jax: 0.10.2.dev20260603
libtpu: 0.0.44.dev20260713+nightly
codegen_flags: <defaults>
</compile_context>

<pallas_src>
import functools

import jax
import jax.numpy as jnp
from jax import lax
from jax.experimental import pallas as pl
from jax.experimental.pallas import tpu as pltpu
from jax.experimental.pallas import tpu_sc as plsc

_MAX_CLASSES = 1000000
_D = 16
_B, _N = 16384, 200

_info = plsc.get_sparse_core_info()
_NC, _NS, _L = _info.num_cores, _info.num_subcores, _info.num_lanes
_NW = _NC * _NS
_W = 2048
_WINS_PER_N = _B // _W
_TASKS = _N * _WINS_PER_N
_PER_W = _TASKS // _NW

_VPAD = 1000064
_NTC = _VPAD // 128
_P1_PER_TILE = 489
_P1_CHUNKS = 245


@functools.partial(
    pl.kernel,
    out_type=(
        jax.ShapeDtypeStruct((_N, 2, _B // 128, 8, 128), jnp.float32),
        jax.ShapeDtypeStruct((_NC * _VPAD, _D), jnp.float32),
    ),
    mesh=plsc.VectorSubcoreMesh(core_axis_name="c", subcore_axis_name="s"),
    scratch_types=[
        pltpu.VMEM((2, _W // 128, 128), jnp.int32),
        pltpu.VMEM((2, _W, _D), jnp.float32),
        pltpu.VMEM((2, _W // 128, 8, 128), jnp.float32),
        pltpu.VMEM((4, 32, 128), jnp.float32),
        pltpu.VMEM((2, 256, _D), jnp.float32),
        pltpu.SemaphoreType.DMA((2,)),
        pltpu.SemaphoreType.DMA,
        pltpu.SemaphoreType.DMA((4,)),
        pltpu.SemaphoreType.DMA((2,)),
    ],
    compiler_params=pltpu.CompilerParams(
        use_tc_tiling_on_sc=False, needs_layout_passes=False
    ),
)
def _gather_kernel(
    labels_hbm, t3_hbm, out_hbm, tbl_hbm,
    idx_v, rows_v, tr_v, stage_v, ost_v, gsem, ssem, isem, psem,
):
    core = lax.axis_index("c")
    sub = lax.axis_index("s")
    wid = sub * _NC + core
    t0 = wid * _PER_W
    core_row0 = core * _VPAD

    tc_lo = sub * _P1_PER_TILE
    io16 = lax.iota(jnp.int32, _L)
    rv = [(io16 // 8) * 16 + tcrel * 8 + (io16 % 8) for tcrel in range(2)]

    def p1_tc0(i):
        return jnp.minimum(tc_lo + 2 * i, _NTC - 2)

    def p1_load(i, pb):
        tc0 = p1_tc0(i)
        pltpu.async_copy(
            t3_hbm.at[0, pl.ds(tc0 * 8, 16)], stage_v.at[pb, pl.ds(0, 16)],
            isem.at[pb],
        )
        pltpu.async_copy(
            t3_hbm.at[1, pl.ds(tc0 * 8, 16)], stage_v.at[pb, pl.ds(16, 16)],
            isem.at[pb],
        )

    def p1_wait_load(i, pb):
        tc0 = p1_tc0(i)
        pltpu.make_async_copy(
            t3_hbm.at[0, pl.ds(tc0 * 8, 16)], stage_v.at[pb, pl.ds(0, 16)],
            isem.at[pb],
        ).wait()
        pltpu.make_async_copy(
            t3_hbm.at[1, pl.ds(tc0 * 8, 16)], stage_v.at[pb, pl.ds(16, 16)],
            isem.at[pb],
        ).wait()

    def p1_store_slice(i):
        tc0 = p1_tc0(i)
        return tbl_hbm.at[pl.ds(core_row0 + tc0 * 128, 256)]

    def p1_compute_fire(i, sb, pb):
        zero16 = jnp.zeros((_L,), jnp.int32)
        for tcrel in range(2):
            rvec = rv[tcrel]

            def icg_body(g, c):
                icb = zero16 + g * _L
                vals = [
                    plsc.load_gather(stage_v.at[sb], [rvec, icb + k])
                    for k in range(_L)
                ]
                for k in range(_L):
                    ost_v[pb, tcrel * 128 + g * _L + k, :] = vals[k]
                return c

            lax.fori_loop(0, 128 // _L, icg_body, 0)
        pltpu.async_copy(ost_v.at[pb], p1_store_slice(i), psem.at[pb])

    def p1_wait_store(i, pb):
        pltpu.make_async_copy(ost_v.at[pb], p1_store_slice(i), psem.at[pb]).wait()

    for j in range(3):
        p1_load(j, j)

    def p1_step(i, c):
        sb = i % 4
        pb = i % 2

        @pl.when(i + 3 < _P1_CHUNKS)
        def _():
            p1_load(i + 3, (i + 3) % 4)

        p1_wait_load(i, sb)

        @pl.when(i >= 2)
        def _():
            p1_wait_store(i - 2, pb)

        p1_compute_fire(i, sb, pb)
        return c

    lax.fori_loop(0, _P1_CHUNKS, p1_step, 0)
    p1_wait_store(_P1_CHUNKS - 2, (_P1_CHUNKS - 2) % 2)
    p1_wait_store(_P1_CHUNKS - 1, (_P1_CHUNKS - 1) % 2)
    plsc.subcore_barrier()

    def task_nb(t):
        n = t // _WINS_PER_N
        b0 = (t % _WINS_PER_N) * _W
        return n, b0

    def load_and_fire(t, b):
        n, b0 = task_nb(t)
        tr = n // 8
        ir = n % 8
        tc0 = b0 // 128
        pltpu.sync_copy(
            labels_hbm.at[pl.ds(tr * 128 + tc0, _W // 128), pl.ds(ir * 128, 128)],
            idx_v.at[b],
        )
        coff = jnp.zeros((_L,), jnp.int32) + core_row0

        def remap(r, c):
            for cc in range(128 // _L):
                v = idx_v[b, r, pl.ds(cc * _L, _L)]
                w = jnp.minimum(jnp.maximum(v, 0), _MAX_CLASSES)
                idx_v[b, r, pl.ds(cc * _L, _L)] = (
                    jnp.where(v == -1, _MAX_CLASSES, w) + coff
                )
            return c

        lax.fori_loop(0, _W // 128, remap, 0)

        def gfire(r, c):
            pltpu.async_copy(
                tbl_hbm.at[idx_v.at[b, r]],
                rows_v.at[b, pl.ds(r * 128, 128)],
                gsem.at[b],
            )
            return c

        lax.fori_loop(0, _W // 128, gfire, 0)

    def wait_gather(b):
        def gwait(r, c):
            pltpu.make_async_copy(
                tbl_hbm.at[idx_v.at[b, r]],
                rows_v.at[b, pl.ds(r * 128, 128)],
                gsem.at[b],
            ).wait()
            return c

        lax.fori_loop(0, _W // 128, gwait, 0)

    def transpose(b):
        iota = lax.iota(jnp.int32, _L)
        dconst = [jnp.full((_L,), d, jnp.int32) for d in range(_D)]

        def body(c, r_ids):
            ch = c // 8
            cl = c % 8
            vals = [
                plsc.load_gather(rows_v.at[b], [r_ids, dconst[d]])
                for d in range(_D)
            ]
            for d in range(_D):
                tr_v[d // 8, ch, d % 8, pl.ds(cl * _L, _L)] = vals[d]
            return r_ids + _L

        lax.fori_loop(0, _W // _L, body, iota, unroll=2)

    def fire_store(t):
        n, b0 = task_nb(t)
        tc0 = b0 // 128
        for h in range(2):
            pltpu.async_copy(
                tr_v.at[h], out_hbm.at[n, h, pl.ds(tc0, _W // 128)], ssem
            )

    def wait_store(t):
        n, b0 = task_nb(t)
        tc0 = b0 // 128
        for h in range(2):
            pltpu.make_async_copy(
                tr_v.at[h], out_hbm.at[n, h, pl.ds(tc0, _W // 128)], ssem
            ).wait()

    load_and_fire(t0, 0)

    def step(i, carry):
        t = t0 + i
        b = i % 2

        @pl.when(i < _PER_W - 1)
        def _():
            load_and_fire(t + 1, 1 - b)

        wait_gather(b)

        @pl.when(i >= 1)
        def _():
            wait_store(t - 1)

        transpose(b)
        fire_store(t)
        return carry

    lax.fori_loop(0, _PER_W, step, 0)
    wait_store(t0 + _PER_W - 1)


def kernel(labels, table):
    lt2 = (
        labels.T.reshape(_N // 8, 8, _B // 128, 128)
        .transpose(0, 2, 1, 3)
        .reshape((_N // 8) * (_B // 128), 8 * 128)
    )
    tp = jnp.pad(table, ((0, _VPAD - (_MAX_CLASSES + 1)), (0, 0)))
    t3 = (
        tp.T.reshape(2, 8, _NTC, 128)
        .transpose(0, 2, 1, 3)
        .reshape(2, _NTC * 8, 128)
    )
    out5, _ = _gather_kernel(lt2, t3)
    out_t = out5.transpose(0, 1, 3, 2, 4).reshape(_N, _D, _B)
    return jnp.transpose(out_t, (2, 0, 1))

# --- scband reference (transcript-rebuilt; emitter-appended) ---
"""Pipeline reference for scband-label-embedding-47485158425003 (READ-ONLY COPY).

The authoritative reference and input builder live on the scoring server;
editing this copy changes nothing except your own understanding.
"""

import jax, jax.numpy as jnp
import numpy as np

MAX_CLASSES = 1000000
EMBED_DIM = 16
B, N = 16384, 200


def setup_inputs(seed: int = 0) -> dict:
    key = jax.random.key(seed)
    k1, k2 = jax.random.split(key)
    labels = jax.random.randint(k1, (B, N), 0, MAX_CLASSES, dtype=jnp.int64 if jax.config.jax_enable_x64 else jnp.int32)
    table = jax.random.normal(k2, (MAX_CLASSES + 1, EMBED_DIM), dtype=jnp.float32) * 0.02
    return {"labels": labels, "table": table}


def reference(labels, table):
    # idx = max_classes where label == -1 else clamp(label, 0, max_classes)
    idx = jnp.where(labels == -1, jnp.full_like(labels, MAX_CLASSES), jnp.clip(labels, 0, MAX_CLASSES))
    return jnp.take(table, idx, axis=0)

if __name__ == "__main__":
    import jax
    _d = setup_inputs()
    print(jax.jit(kernel)(*tuple(_d.values())))

</pallas_src>

<mosaic_0001>
#map = affine_map<(d0, d1) -> (0, 0)>
#map1 = affine_map<(d0, d1) -> (0, 0, 0)>
#map2 = affine_map<(d0, d1) -> (0, 0, 0, 0, 0)>
module attributes {stable_mosaic.version = 14 : i64} {
  func.func @_gather_kernel(%arg0: i32, %arg1: i32, %arg2: memref<3200x1024xi32, #tpu.memory_space<hbm>>, %arg3: memref<2x62504x128xf32, #tpu.memory_space<hbm>>, %arg4: memref<200x2x128x8x128xf32, #tpu.memory_space<hbm>>, %arg5: memref<2000128x16xf32, #tpu.memory_space<hbm>>, %arg6: memref<2x16x128xi32, #tpu.memory_space<vmem>>, %arg7: memref<2x2048x16xf32, #tpu.memory_space<vmem>>, %arg8: memref<2x16x8x128xf32, #tpu.memory_space<vmem>>, %arg9: memref<4x32x128xf32, #tpu.memory_space<vmem>>, %arg10: memref<2x256x16xf32, #tpu.memory_space<vmem>>, %arg11: memref<2x!tpu.dma_semaphore, #tpu.memory_space<semaphore_mem>>, %arg12: memref<!tpu.dma_semaphore, #tpu.memory_space<semaphore_mem>>, %arg13: memref<4x!tpu.dma_semaphore, #tpu.memory_space<semaphore_mem>>, %arg14: memref<2x!tpu.dma_semaphore, #tpu.memory_space<semaphore_mem>>) attributes {dimension_semantics = [#tpu.dimension_semantics<core_parallel>, #tpu.dimension_semantics<subcore_parallel>], iteration_bounds = array<i64: 2, 16>, scalar_prefetch = 0 : i64, scratch_operands = 9 : i64, tpu.core_type = #tpu.core_type<sc_vector_subcore>, window_params = [{transform_indices = #map}, {transform_indices = #map1}, {transform_indices = #map2}, {transform_indices = #map}]} {
    %mul3A = arith.constant 2 : i32
    %mul3A_0 = arith.muli %arg1, %mul3A : i32
    %add3A = arith.addi %mul3A_0, %arg0 : i32
    %mul3A_1 = arith.constant 50 : i32
    %mul3A_2 = arith.muli %add3A, %mul3A_1 : i32
    %mul3A_3 = arith.constant 1000064 : i32
    %mul3A_4 = arith.muli %arg0, %mul3A_3 : i32
    %mul3A_5 = arith.constant 489 : i32
    %mul3A_6 = arith.muli %arg1, %mul3A_5 : i32
    %iota3A = tpu.iota {dimensions = array<i32: 0>} : vector<16xi32>
    %jit3A = arith.constant 8 : i32
    %div3A = vector.broadcast %jit3A : i32 to vector<16xi32>
    %div3A_7 = arith.divsi %iota3A, %div3A : vector<16xi32>
    %sign3A = arith.constant 0 : i32
    %sign3A_8 = vector.broadcast %sign3A : i32 to vector<16xi32>
    %sign3A_9 = arith.cmpi sgt, %iota3A, %sign3A_8 : vector<16xi32>
    %sign3A_10 = arith.extui %sign3A_9 : vector<16xi1> to vector<16xi32>
    %sign3A_11 = arith.constant 0 : i32
    %sign3A_12 = vector.broadcast %sign3A_11 : i32 to vector<16xi32>
    %sign3A_13 = arith.cmpi slt, %iota3A, %sign3A_12 : vector<16xi32>
    %sign3A_14 = arith.extui %sign3A_13 : vector<16xi1> to vector<16xi32>
    %sign3A_15 = arith.subi %sign3A_10, %sign3A_14 : vector<16xi32>
    %sign3A_16 = arith.constant 0 : i32
    %sign3A_17 = arith.cmpi sgt, %jit3A, %sign3A_16 : i32
    %sign3A_18 = arith.extui %sign3A_17 : i1 to i32
    %sign3A_19 = arith.constant 0 : i32
    %sign3A_20 = arith.cmpi slt, %jit3A, %sign3A_19 : i32
    %sign3A_21 = arith.extui %sign3A_20 : i1 to i32
    %sign3A_22 = arith.subi %sign3A_18, %sign3A_21 : i32
    %ne3A = vector.broadcast %sign3A_22 : i32 to vector<16xi32>
    %ne3A_23 = arith.cmpi ne, %sign3A_15, %ne3A : vector<16xi32>
    %rem3A = vector.broadcast %jit3A : i32 to vector<16xi32>
    %rem3A_24 = arith.remsi %iota3A, %rem3A : vector<16xi32>
    %ne3A_25 = arith.constant 0 : i32
    %ne3A_26 = vector.broadcast %ne3A_25 : i32 to vector<16xi32>
    %ne3A_27 = arith.cmpi ne, %rem3A_24, %ne3A_26 : vector<16xi32>
    %and3A = arith.andi %ne3A_23, %ne3A_27 : vector<16xi1>
    %sub3A = arith.constant 1 : i32
    %sub3A_28 = vector.broadcast %sub3A : i32 to vector<16xi32>
    %sub3A_29 = arith.subi %div3A_7, %sub3A_28 : vector<16xi32>
    %select_n3A = arith.select %and3A, %sub3A_29, %div3A_7 : vector<16xi1>, vector<16xi32>
    %mul3A_30 = arith.constant 16 : i32
    %mul3A_31 = vector.broadcast %mul3A_30 : i32 to vector<16xi32>
    %mul3A_32 = arith.muli %select_n3A, %mul3A_31 : vector<16xi32>
    %add3A_33 = arith.constant 0 : i32
    %add3A_34 = vector.broadcast %add3A_33 : i32 to vector<16xi32>
    %add3A_35 = arith.addi %mul3A_32, %add3A_34 : vector<16xi32>
    %jit3A_36 = arith.constant 8 : i32
    %eq3A = arith.constant 0 : i32
    %eq3A_37 = arith.cmpi eq, %jit3A_36, %eq3A : i32
    %jit3A_38 = arith.constant 1 : i32
    %select_n3A_39 = arith.select %eq3A_37, %jit3A_38, %jit3A_36 : i32
    %rem3A_40 = vector.broadcast %select_n3A_39 : i32 to vector<16xi32>
    %rem3A_41 = arith.remsi %iota3A, %rem3A_40 : vector<16xi32>
    %ne3A_42 = arith.constant 0 : i32
    %ne3A_43 = vector.broadcast %ne3A_42 : i32 to vector<16xi32>
    %ne3A_44 = arith.cmpi ne, %rem3A_41, %ne3A_43 : vector<16xi32>
    %lt3A = arith.constant 0 : i32
    %lt3A_45 = vector.broadcast %lt3A : i32 to vector<16xi32>
    %lt3A_46 = arith.cmpi slt, %rem3A_41, %lt3A_45 : vector<16xi32>
    %lt3A_47 = arith.constant 0 : i32
    %lt3A_48 = arith.cmpi slt, %select_n3A_39, %lt3A_47 : i32
    %ne3A_49 = vector.broadcast %lt3A_48 : i1 to vector<16xi1>
    %ne3A_50 = vector.broadcast %ne3A_49 : vector<16xi1> to vector<16xi1>
    %ne3A_51 = arith.xori %lt3A_46, %ne3A_50 : vector<16xi1>
    %and3A_52 = arith.andi %ne3A_51, %ne3A_44 : vector<16xi1>
    %add3A_53 = vector.broadcast %select_n3A_39 : i32 to vector<16xi32>
    %add3A_54 = arith.addi %rem3A_41, %add3A_53 : vector<16xi32>
    %select_n3A_55 = arith.select %and3A_52, %add3A_54, %rem3A_41 : vector<16xi1>, vector<16xi32>
    %add3A_56 = arith.addi %add3A_35, %select_n3A_55 : vector<16xi32>
    %jit3A_57 = arith.constant 8 : i32
    %div3A_58 = vector.broadcast %jit3A_57 : i32 to vector<16xi32>
    %div3A_59 = arith.divsi %iota3A, %div3A_58 : vector<16xi32>
    %sign3A_60 = arith.constant 0 : i32
    %sign3A_61 = vector.broadcast %sign3A_60 : i32 to vector<16xi32>
    %sign3A_62 = arith.cmpi sgt, %iota3A, %sign3A_61 : vector<16xi32>
    %sign3A_63 = arith.extui %sign3A_62 : vector<16xi1> to vector<16xi32>
    %sign3A_64 = arith.constant 0 : i32
    %sign3A_65 = vector.broadcast %sign3A_64 : i32 to vector<16xi32>
    %sign3A_66 = arith.cmpi slt, %iota3A, %sign3A_65 : vector<16xi32>
    %sign3A_67 = arith.extui %sign3A_66 : vector<16xi1> to vector<16xi32>
    %sign3A_68 = arith.subi %sign3A_63, %sign3A_67 : vector<16xi32>
    %sign3A_69 = arith.constant 0 : i32
    %sign3A_70 = arith.cmpi sgt, %jit3A_57, %sign3A_69 : i32
    %sign3A_71 = arith.extui %sign3A_70 : i1 to i32
    %sign3A_72 = arith.constant 0 : i32
    %sign3A_73 = arith.cmpi slt, %jit3A_57, %sign3A_72 : i32
    %sign3A_74 = arith.extui %sign3A_73 : i1 to i32
    %sign3A_75 = arith.subi %sign3A_71, %sign3A_74 : i32
    %ne3A_76 = vector.broadcast %sign3A_75 : i32 to vector<16xi32>
    %ne3A_77 = arith.cmpi ne, %sign3A_68, %ne3A_76 : vector<16xi32>
    %rem3A_78 = vector.broadcast %jit3A_57 : i32 to vector<16xi32>
    %rem3A_79 = arith.remsi %iota3A, %rem3A_78 : vector<16xi32>
    %ne3A_80 = arith.constant 0 : i32
    %ne3A_81 = vector.broadcast %ne3A_80 : i32 to vector<16xi32>
    %ne3A_82 = arith.cmpi ne, %rem3A_79, %ne3A_81 : vector<16xi32>
    %and3A_83 = arith.andi %ne3A_77, %ne3A_82 : vector<16xi1>
    %sub3A_84 = arith.constant 1 : i32
    %sub3A_85 = vector.broadcast %sub3A_84 : i32 to vector<16xi32>
    %sub3A_86 = arith.subi %div3A_59, %sub3A_85 : vector<16xi32>
    %select_n3A_87 = arith.select %and3A_83, %sub3A_86, %div3A_59 : vector<16xi1>, vector<16xi32>
    %mul3A_88 = arith.constant 16 : i32
    %mul3A_89 = vector.broadcast %mul3A_88 : i32 to vector<16xi32>
    %mul3A_90 = arith.muli %select_n3A_87, %mul3A_89 : vector<16xi32>
    %add3A_91 = arith.constant 8 : i32
    %add3A_92 = vector.broadcast %add3A_91 : i32 to vector<16xi32>
    %add3A_93 = arith.addi %mul3A_90, %add3A_92 : vector<16xi32>
    %jit3A_94 = arith.constant 8 : i32
    %eq3A_95 = arith.constant 0 : i32
    %eq3A_96 = arith.cmpi eq, %jit3A_94, %eq3A_95 : i32
    %jit3A_97 = arith.constant 1 : i32
    %select_n3A_98 = arith.select %eq3A_96, %jit3A_97, %jit3A_94 : i32
    %rem3A_99 = vector.broadcast %select_n3A_98 : i32 to vector<16xi32>
    %rem3A_100 = arith.remsi %iota3A, %rem3A_99 : vector<16xi32>
    %ne3A_101 = arith.constant 0 : i32
    %ne3A_102 = vector.broadcast %ne3A_101 : i32 to vector<16xi32>
    %ne3A_103 = arith.cmpi ne, %rem3A_100, %ne3A_102 : vector<16xi32>
    %lt3A_104 = arith.constant 0 : i32
    %lt3A_105 = vector.broadcast %lt3A_104 : i32 to vector<16xi32>
    %lt3A_106 = arith.cmpi slt, %rem3A_100, %lt3A_105 : vector<16xi32>
    %lt3A_107 = arith.constant 0 : i32
    %lt3A_108 = arith.cmpi slt, %select_n3A_98, %lt3A_107 : i32
    %ne3A_109 = vector.broadcast %lt3A_108 : i1 to vector<16xi1>
    %ne3A_110 = vector.broadcast %ne3A_109 : vector<16xi1> to vector<16xi1>
    %ne3A_111 = arith.xori %lt3A_106, %ne3A_110 : vector<16xi1>
    %and3A_112 = arith.andi %ne3A_111, %ne3A_103 : vector<16xi1>
    %add3A_113 = vector.broadcast %select_n3A_98 : i32 to vector<16xi32>
    %add3A_114 = arith.addi %rem3A_100, %add3A_113 : vector<16xi32>
    %select_n3A_115 = arith.select %and3A_112, %add3A_114, %rem3A_100 : vector<16xi1>, vector<16xi32>
    %add3A_116 = arith.addi %add3A_93, %select_n3A_115 : vector<16xi32>
    %add3A_117 = arith.constant 0 : i32
    %add3A_118 = arith.addi %mul3A_6, %add3A_117 : i32
    %min3A = arith.constant 7811 : i32
    %min3A_119 = arith.minsi %add3A_118, %min3A : i32
    %mul3A_120 = arith.constant 8 : i32
    %mul3A_121 = arith.muli %min3A_119, %mul3A_120 : i32
    %dma_start3A = arith.constant 0 : i32
    %dma_start3A_122 = arith.constant 0 : i32
    %dma_start3A_123 = arith.constant 0 : i32
    %dma_start3A_124 = arith.constant 0 : i32
    %dma_start3A_125 = arith.constant 0 : i32
    %dma_start3A_126 = tpu.memref_slice %arg9[%dma_start3A_122, %dma_start3A_124, %dma_start3A_125] : memref<4x32x128xf32, #tpu.memory_space<vmem>> -> memref<1x16x128xf32, #tpu.memory_space<vmem>>
    %dma_start3A_127 = tpu.memref_squeeze %dma_start3A_126 : memref<1x16x128xf32, #tpu.memory_space<vmem>> -> memref<16x128xf32, #tpu.memory_space<vmem>>
    %dma_start3A_128 = arith.constant 0 : i32
    %dma_start3A_129 = tpu.memref_slice %arg3[%dma_start3A, %mul3A_121, %dma_start3A_128] : memref<2x62504x128xf32, #tpu.memory_space<hbm>> -> memref<1x16x128xf32, #tpu.memory_space<hbm>>
    %dma_start3A_130 = tpu.memref_squeeze %dma_start3A_129 : memref<1x16x128xf32, #tpu.memory_space<hbm>> -> memref<16x128xf32, #tpu.memory_space<hbm>>
    %dma_start3A_131 = tpu.memref_slice %arg13[%dma_start3A_123] : memref<4x!tpu.dma_semaphore, #tpu.memory_space<semaphore_mem>> -> memref<1x!tpu.dma_semaphore, #tpu.memory_space<semaphore_mem>>
    %dma_start3A_132 = tpu.memref_squeeze %dma_start3A_131 : memref<1x!tpu.dma_semaphore, #tpu.memory_space<semaphore_mem>> -> memref<!tpu.dma_semaphore, #tpu.memory_space<semaphore_mem>>
    %dma_start3A_133 = arith.constant 0 : i32
    %dma_start3A_134 = arith.constant 0 : i32
    %dma_start3A_135 = tpu.memref_slice %arg9[%dma_start3A_122, %dma_start3A_133, %dma_start3A_134] : memref<4x32x128xf32, #tpu.memory_space<vmem>> -> memref<1x16x128xf32, #tpu.memory_space<vmem>>
    %dma_start3A_136 = tpu.memref_squeeze %dma_start3A_135 : memref<1x16x128xf32, #tpu.memory_space<vmem>> -> memref<16x128xf32, #tpu.memory_space<vmem>>
    %dma_start3A_137 = arith.constant 0 : i32
    %dma_start3A_138 = tpu.memref_slice %arg3[%dma_start3A, %mul3A_121, %dma_start3A_137] : memref<2x62504x128xf32, #tpu.memory_space<hbm>> -> memref<1x16x128xf32, #tpu.memory_space<hbm>>
    %dma_start3A_139 = tpu.memref_squeeze %dma_start3A_138 : memref<1x16x128xf32, #tpu.memory_space<hbm>> -> memref<16x128xf32, #tpu.memory_space<hbm>>
    tpu.enqueue_dma source(%dma_start3A_139 : memref<16x128xf32, #tpu.memory_space<hbm>>) target(%dma_start3A_136 : memref<16x128xf32, #tpu.memory_space<vmem>>) target_semaphore(%dma_start3A_132 : memref<!tpu.dma_semaphore, #tpu.memory_space<semaphore_mem>>)
    %mul3A_140 = arith.constant 8 : i32
    %mul3A_141 = arith.muli %min3A_119, %mul3A_140 : i32
    %dma_start3A_142 = arith.constant 1 : i32
    %dma_start3A_143 = arith.constant 0 : i32
    %dma_start3A_144 = arith.constant 0 : i32
    %dma_start3A_145 = arith.constant 16 : i32
    %dma_start3A_146 = arith.constant 0 : i32
    %dma_start3A_147 = tpu.memref_slice %arg9[%dma_start3A_143, %dma_start3A_145, %dma_start3A_146] : memref<4x32x128xf32, #tpu.memory_space<vmem>> -> memref<1x16x128xf32, #tpu.memory_space<vmem>>
    %dma_start3A_148 = tpu.memref_squeeze %dma_start3A_147 : memref<1x16x128xf32, #tpu.memory_space<vmem>> -> memref<16x128xf32, #tpu.memory_space<vmem>>
    %dma_start3A_149 = arith.constant 0 : i32
    %dma_start3A_150 = tpu.memref_slice %arg3[%dma_start3A_142, %mul3A_141, %dma_start3A_149] : memref<2x62504x128xf32, #tpu.memory_space<hbm>> -> memref<1x16x128xf32, #tpu.memory_space<hbm>>
    %dma_start3A_151 = tpu.memref_squeeze %dma_start3A_150 : memref<1x16x128xf32, #tpu.memory_space<hbm>> -> memref<16x128xf32, #tpu.memory_space<hbm>>
    %dma_start3A_152 = tpu.memref_slice %arg13[%dma_start3A_144] : memref<4x!tpu.dma_semaphore, #tpu.memory_space<semaphore_mem>> -> memref<1x!tpu.dma_semaphore, #tpu.memory_space<semaphore_mem>>
    %dma_start3A_153 = tpu.memref_squeeze %dma_start3A_152 : memref<1x!tpu.dma_semaphore, #tpu.memory_space<semaphore_mem>> -> memref<!tpu.dma_semaphore, #tpu.memory_space<semaphore_mem>>
    %dma_start3A_154 = arith.constant 16 : i32
    %dma_start3A_155 = arith.constant 0 : i32
    %dma_start3A_156 = tpu.memref_slice %arg9[%dma_start3A_143, %dma_start3A_154, %dma_start3A_155] : memref<4x32x128xf32, #tpu.memory_space<vmem>> -> memref<1x16x128xf32, #tpu.memory_space<vmem>>
    %dma_start3A_157 = tpu.memref_squeeze %dma_start3A_156 : memref<1x16x128xf32, #tpu.memory_space<vmem>> -> memref<16x128xf32, #tpu.memory_space<vmem>>
    %dma_start3A_158 = arith.constant 0 : i32
    %dma_start3A_159 = tpu.memref_slice %arg3[%dma_start3A_142, %mul3A_141, %dma_start3A_158] : memref<2x62504x128xf32, #tpu.memory_space<hbm>> -> memref<1x16x128xf32, #tpu.memory_space<hbm>>
    %dma_start3A_160 = tpu.memref_squeeze %dma_start3A_159 : memref<1x16x128xf32, #tpu.memory_space<hbm>> -> memref<16x128xf32, #tpu.memory_space<hbm>>
    tpu.enqueue_dma source(%dma_start3A_160 : memref<16x128xf32, #tpu.memory_space<hbm>>) target(%dma_start3A_157 : memref<16x128xf32, #tpu.memory_space<vmem>>) target_semaphore(%dma_start3A_153 : memref<!tpu.dma_semaphore, #tpu.memory_space<semaphore_mem>>)
    %add3A_161 = arith.constant 2 : i32
    %add3A_162 = arith.addi %mul3A_6, %add3A_161 : i32
    %min3A_163 = arith.constant 7811 : i32
    %min3A_164 = arith.minsi %add3A_162, %min3A_163 : i32
    %mul3A_165 = arith.constant 8 : i32
    %mul3A_166 = arith.muli %min3A_164, %mul3A_165 : i32
    %dma_start3A_167 = arith.constant 0 : i32
    %dma_start3A_168 = arith.constant 1 : i32
    %dma_start3A_169 = arith.constant 1 : i32
    %dma_start3A_170 = arith.constant 0 : i32
    %dma_start3A_171 = arith.constant 0 : i32
    %dma_start3A_172 = tpu.memref_slice %arg9[%dma_start3A_168, %dma_start3A_170, %dma_start3A_171] : memref<4x32x128xf32, #tpu.memory_space<vmem>> -> memref<1x16x128xf32, #tpu.memory_space<vmem>>
    %dma_start3A_173 = tpu.memref_squeeze %dma_start3A_172 : memref<1x16x128xf32, #tpu.memory_space<vmem>> -> memref<16x128xf32, #tpu.memory_space<vmem>>
    %dma_start3A_174 = arith.constant 0 : i32
    %dma_start3A_175 = tpu.memref_slice %arg3[%dma_start3A_167, %mul3A_166, %dma_start3A_174] : memref<2x62504x128xf32, #tpu.memory_space<hbm>> -> memref<1x16x128xf32, #tpu.memory_space<hbm>>
    %dma_start3A_176 = tpu.memref_squeeze %dma_start3A_175 : memref<1x16x128xf32, #tpu.memory_space<hbm>> -> memref<16x128xf32, #tpu.memory_space<hbm>>
    %dma_start3A_177 = tpu.memref_slice %arg13[%dma_start3A_169] : memref<4x!tpu.dma_semaphore, #tpu.memory_space<semaphore_mem>> -> memref<1x!tpu.dma_semaphore, #tpu.memory_space<semaphore_mem>>
    %dma_start3A_178 = tpu.memref_squeeze %dma_start3A_177 : memref<1x!tpu.dma_semaphore, #tpu.memory_space<semaphore_mem>> -> memref<!tpu.dma_semaphore, #tpu.memory_space<semaphore_mem>>
    %dma_start3A_179 = arith.constant 0 : i32
    %dma_start3A_180 = arith.constant 0 : i32
    %dma_start3A_181 = tpu.memref_slice %arg9[%dma_start3A_168, %dma_start3A_179, %dma_start3A_180] : memref<4x32x128xf32, #tpu.memory_space<vmem>> -> memref<1x16x128xf32, #tpu.memory_space<vmem>>
    %dma_start3A_182 = tpu.memref_squeeze %dma_start3A_181 : memref<1x16x128xf32, #tpu.memory_space<vmem>> -> memref<16x128xf32, #tpu.memory_space<vmem>>
    %dma_start3A_183 = arith.constant 0 : i32
    %dma_start3A_184 = tpu.memref_slice %arg3[%dma_start3A_167, %mul3A_166, %dma_start3A_183] : memref<2x62504x128xf32, #tpu.memory_space<hbm>> -> memref<1x16x128xf32, #tpu.memory_space<hbm>>
    %dma_start3A_185 = tpu.memref_squeeze %dma_start3A_184 : memref<1x16x128xf32, #tpu.memory_space<hbm>> -> memref<16x128xf32, #tpu.memory_space<hbm>>
    tpu.enqueue_dma source(%dma_start3A_185 : memref<16x128xf32, #tpu.memory_space<hbm>>) target(%dma_start3A_182 : memref<16x128xf32, #tpu.memory_space<vmem>>) target_semaphore(%dma_start3A_178 : memref<!tpu.dma_semaphore, #tpu.memory_space<semaphore_mem>>)
    %mul3A_186 = arith.constant 8 : i32
    %mul3A_187 = arith.muli %min3A_164, %mul3A_186 : i32
    %dma_start3A_188 = arith.constant 1 : i32
    %dma_start3A_189 = arith.constant 1 : i32
    %dma_start3A_190 = arith.constant 1 : i32
    %dma_start3A_191 = arith.constant 16 : i32
    %dma_start3A_192 = arith.constant 0 : i32
    %dma_start3A_193 = tpu.memref_slice %arg9[%dma_start3A_189, %dma_start3A_191, %dma_start3A_192] : memref<4x32x128xf32, #tpu.memory_space<vmem>> -> memref<1x16x128xf32, #tpu.memory_space<vmem>>
    %dma_start3A_194 = tpu.memref_squeeze %dma_start3A_193 : memref<1x16x128xf32, #tpu.memory_space<vmem>> -> memref<16x128xf32, #tpu.memory_space<vmem>>
    %dma_start3A_195 = arith.constant 0 : i32
    %dma_start3A_196 = tpu.memref_slice %arg3[%dma_start3A_188, %mul3A_187, %dma_start3A_195] : memref<2x62504x128xf32, #tpu.memory_space<hbm>> -> memref<1x16x128xf32, #tpu.memory_space<hbm>>
    %dma_start3A_197 = tpu.memref_squeeze %dma_start3A_196 : memref<1x16x128xf32, #tpu.memory_space<hbm>> -> memref<16x128xf32, #tpu.memory_space<hbm>>
    %dma_start3A_198 = tpu.memref_slice %arg13[%dma_start3A_190] : memref<4x!tpu.dma_semaphore, #tpu.memory_space<semaphore_mem>> -> memref<1x!tpu.dma_semaphore, #tpu.memory_space<semaphore_mem>>
    %dma_start3A_199 = tpu.memref_squeeze %dma_start3A_198 : memref<1x!tpu.dma_semaphore, #tpu.memory_space<semaphore_mem>> -> memref<!tpu.dma_semaphore, #tpu.memory_space<semaphore_mem>>
    %dma_start3A_200 = arith.constant 16 : i32
    %dma_start3A_201 = arith.constant 0 : i32
    %dma_start3A_202 = tpu.memref_slice %arg9[%dma_start3A_189, %dma_start3A_200, %dma_start3A_201] : memref<4x32x128xf32, #tpu.memory_space<vmem>> -> memref<1x16x128xf32, #tpu.memory_space<vmem>>
    %dma_start3A_203 = tpu.memref_squeeze %dma_start3A_202 : memref<1x16x128xf32, #tpu.memory_space<vmem>> -> memref<16x128xf32, #tpu.memory_space<vmem>>
    %dma_start3A_204 = arith.constant 0 : i32
    %dma_start3A_205 = tpu.memref_slice %arg3[%dma_start3A_188, %mul3A_187, %dma_start3A_204] : memref<2x62504x128xf32, #tpu.memory_space<hbm>> -> memref<1x16x128xf32, #tpu.memory_space<hbm>>
    %dma_start3A_206 = tpu.memref_squeeze %dma_start3A_205 : memref<1x16x128xf32, #tpu.memory_space<hbm>> -> memref<16x128xf32, #tpu.memory_space<hbm>>
    tpu.enqueue_dma source(%dma_start3A_206 : memref<16x128xf32, #tpu.memory_space<hbm>>) target(%dma_start3A_203 : memref<16x128xf32, #tpu.memory_space<vmem>>) target_semaphore(%dma_start3A_199 : memref<!tpu.dma_semaphore, #tpu.memory_space<semaphore_mem>>)
    %add3A_207 = arith.constant 4 : i32
    %add3A_208 = arith.addi %mul3A_6, %add3A_207 : i32
    %min3A_209 = arith.constant 7811 : i32
    %min3A_210 = arith.minsi %add3A_208, %min3A_209 : i32
    %mul3A_211 = arith.constant 8 : i32
    %mul3A_212 = arith.muli %min3A_210, %mul3A_211 : i32
    %dma_start3A_213 = arith.constant 0 : i32
    %dma_start3A_214 = arith.constant 2 : i32
    %dma_start3A_215 = arith.constant 2 : i32
    %dma_start3A_216 = arith.constant 0 : i32
    %dma_start3A_217 = arith.constant 0 : i32
    %dma_start3A_218 = tpu.memref_slice %arg9[%dma_start3A_214, %dma_start3A_216, %dma_start3A_217] : memref<4x32x128xf32, #tpu.memory_space<vmem>> -> memref<1x16x128xf32, #tpu.memory_space<vmem>>
    %dma_start3A_219 = tpu.memref_squeeze %dma_start3A_218 : memref<1x16x128xf32, #tpu.memory_space<vmem>> -> memref<16x128xf32, #tpu.memory_space<vmem>>
    %dma_start3A_220 = arith.constant 0 : i32
    %dma_start3A_221 = tpu.memref_slice %arg3[%dma_start3A_213, %mul3A_212, %dma_start3A_220] : memref<2x62504x128xf32, #tpu.memory_space<hbm>> -> memref<1x16x128xf32, #tpu.memory_space<hbm>>
    %dma_start3A_222 = tpu.memref_squeeze %dma_start3A_221 : memref<1x16x128xf32, #tpu.memory_space<hbm>> -> memref<16x128xf32, #tpu.memory_space<hbm>>
    %dma_start3A_223 = tpu.memref_slice %arg13[%dma_start3A_215] : memref<4x!tpu.dma_semaphore, #tpu.memory_space<semaphore_mem>> -> memref<1x!tpu.dma_semaphore, #tpu.memory_space<semaphore_mem>>
    %dma_start3A_224 = tpu.memref_squeeze %dma_start3A_223 : memref<1x!tpu.dma_semaphore, #tpu.memory_space<semaphore_mem>> -> memref<!tpu.dma_semaphore, #tpu.memory_space<semaphore_mem>>
    %dma_start3A_225 = arith.constant 0 : i32
    %dma_start3A_226 = arith.constant 0 : i32
    %dma_start3A_227 = tpu.memref_slice %arg9[%dma_start3A_214, %dma_start3A_225, %dma_start3A_226] : memref<4x32x128xf32, #tpu.memory_space<vmem>> -> memref<1x16x128xf32, #tpu.memory_space<vmem>>
    %dma_start3A_228 = tpu.memref_squeeze %dma_start3A_227 : memref<1x16x128xf32, #tpu.memory_space<vmem>> -> memref<16x128xf32, #tpu.memory_space<vmem>>
    %dma_start3A_229 = arith.constant 0 : i32
    %dma_start3A_230 = tpu.memref_slice %arg3[%dma_start3A_213, %mul3A_212, %dma_start3A_229] : memref<2x62504x128xf32, #tpu.memory_space<hbm>> -> memref<1x16x128xf32, #tpu.memory_space<hbm>>
    %dma_start3A_231 = tpu.memref_squeeze %dma_start3A_230 : memref<1x16x128xf32, #tpu.memory_space<hbm>> -> memref<16x128xf32, #tpu.memory_space<hbm>>
    tpu.enqueue_dma source(%dma_start3A_231 : memref<16x128xf32, #tpu.memory_space<hbm>>) target(%dma_start3A_228 : memref<16x128xf32, #tpu.memory_space<vmem>>) target_semaphore(%dma_start3A_224 : memref<!tpu.dma_semaphore, #tpu.memory_space<semaphore_mem>>)
    %mul3A_232 = arith.constant 8 : i32
    %mul3A_233 = arith.muli %min3A_210, %mul3A_232 : i32
    %dma_start3A_234 = arith.constant 1 : i32
    %dma_start3A_235 = arith.constant 2 : i32
    %dma_start3A_236 = arith.constant 2 : i32
    %dma_start3A_237 = arith.constant 16 : i32
    %dma_start3A_238 = arith.constant 0 : i32
    %dma_start3A_239 = tpu.memref_slice %arg9[%dma_start3A_235, %dma_start3A_237, %dma_start3A_238] : memref<4x32x128xf32, #tpu.memory_space<vmem>> -> memref<1x16x128xf32, #tpu.memory_space<vmem>>
    %dma_start3A_240 = tpu.memref_squeeze %dma_start3A_239 : memref<1x16x128xf32, #tpu.memory_space<vmem>> -> memref<16x128xf32, #tpu.memory_space<vmem>>
    %dma_start3A_241 = arith.constant 0 : i32
    %dma_start3A_242 = tpu.memref_slice %arg3[%dma_start3A_234, %mul3A_233, %dma_start3A_241] : memref<2x62504x128xf32, #tpu.memory_space<hbm>> -> memref<1x16x128xf32, #tpu.memory_space<hbm>>
    %dma_start3A_243 = tpu.memref_squeeze %dma_start3A_242 : memref<1x16x128xf32, #tpu.memory_space<hbm>> -> memref<16x128xf32, #tpu.memory_space<hbm>>
    %dma_start3A_244 = tpu.memref_slice %arg13[%dma_start3A_236] : memref<4x!tpu.dma_semaphore, #tpu.memory_space<semaphore_mem>> -> memref<1x!tpu.dma_semaphore, #tpu.memory_space<semaphore_mem>>
    %dma_start3A_245 = tpu.memref_squeeze %dma_start3A_244 : memref<1x!tpu.dma_semaphore, #tpu.memory_space<semaphore_mem>> -> memref<!tpu.dma_semaphore, #tpu.memory_space<semaphore_mem>>
    %dma_start3A_246 = arith.constant 16 : i32
    %dma_start3A_247 = arith.constant 0 : i32
    %dma_start3A_248 = tpu.memref_slice %arg9[%dma_start3A_235, %dma_start3A_246, %dma_start3A_247] : memref<4x32x128xf32, #tpu.memory_space<vmem>> -> memref<1x16x128xf32, #tpu.memory_space<vmem>>
    %dma_start3A_249 = tpu.memref_squeeze %dma_start3A_248 : memref<1x16x128xf32, #tpu.memory_space<vmem>> -> memref<16x128xf32, #tpu.memory_space<vmem>>
    %dma_start3A_250 = arith.constant 0 : i32
    %dma_start3A_251 = tpu.memref_slice %arg3[%dma_start3A_234, %mul3A_233, %dma_start3A_250] : memref<2x62504x128xf32, #tpu.memory_space<hbm>> -> memref<1x16x128xf32, #tpu.memory_space<hbm>>
    %dma_start3A_252 = tpu.memref_squeeze %dma_start3A_251 : memref<1x16x128xf32, #tpu.memory_space<hbm>> -> memref<16x128xf32, #tpu.memory_space<hbm>>
    tpu.enqueue_dma source(%dma_start3A_252 : memref<16x128xf32, #tpu.memory_space<hbm>>) target(%dma_start3A_249 : memref<16x128xf32, #tpu.memory_space<vmem>>) target_semaphore(%dma_start3A_245 : memref<!tpu.dma_semaphore, #tpu.memory_space<semaphore_mem>>)
    %scan3A = arith.constant 0 : i32
    %scan3A_253 = arith.constant 0 : i32
    %scan3A_254 = arith.constant 245 : i32
    %scan3A_255 = arith.addi %scan3A_253, %scan3A_254 : i32
    %scan3A_256 = arith.constant 1 : i32
    scf.for %scan3A_545 = %scan3A_253 to %scan3A_255 step %scan3A_256  : i32 {
      %jit3A_546 = arith.constant 4 : i32
      %eq3A_547 = arith.constant 0 : i32
      %eq3A_548 = arith.cmpi eq, %jit3A_546, %eq3A_547 : i32
      %jit3A_549 = arith.constant 1 : i32
      %select_n3A_550 = arith.select %eq3A_548, %jit3A_549, %jit3A_546 : i32
      %rem3A_551 = arith.remsi %scan3A_545, %select_n3A_550 : i32
      %ne3A_552 = arith.constant 0 : i32
      %ne3A_553 = arith.cmpi ne, %rem3A_551, %ne3A_552 : i32
      %lt3A_554 = arith.constant 0 : i32
      %lt3A_555 = arith.cmpi slt, %rem3A_551, %lt3A_554 : i32
      %lt3A_556 = arith.constant 0 : i32
      %lt3A_557 = arith.cmpi slt, %select_n3A_550, %lt3A_556 : i32
      %ne3A_558 = arith.xori %lt3A_555, %lt3A_557 : i1
      %and3A_559 = arith.andi %ne3A_558, %ne3A_553 : i1
      %add3A_560 = arith.addi %rem3A_551, %select_n3A_550 : i32
      %select_n3A_561 = arith.select %and3A_559, %add3A_560, %rem3A_551 : i32
      %jit3A_562 = arith.constant 2 : i32
      %eq3A_563 = arith.constant 0 : i32
      %eq3A_564 = arith.cmpi eq, %jit3A_562, %eq3A_563 : i32
      %jit3A_565 = arith.constant 1 : i32
      %select_n3A_566 = arith.select %eq3A_564, %jit3A_565, %jit3A_562 : i32
      %rem3A_567 = arith.remsi %scan3A_545, %select_n3A_566 : i32
      %ne3A_568 = arith.constant 0 : i32
      %ne3A_569 = arith.cmpi ne, %rem3A_567, %ne3A_568 : i32
      %lt3A_570 = arith.constant 0 : i32
      %lt3A_571 = arith.cmpi slt, %rem3A_567, %lt3A_570 : i32
      %lt3A_572 = arith.constant 0 : i32
      %lt3A_573 = arith.cmpi slt, %select_n3A_566, %lt3A_572 : i32
      %ne3A_574 = arith.xori %lt3A_571, %lt3A_573 : i1
      %and3A_575 = arith.andi %ne3A_574, %ne3A_569 : i1
      %add3A_576 = arith.addi %rem3A_567, %select_n3A_566 : i32
      %select_n3A_577 = arith.select %and3A_575, %add3A_576, %rem3A_567 : i32
      %add3A_578 = arith.constant 3 : i32
      %add3A_579 = arith.addi %scan3A_545, %add3A_578 : i32
      %lt3A_580 = arith.constant 245 : i32
      %lt3A_581 = arith.cmpi slt, %add3A_579, %lt3A_580 : i32
      %convert_element_type3A = arith.extui %lt3A_581 : i1 to i32
      %cond3A = arith.constant 0 : i32
      %cond3A_582 = arith.cmpi ne, %convert_element_type3A, %cond3A : i32
      scf.if %cond3A_582 {
        %add3A_666 = arith.constant 3 : i32
        %add3A_667 = arith.addi %scan3A_545, %add3A_666 : i32
        %add3A_668 = arith.constant 3 : i32
        %add3A_669 = arith.addi %scan3A_545, %add3A_668 : i32
        %jit3A_670 = arith.constant 4 : i32
        %eq3A_671 = arith.constant 0 : i32
        %eq3A_672 = arith.cmpi eq, %jit3A_670, %eq3A_671 : i32
        %jit3A_673 = arith.constant 1 : i32
        %select_n3A_674 = arith.select %eq3A_672, %jit3A_673, %jit3A_670 : i32
        %rem3A_675 = arith.remsi %add3A_669, %select_n3A_674 : i32
        %ne3A_676 = arith.constant 0 : i32
        %ne3A_677 = arith.cmpi ne, %rem3A_675, %ne3A_676 : i32
        %lt3A_678 = arith.constant 0 : i32
        %lt3A_679 = arith.cmpi slt, %rem3A_675, %lt3A_678 : i32
        %lt3A_680 = arith.constant 0 : i32
        %lt3A_681 = arith.cmpi slt, %select_n3A_674, %lt3A_680 : i32
        %ne3A_682 = arith.xori %lt3A_679, %lt3A_681 : i1
        %and3A_683 = arith.andi %ne3A_682, %ne3A_677 : i1
        %add3A_684 = arith.addi %rem3A_675, %select_n3A_674 : i32
        %select_n3A_685 = arith.select %and3A_683, %add3A_684, %rem3A_675 : i32
        %mul3A_686 = arith.constant 2 : i32
        %mul3A_687 = arith.muli %mul3A_686, %add3A_667 : i32
        %add3A_688 = arith.addi %mul3A_6, %mul3A_687 : i32
        %min3A_689 = arith.constant 7811 : i32
        %min3A_690 = arith.minsi %add3A_688, %min3A_689 : i32
        %mul3A_691 = arith.constant 8 : i32
        %mul3A_692 = arith.muli %min3A_690, %mul3A_691 : i32
        %dma_start3A_693 = arith.constant 0 : i32
        %dma_start3A_694 = arith.constant 0 : i32
        %dma_start3A_695 = arith.constant 0 : i32
        %dma_start3A_696 = tpu.memref_slice %arg9[%select_n3A_685, %dma_start3A_694, %dma_start3A_695] : memref<4x32x128xf32, #tpu.memory_space<vmem>> -> memref<1x16x128xf32, #tpu.memory_space<vmem>>
        %dma_start3A_697 = tpu.memref_squeeze %dma_start3A_696 : memref<1x16x128xf32, #tpu.memory_space<vmem>> -> memref<16x128xf32, #tpu.memory_space<vmem>>
        %dma_start3A_698 = arith.constant 0 : i32
        %dma_start3A_699 = tpu.memref_slice %arg3[%dma_start3A_693, %mul3A_692, %dma_start3A_698] : memref<2x62504x128xf32, #tpu.memory_space<hbm>> -> memref<1x16x128xf32, #tpu.memory_space<hbm>>
        %dma_start3A_700 = tpu.memref_squeeze %dma_start3A_699 : memref<1x16x128xf32, #tpu.memory_space<hbm>> -> memref<16x128xf32, #tpu.memory_space<hbm>>
        %dma_start3A_701 = tpu.memref_slice %arg13[%select_n3A_685] : memref<4x!tpu.dma_semaphore, #tpu.memory_space<semaphore_mem>> -> memref<1x!tpu.dma_semaphore, #tpu.memory_space<semaphore_mem>>
        %dma_start3A_702 = tpu.memref_squeeze %dma_start3A_701 : memref<1x!tpu.dma_semaphore, #tpu.memory_space<semaphore_mem>> -> memref<!tpu.dma_semaphore, #tpu.memory_space<semaphore_mem>>
        %dma_start3A_703 = arith.constant 0 : i32
        %dma_start3A_704 = arith.constant 0 : i32
        %dma_start3A_705 = tpu.memref_slice %arg9[%select_n3A_685, %dma_start3A_703, %dma_start3A_704] : memref<4x32x128xf32, #tpu.memory_space<vmem>> -> memref<1x16x128xf32, #tpu.memory_space<vmem>>
        %dma_start3A_706 = tpu.memref_squeeze %dma_start3A_705 : memref<1x16x128xf32, #tpu.memory_space<vmem>> -> memref<16x128xf32, #tpu.memory_space<vmem>>
        %dma_start3A_707 = arith.constant 0 : i32
        %dma_start3A_708 = tpu.memref_slice %arg3[%dma_start3A_693, %mul3A_692, %dma_start3A_707] : memref<2x62504x128xf32, #tpu.memory_space<hbm>> -> memref<1x16x128xf32, #tpu.memory_space<hbm>>
        %dma_start3A_709 = tpu.memref_squeeze %dma_start3A_708 : memref<1x16x128xf32, #tpu.memory_space<hbm>> -> memref<16x128xf32, #tpu.memory_space<hbm>>
        tpu.enqueue_dma source(%dma_start3A_709 : memref<16x128xf32, #tpu.memory_space<hbm>>) target(%dma_start3A_706 : memref<16x128xf32, #tpu.memory_space<vmem>>) target_semaphore(%dma_start3A_702 : memref<!tpu.dma_semaphore, #tpu.memory_space<semaphore_mem>>)
        %mul3A_710 = arith.constant 8 : i32
        %mul3A_711 = arith.muli %min3A_690, %mul3A_710 : i32
        %dma_start3A_712 = arith.constant 1 : i32
        %dma_start3A_713 = arith.constant 16 : i32
        %dma_start3A_714 = arith.constant 0 : i32
        %dma_start3A_715 = tpu.memref_slice %arg9[%select_n3A_685, %dma_start3A_713, %dma_start3A_714] : memref<4x32x128xf32, #tpu.memory_space<vmem>> -> memref<1x16x128xf32, #tpu.memory_space<vmem>>
        %dma_start3A_716 = tpu.memref_squeeze %dma_start3A_715 : memref<1x16x128xf32, #tpu.memory_space<vmem>> -> memref<16x128xf32, #tpu.memory_space<vmem>>
        %dma_start3A_717 = arith.constant 0 : i32
        %dma_start3A_718 = tpu.memref_slice %arg3[%dma_start3A_712, %mul3A_711, %dma_start3A_717] : memref<2x62504x128xf32, #tpu.memory_space<hbm>> -> memref<1x16x128xf32, #tpu.memory_space<hbm>>
        %dma_start3A_719 = tpu.memref_squeeze %dma_start3A_718 : memref<1x16x128xf32, #tpu.memory_space<hbm>> -> memref<16x128xf32, #tpu.memory_space<hbm>>
        %dma_start3A_720 = tpu.memref_slice %arg13[%select_n3A_685] : memref<4x!tpu.dma_semaphore, #tpu.memory_space<semaphore_mem>> -> memref<1x!tpu.dma_semaphore, #tpu.memory_space<semaphore_mem>>
        %dma_start3A_721 = tpu.memref_squeeze %dma_start3A_720 : memref<1x!tpu.dma_semaphore, #tpu.memory_space<semaphore_mem>> -> memref<!tpu.dma_semaphore, #tpu.memory_space<semaphore_mem>>
        %dma_start3A_722 = arith.constant 16 : i32
        %dma_start3A_723 = arith.constant 0 : i32
        %dma_start3A_724 = tpu.memref_slice %arg9[%select_n3A_685, %dma_start3A_722, %dma_start3A_723] : memref<4x32x128xf32, #tpu.memory_space<vmem>> -> memref<1x16x128xf32, #tpu.memory_space<vmem>>
        %dma_start3A_725 = tpu.memref_squeeze %dma_start3A_724 : memref<1x16x128xf32, #tpu.memory_space<vmem>> -> memref<16x128xf32, #tpu.memory_space<vmem>>
        %dma_start3A_726 = arith.constant 0 : i32
        %dma_start3A_727 = tpu.memref_slice %arg3[%dma_start3A_712, %mul3A_711, %dma_start3A_726] : memref<2x62504x128xf32, #tpu.memory_space<hbm>> -> memref<1x16x128xf32, #tpu.memory_space<hbm>>
        %dma_start3A_728 = tpu.memref_squeeze %dma_start3A_727 : memref<1x16x128xf32, #tpu.memory_space<hbm>> -> memref<16x128xf32, #tpu.memory_space<hbm>>
        tpu.enqueue_dma source(%dma_start3A_728 : memref<16x128xf32, #tpu.memory_space<hbm>>) target(%dma_start3A_725 : memref<16x128xf32, #tpu.memory_space<vmem>>) target_semaphore(%dma_start3A_721 : memref<!tpu.dma_semaphore, #tpu.memory_space<semaphore_mem>>)
      } else {
      }
      %mul3A_583 = arith.constant 2 : i32
      %mul3A_584 = arith.muli %mul3A_583, %scan3A_545 : i32
      %add3A_585 = arith.addi %mul3A_6, %mul3A_584 : i32
      %min3A_586 = arith.constant 7811 : i32
      %min3A_587 = arith.minsi %add3A_585, %min3A_586 : i32
      %mul3A_588 = arith.constant 8 : i32
      %mul3A_589 = arith.muli %min3A_587, %mul3A_588 : i32
      %dma_wait3A_590 = arith.constant 0 : i32
      %dma_wait3A_591 = arith.constant 0 : i32
      %dma_wait3A_592 = arith.constant 0 : i32
      %dma_wait3A_593 = tpu.memref_slice %arg9[%select_n3A_561, %dma_wait3A_591, %dma_wait3A_592] : memref<4x32x128xf32, #tpu.memory_space<vmem>> -> memref<1x16x128xf32, #tpu.memory_space<vmem>>
      %dma_wait3A_594 = tpu.memref_squeeze %dma_wait3A_593 : memref<1x16x128xf32, #tpu.memory_space<vmem>> -> memref<16x128xf32, #tpu.memory_space<vmem>>
      %dma_wait3A_595 = arith.constant 0 : i32
      %dma_wait3A_596 = tpu.memref_slice %arg3[%dma_wait3A_590, %mul3A_589, %dma_wait3A_595] : memref<2x62504x128xf32, #tpu.memory_space<hbm>> -> memref<1x16x128xf32, #tpu.memory_space<hbm>>
      %dma_wait3A_597 = tpu.memref_squeeze %dma_wait3A_596 : memref<1x16x128xf32, #tpu.memory_space<hbm>> -> memref<16x128xf32, #tpu.memory_space<hbm>>
      %dma_wait3A_598 = tpu.memref_slice %arg13[%select_n3A_561] : memref<4x!tpu.dma_semaphore, #tpu.memory_space<semaphore_mem>> -> memref<1x!tpu.dma_semaphore, #tpu.memory_space<semaphore_mem>>
      %dma_wait3A_599 = tpu.memref_squeeze %dma_wait3A_598 : memref<1x!tpu.dma_semaphore, #tpu.memory_space<semaphore_mem>> -> memref<!tpu.dma_semaphore, #tpu.memory_space<semaphore_mem>>
      %dma_wait3A_600 = arith.constant 0 : i32
      %dma_wait3A_601 = arith.constant 0 : i32
      %dma_wait3A_602 = tpu.memref_slice %arg9[%select_n3A_561, %dma_wait3A_600, %dma_wait3A_601] : memref<4x32x128xf32, #tpu.memory_space<vmem>> -> memref<1x16x128xf32, #tpu.memory_space<vmem>>
      %dma_wait3A_603 = tpu.memref_squeeze %dma_wait3A_602 : memref<1x16x128xf32, #tpu.memory_space<vmem>> -> memref<16x128xf32, #tpu.memory_space<vmem>>
      %dma_wait3A_604 = arith.constant 0 : i32
      %dma_wait3A_605 = tpu.memref_slice %arg3[%dma_wait3A_590, %mul3A_589, %dma_wait3A_604] : memref<2x62504x128xf32, #tpu.memory_space<hbm>> -> memref<1x16x128xf32, #tpu.memory_space<hbm>>
      %dma_wait3A_606 = tpu.memref_squeeze %dma_wait3A_605 : memref<1x16x128xf32, #tpu.memory_space<hbm>> -> memref<16x128xf32, #tpu.memory_space<hbm>>
      tpu.wait_dma2 semaphore(%dma_wait3A_599 : memref<!tpu.dma_semaphore, #tpu.memory_space<semaphore_mem>>) src(%dma_wait3A_606 : memref<16x128xf32, #tpu.memory_space<hbm>>) dst(%dma_wait3A_603 : memref<16x128xf32, #tpu.memory_space<vmem>>)
      %mul3A_607 = arith.constant 8 : i32
      %mul3A_608 = arith.muli %min3A_587, %mul3A_607 : i32
      %dma_wait3A_609 = arith.constant 1 : i32
      %dma_wait3A_610 = arith.constant 16 : i32
      %dma_wait3A_611 = arith.constant 0 : i32
      %dma_wait3A_612 = tpu.memref_slice %arg9[%select_n3A_561, %dma_wait3A_610, %dma_wait3A_611] : memref<4x32x128xf32, #tpu.memory_space<vmem>> -> memref<1x16x128xf32, #tpu.memory_space<vmem>>
      %dma_wait3A_613 = tpu.memref_squeeze %dma_wait3A_612 : memref<1x16x128xf32, #tpu.memory_space<vmem>> -> memref<16x128xf32, #tpu.memory_space<vmem>>
      %dma_wait3A_614 = arith.constant 0 : i32
      %dma_wait3A_615 = tpu.memref_slice %arg3[%dma_wait3A_609, %mul3A_608, %dma_wait3A_614] : memref<2x62504x128xf32, #tpu.memory_space<hbm>> -> memref<1x16x128xf32, #tpu.memory_space<hbm>>
      %dma_wait3A_616 = tpu.memref_squeeze %dma_wait3A_615 : memref<1x16x128xf32, #tpu.memory_space<hbm>> -> memref<16x128xf32, #tpu.memory_space<hbm>>
      %dma_wait3A_617 = tpu.memref_slice %arg13[%select_n3A_561] : memref<4x!tpu.dma_semaphore, #tpu.memory_space<semaphore_mem>> -> memref<1x!tpu.dma_semaphore, #tpu.memory_space<semaphore_mem>>
      %dma_wait3A_618 = tpu.memref_squeeze %dma_wait3A_617 : memref<1x!tpu.dma_semaphore, #tpu.memory_space<semaphore_mem>> -> memref<!tpu.dma_semaphore, #tpu.memory_space<semaphore_mem>>
      %dma_wait3A_619 = arith.constant 16 : i32
      %dma_wait3A_620 = arith.constant 0 : i32
      %dma_wait3A_621 = tpu.memref_slice %arg9[%select_n3A_561, %dma_wait3A_619, %dma_wait3A_620] : memref<4x32x128xf32, #tpu.memory_space<vmem>> -> memref<1x16x128xf32, #tpu.memory_space<vmem>>
      %dma_wait3A_622 = tpu.memref_squeeze %dma_wait3A_621 : memref<1x16x128xf32, #tpu.memory_space<vmem>> -> memref<16x128xf32, #tpu.memory_space<vmem>>
      %dma_wait3A_623 = arith.constant 0 : i32
      %dma_wait3A_624 = tpu.memref_slice %arg3[%dma_wait3A_609, %mul3A_608, %dma_wait3A_623] : memref<2x62504x128xf32, #tpu.memory_space<hbm>> -> memref<1x16x128xf32, #tpu.memory_space<hbm>>
      %dma_wait3A_625 = tpu.memref_squeeze %dma_wait3A_624 : memref<1x16x128xf32, #tpu.memory_space<hbm>> -> memref<16x128xf32, #tpu.memory_space<hbm>>
      tpu.wait_dma2 semaphore(%dma_wait3A_618 : memref<!tpu.dma_semaphore, #tpu.memory_space<semaphore_mem>>) src(%dma_wait3A_625 : memref<16x128xf32, #tpu.memory_space<hbm>>) dst(%dma_wait3A_622 : memref<16x128xf32, #tpu.memory_space<vmem>>)
      %ge3A = arith.constant 2 : i32
      %ge3A_626 = arith.cmpi sge, %scan3A_545, %ge3A : i32
      %convert_element_type3A_627 = arith.extui %ge3A_626 : i1 to i32
      %cond3A_628 = arith.constant 0 : i32
      %cond3A_629 = arith.cmpi ne, %convert_element_type3A_627, %cond3A_628 : i32
      scf.if %cond3A_629 {
        %sub3A_666 = arith.constant 2 : i32
        %sub3A_667 = arith.subi %scan3A_545, %sub3A_666 : i32
        %mul3A_668 = arith.constant 2 : i32
        %mul3A_669 = arith.muli %mul3A_668, %sub3A_667 : i32
        %add3A_670 = arith.addi %mul3A_6, %mul3A_669 : i32
        %min3A_671 = arith.constant 7811 : i32
        %min3A_672 = arith.minsi %add3A_670, %min3A_671 : i32
        %mul3A_673 = arith.constant 128 : i32
        %mul3A_674 = arith.muli %min3A_672, %mul3A_673 : i32
        %add3A_675 = arith.addi %mul3A_4, %mul3A_674 : i32
        %dma_wait3A_676 = arith.constant 0 : i32
        %dma_wait3A_677 = arith.constant 0 : i32
        %dma_wait3A_678 = tpu.memref_slice %arg10[%select_n3A_577, %dma_wait3A_676, %dma_wait3A_677] : memref<2x256x16xf32, #tpu.memory_space<vmem>> -> memref<1x256x16xf32, #tpu.memory_space<vmem>>
        %dma_wait3A_679 = tpu.memref_squeeze %dma_wait3A_678 : memref<1x256x16xf32, #tpu.memory_space<vmem>> -> memref<256x16xf32, #tpu.memory_space<vmem>>
        %dma_wait3A_680 = arith.constant 0 : i32
        %dma_wait3A_681 = tpu.memref_slice %arg5[%add3A_675, %dma_wait3A_680] : memref<2000128x16xf32, #tpu.memory_space<hbm>> -> memref<256x16xf32, #tpu.memory_space<hbm>>
        %dma_wait3A_682 = tpu.memref_slice %arg14[%select_n3A_577] : memref<2x!tpu.dma_semaphore, #tpu.memory_space<semaphore_mem>> -> memref<1x!tpu.dma_semaphore, #tpu.memory_space<semaphore_mem>>
        %dma_wait3A_683 = tpu.memref_squeeze %dma_wait3A_682 : memref<1x!tpu.dma_semaphore, #tpu.memory_space<semaphore_mem>> -> memref<!tpu.dma_semaphore, #tpu.memory_space<semaphore_mem>>
        %dma_wait3A_684 = arith.constant 0 : i32
        %dma_wait3A_685 = tpu.memref_slice %arg5[%add3A_675, %dma_wait3A_684] : memref<2000128x16xf32, #tpu.memory_space<hbm>> -> memref<256x16xf32, #tpu.memory_space<hbm>>
        %dma_wait3A_686 = arith.constant 0 : i32
        %dma_wait3A_687 = arith.constant 0 : i32
        %dma_wait3A_688 = tpu.memref_slice %arg10[%select_n3A_577, %dma_wait3A_686, %dma_wait3A_687] : memref<2x256x16xf32, #tpu.memory_space<vmem>> -> memref<1x256x16xf32, #tpu.memory_space<vmem>>
        %dma_wait3A_689 = tpu.memref_squeeze %dma_wait3A_688 : memref<1x256x16xf32, #tpu.memory_space<vmem>> -> memref<256x16xf32, #tpu.memory_space<vmem>>
        tpu.wait_dma2 semaphore(%dma_wait3A_683 : memref<!tpu.dma_semaphore, #tpu.memory_space<semaphore_mem>>) src(%dma_wait3A_689 : memref<256x16xf32, #tpu.memory_space<vmem>>) dst(%dma_wait3A_685 : memref<256x16xf32, #tpu.memory_space<hbm>>)
      } else {
      }
      %broadcast_in_dim3A_630 = arith.constant 0 : i32
      %broadcast_in_dim3A_631 = vector.broadcast %broadcast_in_dim3A_630 : i32 to vector<16xi32>
      %scan3A_632 = arith.constant 0 : i32
      %scan3A_633 = arith.constant 0 : i32
      %scan3A_634 = arith.constant 8 : i32
      %scan3A_635 = arith.addi %scan3A_633, %scan3A_634 : i32
      %scan3A_636 = arith.constant 1 : i32
      scf.for %scan3A_666 = %scan3A_633 to %scan3A_635 step %scan3A_636  : i32 {
        %mul3A_667 = arith.constant 16 : i32
        %mul3A_668 = arith.muli %scan3A_666, %mul3A_667 : i32
        %add3A_669 = vector.broadcast %mul3A_668 : i32 to vector<16xi32>
        %add3A_670 = arith.addi %broadcast_in_dim3A_631, %add3A_669 : vector<16xi32>
        %add3A_671 = arith.constant 0 : i32
        %add3A_672 = vector.broadcast %add3A_671 : i32 to vector<16xi32>
        %add3A_673 = arith.addi %add3A_670, %add3A_672 : vector<16xi32>
        %gather3A = arith.constant 0 : i32
        %gather3A_674 = arith.constant 0 : i32
        %gather3A_675 = tpu.memref_slice %arg9[%select_n3A_561, %gather3A, %gather3A_674] : memref<4x32x128xf32, #tpu.memory_space<vmem>> -> memref<1x32x128xf32, #tpu.memory_space<vmem>>
        %gather3A_676 = tpu.memref_squeeze %gather3A_675 : memref<1x32x128xf32, #tpu.memory_space<vmem>> -> memref<32x128xf32, #tpu.memory_space<vmem>>
        %gather3A_677 = tpu.vector_load_idx %gather3A_676[%add3A_56, %add3A_673] : memref<32x128xf32, #tpu.memory_space<vmem>>[vector<16xi32>, vector<16xi32>], vector<16xf32>,
        %add3A_678 = arith.constant 1 : i32
        %add3A_679 = vector.broadcast %add3A_678 : i32 to vector<16xi32>
        %add3A_680 = arith.addi %add3A_670, %add3A_679 : vector<16xi32>
        %gather3A_681 = arith.constant 0 : i32
        %gather3A_682 = arith.constant 0 : i32
        %gather3A_683 = tpu.memref_slice %arg9[%select_n3A_561, %gather3A_681, %gather3A_682] : memref<4x32x128xf32, #tpu.memory_space<vmem>> -> memref<1x32x128xf32, #tpu.memory_space<vmem>>
        %gather3A_684 = tpu.memref_squeeze %gather3A_683 : memref<1x32x128xf32, #tpu.memory_space<vmem>> -> memref<32x128xf32, #tpu.memory_space<vmem>>
        %gather3A_685 = tpu.vector_load_idx %gather3A_684[%add3A_56, %add3A_680] : memref<32x128xf32, #tpu.memory_space<vmem>>[vector<16xi32>, vector<16xi32>], vector<16xf32>,
        %add3A_686 = arith.constant 2 : i32
        %add3A_687 = vector.broadcast %add3A_686 : i32 to vector<16xi32>
        %add3A_688 = arith.addi %add3A_670, %add3A_687 : vector<16xi32>
        %gather3A_689 = arith.constant 0 : i32
        %gather3A_690 = arith.constant 0 : i32
        %gather3A_691 = tpu.memref_slice %arg9[%select_n3A_561, %gather3A_689, %gather3A_690] : memref<4x32x128xf32, #tpu.memory_space<vmem>> -> memref<1x32x128xf32, #tpu.memory_space<vmem>>
        %gather3A_692 = tpu.memref_squeeze %gather3A_691 : memref<1x32x128xf32, #tpu.memory_space<vmem>> -> memref<32x128xf32, #tpu.memory_space<vmem>>
        %gather3A_693 = tpu.vector_load_idx %gather3A_692[%add3A_56, %add3A_688] : memref<32x128xf32, #tpu.memory_space<vmem>>[vector<16xi32>, vector<16xi32>], vector<16xf32>,
        %add3A_694 = arith.constant 3 : i32
        %add3A_695 = vector.broadcast %add3A_694 : i32 to vector<16xi32>
        %add3A_696 = arith.addi %add3A_670, %add3A_695 : vector<16xi32>
        %gather3A_697 = arith.constant 0 : i32
        %gather3A_698 = arith.constant 0 : i32
        %gather3A_699 = tpu.memref_slice %arg9[%select_n3A_561, %gather3A_697, %gather3A_698] : memref<4x32x128xf32, #tpu.memory_space<vmem>> -> memref<1x32x128xf32, #tpu.memory_space<vmem>>
        %gather3A_700 = tpu.memref_squeeze %gather3A_699 : memref<1x32x128xf32, #tpu.memory_space<vmem>> -> memref<32x128xf32, #tpu.memory_space<vmem>>
        %gather3A_701 = tpu.vector_load_idx %gather3A_700[%add3A_56, %add3A_696] : memref<32x128xf32, #tpu.memory_space<vmem>>[vector<16xi32>, vector<16xi32>], vector<16xf32>,
        %add3A_702 = arith.constant 4 : i32
        %add3A_703 = vector.broadcast %add3A_702 : i32 to vector<16xi32>
        %add3A_704 = arith.addi %add3A_670, %add3A_703 : vector<16xi32>
        %gather3A_705 = arith.constant 0 : i32
        %gather3A_706 = arith.constant 0 : i32
        %gather3A_707 = tpu.memref_slice %arg9[%select_n3A_561, %gather3A_705, %gather3A_706] : memref<4x32x128xf32, #tpu.memory_space<vmem>> -> memref<1x32x128xf32, #tpu.memory_space<vmem>>
        %gather3A_708 = tpu.memref_squeeze %gather3A_707 : memref<1x32x128xf32, #tpu.memory_space<vmem>> -> memref<32x128xf32, #tpu.memory_space<vmem>>
        %gather3A_709 = tpu.vector_load_idx %gather3A_708[%add3A_56, %add3A_704] : memref<32x128xf32, #tpu.memory_space<vmem>>[vector<16xi32>, vector<16xi32>], vector<16xf32>,
        %add3A_710 = arith.constant 5 : i32
        %add3A_711 = vector.broadcast %add3A_710 : i32 to vector<16xi32>
        %add3A_712 = arith.addi %add3A_670, %add3A_711 : vector<16xi32>
        %gather3A_713 = arith.constant 0 : i32
        %gather3A_714 = arith.constant 0 : i32
        %gather3A_715 = tpu.memref_slice %arg9[%select_n3A_561, %gather3A_713, %gather3A_714] : memref<4x32x128xf32, #tpu.memory_space<vmem>> -> memref<1x32x128xf32, #tpu.memory_space<vmem>>
        %gather3A_716 = tpu.memref_squeeze %gather3A_715 : memref<1x32x128xf32, #tpu.memory_space<vmem>> -> memref<32x128xf32, #tpu.memory_space<vmem>>
        %gather3A_717 = tpu.vector_load_idx %gather3A_716[%add3A_56, %add3A_712] : memref<32x128xf32, #tpu.memory_space<vmem>>[vector<16xi32>, vector<16xi32>], vector<16xf32>,
        %add3A_718 = arith.constant 6 : i32
        %add3A_719 = vector.broadcast %add3A_718 : i32 to vector<16xi32>
        %add3A_720 = arith.addi %add3A_670, %add3A_719 : vector<16xi32>
        %gather3A_721 = arith.constant 0 : i32
        %gather3A_722 = arith.constant 0 : i32
        %gather3A_723 = tpu.memref_slice %arg9[%select_n3A_561, %gather3A_721, %gather3A_722] : memref<4x32x128xf32, #tpu.memory_space<vmem>> -> memref<1x32x128xf32, #tpu.memory_space<vmem>>
        %gather3A_724 = tpu.memref_squeeze %gather3A_723 : memref<1x32x128xf32, #tpu.memory_space<vmem>> -> memref<32x128xf32, #tpu.memory_space<vmem>>
        %gather3A_725 = tpu.vector_load_idx %gather3A_724[%add3A_56, %add3A_720] : memref<32x128xf32, #tpu.memory_space<vmem>>[vector<16xi32>, vector<16xi32>], vector<16xf32>,
        %add3A_726 = arith.constant 7 : i32
        %add3A_727 = vector.broadcast %add3A_726 : i32 to vector<16xi32>
        %add3A_728 = arith.addi %add3A_670, %add3A_727 : vector<16xi32>
        %gather3A_729 = arith.constant 0 : i32
        %gather3A_730 = arith.constant 0 : i32
        %gather3A_731 = tpu.memref_slice %arg9[%select_n3A_561, %gather3A_729, %gather3A_730] : memref<4x32x128xf32, #tpu.memory_space<vmem>> -> memref<1x32x128xf32, #tpu.memory_space<vmem>>
        %gather3A_732 = tpu.memref_squeeze %gather3A_731 : memref<1x32x128xf32, #tpu.memory_space<vmem>> -> memref<32x128xf32, #tpu.memory_space<vmem>>
        %gather3A_733 = tpu.vector_load_idx %gather3A_732[%add3A_56, %add3A_728] : memref<32x128xf32, #tpu.memory_space<vmem>>[vector<16xi32>, vector<16xi32>], vector<16xf32>,
        %add3A_734 = arith.constant 8 : i32
        %add3A_735 = vector.broadcast %add3A_734 : i32 to vector<16xi32>
        %add3A_736 = arith.addi %add3A_670, %add3A_735 : vector<16xi32>
        %gather3A_737 = arith.constant 0 : i32
        %gather3A_738 = arith.constant 0 : i32
        %gather3A_739 = tpu.memref_slice %arg9[%select_n3A_561, %gather3A_737, %gather3A_738] : memref<4x32x128xf32, #tpu.memory_space<vmem>> -> memref<1x32x128xf32, #tpu.memory_space<vmem>>
        %gather3A_740 = tpu.memref_squeeze %gather3A_739 : memref<1x32x128xf32, #tpu.memory_space<vmem>> -> memref<32x128xf32, #tpu.memory_space<vmem>>
        %gather3A_741 = tpu.vector_load_idx %gather3A_740[%add3A_56, %add3A_736] : memref<32x128xf32, #tpu.memory_space<vmem>>[vector<16xi32>, vector<16xi32>], vector<16xf32>,
        %add3A_742 = arith.constant 9 : i32
        %add3A_743 = vector.broadcast %add3A_742 : i32 to vector<16xi32>
        %add3A_744 = arith.addi %add3A_670, %add3A_743 : vector<16xi32>
        %gather3A_745 = arith.constant 0 : i32
        %gather3A_746 = arith.constant 0 : i32
        %gather3A_747 = tpu.memref_slice %arg9[%select_n3A_561, %gather3A_745, %gather3A_746] : memref<4x32x128xf32, #tpu.memory_space<vmem>> -> memref<1x32x128xf32, #tpu.memory_space<vmem>>
        %gather3A_748 = tpu.memref_squeeze %gather3A_747 : memref<1x32x128xf32, #tpu.memory_space<vmem>> -> memref<32x128xf32, #tpu.memory_space<vmem>>
        %gather3A_749 = tpu.vector_load_idx %gather3A_748[%add3A_56, %add3A_744] : memref<32x128xf32, #tpu.memory_space<vmem>>[vector<16xi32>, vector<16xi32>], vector<16xf32>,
        %add3A_750 = arith.constant 10 : i32
        %add3A_751 = vector.broadcast %add3A_750 : i32 to vector<16xi32>
        %add3A_752 = arith.addi %add3A_670, %add3A_751 : vector<16xi32>
        %gather3A_753 = arith.constant 0 : i32
        %gather3A_754 = arith.constant 0 : i32
        %gather3A_755 = tpu.memref_slice %arg9[%select_n3A_561, %gather3A_753, %gather3A_754] : memref<4x32x128xf32, #tpu.memory_space<vmem>> -> memref<1x32x128xf32, #tpu.memory_space<vmem>>
        %gather3A_756 = tpu.memref_squeeze %gather3A_755 : memref<1x32x128xf32, #tpu.memory_space<vmem>> -> memref<32x128xf32, #tpu.memory_space<vmem>>
        %gather3A_757 = tpu.vector_load_idx %gather3A_756[%add3A_56, %add3A_752] : memref<32x128xf32, #tpu.memory_space<vmem>>[vector<16xi32>, vector<16xi32>], vector<16xf32>,
        %add3A_758 = arith.constant 11 : i32
        %add3A_759 = vector.broadcast %add3A_758 : i32 to vector<16xi32>
        %add3A_760 = arith.addi %add3A_670, %add3A_759 : vector<16xi32>
        %gather3A_761 = arith.constant 0 : i32
        %gather3A_762 = arith.constant 0 : i32
        %gather3A_763 = tpu.memref_slice %arg9[%select_n3A_561, %gather3A_761, %gather3A_762] : memref<4x32x128xf32, #tpu.memory_space<vmem>> -> memref<1x32x128xf32, #tpu.memory_space<vmem>>
        %gather3A_764 = tpu.memref_squeeze %gather3A_763 : memref<1x32x128xf32, #tpu.memory_space<vmem>> -> memref<32x128xf32, #tpu.memory_space<vmem>>
        %gather3A_765 = tpu.vector_load_idx %gather3A_764[%add3A_56, %add3A_760] : memref<32x128xf32, #tpu.memory_space<vmem>>[vector<16xi32>, vector<16xi32>], vector<16xf32>,
        %add3A_766 = arith.constant 12 : i32
        %add3A_767 = vector.broadcast %add3A_766 : i32 to vector<16xi32>
        %add3A_768 = arith.addi %add3A_670, %add3A_767 : vector<16xi32>
        %gather3A_769 = arith.constant 0 : i32
        %gather3A_770 = arith.constant 0 : i32
        %gather3A_771 = tpu.memref_slice %arg9[%select_n3A_561, %gather3A_769, %gather3A_770] : memref<4x32x128xf32, #tpu.memory_space<vmem>> -> memref<1x32x128xf32, #tpu.memory_space<vmem>>
        %gather3A_772 = tpu.memref_squeeze %gather3A_771 : memref<1x32x128xf32, #tpu.memory_space<vmem>> -> memref<32x128xf32, #tpu.memory_space<vmem>>
        %gather3A_773 = tpu.vector_load_idx %gather3A_772[%add3A_56, %add3A_768] : memref<32x128xf32, #tpu.memory_space<vmem>>[vector<16xi32>, vector<16xi32>], vector<16xf32>,
        %add3A_774 = arith.constant 13 : i32
        %add3A_775 = vector.broadcast %add3A_774 : i32 to vector<16xi32>
        %add3A_776 = arith.addi %add3A_670, %add3A_775 : vector<16xi32>
        %gather3A_777 = arith.constant 0 : i32
        %gather3A_778 = arith.constant 0 : i32
        %gather3A_779 = tpu.memref_slice %arg9[%select_n3A_561, %gather3A_777, %gather3A_778] : memref<4x32x128xf32, #tpu.memory_space<vmem>> -> memref<1x32x128xf32, #tpu.memory_space<vmem>>
        %gather3A_780 = tpu.memref_squeeze %gather3A_779 : memref<1x32x128xf32, #tpu.memory_space<vmem>> -> memref<32x128xf32, #tpu.memory_space<vmem>>
        %gather3A_781 = tpu.vector_load_idx %gather3A_780[%add3A_56, %add3A_776] : memref<32x128xf32, #tpu.memory_space<vmem>>[vector<16xi32>, vector<16xi32>], vector<16xf32>,
        %add3A_782 = arith.constant 14 : i32
        %add3A_783 = vector.broadcast %add3A_782 : i32 to vector<16xi32>
        %add3A_784 = arith.addi %add3A_670, %add3A_783 : vector<16xi32>
        %gather3A_785 = arith.constant 0 : i32
        %gather3A_786 = arith.constant 0 : i32
        %gather3A_787 = tpu.memref_slice %arg9[%select_n3A_561, %gather3A_785, %gather3A_786] : memref<4x32x128xf32, #tpu.memory_space<vmem>> -> memref<1x32x128xf32, #tpu.memory_space<vmem>>
        %gather3A_788 = tpu.memref_squeeze %gather3A_787 : memref<1x32x128xf32, #tpu.memory_space<vmem>> -> memref<32x128xf32, #tpu.memory_space<vmem>>
        %gather3A_789 = tpu.vector_load_idx %gather3A_788[%add3A_56, %add3A_784] : memref<32x128xf32, #tpu.memory_space<vmem>>[vector<16xi32>, vector<16xi32>], vector<16xf32>,
        %add3A_790 = arith.constant 15 : i32
        %add3A_791 = vector.broadcast %add3A_790 : i32 to vector<16xi32>
        %add3A_792 = arith.addi %add3A_670, %add3A_791 : vector<16xi32>
        %gather3A_793 = arith.constant 0 : i32
        %gather3A_794 = arith.constant 0 : i32
        %gather3A_795 = tpu.memref_slice %arg9[%select_n3A_561, %gather3A_793, %gather3A_794] : memref<4x32x128xf32, #tpu.memory_space<vmem>> -> memref<1x32x128xf32, #tpu.memory_space<vmem>>
        %gather3A_796 = tpu.memref_squeeze %gather3A_795 : memref<1x32x128xf32, #tpu.memory_space<vmem>> -> memref<32x128xf32, #tpu.memory_space<vmem>>
        %gather3A_797 = tpu.vector_load_idx %gather3A_796[%add3A_56, %add3A_792] : memref<32x128xf32, #tpu.memory_space<vmem>>[vector<16xi32>, vector<16xi32>], vector<16xf32>,
        %mul3A_798 = arith.constant 16 : i32
        %mul3A_799 = arith.muli %scan3A_666, %mul3A_798 : i32
        %add3A_800 = arith.constant 0 : i32
        %add3A_801 = arith.addi %add3A_800, %mul3A_799 : i32
        %add3A_802 = arith.constant 0 : i32
        %add3A_803 = arith.addi %add3A_801, %add3A_802 : i32
        %swap3A = arith.index_cast %select_n3A_577 : i32 to index
        %swap3A_804 = arith.index_cast %add3A_803 : i32 to index
        %swap3A_805 = arith.constant 0 : index
        %swap3A_806 = tpu.vector_load %arg10[%swap3A, %swap3A_804, %swap3A_805] {strides = array<i32>} : memref<2x256x16xf32, #tpu.memory_space<vmem>>, vector<16xf32>,
        tpu.vector_store %arg10[%swap3A, %swap3A_804, %swap3A_805], %gather3A_677 {strides = array<i32>} : memref<2x256x16xf32, #tpu.memory_space<vmem>>, vector<16xf32>,
        %mul3A_807 = arith.constant 16 : i32
        %mul3A_808 = arith.muli %scan3A_666, %mul3A_807 : i32
        %add3A_809 = arith.constant 0 : i32
        %add3A_810 = arith.addi %add3A_809, %mul3A_808 : i32
        %add3A_811 = arith.constant 1 : i32
        %add3A_812 = arith.addi %add3A_810, %add3A_811 : i32
        %swap3A_813 = arith.index_cast %select_n3A_577 : i32 to index
        %swap3A_814 = arith.index_cast %add3A_812 : i32 to index
        %swap3A_815 = arith.constant 0 : index
        %swap3A_816 = tpu.vector_load %arg10[%swap3A_813, %swap3A_814, %swap3A_815] {strides = array<i32>} : memref<2x256x16xf32, #tpu.memory_space<vmem>>, vector<16xf32>,
        tpu.vector_store %arg10[%swap3A_813, %swap3A_814, %swap3A_815], %gather3A_685 {strides = array<i32>} : memref<2x256x16xf32, #tpu.memory_space<vmem>>, vector<16xf32>,
        %mul3A_817 = arith.constant 16 : i32
        %mul3A_818 = arith.muli %scan3A_666, %mul3A_817 : i32
        %add3A_819 = arith.constant 0 : i32
        %add3A_820 = arith.addi %add3A_819, %mul3A_818 : i32
        %add3A_821 = arith.constant 2 : i32
        %add3A_822 = arith.addi %add3A_820, %add3A_821 : i32
        %swap3A_823 = arith.index_cast %select_n3A_577 : i32 to index
        %swap3A_824 = arith.index_cast %add3A_822 : i32 to index
        %swap3A_825 = arith.constant 0 : index
        %swap3A_826 = tpu.vector_load %arg10[%swap3A_823, %swap3A_824, %swap3A_825] {strides = array<i32>} : memref<2x256x16xf32, #tpu.memory_space<vmem>>, vector<16xf32>,
        tpu.vector_store %arg10[%swap3A_823, %swap3A_824, %swap3A_825], %gather3A_693 {strides = array<i32>} : memref<2x256x16xf32, #tpu.memory_space<vmem>>, vector<16xf32>,
        %mul3A_827 = arith.constant 16 : i32
        %mul3A_828 = arith.muli %scan3A_666, %mul3A_827 : i32
        %add3A_829 = arith.constant 0 : i32
        %add3A_830 = arith.addi %add3A_829, %mul3A_828 : i32
        %add3A_831 = arith.constant 3 : i32
        %add3A_832 = arith.addi %add3A_830, %add3A_831 : i32
        %swap3A_833 = arith.index_cast %select_n3A_577 : i32 to index
        %swap3A_834 = arith.index_cast %add3A_832 : i32 to index
        %swap3A_835 = arith.constant 0 : index
        %swap3A_836 = tpu.vector_load %arg10[%swap3A_833, %swap3A_834, %swap3A_835] {strides = array<i32>} : memref<2x256x16xf32, #tpu.memory_space<vmem>>, vector<16xf32>,
        tpu.vector_store %arg10[%swap3A_833, %swap3A_834, %swap3A_835], %gather3A_701 {strides = array<i32>} : memref<2x256x16xf32, #tpu.memory_space<vmem>>, vector<16xf32>,
        %mul3A_837 = arith.constant 16 : i32
        %mul3A_838 = arith.muli %scan3A_666, %mul3A_837 : i32
        %add3A_839 = arith.constant 0 : i32
        %add3A_840 = arith.addi %add3A_839, %mul3A_838 : i32
        %add3A_841 = arith.constant 4 : i32
        %add3A_842 = arith.addi %add3A_840, %add3A_841 : i32
        %swap3A_843 = arith.index_cast %select_n3A_577 : i32 to index
        %swap3A_844 = arith.index_cast %add3A_842 : i32 to index
        %swap3A_845 = arith.constant 0 : index
        %swap3A_846 = tpu.vector_load %arg10[%swap3A_843, %swap3A_844, %swap3A_845] {strides = array<i32>} : memref<2x256x16xf32, #tpu.memory_space<vmem>>, vector<16xf32>,
        tpu.vector_store %arg10[%swap3A_843, %swap3A_844, %swap3A_845], %gather3A_709 {strides = array<i32>} : memref<2x256x16xf32, #tpu.memory_space<vmem>>, vector<16xf32>,
        %mul3A_847 = arith.constant 16 : i32
        %mul3A_848 = arith.muli %scan3A_666, %mul3A_847 : i32
        %add3A_849 = arith.constant 0 : i32
        %add3A_850 = arith.addi %add3A_849, %mul3A_848 : i32
        %add3A_851 = arith.constant 5 : i32
        %add3A_852 = arith.addi %add3A_850, %add3A_851 : i32
        %swap3A_853 = arith.index_cast %select_n3A_577 : i32 to index
        %swap3A_854 = arith.index_cast %add3A_852 : i32 to index
        %swap3A_855 = arith.constant 0 : index
        %swap3A_856 = tpu.vector_load %arg10[%swap3A_853, %swap3A_854, %swap3A_855] {strides = array<i32>} : memref<2x256x16xf32, #tpu.memory_space<vmem>>, vector<16xf32>,
        tpu.vector_store %arg10[%swap3A_853, %swap3A_854, %swap3A_855], %gather3A_717 {strides = array<i32>} : memref<2x256x16xf32, #tpu.memory_space<vmem>>, vector<16xf32>,
        %mul3A_857 = arith.constant 16 : i32
        %mul3A_858 = arith.muli %scan3A_666, %mul3A_857 : i32
        %add3A_859 = arith.constant 0 : i32
        %add3A_860 = arith.addi %add3A_859, %mul3A_858 : i32
        %add3A_861 = arith.constant 6 : i32
        %add3A_862 = arith.addi %add3A_860, %add3A_861 : i32
        %swap3A_863 = arith.index_cast %select_n3A_577 : i32 to index
        %swap3A_864 = arith.index_cast %add3A_862 : i32 to index
        %swap3A_865 = arith.constant 0 : index
        %swap3A_866 = tpu.vector_load %arg10[%swap3A_863, %swap3A_864, %swap3A_865] {strides = array<i32>} : memref<2x256x16xf32, #tpu.memory_space<vmem>>, vector<16xf32>,
        tpu.vector_store %arg10[%swap3A_863, %swap3A_864, %swap3A_865], %gather3A_725 {strides = array<i32>} : memref<2x256x16xf32, #tpu.memory_space<vmem>>, vector<16xf32>,
        %mul3A_867 = arith.constant 16 : i32
        %mul3A_868 = arith.muli %scan3A_666, %mul3A_867 : i32
        %add3A_869 = arith.constant 0 : i32
        %add3A_870 = arith.addi %add3A_869, %mul3A_868 : i32
        %add3A_871 = arith.constant 7 : i32
        %add3A_872 = arith.addi %add3A_870, %add3A_871 : i32
        %swap3A_873 = arith.index_cast %select_n3A_577 : i32 to index
        %swap3A_874 = arith.index_cast %add3A_872 : i32 to index
        %swap3A_875 = arith.constant 0 : index
        %swap3A_876 = tpu.vector_load %arg10[%swap3A_873, %swap3A_874, %swap3A_875] {strides = array<i32>} : memref<2x256x16xf32, #tpu.memory_space<vmem>>, vector<16xf32>,
        tpu.vector_store %arg10[%swap3A_873, %swap3A_874, %swap3A_875], %gather3A_733 {strides = array<i32>} : memref<2x256x16xf32, #tpu.memory_space<vmem>>, vector<16xf32>,
        %mul3A_877 = arith.constant 16 : i32
        %mul3A_878 = arith.muli %scan3A_666, %mul3A_877 : i32
        %add3A_879 = arith.constant 0 : i32
        %add3A_880 = arith.addi %add3A_879, %mul3A_878 : i32
        %add3A_881 = arith.constant 8 : i32
        %add3A_882 = arith.addi %add3A_880, %add3A_881 : i32
        %swap3A_883 = arith.index_cast %select_n3A_577 : i32 to index
        %swap3A_884 = arith.index_cast %add3A_882 : i32 to index
        %swap3A_885 = arith.constant 0 : index
        %swap3A_886 = tpu.vector_load %arg10[%swap3A_883, %swap3A_884, %swap3A_885] {strides = array<i32>} : memref<2x256x16xf32, #tpu.memory_space<vmem>>, vector<16xf32>,
        tpu.vector_store %arg10[%swap3A_883, %swap3A_884, %swap3A_885], %gather3A_741 {strides = array<i32>} : memref<2x256x16xf32, #tpu.memory_space<vmem>>, vector<16xf32>,
        %mul3A_887 = arith.constant 16 : i32
        %mul3A_888 = arith.muli %scan3A_666, %mul3A_887 : i32
        %add3A_889 = arith.constant 0 : i32
        %add3A_890 = arith.addi %add3A_889, %mul3A_888 : i32
        %add3A_891 = arith.constant 9 : i32
        %add3A_892 = arith.addi %add3A_890, %add3A_891 : i32
        %swap3A_893 = arith.index_cast %select_n3A_577 : i32 to index
        %swap3A_894 = arith.index_cast %add3A_892 : i32 to index
        %swap3A_895 = arith.constant 0 : index
        %swap3A_896 = tpu.vector_load %arg10[%swap3A_893, %swap3A_894, %swap3A_895] {strides = array<i32>} : memref<2x256x16xf32, #tpu.memory_space<vmem>>, vector<16xf32>,
        tpu.vector_store %arg10[%swap3A_893, %swap3A_894, %swap3A_895], %gather3A_749 {strides = array<i32>} : memref<2x256x16xf32, #tpu.memory_space<vmem>>, vector<16xf32>,
        %mul3A_897 = arith.constant 16 : i32
        %mul3A_898 = arith.muli %scan3A_666, %mul3A_897 : i32
        %add3A_899 = arith.constant 0 : i32
        %add3A_900 = arith.addi %add3A_899, %mul3A_898 : i32
        %add3A_901 = arith.constant 10 : i32
        %add3A_902 = arith.addi %add3A_900, %add3A_901 : i32
        %swap3A_903 = arith.index_cast %select_n3A_577 : i32 to index
        %swap3A_904 = arith.index_cast %add3A_902 : i32 to index
        %swap3A_905 = arith.constant 0 : index
        %swap3A_906 = tpu.vector_load %arg10[%swap3A_903, %swap3A_904, %swap3A_905] {strides = array<i32>} : memref<2x256x16xf32, #tpu.memory_space<vmem>>, vector<16xf32>,
        tpu.vector_store %arg10[%swap3A_903, %swap3A_904, %swap3A_905], %gather3A_757 {strides = array<i32>} : memref<2x256x16xf32, #tpu.memory_space<vmem>>, vector<16xf32>,
        %mul3A_907 = arith.constant 16 : i32
        %mul3A_908 = arith.muli %scan3A_666, %mul3A_907 : i32
        %add3A_909 = arith.constant 0 : i32
        %add3A_910 = arith.addi %add3A_909, %mul3A_908 : i32
        %add3A_911 = arith.constant 11 : i32
        %add3A_912 = arith.addi %add3A_910, %add3A_911 : i32
        %swap3A_913 = arith.index_cast %select_n3A_577 : i32 to index
        %swap3A_914 = arith.index_cast %add3A_912 : i32 to index
        %swap3A_915 = arith.constant 0 : index
        %swap3A_916 = tpu.vector_load %arg10[%swap3A_913, %swap3A_914, %swap3A_915] {strides = array<i32>} : memref<2x256x16xf32, #tpu.memory_space<vmem>>, vector<16xf32>,
        tpu.vector_store %arg10[%swap3A_913, %swap3A_914, %swap3A_915], %gather3A_765 {strides = array<i32>} : memref<2x256x16xf32, #tpu.memory_space<vmem>>, vector<16xf32>,
        %mul3A_917 = arith.constant 16 : i32
        %mul3A_918 = arith.muli %scan3A_666, %mul3A_917 : i32
        %add3A_919 = arith.constant 0 : i32
        %add3A_920 = arith.addi %add3A_919, %mul3A_918 : i32
        %add3A_921 = arith.constant 12 : i32
        %add3A_922 = arith.addi %add3A_920, %add3A_921 : i32
        %swap3A_923 = arith.index_cast %select_n3A_577 : i32 to index
        %swap3A_924 = arith.index_cast %add3A_922 : i32 to index
        %swap3A_925 = arith.constant 0 : index
        %swap3A_926 = tpu.vector_load %arg10[%swap3A_923, %swap3A_924, %swap3A_925] {strides = array<i32>} : memref<2x256x16xf32, #tpu.memory_space<vmem>>, vector<16xf32>,
        tpu.vector_store %arg10[%swap3A_923, %swap3A_924, %swap3A_925], %gather3A_773 {strides = array<i32>} : memref<2x256x16xf32, #tpu.memory_space<vmem>>, vector<16xf32>,
        %mul3A_927 = arith.constant 16 : i32
        %mul3A_928 = arith.muli %scan3A_666, %mul3A_927 : i32
        %add3A_929 = arith.constant 0 : i32
        %add3A_930 = arith.addi %add3A_929, %mul3A_928 : i32
        %add3A_931 = arith.constant 13 : i32
        %add3A_932 = arith.addi %add3A_930, %add3A_931 : i32
        %swap3A_933 = arith.index_cast %select_n3A_577 : i32 to index
        %swap3A_934 = arith.index_cast %add3A_932 : i32 to index
        %swap3A_935 = arith.constant 0 : index
        %swap3A_936 = tpu.vector_load %arg10[%swap3A_933, %swap3A_934, %swap3A_935] {strides = array<i32>} : memref<2x256x16xf32, #tpu.memory_space<vmem>>, vector<16xf32>,
        tpu.vector_store %arg10[%swap3A_933, %swap3A_934, %swap3A_935], %gather3A_781 {strides = array<i32>} : memref<2x256x16xf32, #tpu.memory_space<vmem>>, vector<16xf32>,
        %mul3A_937 = arith.constant 16 : i32
        %mul3A_938 = arith.muli %scan3A_666, %mul3A_937 : i32
        %add3A_939 = arith.constant 0 : i32
        %add3A_940 = arith.addi %add3A_939, %mul3A_938 : i32
        %add3A_941 = arith.constant 14 : i32
        %add3A_942 = arith.addi %add3A_940, %add3A_941 : i32
        %swap3A_943 = arith.index_cast %select_n3A_577 : i32 to index
        %swap3A_944 = arith.index_cast %add3A_942 : i32 to index
        %swap3A_945 = arith.constant 0 : index
        %swap3A_946 = tpu.vector_load %arg10[%swap3A_943, %swap3A_944, %swap3A_945] {strides = array<i32>} : memref<2x256x16xf32, #tpu.memory_space<vmem>>, vector<16xf32>,
        tpu.vector_store %arg10[%swap3A_943, %swap3A_944, %swap3A_945], %gather3A_789 {strides = array<i32>} : memref<2x256x16xf32, #tpu.memory_space<vmem>>, vector<16xf32>,
        %mul3A_947 = arith.constant 16 : i32
        %mul3A_948 = arith.muli %scan3A_666, %mul3A_947 : i32
        %add3A_949 = arith.constant 0 : i32
        %add3A_950 = arith.addi %add3A_949, %mul3A_948 : i32
        %add3A_951 = arith.constant 15 : i32
        %add3A_952 = arith.addi %add3A_950, %add3A_951 : i32
        %swap3A_953 = arith.index_cast %select_n3A_577 : i32 to index
        %swap3A_954 = arith.index_cast %add3A_952 : i32 to index
        %swap3A_955 = arith.constant 0 : index
        %swap3A_956 = tpu.vector_load %arg10[%swap3A_953, %swap3A_954, %swap3A_955] {strides = array<i32>} : memref<2x256x16xf32, #tpu.memory_space<vmem>>, vector<16xf32>,
        tpu.vector_store %arg10[%swap3A_953, %swap3A_954, %swap3A_955], %gather3A_797 {strides = array<i32>} : memref<2x256x16xf32, #tpu.memory_space<vmem>>, vector<16xf32>,
      }
      %scan3A_637 = arith.constant 8 : i32
      %scan3A_638 = arith.constant 0 : i32
      %scan3A_639 = arith.constant 0 : i32
      %scan3A_640 = arith.constant 8 : i32
      %scan3A_641 = arith.addi %scan3A_639, %scan3A_640 : i32
      %scan3A_642 = arith.constant 1 : i32
      scf.for %scan3A_666 = %scan3A_639 to %scan3A_641 step %scan3A_642  : i32 {
        %mul3A_667 = arith.constant 16 : i32
        %mul3A_668 = arith.muli %scan3A_666, %mul3A_667 : i32
        %add3A_669 = vector.broadcast %mul3A_668 : i32 to vector<16xi32>
        %add3A_670 = arith.addi %broadcast_in_dim3A_631, %add3A_669 : vector<16xi32>
        %add3A_671 = arith.constant 0 : i32
        %add3A_672 = vector.broadcast %add3A_671 : i32 to vector<16xi32>
        %add3A_673 = arith.addi %add3A_670, %add3A_672 : vector<16xi32>
        %gather3A = arith.constant 0 : i32
        %gather3A_674 = arith.constant 0 : i32
        %gather3A_675 = tpu.memref_slice %arg9[%select_n3A_561, %gather3A, %gather3A_674] : memref<4x32x128xf32, #tpu.memory_space<vmem>> -> memref<1x32x128xf32, #tpu.memory_space<vmem>>
        %gather3A_676 = tpu.memref_squeeze %gather3A_675 : memref<1x32x128xf32, #tpu.memory_space<vmem>> -> memref<32x128xf32, #tpu.memory_space<vmem>>
        %gather3A_677 = tpu.vector_load_idx %gather3A_676[%add3A_116, %add3A_673] : memref<32x128xf32, #tpu.memory_space<vmem>>[vector<16xi32>, vector<16xi32>], vector<16xf32>,
        %add3A_678 = arith.constant 1 : i32
        %add3A_679 = vector.broadcast %add3A_678 : i32 to vector<16xi32>
        %add3A_680 = arith.addi %add3A_670, %add3A_679 : vector<16xi32>
        %gather3A_681 = arith.constant 0 : i32
        %gather3A_682 = arith.constant 0 : i32
        %gather3A_683 = tpu.memref_slice %arg9[%select_n3A_561, %gather3A_681, %gather3A_682] : memref<4x32x128xf32, #tpu.memory_space<vmem>> -> memref<1x32x128xf32, #tpu.memory_space<vmem>>
        %gather3A_684 = tpu.memref_squeeze %gather3A_683 : memref<1x32x128xf32, #tpu.memory_space<vmem>> -> memref<32x128xf32, #tpu.memory_space<vmem>>
        %gather3A_685 = tpu.vector_load_idx %gather3A_684[%add3A_116, %add3A_680] : memref<32x128xf32, #tpu.memory_space<vmem>>[vector<16xi32>, vector<16xi32>], vector<16xf32>,
        %add3A_686 = arith.constant 2 : i32
        %add3A_687 = vector.broadcast %add3A_686 : i32 to vector<16xi32>
        %add3A_688 = arith.addi %add3A_670, %add3A_687 : vector<16xi32>
        %gather3A_689 = arith.constant 0 : i32
        %gather3A_690 = arith.constant 0 : i32
        %gather3A_691 = tpu.memref_slice %arg9[%select_n3A_561, %gather3A_689, %gather3A_690] : memref<4x32x128xf32, #tpu.memory_space<vmem>> -> memref<1x32x128xf32, #tpu.memory_space<vmem>>
        %gather3A_692 = tpu.memref_squeeze %gather3A_691 : memref<1x32x128xf32, #tpu.memory_space<vmem>> -> memref<32x128xf32, #tpu.memory_space<vmem>>
        %gather3A_693 = tpu.vector_load_idx %gather3A_692[%add3A_116, %add3A_688] : memref<32x128xf32, #tpu.memory_space<vmem>>[vector<16xi32>, vector<16xi32>], vector<16xf32>,
        %add3A_694 = arith.constant 3 : i32
        %add3A_695 = vector.broadcast %add3A_694 : i32 to vector<16xi32>
        %add3A_696 = arith.addi %add3A_670, %add3A_695 : vector<16xi32>
        %gather3A_697 = arith.constant 0 : i32
        %gather3A_698 = arith.constant 0 : i32
        %gather3A_699 = tpu.memref_slice %arg9[%select_n3A_561, %gather3A_697, %gather3A_698] : memref<4x32x128xf32, #tpu.memory_space<vmem>> -> memref<1x32x128xf32, #tpu.memory_space<vmem>>
        %gather3A_700 = tpu.memref_squeeze %gather3A_699 : memref<1x32x128xf32, #tpu.memory_space<vmem>> -> memref<32x128xf32, #tpu.memory_space<vmem>>
        %gather3A_701 = tpu.vector_load_idx %gather3A_700[%add3A_116, %add3A_696] : memref<32x128xf32, #tpu.memory_space<vmem>>[vector<16xi32>, vector<16xi32>], vector<16xf32>,
        %add3A_702 = arith.constant 4 : i32
        %add3A_703 = vector.broadcast %add3A_702 : i32 to vector<16xi32>
        %add3A_704 = arith.addi %add3A_670, %add3A_703 : vector<16xi32>
        %gather3A_705 = arith.constant 0 : i32
        %gather3A_706 = arith.constant 0 : i32
        %gather3A_707 = tpu.memref_slice %arg9[%select_n3A_561, %gather3A_705, %gather3A_706] : memref<4x32x128xf32, #tpu.memory_space<vmem>> -> memref<1x32x128xf32, #tpu.memory_space<vmem>>
        %gather3A_708 = tpu.memref_squeeze %gather3A_707 : memref<1x32x128xf32, #tpu.memory_space<vmem>> -> memref<32x128xf32, #tpu.memory_space<vmem>>
        %gather3A_709 = tpu.vector_load_idx %gather3A_708[%add3A_116, %add3A_704] : memref<32x128xf32, #tpu.memory_space<vmem>>[vector<16xi32>, vector<16xi32>], vector<16xf32>,
        %add3A_710 = arith.constant 5 : i32
        %add3A_711 = vector.broadcast %add3A_710 : i32 to vector<16xi32>
        %add3A_712 = arith.addi %add3A_670, %add3A_711 : vector<16xi32>
        %gather3A_713 = arith.constant 0 : i32
        %gather3A_714 = arith.constant 0 : i32
        %gather3A_715 = tpu.memref_slice %arg9[%select_n3A_561, %gather3A_713, %gather3A_714] : memref<4x32x128xf32, #tpu.memory_space<vmem>> -> memref<1x32x128xf32, #tpu.memory_space<vmem>>
        %gather3A_716 = tpu.memref_squeeze %gather3A_715 : memref<1x32x128xf32, #tpu.memory_space<vmem>> -> memref<32x128xf32, #tpu.memory_space<vmem>>
        %gather3A_717 = tpu.vector_load_idx %gather3A_716[%add3A_116, %add3A_712] : memref<32x128xf32, #tpu.memory_space<vmem>>[vector<16xi32>, vector<16xi32>], vector<16xf32>,
        %add3A_718 = arith.constant 6 : i32
        %add3A_719 = vector.broadcast %add3A_718 : i32 to vector<16xi32>
        %add3A_720 = arith.addi %add3A_670, %add3A_719 : vector<16xi32>
        %gather3A_721 = arith.constant 0 : i32
        %gather3A_722 = arith.constant 0 : i32
        %gather3A_723 = tpu.memref_slice %arg9[%select_n3A_561, %gather3A_721, %gather3A_722] : memref<4x32x128xf32, #tpu.memory_space<vmem>> -> memref<1x32x128xf32, #tpu.memory_space<vmem>>
        %gather3A_724 = tpu.memref_squeeze %gather3A_723 : memref<1x32x128xf32, #tpu.memory_space<vmem>> -> memref<32x128xf32, #tpu.memory_space<vmem>>
        %gather3A_725 = tpu.vector_load_idx %gather3A_724[%add3A_116, %add3A_720] : memref<32x128xf32, #tpu.memory_space<vmem>>[vector<16xi32>, vector<16xi32>], vector<16xf32>,
        %add3A_726 = arith.constant 7 : i32
        %add3A_727 = vector.broadcast %add3A_726 : i32 to vector<16xi32>
        %add3A_728 = arith.addi %add3A_670, %add3A_727 : vector<16xi32>
        %gather3A_729 = arith.constant 0 : i32
        %gather3A_730 = arith.constant 0 : i32
        %gather3A_731 = tpu.memref_slice %arg9[%select_n3A_561, %gather3A_729, %gather3A_730] : memref<4x32x128xf32, #tpu.memory_space<vmem>> -> memref<1x32x128xf32, #tpu.memory_space<vmem>>
        %gather3A_732 = tpu.memref_squeeze %gather3A_731 : memref<1x32x128xf32, #tpu.memory_space<vmem>> -> memref<32x128xf32, #tpu.memory_space<vmem>>
        %gather3A_733 = tpu.vector_load_idx %gather3A_732[%add3A_116, %add3A_728] : memref<32x128xf32, #tpu.memory_space<vmem>>[vector<16xi32>, vector<16xi32>], vector<16xf32>,
        %add3A_734 = arith.constant 8 : i32
        %add3A_735 = vector.broadcast %add3A_734 : i32 to vector<16xi32>
        %add3A_736 = arith.addi %add3A_670, %add3A_735 : vector<16xi32>
        %gather3A_737 = arith.constant 0 : i32
        %gather3A_738 = arith.constant 0 : i32
        %gather3A_739 = tpu.memref_slice %arg9[%select_n3A_561, %gather3A_737, %gather3A_738] : memref<4x32x128xf32, #tpu.memory_space<vmem>> -> memref<1x32x128xf32, #tpu.memory_space<vmem>>
        %gather3A_740 = tpu.memref_squeeze %gather3A_739 : memref<1x32x128xf32, #tpu.memory_space<vmem>> -> memref<32x128xf32, #tpu.memory_space<vmem>>
        %gather3A_741 = tpu.vector_load_idx %gather3A_740[%add3A_116, %add3A_736] : memref<32x128xf32, #tpu.memory_space<vmem>>[vector<16xi32>, vector<16xi32>], vector<16xf32>,
        %add3A_742 = arith.constant 9 : i32
        %add3A_743 = vector.broadcast %add3A_742 : i32 to vector<16xi32>
        %add3A_744 = arith.addi %add3A_670, %add3A_743 : vector<16xi32>
        %gather3A_745 = arith.constant 0 : i32
        %gather3A_746 = arith.constant 0 : i32
        %gather3A_747 = tpu.memref_slice %arg9[%select_n3A_561, %gather3A_745, %gather3A_746] : memref<4x32x128xf32, #tpu.memory_space<vmem>> -> memref<1x32x128xf32, #tpu.memory_space<vmem>>
        %gather3A_748 = tpu.memref_squeeze %gather3A_747 : memref<1x32x128xf32, #tpu.memory_space<vmem>> -> memref<32x128xf32, #tpu.memory_space<vmem>>
        %gather3A_749 = tpu.vector_load_idx %gather3A_748[%add3A_116, %add3A_744] : memref<32x128xf32, #tpu.memory_space<vmem>>[vector<16xi32>, vector<16xi32>], vector<16xf32>,
        %add3A_750 = arith.constant 10 : i32
        %add3A_751 = vector.broadcast %add3A_750 : i32 to vector<16xi32>
        %add3A_752 = arith.addi %add3A_670, %add3A_751 : vector<16xi32>
        %gather3A_753 = arith.constant 0 : i32
        %gather3A_754 = arith.constant 0 : i32
        %gather3A_755 = tpu.memref_slice %arg9[%select_n3A_561, %gather3A_753, %gather3A_754] : memref<4x32x128xf32, #tpu.memory_space<vmem>> -> memref<1x32x128xf32, #tpu.memory_space<vmem>>
        %gather3A_756 = tpu.memref_squeeze %gather3A_755 : memref<1x32x128xf32, #tpu.memory_space<vmem>> -> memref<32x128xf32, #tpu.memory_space<vmem>>
        %gather3A_757 = tpu.vector_load_idx %gather3A_756[%add3A_116, %add3A_752] : memref<32x128xf32, #tpu.memory_space<vmem>>[vector<16xi32>, vector<16xi32>], vector<16xf32>,
        %add3A_758 = arith.constant 11 : i32
        %add3A_759 = vector.broadcast %add3A_758 : i32 to vector<16xi32>
        %add3A_760 = arith.addi %add3A_670, %add3A_759 : vector<16xi32>
        %gather3A_761 = arith.constant 0 : i32
        %gather3A_762 = arith.constant 0 : i32
        %gather3A_763 = tpu.memref_slice %arg9[%select_n3A_561, %gather3A_761, %gather3A_762] : memref<4x32x128xf32, #tpu.memory_space<vmem>> -> memref<1x32x128xf32, #tpu.memory_space<vmem>>
        %gather3A_764 = tpu.memref_squeeze %gather3A_763 : memref<1x32x128xf32, #tpu.memory_space<vmem>> -> memref<32x128xf32, #tpu.memory_space<vmem>>
        %gather3A_765 = tpu.vector_load_idx %gather3A_764[%add3A_116, %add3A_760] : memref<32x128xf32, #tpu.memory_space<vmem>>[vector<16xi32>, vector<16xi32>], vector<16xf32>,
        %add3A_766 = arith.constant 12 : i32
        %add3A_767 = vector.broadcast %add3A_766 : i32 to vector<16xi32>
        %add3A_768 = arith.addi %add3A_670, %add3A_767 : vector<16xi32>
        %gather3A_769 = arith.constant 0 : i32
        %gather3A_770 = arith.constant 0 : i32
        %gather3A_771 = tpu.memref_slice %arg9[%select_n3A_561, %gather3A_769, %gather3A_770] : memref<4x32x128xf32, #tpu.memory_space<vmem>> -> memref<1x32x128xf32, #tpu.memory_space<vmem>>
        %gather3A_772 = tpu.memref_squeeze %gather3A_771 : memref<1x32x128xf32, #tpu.memory_space<vmem>> -> memref<32x128xf32, #tpu.memory_space<vmem>>
        %gather3A_773 = tpu.vector_load_idx %gather3A_772[%add3A_116, %add3A_768] : memref<32x128xf32, #tpu.memory_space<vmem>>[vector<16xi32>, vector<16xi32>], vector<16xf32>,
        %add3A_774 = arith.constant 13 : i32
        %add3A_775 = vector.broadcast %add3A_774 : i32 to vector<16xi32>
        %add3A_776 = arith.addi %add3A_670, %add3A_775 : vector<16xi32>
        %gather3A_777 = arith.constant 0 : i32
        %gather3A_778 = arith.constant 0 : i32
        %gather3A_779 = tpu.memref_slice %arg9[%select_n3A_561, %gather3A_777, %gather3A_778] : memref<4x32x128xf32, #tpu.memory_space<vmem>> -> memref<1x32x128xf32, #tpu.memory_space<vmem>>
        %gather3A_780 = tpu.memref_squeeze %gather3A_779 : memref<1x32x128xf32, #tpu.memory_space<vmem>> -> memref<32x128xf32, #tpu.memory_space<vmem>>
        %gather3A_781 = tpu.vector_load_idx %gather3A_780[%add3A_116, %add3A_776] : memref<32x128xf32, #tpu.memory_space<vmem>>[vector<16xi32>, vector<16xi32>], vector<16xf32>,
        %add3A_782 = arith.constant 14 : i32
        %add3A_783 = vector.broadcast %add3A_782 : i32 to vector<16xi32>
        %add3A_784 = arith.addi %add3A_670, %add3A_783 : vector<16xi32>
        %gather3A_785 = arith.constant 0 : i32
        %gather3A_786 = arith.constant 0 : i32
        %gather3A_787 = tpu.memref_slice %arg9[%select_n3A_561, %gather3A_785, %gather3A_786] : memref<4x32x128xf32, #tpu.memory_space<vmem>> -> memref<1x32x128xf32, #tpu.memory_space<vmem>>
        %gather3A_788 = tpu.memref_squeeze %gather3A_787 : memref<1x32x128xf32, #tpu.memory_space<vmem>> -> memref<32x128xf32, #tpu.memory_space<vmem>>
        %gather3A_789 = tpu.vector_load_idx %gather3A_788[%add3A_116, %add3A_784] : memref<32x128xf32, #tpu.memory_space<vmem>>[vector<16xi32>, vector<16xi32>], vector<16xf32>,
        %add3A_790 = arith.constant 15 : i32
        %add3A_791 = vector.broadcast %add3A_790 : i32 to vector<16xi32>
        %add3A_792 = arith.addi %add3A_670, %add3A_791 : vector<16xi32>
        %gather3A_793 = arith.constant 0 : i32
        %gather3A_794 = arith.constant 0 : i32
        %gather3A_795 = tpu.memref_slice %arg9[%select_n3A_561, %gather3A_793, %gather3A_794] : memref<4x32x128xf32, #tpu.memory_space<vmem>> -> memref<1x32x128xf32, #tpu.memory_space<vmem>>
        %gather3A_796 = tpu.memref_squeeze %gather3A_795 : memref<1x32x128xf32, #tpu.memory_space<vmem>> -> memref<32x128xf32, #tpu.memory_space<vmem>>
        %gather3A_797 = tpu.vector_load_idx %gather3A_796[%add3A_116, %add3A_792] : memref<32x128xf32, #tpu.memory_space<vmem>>[vector<16xi32>, vector<16xi32>], vector<16xf32>,
        %mul3A_798 = arith.constant 16 : i32
        %mul3A_799 = arith.muli %scan3A_666, %mul3A_798 : i32
        %add3A_800 = arith.constant 128 : i32
        %add3A_801 = arith.addi %add3A_800, %mul3A_799 : i32
        %add3A_802 = arith.constant 0 : i32
        %add3A_803 = arith.addi %add3A_801, %add3A_802 : i32
        %swap3A = arith.index_cast %select_n3A_577 : i32 to index
        %swap3A_804 = arith.index_cast %add3A_803 : i32 to index
        %swap3A_805 = arith.constant 0 : index
        %swap3A_806 = tpu.vector_load %arg10[%swap3A, %swap3A_804, %swap3A_805] {strides = array<i32>} : memref<2x256x16xf32, #tpu.memory_space<vmem>>, vector<16xf32>,
        tpu.vector_store %arg10[%swap3A, %swap3A_804, %swap3A_805], %gather3A_677 {strides = array<i32>} : memref<2x256x16xf32, #tpu.memory_space<vmem>>, vector<16xf32>,
        %mul3A_807 = arith.constant 16 : i32
        %mul3A_808 = arith.muli %scan3A_666, %mul3A_807 : i32
        %add3A_809 = arith.constant 128 : i32
        %add3A_810 = arith.addi %add3A_809, %mul3A_808 : i32
        %add3A_811 = arith.constant 1 : i32
        %add3A_812 = arith.addi %add3A_810, %add3A_811 : i32
        %swap3A_813 = arith.index_cast %select_n3A_577 : i32 to index
        %swap3A_814 = arith.index_cast %add3A_812 : i32 to index
        %swap3A_815 = arith.constant 0 : index
        %swap3A_816 = tpu.vector_load %arg10[%swap3A_813, %swap3A_814, %swap3A_815] {strides = array<i32>} : memref<2x256x16xf32, #tpu.memory_space<vmem>>, vector<16xf32>,
        tpu.vector_store %arg10[%swap3A_813, %swap3A_814, %swap3A_815], %gather3A_685 {strides = array<i32>} : memref<2x256x16xf32, #tpu.memory_space<vmem>>, vector<16xf32>,
        %mul3A_817 = arith.constant 16 : i32
        %mul3A_818 = arith.muli %scan3A_666, %mul3A_817 : i32
        %add3A_819 = arith.constant 128 : i32
        %add3A_820 = arith.addi %add3A_819, %mul3A_818 : i32
        %add3A_821 = arith.constant 2 : i32
        %add3A_822 = arith.addi %add3A_820, %add3A_821 : i32
        %swap3A_823 = arith.index_cast %select_n3A_577 : i32 to index
        %swap3A_824 = arith.index_cast %add3A_822 : i32 to index
        %swap3A_825 = arith.constant 0 : index
        %swap3A_826 = tpu.vector_load %arg10[%swap3A_823, %swap3A_824, %swap3A_825] {strides = array<i32>} : memref<2x256x16xf32, #tpu.memory_space<vmem>>, vector<16xf32>,
        tpu.vector_store %arg10[%swap3A_823, %swap3A_824, %swap3A_825], %gather3A_693 {strides = array<i32>} : memref<2x256x16xf32, #tpu.memory_space<vmem>>, vector<16xf32>,
        %mul3A_827 = arith.constant 16 : i32
        %mul3A_828 = arith.muli %scan3A_666, %mul3A_827 : i32
        %add3A_829 = arith.constant 128 : i32
        %add3A_830 = arith.addi %add3A_829, %mul3A_828 : i32
        %add3A_831 = arith.constant 3 : i32
        %add3A_832 = arith.addi %add3A_830, %add3A_831 : i32
        %swap3A_833 = arith.index_cast %select_n3A_577 : i32 to index
        %swap3A_834 = arith.index_cast %add3A_832 : i32 to index
        %swap3A_835 = arith.constant 0 : index
        %swap3A_836 = tpu.vector_load %arg10[%swap3A_833, %swap3A_834, %swap3A_835] {strides = array<i32>} : memref<2x256x16xf32, #tpu.memory_space<vmem>>, vector<16xf32>,
        tpu.vector_store %arg10[%swap3A_833, %swap3A_834, %swap3A_835], %gather3A_701 {strides = array<i32>} : memref<2x256x16xf32, #tpu.memory_space<vmem>>, vector<16xf32>,
        %mul3A_837 = arith.constant 16 : i32
        %mul3A_838 = arith.muli %scan3A_666, %mul3A_837 : i32
        %add3A_839 = arith.constant 128 : i32
        %add3A_840 = arith.addi %add3A_839, %mul3A_838 : i32
        %add3A_841 = arith.constant 4 : i32
        %add3A_842 = arith.addi %add3A_840, %add3A_841 : i32
        %swap3A_843 = arith.index_cast %select_n3A_577 : i32 to index
        %swap3A_844 = arith.index_cast %add3A_842 : i32 to index
        %swap3A_845 = arith.constant 0 : index
        %swap3A_846 = tpu.vector_load %arg10[%swap3A_843, %swap3A_844, %swap3A_845] {strides = array<i32>} : memref<2x256x16xf32, #tpu.memory_space<vmem>>, vector<16xf32>,
        tpu.vector_store %arg10[%swap3A_843, %swap3A_844, %swap3A_845], %gather3A_709 {strides = array<i32>} : memref<2x256x16xf32, #tpu.memory_space<vmem>>, vector<16xf32>,
        %mul3A_847 = arith.constant 16 : i32
        %mul3A_848 = arith.muli %scan3A_666, %mul3A_847 : i32
        %add3A_849 = arith.constant 128 : i32
        %add3A_850 = arith.addi %add3A_849, %mul3A_848 : i32
        %add3A_851 = arith.constant 5 : i32
        %add3A_852 = arith.addi %add3A_850, %add3A_851 : i32
        %swap3A_853 = arith.index_cast %select_n3A_577 : i32 to index
        %swap3A_854 = arith.index_cast %add3A_852 : i32 to index
        %swap3A_855 = arith.constant 0 : index
        %swap3A_856 = tpu.vector_load %arg10[%swap3A_853, %swap3A_854, %swap3A_855] {strides = array<i32>} : memref<2x256x16xf32, #tpu.memory_space<vmem>>, vector<16xf32>,
        tpu.vector_store %arg10[%swap3A_853, %swap3A_854, %swap3A_855], %gather3A_717 {strides = array<i32>} : memref<2x256x16xf32, #tpu.memory_space<vmem>>, vector<16xf32>,
        %mul3A_857 = arith.constant 16 : i32
        %mul3A_858 = arith.muli %scan3A_666, %mul3A_857 : i32
        %add3A_859 = arith.constant 128 : i32
        %add3A_860 = arith.addi %add3A_859, %mul3A_858 : i32
        %add3A_861 = arith.constant 6 : i32
        %add3A_862 = arith.addi %add3A_860, %add3A_861 : i32
        %swap3A_863 = arith.index_cast %select_n3A_577 : i32 to index
        %swap3A_864 = arith.index_cast %add3A_862 : i32 to index
        %swap3A_865 = arith.constant 0 : index
        %swap3A_866 = tpu.vector_load %arg10[%swap3A_863, %swap3A_864, %swap3A_865] {strides = array<i32>} : memref<2x256x16xf32, #tpu.memory_space<vmem>>, vector<16xf32>,
        tpu.vector_store %arg10[%swap3A_863, %swap3A_864, %swap3A_865], %gather3A_725 {strides = array<i32>} : memref<2x256x16xf32, #tpu.memory_space<vmem>>, vector<16xf32>,
        %mul3A_867 = arith.constant 16 : i32
        %mul3A_868 = arith.muli %scan3A_666, %mul3A_867 : i32
        %add3A_869 = arith.constant 128 : i32
        %add3A_870 = arith.addi %add3A_869, %mul3A_868 : i32
        %add3A_871 = arith.constant 7 : i32
        %add3A_872 = arith.addi %add3A_870, %add3A_871 : i32
        %swap3A_873 = arith.index_cast %select_n3A_577 : i32 to index
        %swap3A_874 = arith.index_cast %add3A_872 : i32 to index
        %swap3A_875 = arith.constant 0 : index
        %swap3A_876 = tpu.vector_load %arg10[%swap3A_873, %swap3A_874, %swap3A_875] {strides = array<i32>} : memref<2x256x16xf32, #tpu.memory_space<vmem>>, vector<16xf32>,
        tpu.vector_store %arg10[%swap3A_873, %swap3A_874, %swap3A_875], %gather3A_733 {strides = array<i32>} : memref<2x256x16xf32, #tpu.memory_space<vmem>>, vector<16xf32>,
        %mul3A_877 = arith.constant 16 : i32
        %mul3A_878 = arith.muli %scan3A_666, %mul3A_877 : i32
        %add3A_879 = arith.constant 128 : i32
        %add3A_880 = arith.addi %add3A_879, %mul3A_878 : i32
        %add3A_881 = arith.constant 8 : i32
        %add3A_882 = arith.addi %add3A_880, %add3A_881 : i32
        %swap3A_883 = arith.index_cast %select_n3A_577 : i32 to index
        %swap3A_884 = arith.index_cast %add3A_882 : i32 to index
        %swap3A_885 = arith.constant 0 : index
        %swap3A_886 = tpu.vector_load %arg10[%swap3A_883, %swap3A_884, %swap3A_885] {strides = array<i32>} : memref<2x256x16xf32, #tpu.memory_space<vmem>>, vector<16xf32>,
        tpu.vector_store %arg10[%swap3A_883, %swap3A_884, %swap3A_885], %gather3A_741 {strides = array<i32>} : memref<2x256x16xf32, #tpu.memory_space<vmem>>, vector<16xf32>,
        %mul3A_887 = arith.constant 16 : i32
        %mul3A_888 = arith.muli %scan3A_666, %mul3A_887 : i32
        %add3A_889 = arith.constant 128 : i32
        %add3A_890 = arith.addi %add3A_889, %mul3A_888 : i32
        %add3A_891 = arith.constant 9 : i32
        %add3A_892 = arith.addi %add3A_890, %add3A_891 : i32
        %swap3A_893 = arith.index_cast %select_n3A_577 : i32 to index
        %swap3A_894 = arith.index_cast %add3A_892 : i32 to index
        %swap3A_895 = arith.constant 0 : index
        %swap3A_896 = tpu.vector_load %arg10[%swap3A_893, %swap3A_894, %swap3A_895] {strides = array<i32>} : memref<2x256x16xf32, #tpu.memory_space<vmem>>, vector<16xf32>,
        tpu.vector_store %arg10[%swap3A_893, %swap3A_894, %swap3A_895], %gather3A_749 {strides = array<i32>} : memref<2x256x16xf32, #tpu.memory_space<vmem>>, vector<16xf32>,
        %mul3A_897 = arith.constant 16 : i32
        %mul3A_898 = arith.muli %scan3A_666, %mul3A_897 : i32
        %add3A_899 = arith.constant 128 : i32
        %add3A_900 = arith.addi %add3A_899, %mul3A_898 : i32
        %add3A_901 = arith.constant 10 : i32
        %add3A_902 = arith.addi %add3A_900, %add3A_901 : i32
        %swap3A_903 = arith.index_cast %select_n3A_577 : i32 to index
        %swap3A_904 = arith.index_cast %add3A_902 : i32 to index
        %swap3A_905 = arith.constant 0 : index
        %swap3A_906 = tpu.vector_load %arg10[%swap3A_903, %swap3A_904, %swap3A_905] {strides = array<i32>} : memref<2x256x16xf32, #tpu.memory_space<vmem>>, vector<16xf32>,
        tpu.vector_store %arg10[%swap3A_903, %swap3A_904, %swap3A_905], %gather3A_757 {strides = array<i32>} : memref<2x256x16xf32, #tpu.memory_space<vmem>>, vector<16xf32>,
        %mul3A_907 = arith.constant 16 : i32
        %mul3A_908 = arith.muli %scan3A_666, %mul3A_907 : i32
        %add3A_909 = arith.constant 128 : i32
        %add3A_910 = arith.addi %add3A_909, %mul3A_908 : i32
        %add3A_911 = arith.constant 11 : i32
        %add3A_912 = arith.addi %add3A_910, %add3A_911 : i32
        %swap3A_913 = arith.index_cast %select_n3A_577 : i32 to index
        %swap3A_914 = arith.index_cast %add3A_912 : i32 to index
        %swap3A_915 = arith.constant 0 : index
        %swap3A_916 = tpu.vector_load %arg10[%swap3A_913, %swap3A_914, %swap3A_915] {strides = array<i32>} : memref<2x256x16xf32, #tpu.memory_space<vmem>>, vector<16xf32>,
        tpu.vector_store %arg10[%swap3A_913, %swap3A_914, %swap3A_915], %gather3A_765 {strides = array<i32>} : memref<2x256x16xf32, #tpu.memory_space<vmem>>, vector<16xf32>,
        %mul3A_917 = arith.constant 16 : i32
        %mul3A_918 = arith.muli %scan3A_666, %mul3A_917 : i32
        %add3A_919 = arith.constant 128 : i32
        %add3A_920 = arith.addi %add3A_919, %mul3A_918 : i32
        %add3A_921 = arith.constant 12 : i32
        %add3A_922 = arith.addi %add3A_920, %add3A_921 : i32
        %swap3A_923 = arith.index_cast %select_n3A_577 : i32 to index
        %swap3A_924 = arith.index_cast %add3A_922 : i32 to index
        %swap3A_925 = arith.constant 0 : index
        %swap3A_926 = tpu.vector_load %arg10[%swap3A_923, %swap3A_924, %swap3A_925] {strides = array<i32>} : memref<2x256x16xf32, #tpu.memory_space<vmem>>, vector<16xf32>,
        tpu.vector_store %arg10[%swap3A_923, %swap3A_924, %swap3A_925], %gather3A_773 {strides = array<i32>} : memref<2x256x16xf32, #tpu.memory_space<vmem>>, vector<16xf32>,
        %mul3A_927 = arith.constant 16 : i32
        %mul3A_928 = arith.muli %scan3A_666, %mul3A_927 : i32
        %add3A_929 = arith.constant 128 : i32
        %add3A_930 = arith.addi %add3A_929, %mul3A_928 : i32
        %add3A_931 = arith.constant 13 : i32
        %add3A_932 = arith.addi %add3A_930, %add3A_931 : i32
        %swap3A_933 = arith.index_cast %select_n3A_577 : i32 to index
        %swap3A_934 = arith.index_cast %add3A_932 : i32 to index
        %swap3A_935 = arith.constant 0 : index
        %swap3A_936 = tpu.vector_load %arg10[%swap3A_933, %swap3A_934, %swap3A_935] {strides = array<i32>} : memref<2x256x16xf32, #tpu.memory_space<vmem>>, vector<16xf32>,
        tpu.vector_store %arg10[%swap3A_933, %swap3A_934, %swap3A_935], %gather3A_781 {strides = array<i32>} : memref<2x256x16xf32, #tpu.memory_space<vmem>>, vector<16xf32>,
        %mul3A_937 = arith.constant 16 : i32
        %mul3A_938 = arith.muli %scan3A_666, %mul3A_937 : i32
        %add3A_939 = arith.constant 128 : i32
        %add3A_940 = arith.addi %add3A_939, %mul3A_938 : i32
        %add3A_941 = arith.constant 14 : i32
        %add3A_942 = arith.addi %add3A_940, %add3A_941 : i32
        %swap3A_943 = arith.index_cast %select_n3A_577 : i32 to index
        %swap3A_944 = arith.index_cast %add3A_942 : i32 to index
        %swap3A_945 = arith.constant 0 : index
        %swap3A_946 = tpu.vector_load %arg10[%swap3A_943, %swap3A_944, %swap3A_945] {strides = array<i32>} : memref<2x256x16xf32, #tpu.memory_space<vmem>>, vector<16xf32>,
        tpu.vector_store %arg10[%swap3A_943, %swap3A_944, %swap3A_945], %gather3A_789 {strides = array<i32>} : memref<2x256x16xf32, #tpu.memory_space<vmem>>, vector<16xf32>,
        %mul3A_947 = arith.constant 16 : i32
        %mul3A_948 = arith.muli %scan3A_666, %mul3A_947 : i32
        %add3A_949 = arith.constant 128 : i32
        %add3A_950 = arith.addi %add3A_949, %mul3A_948 : i32
        %add3A_951 = arith.constant 15 : i32
        %add3A_952 = arith.addi %add3A_950, %add3A_951 : i32
        %swap3A_953 = arith.index_cast %select_n3A_577 : i32 to index
        %swap3A_954 = arith.index_cast %add3A_952 : i32 to index
        %swap3A_955 = arith.constant 0 : index
        %swap3A_956 = tpu.vector_load %arg10[%swap3A_953, %swap3A_954, %swap3A_955] {strides = array<i32>} : memref<2x256x16xf32, #tpu.memory_space<vmem>>, vector<16xf32>,
        tpu.vector_store %arg10[%swap3A_953, %swap3A_954, %swap3A_955], %gather3A_797 {strides = array<i32>} : memref<2x256x16xf32, #tpu.memory_space<vmem>>, vector<16xf32>,
      }
      %scan3A_643 = arith.constant 8 : i32
      %mul3A_644 = arith.constant 2 : i32
      %mul3A_645 = arith.muli %mul3A_644, %scan3A_545 : i32
      %add3A_646 = arith.addi %mul3A_6, %mul3A_645 : i32
      %min3A_647 = arith.constant 7811 : i32
      %min3A_648 = arith.minsi %add3A_646, %min3A_647 : i32
      %mul3A_649 = arith.constant 128 : i32
      %mul3A_650 = arith.muli %min3A_648, %mul3A_649 : i32
      %add3A_651 = arith.addi %mul3A_4, %mul3A_650 : i32
      %dma_start3A_652 = arith.constant 0 : i32
      %dma_start3A_653 = arith.constant 0 : i32
      %dma_start3A_654 = tpu.memref_slice %arg10[%select_n3A_577, %dma_start3A_652, %dma_start3A_653] : memref<2x256x16xf32, #tpu.memory_space<vmem>> -> memref<1x256x16xf32, #tpu.memory_space<vmem>>
      %dma_start3A_655 = tpu.memref_squeeze %dma_start3A_654 : memref<1x256x16xf32, #tpu.memory_space<vmem>> -> memref<256x16xf32, #tpu.memory_space<vmem>>
      %dma_start3A_656 = arith.constant 0 : i32
      %dma_start3A_657 = tpu.memref_slice %arg5[%add3A_651, %dma_start3A_656] : memref<2000128x16xf32, #tpu.memory_space<hbm>> -> memref<256x16xf32, #tpu.memory_space<hbm>>
      %dma_start3A_658 = tpu.memref_slice %arg14[%select_n3A_577] : memref<2x!tpu.dma_semaphore, #tpu.memory_space<semaphore_mem>> -> memref<1x!tpu.dma_semaphore, #tpu.memory_space<semaphore_mem>>
      %dma_start3A_659 = tpu.memref_squeeze %dma_start3A_658 : memref<1x!tpu.dma_semaphore, #tpu.memory_space<semaphore_mem>> -> memref<!tpu.dma_semaphore, #tpu.memory_space<semaphore_mem>>
      %dma_start3A_660 = arith.constant 0 : i32
      %dma_start3A_661 = tpu.memref_slice %arg5[%add3A_651, %dma_start3A_660] : memref<2000128x16xf32, #tpu.memory_space<hbm>> -> memref<256x16xf32, #tpu.memory_space<hbm>>
      %dma_start3A_662 = arith.constant 0 : i32
      %dma_start3A_663 = arith.constant 0 : i32
      %dma_start3A_664 = tpu.memref_slice %arg10[%select_n3A_577, %dma_start3A_662, %dma_start3A_663] : memref<2x256x16xf32, #tpu.memory_space<vmem>> -> memref<1x256x16xf32, #tpu.memory_space<vmem>>
      %dma_start3A_665 = tpu.memref_squeeze %dma_start3A_664 : memref<1x256x16xf32, #tpu.memory_space<vmem>> -> memref<256x16xf32, #tpu.memory_space<vmem>>
      tpu.enqueue_dma source(%dma_start3A_665 : memref<256x16xf32, #tpu.memory_space<vmem>>) target(%dma_start3A_661 : memref<256x16xf32, #tpu.memory_space<hbm>>) target_semaphore(%dma_start3A_659 : memref<!tpu.dma_semaphore, #tpu.memory_space<semaphore_mem>>)
    }
    %scan3A_257 = arith.constant 245 : i32
    %add3A_258 = arith.constant 486 : i32
    %add3A_259 = arith.addi %mul3A_6, %add3A_258 : i32
    %min3A_260 = arith.constant 7811 : i32
    %min3A_261 = arith.minsi %add3A_259, %min3A_260 : i32
    %mul3A_262 = arith.constant 128 : i32
    %mul3A_263 = arith.muli %min3A_261, %mul3A_262 : i32
    %add3A_264 = arith.addi %mul3A_4, %mul3A_263 : i32
    %dma_wait3A = arith.constant 1 : i32
    %dma_wait3A_265 = arith.constant 1 : i32
    %dma_wait3A_266 = arith.constant 0 : i32
    %dma_wait3A_267 = arith.constant 0 : i32
    %dma_wait3A_268 = tpu.memref_slice %arg10[%dma_wait3A, %dma_wait3A_266, %dma_wait3A_267] : memref<2x256x16xf32, #tpu.memory_space<vmem>> -> memref<1x256x16xf32, #tpu.memory_space<vmem>>
    %dma_wait3A_269 = tpu.memref_squeeze %dma_wait3A_268 : memref<1x256x16xf32, #tpu.memory_space<vmem>> -> memref<256x16xf32, #tpu.memory_space<vmem>>
    %dma_wait3A_270 = arith.constant 0 : i32
    %dma_wait3A_271 = tpu.memref_slice %arg5[%add3A_264, %dma_wait3A_270] : memref<2000128x16xf32, #tpu.memory_space<hbm>> -> memref<256x16xf32, #tpu.memory_space<hbm>>
    %dma_wait3A_272 = tpu.memref_slice %arg14[%dma_wait3A_265] : memref<2x!tpu.dma_semaphore, #tpu.memory_space<semaphore_mem>> -> memref<1x!tpu.dma_semaphore, #tpu.memory_space<semaphore_mem>>
    %dma_wait3A_273 = tpu.memref_squeeze %dma_wait3A_272 : memref<1x!tpu.dma_semaphore, #tpu.memory_space<semaphore_mem>> -> memref<!tpu.dma_semaphore, #tpu.memory_space<semaphore_mem>>
    %dma_wait3A_274 = arith.constant 0 : i32
    %dma_wait3A_275 = tpu.memref_slice %arg5[%add3A_264, %dma_wait3A_274] : memref<2000128x16xf32, #tpu.memory_space<hbm>> -> memref<256x16xf32, #tpu.memory_space<hbm>>
    %dma_wait3A_276 = arith.constant 0 : i32
    %dma_wait3A_277 = arith.constant 0 : i32
    %dma_wait3A_278 = tpu.memref_slice %arg10[%dma_wait3A, %dma_wait3A_276, %dma_wait3A_277] : memref<2x256x16xf32, #tpu.memory_space<vmem>> -> memref<1x256x16xf32, #tpu.memory_space<vmem>>
    %dma_wait3A_279 = tpu.memref_squeeze %dma_wait3A_278 : memref<1x256x16xf32, #tpu.memory_space<vmem>> -> memref<256x16xf32, #tpu.memory_space<vmem>>
    tpu.wait_dma2 semaphore(%dma_wait3A_273 : memref<!tpu.dma_semaphore, #tpu.memory_space<semaphore_mem>>) src(%dma_wait3A_279 : memref<256x16xf32, #tpu.memory_space<vmem>>) dst(%dma_wait3A_275 : memref<256x16xf32, #tpu.memory_space<hbm>>)
    %add3A_280 = arith.constant 488 : i32
    %add3A_281 = arith.addi %mul3A_6, %add3A_280 : i32
    %min3A_282 = arith.constant 7811 : i32
    %min3A_283 = arith.minsi %add3A_281, %min3A_282 : i32
    %mul3A_284 = arith.constant 128 : i32
    %mul3A_285 = arith.muli %min3A_283, %mul3A_284 : i32
    %add3A_286 = arith.addi %mul3A_4, %mul3A_285 : i32
    %dma_wait3A_287 = arith.constant 0 : i32
    %dma_wait3A_288 = arith.constant 0 : i32
    %dma_wait3A_289 = arith.constant 0 : i32
    %dma_wait3A_290 = arith.constant 0 : i32
    %dma_wait3A_291 = tpu.memref_slice %arg10[%dma_wait3A_287, %dma_wait3A_289, %dma_wait3A_290] : memref<2x256x16xf32, #tpu.memory_space<vmem>> -> memref<1x256x16xf32, #tpu.memory_space<vmem>>
    %dma_wait3A_292 = tpu.memref_squeeze %dma_wait3A_291 : memref<1x256x16xf32, #tpu.memory_space<vmem>> -> memref<256x16xf32, #tpu.memory_space<vmem>>
    %dma_wait3A_293 = arith.constant 0 : i32
    %dma_wait3A_294 = tpu.memref_slice %arg5[%add3A_286, %dma_wait3A_293] : memref<2000128x16xf32, #tpu.memory_space<hbm>> -> memref<256x16xf32, #tpu.memory_space<hbm>>
    %dma_wait3A_295 = tpu.memref_slice %arg14[%dma_wait3A_288] : memref<2x!tpu.dma_semaphore, #tpu.memory_space<semaphore_mem>> -> memref<1x!tpu.dma_semaphore, #tpu.memory_space<semaphore_mem>>
    %dma_wait3A_296 = tpu.memref_squeeze %dma_wait3A_295 : memref<1x!tpu.dma_semaphore, #tpu.memory_space<semaphore_mem>> -> memref<!tpu.dma_semaphore, #tpu.memory_space<semaphore_mem>>
    %dma_wait3A_297 = arith.constant 0 : i32
    %dma_wait3A_298 = tpu.memref_slice %arg5[%add3A_286, %dma_wait3A_297] : memref<2000128x16xf32, #tpu.memory_space<hbm>> -> memref<256x16xf32, #tpu.memory_space<hbm>>
    %dma_wait3A_299 = arith.constant 0 : i32
    %dma_wait3A_300 = arith.constant 0 : i32
    %dma_wait3A_301 = tpu.memref_slice %arg10[%dma_wait3A_287, %dma_wait3A_299, %dma_wait3A_300] : memref<2x256x16xf32, #tpu.memory_space<vmem>> -> memref<1x256x16xf32, #tpu.memory_space<vmem>>
    %dma_wait3A_302 = tpu.memref_squeeze %dma_wait3A_301 : memref<1x256x16xf32, #tpu.memory_space<vmem>> -> memref<256x16xf32, #tpu.memory_space<vmem>>
    tpu.wait_dma2 semaphore(%dma_wait3A_296 : memref<!tpu.dma_semaphore, #tpu.memory_space<semaphore_mem>>) src(%dma_wait3A_302 : memref<256x16xf32, #tpu.memory_space<vmem>>) dst(%dma_wait3A_298 : memref<256x16xf32, #tpu.memory_space<hbm>>)
    %barrier3A = arith.constant 0 : index
    tpu.barrier barrier_id(%barrier3A)
    %jit3A_303 = arith.constant 8 : i32
    %div3A_304 = arith.divsi %mul3A_2, %jit3A_303 : i32
    %sign3A_305 = arith.constant 0 : i32
    %sign3A_306 = arith.cmpi sgt, %mul3A_2, %sign3A_305 : i32
    %sign3A_307 = arith.extui %sign3A_306 : i1 to i32
    %sign3A_308 = arith.constant 0 : i32
    %sign3A_309 = arith.cmpi slt, %mul3A_2, %sign3A_308 : i32
    %sign3A_310 = arith.extui %sign3A_309 : i1 to i32
    %sign3A_311 = arith.subi %sign3A_307, %sign3A_310 : i32
    %sign3A_312 = arith.constant 0 : i32
    %sign3A_313 = arith.cmpi sgt, %jit3A_303, %sign3A_312 : i32
    %sign3A_314 = arith.extui %sign3A_313 : i1 to i32
    %sign3A_315 = arith.constant 0 : i32
    %sign3A_316 = arith.cmpi slt, %jit3A_303, %sign3A_315 : i32
    %sign3A_317 = arith.extui %sign3A_316 : i1 to i32
    %sign3A_318 = arith.subi %sign3A_314, %sign3A_317 : i32
    %ne3A_319 = arith.cmpi ne, %sign3A_311, %sign3A_318 : i32
    %rem3A_320 = arith.remsi %mul3A_2, %jit3A_303 : i32
    %ne3A_321 = arith.constant 0 : i32
    %ne3A_322 = arith.cmpi ne, %rem3A_320, %ne3A_321 : i32
    %and3A_323 = arith.andi %ne3A_319, %ne3A_322 : i1
    %sub3A_324 = arith.constant 1 : i32
    %sub3A_325 = arith.subi %div3A_304, %sub3A_324 : i32
    %select_n3A_326 = arith.select %and3A_323, %sub3A_325, %div3A_304 : i32
    %jit3A_327 = arith.constant 8 : i32
    %eq3A_328 = arith.constant 0 : i32
    %eq3A_329 = arith.cmpi eq, %jit3A_327, %eq3A_328 : i32
    %jit3A_330 = arith.constant 1 : i32
    %select_n3A_331 = arith.select %eq3A_329, %jit3A_330, %jit3A_327 : i32
    %rem3A_332 = arith.remsi %mul3A_2, %select_n3A_331 : i32
    %ne3A_333 = arith.constant 0 : i32
    %ne3A_334 = arith.cmpi ne, %rem3A_332, %ne3A_333 : i32
    %lt3A_335 = arith.constant 0 : i32
    %lt3A_336 = arith.cmpi slt, %rem3A_332, %lt3A_335 : i32
    %lt3A_337 = arith.constant 0 : i32
    %lt3A_338 = arith.cmpi slt, %select_n3A_331, %lt3A_337 : i32
    %ne3A_339 = arith.xori %lt3A_336, %lt3A_338 : i1
    %and3A_340 = arith.andi %ne3A_339, %ne3A_334 : i1
    %add3A_341 = arith.addi %rem3A_332, %select_n3A_331 : i32
    %select_n3A_342 = arith.select %and3A_340, %add3A_341, %rem3A_332 : i32
    %mul3A_343 = arith.constant 2048 : i32
    %mul3A_344 = arith.muli %select_n3A_342, %mul3A_343 : i32
    %jit3A_345 = arith.constant 8 : i32
    %div3A_346 = arith.divsi %select_n3A_326, %jit3A_345 : i32
    %sign3A_347 = arith.constant 0 : i32
    %sign3A_348 = arith.cmpi sgt, %select_n3A_326, %sign3A_347 : i32
    %sign3A_349 = arith.extui %sign3A_348 : i1 to i32
    %sign3A_350 = arith.constant 0 : i32
    %sign3A_351 = arith.cmpi slt, %select_n3A_326, %sign3A_350 : i32
    %sign3A_352 = arith.extui %sign3A_351 : i1 to i32
    %sign3A_353 = arith.subi %sign3A_349, %sign3A_352 : i32
    %sign3A_354 = arith.constant 0 : i32
    %sign3A_355 = arith.cmpi sgt, %jit3A_345, %sign3A_354 : i32
    %sign3A_356 = arith.extui %sign3A_355 : i1 to i32
    %sign3A_357 = arith.constant 0 : i32
    %sign3A_358 = arith.cmpi slt, %jit3A_345, %sign3A_357 : i32
    %sign3A_359 = arith.extui %sign3A_358 : i1 to i32
    %sign3A_360 = arith.subi %sign3A_356, %sign3A_359 : i32
    %ne3A_361 = arith.cmpi ne, %sign3A_353, %sign3A_360 : i32
    %rem3A_362 = arith.remsi %select_n3A_326, %jit3A_345 : i32
    %ne3A_363 = arith.constant 0 : i32
    %ne3A_364 = arith.cmpi ne, %rem3A_362, %ne3A_363 : i32
    %and3A_365 = arith.andi %ne3A_361, %ne3A_364 : i1
    %sub3A_366 = arith.constant 1 : i32
    %sub3A_367 = arith.subi %div3A_346, %sub3A_366 : i32
    %select_n3A_368 = arith.select %and3A_365, %sub3A_367, %div3A_346 : i32
    %jit3A_369 = arith.constant 8 : i32
    %eq3A_370 = arith.constant 0 : i32
    %eq3A_371 = arith.cmpi eq, %jit3A_369, %eq3A_370 : i32
    %jit3A_372 = arith.constant 1 : i32
    %select_n3A_373 = arith.select %eq3A_371, %jit3A_372, %jit3A_369 : i32
    %rem3A_374 = arith.remsi %select_n3A_326, %select_n3A_373 : i32
    %ne3A_375 = arith.constant 0 : i32
    %ne3A_376 = arith.cmpi ne, %rem3A_374, %ne3A_375 : i32
    %lt3A_377 = arith.constant 0 : i32
    %lt3A_378 = arith.cmpi slt, %rem3A_374, %lt3A_377 : i32
    %lt3A_379 = arith.constant 0 : i32
    %lt3A_380 = arith.cmpi slt, %select_n3A_373, %lt3A_379 : i32
    %ne3A_381 = arith.xori %lt3A_378, %lt3A_380 : i1
    %and3A_382 = arith.andi %ne3A_381, %ne3A_376 : i1
    %add3A_383 = arith.addi %rem3A_374, %select_n3A_373 : i32
    %select_n3A_384 = arith.select %and3A_382, %add3A_383, %rem3A_374 : i32
    %jit3A_385 = arith.constant 128 : i32
    %div3A_386 = arith.divsi %mul3A_344, %jit3A_385 : i32
    %sign3A_387 = arith.constant 0 : i32
    %sign3A_388 = arith.cmpi sgt, %mul3A_344, %sign3A_387 : i32
    %sign3A_389 = arith.extui %sign3A_388 : i1 to i32
    %sign3A_390 = arith.constant 0 : i32
    %sign3A_391 = arith.cmpi slt, %mul3A_344, %sign3A_390 : i32
    %sign3A_392 = arith.extui %sign3A_391 : i1 to i32
    %sign3A_393 = arith.subi %sign3A_389, %sign3A_392 : i32
    %sign3A_394 = arith.constant 0 : i32
    %sign3A_395 = arith.cmpi sgt, %jit3A_385, %sign3A_394 : i32
    %sign3A_396 = arith.extui %sign3A_395 : i1 to i32
    %sign3A_397 = arith.constant 0 : i32
    %sign3A_398 = arith.cmpi slt, %jit3A_385, %sign3A_397 : i32
    %sign3A_399 = arith.extui %sign3A_398 : i1 to i32
    %sign3A_400 = arith.subi %sign3A_396, %sign3A_399 : i32
    %ne3A_401 = arith.cmpi ne, %sign3A_393, %sign3A_400 : i32
    %rem3A_402 = arith.remsi %mul3A_344, %jit3A_385 : i32
    %ne3A_403 = arith.constant 0 : i32
    %ne3A_404 = arith.cmpi ne, %rem3A_402, %ne3A_403 : i32
    %and3A_405 = arith.andi %ne3A_401, %ne3A_404 : i1
    %sub3A_406 = arith.constant 1 : i32
    %sub3A_407 = arith.subi %div3A_386, %sub3A_406 : i32
    %select_n3A_408 = arith.select %and3A_405, %sub3A_407, %div3A_386 : i32
    %mul3A_409 = arith.constant 128 : i32
    %mul3A_410 = arith.muli %select_n3A_368, %mul3A_409 : i32
    %add3A_411 = arith.addi %mul3A_410, %select_n3A_408 : i32
    %mul3A_412 = arith.constant 128 : i32
    %mul3A_413 = arith.muli %select_n3A_384, %mul3A_412 : i32
    %run_scoped3A = arith.constant 0 : i32
    "tpu.region"() ({
      %run_scoped3A_545 = tpu.sem_alloc : memref<!tpu.dma_semaphore, #tpu.memory_space<semaphore_mem>>
      %dma_start3A_546 = arith.constant 0 : i32
      %dma_start3A_547 = arith.constant 0 : i32
      %dma_start3A_548 = tpu.memref_slice %arg6[%run_scoped3A, %dma_start3A_546, %dma_start3A_547] : memref<2x16x128xi32, #tpu.memory_space<vmem>> -> memref<1x16x128xi32, #tpu.memory_space<vmem>>
      %dma_start3A_549 = tpu.memref_squeeze %dma_start3A_548 : memref<1x16x128xi32, #tpu.memory_space<vmem>> -> memref<16x128xi32, #tpu.memory_space<vmem>>
      %dma_start3A_550 = tpu.memref_slice %arg2[%add3A_411, %mul3A_413] : memref<3200x1024xi32, #tpu.memory_space<hbm>> -> memref<16x128xi32, #tpu.memory_space<hbm>>
      %dma_start3A_551 = arith.constant 0 : i32
      %dma_start3A_552 = arith.constant 0 : i32
      %dma_start3A_553 = tpu.memref_slice %arg6[%run_scoped3A, %dma_start3A_551, %dma_start3A_552] : memref<2x16x128xi32, #tpu.memory_space<vmem>> -> memref<1x16x128xi32, #tpu.memory_space<vmem>>
      %dma_start3A_554 = tpu.memref_squeeze %dma_start3A_553 : memref<1x16x128xi32, #tpu.memory_space<vmem>> -> memref<16x128xi32, #tpu.memory_space<vmem>>
      %dma_start3A_555 = tpu.memref_slice %arg2[%add3A_411, %mul3A_413] : memref<3200x1024xi32, #tpu.memory_space<hbm>> -> memref<16x128xi32, #tpu.memory_space<hbm>>
      tpu.enqueue_dma source(%dma_start3A_555 : memref<16x128xi32, #tpu.memory_space<hbm>>) target(%dma_start3A_554 : memref<16x128xi32, #tpu.memory_space<vmem>>) target_semaphore(%run_scoped3A_545 : memref<!tpu.dma_semaphore, #tpu.memory_space<semaphore_mem>>)
      %dma_wait3A_556 = arith.constant 0 : i32
      %dma_wait3A_557 = arith.constant 0 : i32
      %dma_wait3A_558 = tpu.memref_slice %arg6[%run_scoped3A, %dma_wait3A_556, %dma_wait3A_557] : memref<2x16x128xi32, #tpu.memory_space<vmem>> -> memref<1x16x128xi32, #tpu.memory_space<vmem>>
      %dma_wait3A_559 = tpu.memref_squeeze %dma_wait3A_558 : memref<1x16x128xi32, #tpu.memory_space<vmem>> -> memref<16x128xi32, #tpu.memory_space<vmem>>
      %dma_wait3A_560 = tpu.memref_slice %arg2[%add3A_411, %mul3A_413] : memref<3200x1024xi32, #tpu.memory_space<hbm>> -> memref<16x128xi32, #tpu.memory_space<hbm>>
      %dma_wait3A_561 = arith.constant 0 : i32
      %dma_wait3A_562 = arith.constant 0 : i32
      %dma_wait3A_563 = tpu.memref_slice %arg6[%run_scoped3A, %dma_wait3A_561, %dma_wait3A_562] : memref<2x16x128xi32, #tpu.memory_space<vmem>> -> memref<1x16x128xi32, #tpu.memory_space<vmem>>
      %dma_wait3A_564 = tpu.memref_squeeze %dma_wait3A_563 : memref<1x16x128xi32, #tpu.memory_space<vmem>> -> memref<16x128xi32, #tpu.memory_space<vmem>>
      %dma_wait3A_565 = tpu.memref_slice %arg2[%add3A_411, %mul3A_413] : memref<3200x1024xi32, #tpu.memory_space<hbm>> -> memref<16x128xi32, #tpu.memory_space<hbm>>
      tpu.wait_dma2 semaphore(%run_scoped3A_545 : memref<!tpu.dma_semaphore, #tpu.memory_space<semaphore_mem>>) src(%dma_wait3A_565 : memref<16x128xi32, #tpu.memory_space<hbm>>) dst(%dma_wait3A_564 : memref<16x128xi32, #tpu.memory_space<vmem>>)
      tpu.yield
    }) : () -> ()
    %broadcast_in_dim3A = arith.constant 0 : i32
    %broadcast_in_dim3A_414 = vector.broadcast %broadcast_in_dim3A : i32 to vector<16xi32>
    %add3A_415 = vector.broadcast %mul3A_4 : i32 to vector<16xi32>
    %add3A_416 = arith.addi %broadcast_in_dim3A_414, %add3A_415 : vector<16xi32>
    %scan3A_417 = arith.constant 0 : i32
    %scan3A_418 = arith.constant 0 : i32
    %scan3A_419 = arith.constant 16 : i32
    %scan3A_420 = arith.addi %scan3A_418, %scan3A_419 : i32
    %scan3A_421 = arith.constant 1 : i32
    scf.for %scan3A_545 = %scan3A_418 to %scan3A_420 step %scan3A_421  : i32 {
      %get3A = arith.constant 0 : i32
      %get3A_546 = arith.index_cast %get3A : i32 to index
      %get3A_547 = arith.index_cast %scan3A_545 : i32 to index
      %get3A_548 = arith.constant 0 : index
      %get3A_549 = tpu.vector_load %arg6[%get3A_546, %get3A_547, %get3A_548] {strides = array<i32>} : memref<2x16x128xi32, #tpu.memory_space<vmem>>, vector<16xi32>,
      %max3A = arith.constant 0 : i32
      %max3A_550 = vector.broadcast %max3A : i32 to vector<16xi32>
      %max3A_551 = arith.maxsi %get3A_549, %max3A_550 : vector<16xi32>
      %min3A_552 = arith.constant 1000000 : i32
      %min3A_553 = vector.broadcast %min3A_552 : i32 to vector<16xi32>
      %min3A_554 = arith.minsi %max3A_551, %min3A_553 : vector<16xi32>
      %eq3A_555 = arith.constant -1 : i32
      %eq3A_556 = vector.broadcast %eq3A_555 : i32 to vector<16xi32>
      %eq3A_557 = arith.cmpi eq, %get3A_549, %eq3A_556 : vector<16xi32>
      %jit3A_558 = arith.constant 1000000 : i32
      %broadcast_in_dim3A_559 = vector.broadcast %jit3A_558 : i32 to vector<16xi32>
      %select_n3A_560 = arith.select %eq3A_557, %broadcast_in_dim3A_559, %min3A_554 : vector<16xi1>, vector<16xi32>
      %add3A_561 = arith.addi %select_n3A_560, %add3A_416 : vector<16xi32>
      %swap3A = arith.constant 0 : i32
      %swap3A_562 = arith.index_cast %swap3A : i32 to index
      %swap3A_563 = arith.index_cast %scan3A_545 : i32 to index
      %swap3A_564 = arith.constant 0 : index
      %swap3A_565 = tpu.vector_load %arg6[%swap3A_562, %swap3A_563, %swap3A_564] {strides = array<i32>} : memref<2x16x128xi32, #tpu.memory_space<vmem>>, vector<16xi32>,
      tpu.vector_store %arg6[%swap3A_562, %swap3A_563, %swap3A_564], %add3A_561 {strides = array<i32>} : memref<2x16x128xi32, #tpu.memory_space<vmem>>, vector<16xi32>,
      %get3A_566 = arith.constant 0 : i32
      %get3A_567 = arith.index_cast %get3A_566 : i32 to index
      %get3A_568 = arith.index_cast %scan3A_545 : i32 to index
      %get3A_569 = arith.constant 16 : index
      %get3A_570 = tpu.vector_load %arg6[%get3A_567, %get3A_568, %get3A_569] {strides = array<i32>} : memref<2x16x128xi32, #tpu.memory_space<vmem>>, vector<16xi32>,
      %max3A_571 = arith.constant 0 : i32
      %max3A_572 = vector.broadcast %max3A_571 : i32 to vector<16xi32>
      %max3A_573 = arith.maxsi %get3A_570, %max3A_572 : vector<16xi32>
      %min3A_574 = arith.constant 1000000 : i32
      %min3A_575 = vector.broadcast %min3A_574 : i32 to vector<16xi32>
      %min3A_576 = arith.minsi %max3A_573, %min3A_575 : vector<16xi32>
      %eq3A_577 = arith.constant -1 : i32
      %eq3A_578 = vector.broadcast %eq3A_577 : i32 to vector<16xi32>
      %eq3A_579 = arith.cmpi eq, %get3A_570, %eq3A_578 : vector<16xi32>
      %jit3A_580 = arith.constant 1000000 : i32
      %broadcast_in_dim3A_581 = vector.broadcast %jit3A_580 : i32 to vector<16xi32>
      %select_n3A_582 = arith.select %eq3A_579, %broadcast_in_dim3A_581, %min3A_576 : vector<16xi1>, vector<16xi32>
      %add3A_583 = arith.addi %select_n3A_582, %add3A_416 : vector<16xi32>
      %swap3A_584 = arith.constant 0 : i32
      %swap3A_585 = arith.index_cast %swap3A_584 : i32 to index
      %swap3A_586 = arith.index_cast %scan3A_545 : i32 to index
      %swap3A_587 = arith.constant 16 : index
      %swap3A_588 = tpu.vector_load %arg6[%swap3A_585, %swap3A_586, %swap3A_587] {strides = array<i32>} : memref<2x16x128xi32, #tpu.memory_space<vmem>>, vector<16xi32>,
      tpu.vector_store %arg6[%swap3A_585, %swap3A_586, %swap3A_587], %add3A_583 {strides = array<i32>} : memref<2x16x128xi32, #tpu.memory_space<vmem>>, vector<16xi32>,
      %get3A_589 = arith.constant 0 : i32
      %get3A_590 = arith.index_cast %get3A_589 : i32 to index
      %get3A_591 = arith.index_cast %scan3A_545 : i32 to index
      %get3A_592 = arith.constant 32 : index
      %get3A_593 = tpu.vector_load %arg6[%get3A_590, %get3A_591, %get3A_592] {strides = array<i32>} : memref<2x16x128xi32, #tpu.memory_space<vmem>>, vector<16xi32>,
      %max3A_594 = arith.constant 0 : i32
      %max3A_595 = vector.broadcast %max3A_594 : i32 to vector<16xi32>
      %max3A_596 = arith.maxsi %get3A_593, %max3A_595 : vector<16xi32>
      %min3A_597 = arith.constant 1000000 : i32
      %min3A_598 = vector.broadcast %min3A_597 : i32 to vector<16xi32>
      %min3A_599 = arith.minsi %max3A_596, %min3A_598 : vector<16xi32>
      %eq3A_600 = arith.constant -1 : i32
      %eq3A_601 = vector.broadcast %eq3A_600 : i32 to vector<16xi32>
      %eq3A_602 = arith.cmpi eq, %get3A_593, %eq3A_601 : vector<16xi32>
      %jit3A_603 = arith.constant 1000000 : i32
      %broadcast_in_dim3A_604 = vector.broadcast %jit3A_603 : i32 to vector<16xi32>
      %select_n3A_605 = arith.select %eq3A_602, %broadcast_in_dim3A_604, %min3A_599 : vector<16xi1>, vector<16xi32>
      %add3A_606 = arith.addi %select_n3A_605, %add3A_416 : vector<16xi32>
      %swap3A_607 = arith.constant 0 : i32
      %swap3A_608 = arith.index_cast %swap3A_607 : i32 to index
      %swap3A_609 = arith.index_cast %scan3A_545 : i32 to index
      %swap3A_610 = arith.constant 32 : index
      %swap3A_611 = tpu.vector_load %arg6[%swap3A_608, %swap3A_609, %swap3A_610] {strides = array<i32>} : memref<2x16x128xi32, #tpu.memory_space<vmem>>, vector<16xi32>,
      tpu.vector_store %arg6[%swap3A_608, %swap3A_609, %swap3A_610], %add3A_606 {strides = array<i32>} : memref<2x16x128xi32, #tpu.memory_space<vmem>>, vector<16xi32>,
      %get3A_612 = arith.constant 0 : i32
      %get3A_613 = arith.index_cast %get3A_612 : i32 to index
      %get3A_614 = arith.index_cast %scan3A_545 : i32 to index
      %get3A_615 = arith.constant 48 : index
      %get3A_616 = tpu.vector_load %arg6[%get3A_613, %get3A_614, %get3A_615] {strides = array<i32>} : memref<2x16x128xi32, #tpu.memory_space<vmem>>, vector<16xi32>,
      %max3A_617 = arith.constant 0 : i32
      %max3A_618 = vector.broadcast %max3A_617 : i32 to vector<16xi32>
      %max3A_619 = arith.maxsi %get3A_616, %max3A_618 : vector<16xi32>
      %min3A_620 = arith.constant 1000000 : i32
      %min3A_621 = vector.broadcast %min3A_620 : i32 to vector<16xi32>
      %min3A_622 = arith.minsi %max3A_619, %min3A_621 : vector<16xi32>
      %eq3A_623 = arith.constant -1 : i32
      %eq3A_624 = vector.broadcast %eq3A_623 : i32 to vector<16xi32>
      %eq3A_625 = arith.cmpi eq, %get3A_616, %eq3A_624 : vector<16xi32>
      %jit3A_626 = arith.constant 1000000 : i32
      %broadcast_in_dim3A_627 = vector.broadcast %jit3A_626 : i32 to vector<16xi32>
      %select_n3A_628 = arith.select %eq3A_625, %broadcast_in_dim3A_627, %min3A_622 : vector<16xi1>, vector<16xi32>
      %add3A_629 = arith.addi %select_n3A_628, %add3A_416 : vector<16xi32>
      %swap3A_630 = arith.constant 0 : i32
      %swap3A_631 = arith.index_cast %swap3A_630 : i32 to index
      %swap3A_632 = arith.index_cast %scan3A_545 : i32 to index
      %swap3A_633 = arith.constant 48 : index
      %swap3A_634 = tpu.vector_load %arg6[%swap3A_631, %swap3A_632, %swap3A_633] {strides = array<i32>} : memref<2x16x128xi32, #tpu.memory_space<vmem>>, vector<16xi32>,
      tpu.vector_store %arg6[%swap3A_631, %swap3A_632, %swap3A_633], %add3A_629 {strides = array<i32>} : memref<2x16x128xi32, #tpu.memory_space<vmem>>, vector<16xi32>,
      %get3A_635 = arith.constant 0 : i32
      %get3A_636 = arith.index_cast %get3A_635 : i32 to index
      %get3A_637 = arith.index_cast %scan3A_545 : i32 to index
      %get3A_638 = arith.constant 64 : index
      %get3A_639 = tpu.vector_load %arg6[%get3A_636, %get3A_637, %get3A_638] {strides = array<i32>} : memref<2x16x128xi32, #tpu.memory_space<vmem>>, vector<16xi32>,
      %max3A_640 = arith.constant 0 : i32
      %max3A_641 = vector.broadcast %max3A_640 : i32 to vector<16xi32>
      %max3A_642 = arith.maxsi %get3A_639, %max3A_641 : vector<16xi32>
      %min3A_643 = arith.constant 1000000 : i32
      %min3A_644 = vector.broadcast %min3A_643 : i32 to vector<16xi32>
      %min3A_645 = arith.minsi %max3A_642, %min3A_644 : vector<16xi32>
      %eq3A_646 = arith.constant -1 : i32
      %eq3A_647 = vector.broadcast %eq3A_646 : i32 to vector<16xi32>
      %eq3A_648 = arith.cmpi eq, %get3A_639, %eq3A_647 : vector<16xi32>
      %jit3A_649 = arith.constant 1000000 : i32
      %broadcast_in_dim3A_650 = vector.broadcast %jit3A_649 : i32 to vector<16xi32>
      %select_n3A_651 = arith.select %eq3A_648, %broadcast_in_dim3A_650, %min3A_645 : vector<16xi1>, vector<16xi32>
      %add3A_652 = arith.addi %select_n3A_651, %add3A_416 : vector<16xi32>
      %swap3A_653 = arith.constant 0 : i32
      %swap3A_654 = arith.index_cast %swap3A_653 : i32 to index
      %swap3A_655 = arith.index_cast %scan3A_545 : i32 to index
      %swap3A_656 = arith.constant 64 : index
      %swap3A_657 = tpu.vector_load %arg6[%swap3A_654, %swap3A_655, %swap3A_656] {strides = array<i32>} : memref<2x16x128xi32, #tpu.memory_space<vmem>>, vector<16xi32>,
      tpu.vector_store %arg6[%swap3A_654, %swap3A_655, %swap3A_656], %add3A_652 {strides = array<i32>} : memref<2x16x128xi32, #tpu.memory_space<vmem>>, vector<16xi32>,
      %get3A_658 = arith.constant 0 : i32
      %get3A_659 = arith.index_cast %get3A_658 : i32 to index
      %get3A_660 = arith.index_cast %scan3A_545 : i32 to index
      %get3A_661 = arith.constant 80 : index
      %get3A_662 = tpu.vector_load %arg6[%get3A_659, %get3A_660, %get3A_661] {strides = array<i32>} : memref<2x16x128xi32, #tpu.memory_space<vmem>>, vector<16xi32>,
      %max3A_663 = arith.constant 0 : i32
      %max3A_664 = vector.broadcast %max3A_663 : i32 to vector<16xi32>
      %max3A_665 = arith.maxsi %get3A_662, %max3A_664 : vector<16xi32>
      %min3A_666 = arith.constant 1000000 : i32
      %min3A_667 = vector.broadcast %min3A_666 : i32 to vector<16xi32>
      %min3A_668 = arith.minsi %max3A_665, %min3A_667 : vector<16xi32>
      %eq3A_669 = arith.constant -1 : i32
      %eq3A_670 = vector.broadcast %eq3A_669 : i32 to vector<16xi32>
      %eq3A_671 = arith.cmpi eq, %get3A_662, %eq3A_670 : vector<16xi32>
      %jit3A_672 = arith.constant 1000000 : i32
      %broadcast_in_dim3A_673 = vector.broadcast %jit3A_672 : i32 to vector<16xi32>
      %select_n3A_674 = arith.select %eq3A_671, %broadcast_in_dim3A_673, %min3A_668 : vector<16xi1>, vector<16xi32>
      %add3A_675 = arith.addi %select_n3A_674, %add3A_416 : vector<16xi32>
      %swap3A_676 = arith.constant 0 : i32
      %swap3A_677 = arith.index_cast %swap3A_676 : i32 to index
      %swap3A_678 = arith.index_cast %scan3A_545 : i32 to index
      %swap3A_679 = arith.constant 80 : index
      %swap3A_680 = tpu.vector_load %arg6[%swap3A_677, %swap3A_678, %swap3A_679] {strides = array<i32>} : memref<2x16x128xi32, #tpu.memory_space<vmem>>, vector<16xi32>,
      tpu.vector_store %arg6[%swap3A_677, %swap3A_678, %swap3A_679], %add3A_675 {strides = array<i32>} : memref<2x16x128xi32, #tpu.memory_space<vmem>>, vector<16xi32>,
      %get3A_681 = arith.constant 0 : i32
      %get3A_682 = arith.index_cast %get3A_681 : i32 to index
      %get3A_683 = arith.index_cast %scan3A_545 : i32 to index
      %get3A_684 = arith.constant 96 : index
      %get3A_685 = tpu.vector_load %arg6[%get3A_682, %get3A_683, %get3A_684] {strides = array<i32>} : memref<2x16x128xi32, #tpu.memory_space<vmem>>, vector<16xi32>,
      %max3A_686 = arith.constant 0 : i32
      %max3A_687 = vector.broadcast %max3A_686 : i32 to vector<16xi32>
      %max3A_688 = arith.maxsi %get3A_685, %max3A_687 : vector<16xi32>
      %min3A_689 = arith.constant 1000000 : i32
      %min3A_690 = vector.broadcast %min3A_689 : i32 to vector<16xi32>
      %min3A_691 = arith.minsi %max3A_688, %min3A_690 : vector<16xi32>
      %eq3A_692 = arith.constant -1 : i32
      %eq3A_693 = vector.broadcast %eq3A_692 : i32 to vector<16xi32>
      %eq3A_694 = arith.cmpi eq, %get3A_685, %eq3A_693 : vector<16xi32>
      %jit3A_695 = arith.constant 1000000 : i32
      %broadcast_in_dim3A_696 = vector.broadcast %jit3A_695 : i32 to vector<16xi32>
      %select_n3A_697 = arith.select %eq3A_694, %broadcast_in_dim3A_696, %min3A_691 : vector<16xi1>, vector<16xi32>
      %add3A_698 = arith.addi %select_n3A_697, %add3A_416 : vector<16xi32>
      %swap3A_699 = arith.constant 0 : i32
      %swap3A_700 = arith.index_cast %swap3A_699 : i32 to index
      %swap3A_701 = arith.index_cast %scan3A_545 : i32 to index
      %swap3A_702 = arith.constant 96 : index
      %swap3A_703 = tpu.vector_load %arg6[%swap3A_700, %swap3A_701, %swap3A_702] {strides = array<i32>} : memref<2x16x128xi32, #tpu.memory_space<vmem>>, vector<16xi32>,
      tpu.vector_store %arg6[%swap3A_700, %swap3A_701, %swap3A_702], %add3A_698 {strides = array<i32>} : memref<2x16x128xi32, #tpu.memory_space<vmem>>, vector<16xi32>,
      %get3A_704 = arith.constant 0 : i32
      %get3A_705 = arith.index_cast %get3A_704 : i32 to index
      %get3A_706 = arith.index_cast %scan3A_545 : i32 to index
      %get3A_707 = arith.constant 112 : index
      %get3A_708 = tpu.vector_load %arg6[%get3A_705, %get3A_706, %get3A_707] {strides = array<i32>} : memref<2x16x128xi32, #tpu.memory_space<vmem>>, vector<16xi32>,
      %max3A_709 = arith.constant 0 : i32
      %max3A_710 = vector.broadcast %max3A_709 : i32 to vector<16xi32>
      %max3A_711 = arith.maxsi %get3A_708, %max3A_710 : vector<16xi32>
      %min3A_712 = arith.constant 1000000 : i32
      %min3A_713 = vector.broadcast %min3A_712 : i32 to vector<16xi32>
      %min3A_714 = arith.minsi %max3A_711, %min3A_713 : vector<16xi32>
      %eq3A_715 = arith.constant -1 : i32
      %eq3A_716 = vector.broadcast %eq3A_715 : i32 to vector<16xi32>
      %eq3A_717 = arith.cmpi eq, %get3A_708, %eq3A_716 : vector<16xi32>
      %jit3A_718 = arith.constant 1000000 : i32
      %broadcast_in_dim3A_719 = vector.broadcast %jit3A_718 : i32 to vector<16xi32>
      %select_n3A_720 = arith.select %eq3A_717, %broadcast_in_dim3A_719, %min3A_714 : vector<16xi1>, vector<16xi32>
      %add3A_721 = arith.addi %select_n3A_720, %add3A_416 : vector<16xi32>
      %swap3A_722 = arith.constant 0 : i32
      %swap3A_723 = arith.index_cast %swap3A_722 : i32 to index
      %swap3A_724 = arith.index_cast %scan3A_545 : i32 to index
      %swap3A_725 = arith.constant 112 : index
      %swap3A_726 = tpu.vector_load %arg6[%swap3A_723, %swap3A_724, %swap3A_725] {strides = array<i32>} : memref<2x16x128xi32, #tpu.memory_space<vmem>>, vector<16xi32>,
      tpu.vector_store %arg6[%swap3A_723, %swap3A_724, %swap3A_725], %add3A_721 {strides = array<i32>} : memref<2x16x128xi32, #tpu.memory_space<vmem>>, vector<16xi32>,
    }
    %scan3A_422 = arith.constant 16 : i32
    %scan3A_423 = arith.constant 0 : i32
    %scan3A_424 = arith.constant 0 : i32
    %scan3A_425 = arith.constant 16 : i32
    %scan3A_426 = arith.addi %scan3A_424, %scan3A_425 : i32
    %scan3A_427 = arith.constant 1 : i32
    scf.for %scan3A_545 = %scan3A_424 to %scan3A_426 step %scan3A_427  : i32 {
      %mul3A_546 = arith.constant 128 : i32
      %mul3A_547 = arith.muli %scan3A_545, %mul3A_546 : i32
      %dma_start3A_548 = arith.constant 0 : i32
      %dma_start3A_549 = arith.constant 0 : i32
      %dma_start3A_550 = arith.constant 0 : i32
      %dma_start3A_551 = arith.constant 0 : i32
      %dma_start3A_552 = tpu.memref_slice %arg7[%dma_start3A_549, %mul3A_547, %dma_start3A_551] : memref<2x2048x16xf32, #tpu.memory_space<vmem>> -> memref<1x128x16xf32, #tpu.memory_space<vmem>>
      %dma_start3A_553 = tpu.memref_squeeze %dma_start3A_552 : memref<1x128x16xf32, #tpu.memory_space<vmem>> -> memref<128x16xf32, #tpu.memory_space<vmem>>
      %dma_start3A_554 = arith.constant 0 : i32
      %dma_start3A_555 = tpu.memref_slice %arg6[%dma_start3A_548, %scan3A_545, %dma_start3A_554] : memref<2x16x128xi32, #tpu.memory_space<vmem>> -> memref<1x1x128xi32, #tpu.memory_space<vmem>>
      %dma_start3A_556 = tpu.memref_squeeze %dma_start3A_555 : memref<1x1x128xi32, #tpu.memory_space<vmem>> -> memref<128xi32, #tpu.memory_space<vmem>>
      %dma_start3A_557 = arith.constant 0 : i32
      %dma_start3A_558 = arith.constant 0 : i32
      %dma_start3A_559 = tpu.memref_slice %arg5[%dma_start3A_557, %dma_start3A_558] : memref<2000128x16xf32, #tpu.memory_space<hbm>> -> memref<2000128x16xf32, #tpu.memory_space<hbm>>
      %dma_start3A_560 = tpu.memref_slice %arg11[%dma_start3A_550] : memref<2x!tpu.dma_semaphore, #tpu.memory_space<semaphore_mem>> -> memref<1x!tpu.dma_semaphore, #tpu.memory_space<semaphore_mem>>
      %dma_start3A_561 = tpu.memref_squeeze %dma_start3A_560 : memref<1x!tpu.dma_semaphore, #tpu.memory_space<semaphore_mem>> -> memref<!tpu.dma_semaphore, #tpu.memory_space<semaphore_mem>>
      tpu.enqueue_indirect_dma source(%dma_start3A_559 : memref<2000128x16xf32, #tpu.memory_space<hbm>>) target(%dma_start3A_553 : memref<128x16xf32, #tpu.memory_space<vmem>>) offsets(%dma_start3A_556 : memref<128xi32, #tpu.memory_space<vmem>>) semaphore(%dma_start3A_561 : memref<!tpu.dma_semaphore, #tpu.memory_space<semaphore_mem>>)
    }
    %scan3A_428 = arith.constant 16 : i32
    %scan3A_429 = arith.constant 0 : i32
    %scan3A_430 = arith.constant 0 : i32
    %scan3A_431 = arith.constant 50 : i32
    %scan3A_432 = arith.addi %scan3A_430, %scan3A_431 : i32
    %scan3A_433 = arith.constant 1 : i32
    scf.for %scan3A_545 = %scan3A_430 to %scan3A_432 step %scan3A_433  : i32 {
      %add3A_546 = arith.addi %mul3A_2, %scan3A_545 : i32
      %jit3A_547 = arith.constant 2 : i32
      %eq3A_548 = arith.constant 0 : i32
      %eq3A_549 = arith.cmpi eq, %jit3A_547, %eq3A_548 : i32
      %jit3A_550 = arith.constant 1 : i32
      %select_n3A_551 = arith.select %eq3A_549, %jit3A_550, %jit3A_547 : i32
      %rem3A_552 = arith.remsi %scan3A_545, %select_n3A_551 : i32
      %ne3A_553 = arith.constant 0 : i32
      %ne3A_554 = arith.cmpi ne, %rem3A_552, %ne3A_553 : i32
      %lt3A_555 = arith.constant 0 : i32
      %lt3A_556 = arith.cmpi slt, %rem3A_552, %lt3A_555 : i32
      %lt3A_557 = arith.constant 0 : i32
      %lt3A_558 = arith.cmpi slt, %select_n3A_551, %lt3A_557 : i32
      %ne3A_559 = arith.xori %lt3A_556, %lt3A_558 : i1
      %and3A_560 = arith.andi %ne3A_559, %ne3A_554 : i1
      %add3A_561 = arith.addi %rem3A_552, %select_n3A_551 : i32
      %select_n3A_562 = arith.select %and3A_560, %add3A_561, %rem3A_552 : i32
      %lt3A_563 = arith.constant 49 : i32
      %lt3A_564 = arith.cmpi slt, %scan3A_545, %lt3A_563 : i32
      %convert_element_type3A = arith.extui %lt3A_564 : i1 to i32
      %cond3A = arith.constant 0 : i32
      %cond3A_565 = arith.cmpi ne, %convert_element_type3A, %cond3A : i32
      scf.if %cond3A_565 {
        %add3A_721 = arith.constant 1 : i32
        %add3A_722 = arith.addi %add3A_546, %add3A_721 : i32
        %sub3A_723 = arith.constant 1 : i32
        %sub3A_724 = arith.subi %sub3A_723, %select_n3A_562 : i32
        %jit3A_725 = arith.constant 8 : i32
        %div3A_726 = arith.divsi %add3A_722, %jit3A_725 : i32
        %sign3A_727 = arith.constant 0 : i32
        %sign3A_728 = arith.cmpi sgt, %add3A_722, %sign3A_727 : i32
        %sign3A_729 = arith.extui %sign3A_728 : i1 to i32
        %sign3A_730 = arith.constant 0 : i32
        %sign3A_731 = arith.cmpi slt, %add3A_722, %sign3A_730 : i32
        %sign3A_732 = arith.extui %sign3A_731 : i1 to i32
        %sign3A_733 = arith.subi %sign3A_729, %sign3A_732 : i32
        %sign3A_734 = arith.constant 0 : i32
        %sign3A_735 = arith.cmpi sgt, %jit3A_725, %sign3A_734 : i32
        %sign3A_736 = arith.extui %sign3A_735 : i1 to i32
        %sign3A_737 = arith.constant 0 : i32
        %sign3A_738 = arith.cmpi slt, %jit3A_725, %sign3A_737 : i32
        %sign3A_739 = arith.extui %sign3A_738 : i1 to i32
        %sign3A_740 = arith.subi %sign3A_736, %sign3A_739 : i32
        %ne3A_741 = arith.cmpi ne, %sign3A_733, %sign3A_740 : i32
        %rem3A_742 = arith.remsi %add3A_722, %jit3A_725 : i32
        %ne3A_743 = arith.constant 0 : i32
        %ne3A_744 = arith.cmpi ne, %rem3A_742, %ne3A_743 : i32
        %and3A_745 = arith.andi %ne3A_741, %ne3A_744 : i1
        %sub3A_746 = arith.constant 1 : i32
        %sub3A_747 = arith.subi %div3A_726, %sub3A_746 : i32
        %select_n3A_748 = arith.select %and3A_745, %sub3A_747, %div3A_726 : i32
        %jit3A_749 = arith.constant 8 : i32
        %eq3A_750 = arith.constant 0 : i32
        %eq3A_751 = arith.cmpi eq, %jit3A_749, %eq3A_750 : i32
        %jit3A_752 = arith.constant 1 : i32
        %select_n3A_753 = arith.select %eq3A_751, %jit3A_752, %jit3A_749 : i32
        %rem3A_754 = arith.remsi %add3A_722, %select_n3A_753 : i32
        %ne3A_755 = arith.constant 0 : i32
        %ne3A_756 = arith.cmpi ne, %rem3A_754, %ne3A_755 : i32
        %lt3A_757 = arith.constant 0 : i32
        %lt3A_758 = arith.cmpi slt, %rem3A_754, %lt3A_757 : i32
        %lt3A_759 = arith.constant 0 : i32
        %lt3A_760 = arith.cmpi slt, %select_n3A_753, %lt3A_759 : i32
        %ne3A_761 = arith.xori %lt3A_758, %lt3A_760 : i1
        %and3A_762 = arith.andi %ne3A_761, %ne3A_756 : i1
        %add3A_763 = arith.addi %rem3A_754, %select_n3A_753 : i32
        %select_n3A_764 = arith.select %and3A_762, %add3A_763, %rem3A_754 : i32
        %mul3A_765 = arith.constant 2048 : i32
        %mul3A_766 = arith.muli %select_n3A_764, %mul3A_765 : i32
        %jit3A_767 = arith.constant 8 : i32
        %div3A_768 = arith.divsi %select_n3A_748, %jit3A_767 : i32
        %sign3A_769 = arith.constant 0 : i32
        %sign3A_770 = arith.cmpi sgt, %select_n3A_748, %sign3A_769 : i32
        %sign3A_771 = arith.extui %sign3A_770 : i1 to i32
        %sign3A_772 = arith.constant 0 : i32
        %sign3A_773 = arith.cmpi slt, %select_n3A_748, %sign3A_772 : i32
        %sign3A_774 = arith.extui %sign3A_773 : i1 to i32
        %sign3A_775 = arith.subi %sign3A_771, %sign3A_774 : i32
        %sign3A_776 = arith.constant 0 : i32
        %sign3A_777 = arith.cmpi sgt, %jit3A_767, %sign3A_776 : i32
        %sign3A_778 = arith.extui %sign3A_777 : i1 to i32
        %sign3A_779 = arith.constant 0 : i32
        %sign3A_780 = arith.cmpi slt, %jit3A_767, %sign3A_779 : i32
        %sign3A_781 = arith.extui %sign3A_780 : i1 to i32
        %sign3A_782 = arith.subi %sign3A_778, %sign3A_781 : i32
        %ne3A_783 = arith.cmpi ne, %sign3A_775, %sign3A_782 : i32
        %rem3A_784 = arith.remsi %select_n3A_748, %jit3A_767 : i32
        %ne3A_785 = arith.constant 0 : i32
        %ne3A_786 = arith.cmpi ne, %rem3A_784, %ne3A_785 : i32
        %and3A_787 = arith.andi %ne3A_783, %ne3A_786 : i1
        %sub3A_788 = arith.constant 1 : i32
        %sub3A_789 = arith.subi %div3A_768, %sub3A_788 : i32
        %select_n3A_790 = arith.select %and3A_787, %sub3A_789, %div3A_768 : i32
        %jit3A_791 = arith.constant 8 : i32
        %eq3A_792 = arith.constant 0 : i32
        %eq3A_793 = arith.cmpi eq, %jit3A_791, %eq3A_792 : i32
        %jit3A_794 = arith.constant 1 : i32
        %select_n3A_795 = arith.select %eq3A_793, %jit3A_794, %jit3A_791 : i32
        %rem3A_796 = arith.remsi %select_n3A_748, %select_n3A_795 : i32
        %ne3A_797 = arith.constant 0 : i32
        %ne3A_798 = arith.cmpi ne, %rem3A_796, %ne3A_797 : i32
        %lt3A_799 = arith.constant 0 : i32
        %lt3A_800 = arith.cmpi slt, %rem3A_796, %lt3A_799 : i32
        %lt3A_801 = arith.constant 0 : i32
        %lt3A_802 = arith.cmpi slt, %select_n3A_795, %lt3A_801 : i32
        %ne3A_803 = arith.xori %lt3A_800, %lt3A_802 : i1
        %and3A_804 = arith.andi %ne3A_803, %ne3A_798 : i1
        %add3A_805 = arith.addi %rem3A_796, %select_n3A_795 : i32
        %select_n3A_806 = arith.select %and3A_804, %add3A_805, %rem3A_796 : i32
        %jit3A_807 = arith.constant 128 : i32
        %div3A_808 = arith.divsi %mul3A_766, %jit3A_807 : i32
        %sign3A_809 = arith.constant 0 : i32
        %sign3A_810 = arith.cmpi sgt, %mul3A_766, %sign3A_809 : i32
        %sign3A_811 = arith.extui %sign3A_810 : i1 to i32
        %sign3A_812 = arith.constant 0 : i32
        %sign3A_813 = arith.cmpi slt, %mul3A_766, %sign3A_812 : i32
        %sign3A_814 = arith.extui %sign3A_813 : i1 to i32
        %sign3A_815 = arith.subi %sign3A_811, %sign3A_814 : i32
        %sign3A_816 = arith.constant 0 : i32
        %sign3A_817 = arith.cmpi sgt, %jit3A_807, %sign3A_816 : i32
        %sign3A_818 = arith.extui %sign3A_817 : i1 to i32
        %sign3A_819 = arith.constant 0 : i32
        %sign3A_820 = arith.cmpi slt, %jit3A_807, %sign3A_819 : i32
        %sign3A_821 = arith.extui %sign3A_820 : i1 to i32
        %sign3A_822 = arith.subi %sign3A_818, %sign3A_821 : i32
        %ne3A_823 = arith.cmpi ne, %sign3A_815, %sign3A_822 : i32
        %rem3A_824 = arith.remsi %mul3A_766, %jit3A_807 : i32
        %ne3A_825 = arith.constant 0 : i32
        %ne3A_826 = arith.cmpi ne, %rem3A_824, %ne3A_825 : i32
        %and3A_827 = arith.andi %ne3A_823, %ne3A_826 : i1
        %sub3A_828 = arith.constant 1 : i32
        %sub3A_829 = arith.subi %div3A_808, %sub3A_828 : i32
        %select_n3A_830 = arith.select %and3A_827, %sub3A_829, %div3A_808 : i32
        %mul3A_831 = arith.constant 128 : i32
        %mul3A_832 = arith.muli %select_n3A_790, %mul3A_831 : i32
        %add3A_833 = arith.addi %mul3A_832, %select_n3A_830 : i32
        %mul3A_834 = arith.constant 128 : i32
        %mul3A_835 = arith.muli %select_n3A_806, %mul3A_834 : i32
        "tpu.region"() ({
          %run_scoped3A_852 = tpu.sem_alloc : memref<!tpu.dma_semaphore, #tpu.memory_space<semaphore_mem>>
          %dma_start3A_853 = arith.constant 0 : i32
          %dma_start3A_854 = arith.constant 0 : i32
          %dma_start3A_855 = tpu.memref_slice %arg6[%sub3A_724, %dma_start3A_853, %dma_start3A_854] : memref<2x16x128xi32, #tpu.memory_space<vmem>> -> memref<1x16x128xi32, #tpu.memory_space<vmem>>
          %dma_start3A_856 = tpu.memref_squeeze %dma_start3A_855 : memref<1x16x128xi32, #tpu.memory_space<vmem>> -> memref<16x128xi32, #tpu.memory_space<vmem>>
          %dma_start3A_857 = tpu.memref_slice %arg2[%add3A_833, %mul3A_835] : memref<3200x1024xi32, #tpu.memory_space<hbm>> -> memref<16x128xi32, #tpu.memory_space<hbm>>
          %dma_start3A_858 = arith.constant 0 : i32
          %dma_start3A_859 = arith.constant 0 : i32
          %dma_start3A_860 = tpu.memref_slice %arg6[%sub3A_724, %dma_start3A_858, %dma_start3A_859] : memref<2x16x128xi32, #tpu.memory_space<vmem>> -> memref<1x16x128xi32, #tpu.memory_space<vmem>>
          %dma_start3A_861 = tpu.memref_squeeze %dma_start3A_860 : memref<1x16x128xi32, #tpu.memory_space<vmem>> -> memref<16x128xi32, #tpu.memory_space<vmem>>
          %dma_start3A_862 = tpu.memref_slice %arg2[%add3A_833, %mul3A_835] : memref<3200x1024xi32, #tpu.memory_space<hbm>> -> memref<16x128xi32, #tpu.memory_space<hbm>>
          tpu.enqueue_dma source(%dma_start3A_862 : memref<16x128xi32, #tpu.memory_space<hbm>>) target(%dma_start3A_861 : memref<16x128xi32, #tpu.memory_space<vmem>>) target_semaphore(%run_scoped3A_852 : memref<!tpu.dma_semaphore, #tpu.memory_space<semaphore_mem>>)
          %dma_wait3A_863 = arith.constant 0 : i32
          %dma_wait3A_864 = arith.constant 0 : i32
          %dma_wait3A_865 = tpu.memref_slice %arg6[%sub3A_724, %dma_wait3A_863, %dma_wait3A_864] : memref<2x16x128xi32, #tpu.memory_space<vmem>> -> memref<1x16x128xi32, #tpu.memory_space<vmem>>
          %dma_wait3A_866 = tpu.memref_squeeze %dma_wait3A_865 : memref<1x16x128xi32, #tpu.memory_space<vmem>> -> memref<16x128xi32, #tpu.memory_space<vmem>>
          %dma_wait3A_867 = tpu.memref_slice %arg2[%add3A_833, %mul3A_835] : memref<3200x1024xi32, #tpu.memory_space<hbm>> -> memref<16x128xi32, #tpu.memory_space<hbm>>
          %dma_wait3A_868 = arith.constant 0 : i32
          %dma_wait3A_869 = arith.constant 0 : i32
          %dma_wait3A_870 = tpu.memref_slice %arg6[%sub3A_724, %dma_wait3A_868, %dma_wait3A_869] : memref<2x16x128xi32, #tpu.memory_space<vmem>> -> memref<1x16x128xi32, #tpu.memory_space<vmem>>
          %dma_wait3A_871 = tpu.memref_squeeze %dma_wait3A_870 : memref<1x16x128xi32, #tpu.memory_space<vmem>> -> memref<16x128xi32, #tpu.memory_space<vmem>>
          %dma_wait3A_872 = tpu.memref_slice %arg2[%add3A_833, %mul3A_835] : memref<3200x1024xi32, #tpu.memory_space<hbm>> -> memref<16x128xi32, #tpu.memory_space<hbm>>
          tpu.wait_dma2 semaphore(%run_scoped3A_852 : memref<!tpu.dma_semaphore, #tpu.memory_space<semaphore_mem>>) src(%dma_wait3A_872 : memref<16x128xi32, #tpu.memory_space<hbm>>) dst(%dma_wait3A_871 : memref<16x128xi32, #tpu.memory_space<vmem>>)
          tpu.yield
        }) : () -> ()
        %broadcast_in_dim3A_836 = arith.constant 0 : i32
        %broadcast_in_dim3A_837 = vector.broadcast %broadcast_in_dim3A_836 : i32 to vector<16xi32>
        %add3A_838 = vector.broadcast %mul3A_4 : i32 to vector<16xi32>
        %add3A_839 = arith.addi %broadcast_in_dim3A_837, %add3A_838 : vector<16xi32>
        %scan3A_840 = arith.constant 0 : i32
        %scan3A_841 = arith.constant 0 : i32
        %scan3A_842 = arith.constant 16 : i32
        %scan3A_843 = arith.addi %scan3A_841, %scan3A_842 : i32
        %scan3A_844 = arith.constant 1 : i32
        scf.for %scan3A_852 = %scan3A_841 to %scan3A_843 step %scan3A_844  : i32 {
          %get3A = arith.index_cast %sub3A_724 : i32 to index
          %get3A_853 = arith.index_cast %scan3A_852 : i32 to index
          %get3A_854 = arith.constant 0 : index
          %get3A_855 = tpu.vector_load %arg6[%get3A, %get3A_853, %get3A_854] {strides = array<i32>} : memref<2x16x128xi32, #tpu.memory_space<vmem>>, vector<16xi32>,
          %max3A = arith.constant 0 : i32
          %max3A_856 = vector.broadcast %max3A : i32 to vector<16xi32>
          %max3A_857 = arith.maxsi %get3A_855, %max3A_856 : vector<16xi32>
          %min3A_858 = arith.constant 1000000 : i32
          %min3A_859 = vector.broadcast %min3A_858 : i32 to vector<16xi32>
          %min3A_860 = arith.minsi %max3A_857, %min3A_859 : vector<16xi32>
          %eq3A_861 = arith.constant -1 : i32
          %eq3A_862 = vector.broadcast %eq3A_861 : i32 to vector<16xi32>
          %eq3A_863 = arith.cmpi eq, %get3A_855, %eq3A_862 : vector<16xi32>
          %jit3A_864 = arith.constant 1000000 : i32
          %broadcast_in_dim3A_865 = vector.broadcast %jit3A_864 : i32 to vector<16xi32>
          %select_n3A_866 = arith.select %eq3A_863, %broadcast_in_dim3A_865, %min3A_860 : vector<16xi1>, vector<16xi32>
          %add3A_867 = arith.addi %select_n3A_866, %add3A_839 : vector<16xi32>
          %swap3A = arith.index_cast %sub3A_724 : i32 to index
          %swap3A_868 = arith.index_cast %scan3A_852 : i32 to index
          %swap3A_869 = arith.constant 0 : index
          %swap3A_870 = tpu.vector_load %arg6[%swap3A, %swap3A_868, %swap3A_869] {strides = array<i32>} : memref<2x16x128xi32, #tpu.memory_space<vmem>>, vector<16xi32>,
          tpu.vector_store %arg6[%swap3A, %swap3A_868, %swap3A_869], %add3A_867 {strides = array<i32>} : memref<2x16x128xi32, #tpu.memory_space<vmem>>, vector<16xi32>,
          %get3A_871 = arith.index_cast %sub3A_724 : i32 to index
          %get3A_872 = arith.index_cast %scan3A_852 : i32 to index
          %get3A_873 = arith.constant 16 : index
          %get3A_874 = tpu.vector_load %arg6[%get3A_871, %get3A_872, %get3A_873] {strides = array<i32>} : memref<2x16x128xi32, #tpu.memory_space<vmem>>, vector<16xi32>,
          %max3A_875 = arith.constant 0 : i32
          %max3A_876 = vector.broadcast %max3A_875 : i32 to vector<16xi32>
          %max3A_877 = arith.maxsi %get3A_874, %max3A_876 : vector<16xi32>
          %min3A_878 = arith.constant 1000000 : i32
          %min3A_879 = vector.broadcast %min3A_878 : i32 to vector<16xi32>
          %min3A_880 = arith.minsi %max3A_877, %min3A_879 : vector<16xi32>
          %eq3A_881 = arith.constant -1 : i32
          %eq3A_882 = vector.broadcast %eq3A_881 : i32 to vector<16xi32>
          %eq3A_883 = arith.cmpi eq, %get3A_874, %eq3A_882 : vector<16xi32>
          %jit3A_884 = arith.constant 1000000 : i32
          %broadcast_in_dim3A_885 = vector.broadcast %jit3A_884 : i32 to vector<16xi32>
          %select_n3A_886 = arith.select %eq3A_883, %broadcast_in_dim3A_885, %min3A_880 : vector<16xi1>, vector<16xi32>
          %add3A_887 = arith.addi %select_n3A_886, %add3A_839 : vector<16xi32>
          %swap3A_888 = arith.index_cast %sub3A_724 : i32 to index
          %swap3A_889 = arith.index_cast %scan3A_852 : i32 to index
          %swap3A_890 = arith.constant 16 : index
          %swap3A_891 = tpu.vector_load %arg6[%swap3A_888, %swap3A_889, %swap3A_890] {strides = array<i32>} : memref<2x16x128xi32, #tpu.memory_space<vmem>>, vector<16xi32>,
          tpu.vector_store %arg6[%swap3A_888, %swap3A_889, %swap3A_890], %add3A_887 {strides = array<i32>} : memref<2x16x128xi32, #tpu.memory_space<vmem>>, vector<16xi32>,
          %get3A_892 = arith.index_cast %sub3A_724 : i32 to index
          %get3A_893 = arith.index_cast %scan3A_852 : i32 to index
          %get3A_894 = arith.constant 32 : index
          %get3A_895 = tpu.vector_load %arg6[%get3A_892, %get3A_893, %get3A_894] {strides = array<i32>} : memref<2x16x128xi32, #tpu.memory_space<vmem>>, vector<16xi32>,
          %max3A_896 = arith.constant 0 : i32
          %max3A_897 = vector.broadcast %max3A_896 : i32 to vector<16xi32>
          %max3A_898 = arith.maxsi %get3A_895, %max3A_897 : vector<16xi32>
          %min3A_899 = arith.constant 1000000 : i32
          %min3A_900 = vector.broadcast %min3A_899 : i32 to vector<16xi32>
          %min3A_901 = arith.minsi %max3A_898, %min3A_900 : vector<16xi32>
          %eq3A_902 = arith.constant -1 : i32
          %eq3A_903 = vector.broadcast %eq3A_902 : i32 to vector<16xi32>
          %eq3A_904 = arith.cmpi eq, %get3A_895, %eq3A_903 : vector<16xi32>
          %jit3A_905 = arith.constant 1000000 : i32
          %broadcast_in_dim3A_906 = vector.broadcast %jit3A_905 : i32 to vector<16xi32>
          %select_n3A_907 = arith.select %eq3A_904, %broadcast_in_dim3A_906, %min3A_901 : vector<16xi1>, vector<16xi32>
          %add3A_908 = arith.addi %select_n3A_907, %add3A_839 : vector<16xi32>
          %swap3A_909 = arith.index_cast %sub3A_724 : i32 to index
          %swap3A_910 = arith.index_cast %scan3A_852 : i32 to index
          %swap3A_911 = arith.constant 32 : index
          %swap3A_912 = tpu.vector_load %arg6[%swap3A_909, %swap3A_910, %swap3A_911] {strides = array<i32>} : memref<2x16x128xi32, #tpu.memory_space<vmem>>, vector<16xi32>,
          tpu.vector_store %arg6[%swap3A_909, %swap3A_910, %swap3A_911], %add3A_908 {strides = array<i32>} : memref<2x16x128xi32, #tpu.memory_space<vmem>>, vector<16xi32>,
          %get3A_913 = arith.index_cast %sub3A_724 : i32 to index
          %get3A_914 = arith.index_cast %scan3A_852 : i32 to index
          %get3A_915 = arith.constant 48 : index
          %get3A_916 = tpu.vector_load %arg6[%get3A_913, %get3A_914, %get3A_915] {strides = array<i32>} : memref<2x16x128xi32, #tpu.memory_space<vmem>>, vector<16xi32>,
          %max3A_917 = arith.constant 0 : i32
          %max3A_918 = vector.broadcast %max3A_917 : i32 to vector<16xi32>
          %max3A_919 = arith.maxsi %get3A_916, %max3A_918 : vector<16xi32>
          %min3A_920 = arith.constant 1000000 : i32
          %min3A_921 = vector.broadcast %min3A_920 : i32 to vector<16xi32>
          %min3A_922 = arith.minsi %max3A_919, %min3A_921 : vector<16xi32>
          %eq3A_923 = arith.constant -1 : i32
          %eq3A_924 = vector.broadcast %eq3A_923 : i32 to vector<16xi32>
          %eq3A_925 = arith.cmpi eq, %get3A_916, %eq3A_924 : vector<16xi32>
          %jit3A_926 = arith.constant 1000000 : i32
          %broadcast_in_dim3A_927 = vector.broadcast %jit3A_926 : i32 to vector<16xi32>
          %select_n3A_928 = arith.select %eq3A_925, %broadcast_in_dim3A_927, %min3A_922 : vector<16xi1>, vector<16xi32>
          %add3A_929 = arith.addi %select_n3A_928, %add3A_839 : vector<16xi32>
          %swap3A_930 = arith.index_cast %sub3A_724 : i32 to index
          %swap3A_931 = arith.index_cast %scan3A_852 : i32 to index
          %swap3A_932 = arith.constant 48 : index
          %swap3A_933 = tpu.vector_load %arg6[%swap3A_930, %swap3A_931, %swap3A_932] {strides = array<i32>} : memref<2x16x128xi32, #tpu.memory_space<vmem>>, vector<16xi32>,
          tpu.vector_store %arg6[%swap3A_930, %swap3A_931, %swap3A_932], %add3A_929 {strides = array<i32>} : memref<2x16x128xi32, #tpu.memory_space<vmem>>, vector<16xi32>,
          %get3A_934 = arith.index_cast %sub3A_724 : i32 to index
          %get3A_935 = arith.index_cast %scan3A_852 : i32 to index
          %get3A_936 = arith.constant 64 : index
          %get3A_937 = tpu.vector_load %arg6[%get3A_934, %get3A_935, %get3A_936] {strides = array<i32>} : memref<2x16x128xi32, #tpu.memory_space<vmem>>, vector<16xi32>,
          %max3A_938 = arith.constant 0 : i32
          %max3A_939 = vector.broadcast %max3A_938 : i32 to vector<16xi32>
          %max3A_940 = arith.maxsi %get3A_937, %max3A_939 : vector<16xi32>
          %min3A_941 = arith.constant 1000000 : i32
          %min3A_942 = vector.broadcast %min3A_941 : i32 to vector<16xi32>
          %min3A_943 = arith.minsi %max3A_940, %min3A_942 : vector<16xi32>
          %eq3A_944 = arith.constant -1 : i32
          %eq3A_945 = vector.broadcast %eq3A_944 : i32 to vector<16xi32>
          %eq3A_946 = arith.cmpi eq, %get3A_937, %eq3A_945 : vector<16xi32>
          %jit3A_947 = arith.constant 1000000 : i32
          %broadcast_in_dim3A_948 = vector.broadcast %jit3A_947 : i32 to vector<16xi32>
          %select_n3A_949 = arith.select %eq3A_946, %broadcast_in_dim3A_948, %min3A_943 : vector<16xi1>, vector<16xi32>
          %add3A_950 = arith.addi %select_n3A_949, %add3A_839 : vector<16xi32>
          %swap3A_951 = arith.index_cast %sub3A_724 : i32 to index
          %swap3A_952 = arith.index_cast %scan3A_852 : i32 to index
          %swap3A_953 = arith.constant 64 : index
          %swap3A_954 = tpu.vector_load %arg6[%swap3A_951, %swap3A_952, %swap3A_953] {strides = array<i32>} : memref<2x16x128xi32, #tpu.memory_space<vmem>>, vector<16xi32>,
          tpu.vector_store %arg6[%swap3A_951, %swap3A_952, %swap3A_953], %add3A_950 {strides = array<i32>} : memref<2x16x128xi32, #tpu.memory_space<vmem>>, vector<16xi32>,
          %get3A_955 = arith.index_cast %sub3A_724 : i32 to index
          %get3A_956 = arith.index_cast %scan3A_852 : i32 to index
          %get3A_957 = arith.constant 80 : index
          %get3A_958 = tpu.vector_load %arg6[%get3A_955, %get3A_956, %get3A_957] {strides = array<i32>} : memref<2x16x128xi32, #tpu.memory_space<vmem>>, vector<16xi32>,
          %max3A_959 = arith.constant 0 : i32
          %max3A_960 = vector.broadcast %max3A_959 : i32 to vector<16xi32>
          %max3A_961 = arith.maxsi %get3A_958, %max3A_960 : vector<16xi32>
          %min3A_962 = arith.constant 1000000 : i32
          %min3A_963 = vector.broadcast %min3A_962 : i32 to vector<16xi32>
          %min3A_964 = arith.minsi %max3A_961, %min3A_963 : vector<16xi32>
          %eq3A_965 = arith.constant -1 : i32
          %eq3A_966 = vector.broadcast %eq3A_965 : i32 to vector<16xi32>
          %eq3A_967 = arith.cmpi eq, %get3A_958, %eq3A_966 : vector<16xi32>
          %jit3A_968 = arith.constant 1000000 : i32
          %broadcast_in_dim3A_969 = vector.broadcast %jit3A_968 : i32 to vector<16xi32>
          %select_n3A_970 = arith.select %eq3A_967, %broadcast_in_dim3A_969, %min3A_964 : vector<16xi1>, vector<16xi32>
          %add3A_971 = arith.addi %select_n3A_970, %add3A_839 : vector<16xi32>
          %swap3A_972 = arith.index_cast %sub3A_724 : i32 to index
          %swap3A_973 = arith.index_cast %scan3A_852 : i32 to index
          %swap3A_974 = arith.constant 80 : index
          %swap3A_975 = tpu.vector_load %arg6[%swap3A_972, %swap3A_973, %swap3A_974] {strides = array<i32>} : memref<2x16x128xi32, #tpu.memory_space<vmem>>, vector<16xi32>,
          tpu.vector_store %arg6[%swap3A_972, %swap3A_973, %swap3A_974], %add3A_971 {strides = array<i32>} : memref<2x16x128xi32, #tpu.memory_space<vmem>>, vector<16xi32>,
          %get3A_976 = arith.index_cast %sub3A_724 : i32 to index
          %get3A_977 = arith.index_cast %scan3A_852 : i32 to index
          %get3A_978 = arith.constant 96 : index
          %get3A_979 = tpu.vector_load %arg6[%get3A_976, %get3A_977, %get3A_978] {strides = array<i32>} : memref<2x16x128xi32, #tpu.memory_space<vmem>>, vector<16xi32>,
          %max3A_980 = arith.constant 0 : i32
          %max3A_981 = vector.broadcast %max3A_980 : i32 to vector<16xi32>
          %max3A_982 = arith.maxsi %get3A_979, %max3A_981 : vector<16xi32>
          %min3A_983 = arith.constant 1000000 : i32
          %min3A_984 = vector.broadcast %min3A_983 : i32 to vector<16xi32>
          %min3A_985 = arith.minsi %max3A_982, %min3A_984 : vector<16xi32>
          %eq3A_986 = arith.constant -1 : i32
          %eq3A_987 = vector.broadcast %eq3A_986 : i32 to vector<16xi32>
          %eq3A_988 = arith.cmpi eq, %get3A_979, %eq3A_987 : vector<16xi32>
          %jit3A_989 = arith.constant 1000000 : i32
          %broadcast_in_dim3A_990 = vector.broadcast %jit3A_989 : i32 to vector<16xi32>
          %select_n3A_991 = arith.select %eq3A_988, %broadcast_in_dim3A_990, %min3A_985 : vector<16xi1>, vector<16xi32>
          %add3A_992 = arith.addi %select_n3A_991, %add3A_839 : vector<16xi32>
          %swap3A_993 = arith.index_cast %sub3A_724 : i32 to index
          %swap3A_994 = arith.index_cast %scan3A_852 : i32 to index
          %swap3A_995 = arith.constant 96 : index
          %swap3A_996 = tpu.vector_load %arg6[%swap3A_993, %swap3A_994, %swap3A_995] {strides = array<i32>} : memref<2x16x128xi32, #tpu.memory_space<vmem>>, vector<16xi32>,
          tpu.vector_store %arg6[%swap3A_993, %swap3A_994, %swap3A_995], %add3A_992 {strides = array<i32>} : memref<2x16x128xi32, #tpu.memory_space<vmem>>, vector<16xi32>,
          %get3A_997 = arith.index_cast %sub3A_724 : i32 to index
          %get3A_998 = arith.index_cast %scan3A_852 : i32 to index
          %get3A_999 = arith.constant 112 : index
          %get3A_1000 = tpu.vector_load %arg6[%get3A_997, %get3A_998, %get3A_999] {strides = array<i32>} : memref<2x16x128xi32, #tpu.memory_space<vmem>>, vector<16xi32>,
          %max3A_1001 = arith.constant 0 : i32
          %max3A_1002 = vector.broadcast %max3A_1001 : i32 to vector<16xi32>
          %max3A_1003 = arith.maxsi %get3A_1000, %max3A_1002 : vector<16xi32>
          %min3A_1004 = arith.constant 1000000 : i32
          %min3A_1005 = vector.broadcast %min3A_1004 : i32 to vector<16xi32>
          %min3A_1006 = arith.minsi %max3A_1003, %min3A_1005 : vector<16xi32>
          %eq3A_1007 = arith.constant -1 : i32
          %eq3A_1008 = vector.broadcast %eq3A_1007 : i32 to vector<16xi32>
          %eq3A_1009 = arith.cmpi eq, %get3A_1000, %eq3A_1008 : vector<16xi32>
          %jit3A_1010 = arith.constant 1000000 : i32
          %broadcast_in_dim3A_1011 = vector.broadcast %jit3A_1010 : i32 to vector<16xi32>
          %select_n3A_1012 = arith.select %eq3A_1009, %broadcast_in_dim3A_1011, %min3A_1006 : vector<16xi1>, vector<16xi32>
          %add3A_1013 = arith.addi %select_n3A_1012, %add3A_839 : vector<16xi32>
          %swap3A_1014 = arith.index_cast %sub3A_724 : i32 to index
          %swap3A_1015 = arith.index_cast %scan3A_852 : i32 to index
          %swap3A_1016 = arith.constant 112 : index
          %swap3A_1017 = tpu.vector_load %arg6[%swap3A_1014, %swap3A_1015, %swap3A_1016] {strides = array<i32>} : memref<2x16x128xi32, #tpu.memory_space<vmem>>, vector<16xi32>,
          tpu.vector_store %arg6[%swap3A_1014, %swap3A_1015, %swap3A_1016], %add3A_1013 {strides = array<i32>} : memref<2x16x128xi32, #tpu.memory_space<vmem>>, vector<16xi32>,
        }
        %scan3A_845 = arith.constant 16 : i32
        %scan3A_846 = arith.constant 0 : i32
        %scan3A_847 = arith.constant 0 : i32
        %scan3A_848 = arith.constant 16 : i32
        %scan3A_849 = arith.addi %scan3A_847, %scan3A_848 : i32
        %scan3A_850 = arith.constant 1 : i32
        scf.for %scan3A_852 = %scan3A_847 to %scan3A_849 step %scan3A_850  : i32 {
          %mul3A_853 = arith.constant 128 : i32
          %mul3A_854 = arith.muli %scan3A_852, %mul3A_853 : i32
          %dma_start3A_855 = arith.constant 0 : i32
          %dma_start3A_856 = tpu.memref_slice %arg7[%sub3A_724, %mul3A_854, %dma_start3A_855] : memref<2x2048x16xf32, #tpu.memory_space<vmem>> -> memref<1x128x16xf32, #tpu.memory_space<vmem>>
          %dma_start3A_857 = tpu.memref_squeeze %dma_start3A_856 : memref<1x128x16xf32, #tpu.memory_space<vmem>> -> memref<128x16xf32, #tpu.memory_space<vmem>>
          %dma_start3A_858 = arith.constant 0 : i32
          %dma_start3A_859 = tpu.memref_slice %arg6[%sub3A_724, %scan3A_852, %dma_start3A_858] : memref<2x16x128xi32, #tpu.memory_space<vmem>> -> memref<1x1x128xi32, #tpu.memory_space<vmem>>
          %dma_start3A_860 = tpu.memref_squeeze %dma_start3A_859 : memref<1x1x128xi32, #tpu.memory_space<vmem>> -> memref<128xi32, #tpu.memory_space<vmem>>
          %dma_start3A_861 = arith.constant 0 : i32
          %dma_start3A_862 = arith.constant 0 : i32
          %dma_start3A_863 = tpu.memref_slice %arg5[%dma_start3A_861, %dma_start3A_862] : memref<2000128x16xf32, #tpu.memory_space<hbm>> -> memref<2000128x16xf32, #tpu.memory_space<hbm>>
          %dma_start3A_864 = tpu.memref_slice %arg11[%sub3A_724] : memref<2x!tpu.dma_semaphore, #tpu.memory_space<semaphore_mem>> -> memref<1x!tpu.dma_semaphore, #tpu.memory_space<semaphore_mem>>
          %dma_start3A_865 = tpu.memref_squeeze %dma_start3A_864 : memref<1x!tpu.dma_semaphore, #tpu.memory_space<semaphore_mem>> -> memref<!tpu.dma_semaphore, #tpu.memory_space<semaphore_mem>>
          tpu.enqueue_indirect_dma source(%dma_start3A_863 : memref<2000128x16xf32, #tpu.memory_space<hbm>>) target(%dma_start3A_857 : memref<128x16xf32, #tpu.memory_space<vmem>>) offsets(%dma_start3A_860 : memref<128xi32, #tpu.memory_space<vmem>>) semaphore(%dma_start3A_865 : memref<!tpu.dma_semaphore, #tpu.memory_space<semaphore_mem>>)
        }
        %scan3A_851 = arith.constant 16 : i32
      } else {
      }
      %scan3A_566 = arith.constant 0 : i32
      %scan3A_567 = arith.constant 0 : i32
      %scan3A_568 = arith.constant 16 : i32
      %scan3A_569 = arith.addi %scan3A_567, %scan3A_568 : i32
      %scan3A_570 = arith.constant 1 : i32
      scf.for %scan3A_721 = %scan3A_567 to %scan3A_569 step %scan3A_570  : i32 {
        %mul3A_722 = arith.constant 128 : i32
        %mul3A_723 = arith.muli %scan3A_721, %mul3A_722 : i32
        %dma_wait3A_724 = arith.constant 0 : i32
        %dma_wait3A_725 = tpu.memref_slice %arg7[%select_n3A_562, %mul3A_723, %dma_wait3A_724] : memref<2x2048x16xf32, #tpu.memory_space<vmem>> -> memref<1x128x16xf32, #tpu.memory_space<vmem>>
        %dma_wait3A_726 = tpu.memref_squeeze %dma_wait3A_725 : memref<1x128x16xf32, #tpu.memory_space<vmem>> -> memref<128x16xf32, #tpu.memory_space<vmem>>
        %dma_wait3A_727 = arith.constant 0 : i32
        %dma_wait3A_728 = tpu.memref_slice %arg6[%select_n3A_562, %scan3A_721, %dma_wait3A_727] : memref<2x16x128xi32, #tpu.memory_space<vmem>> -> memref<1x1x128xi32, #tpu.memory_space<vmem>>
        %dma_wait3A_729 = tpu.memref_squeeze %dma_wait3A_728 : memref<1x1x128xi32, #tpu.memory_space<vmem>> -> memref<128xi32, #tpu.memory_space<vmem>>
        %dma_wait3A_730 = arith.constant 0 : i32
        %dma_wait3A_731 = arith.constant 0 : i32
        %dma_wait3A_732 = tpu.memref_slice %arg5[%dma_wait3A_730, %dma_wait3A_731] : memref<2000128x16xf32, #tpu.memory_space<hbm>> -> memref<2000128x16xf32, #tpu.memory_space<hbm>>
        %dma_wait3A_733 = tpu.memref_slice %arg11[%select_n3A_562] : memref<2x!tpu.dma_semaphore, #tpu.memory_space<semaphore_mem>> -> memref<1x!tpu.dma_semaphore, #tpu.memory_space<semaphore_mem>>
        %dma_wait3A_734 = tpu.memref_squeeze %dma_wait3A_733 : memref<1x!tpu.dma_semaphore, #tpu.memory_space<semaphore_mem>> -> memref<!tpu.dma_semaphore, #tpu.memory_space<semaphore_mem>>
        tpu.wait_indirect_dma semaphore(%dma_wait3A_734 : memref<!tpu.dma_semaphore, #tpu.memory_space<semaphore_mem>>) src(%dma_wait3A_732 : memref<2000128x16xf32, #tpu.memory_space<hbm>>) dst(%dma_wait3A_726 : memref<128x16xf32, #tpu.memory_space<vmem>>)
      }
      %scan3A_571 = arith.constant 16 : i32
      %ge3A = arith.constant 1 : i32
      %ge3A_572 = arith.cmpi sge, %scan3A_545, %ge3A : i32
      %convert_element_type3A_573 = arith.extui %ge3A_572 : i1 to i32
      %cond3A_574 = arith.constant 0 : i32
      %cond3A_575 = arith.cmpi ne, %convert_element_type3A_573, %cond3A_574 : i32
      scf.if %cond3A_575 {
        %sub3A_721 = arith.constant 1 : i32
        %sub3A_722 = arith.subi %add3A_546, %sub3A_721 : i32
        %jit3A_723 = arith.constant 8 : i32
        %div3A_724 = arith.divsi %sub3A_722, %jit3A_723 : i32
        %sign3A_725 = arith.constant 0 : i32
        %sign3A_726 = arith.cmpi sgt, %sub3A_722, %sign3A_725 : i32
        %sign3A_727 = arith.extui %sign3A_726 : i1 to i32
        %sign3A_728 = arith.constant 0 : i32
        %sign3A_729 = arith.cmpi slt, %sub3A_722, %sign3A_728 : i32
        %sign3A_730 = arith.extui %sign3A_729 : i1 to i32
        %sign3A_731 = arith.subi %sign3A_727, %sign3A_730 : i32
        %sign3A_732 = arith.constant 0 : i32
        %sign3A_733 = arith.cmpi sgt, %jit3A_723, %sign3A_732 : i32
        %sign3A_734 = arith.extui %sign3A_733 : i1 to i32
        %sign3A_735 = arith.constant 0 : i32
        %sign3A_736 = arith.cmpi slt, %jit3A_723, %sign3A_735 : i32
        %sign3A_737 = arith.extui %sign3A_736 : i1 to i32
        %sign3A_738 = arith.subi %sign3A_734, %sign3A_737 : i32
        %ne3A_739 = arith.cmpi ne, %sign3A_731, %sign3A_738 : i32
        %rem3A_740 = arith.remsi %sub3A_722, %jit3A_723 : i32
        %ne3A_741 = arith.constant 0 : i32
        %ne3A_742 = arith.cmpi ne, %rem3A_740, %ne3A_741 : i32
        %and3A_743 = arith.andi %ne3A_739, %ne3A_742 : i1
        %sub3A_744 = arith.constant 1 : i32
        %sub3A_745 = arith.subi %div3A_724, %sub3A_744 : i32
        %select_n3A_746 = arith.select %and3A_743, %sub3A_745, %div3A_724 : i32
        %jit3A_747 = arith.constant 8 : i32
        %eq3A_748 = arith.constant 0 : i32
        %eq3A_749 = arith.cmpi eq, %jit3A_747, %eq3A_748 : i32
        %jit3A_750 = arith.constant 1 : i32
        %select_n3A_751 = arith.select %eq3A_749, %jit3A_750, %jit3A_747 : i32
        %rem3A_752 = arith.remsi %sub3A_722, %select_n3A_751 : i32
        %ne3A_753 = arith.constant 0 : i32
        %ne3A_754 = arith.cmpi ne, %rem3A_752, %ne3A_753 : i32
        %lt3A_755 = arith.constant 0 : i32
        %lt3A_756 = arith.cmpi slt, %rem3A_752, %lt3A_755 : i32
        %lt3A_757 = arith.constant 0 : i32
        %lt3A_758 = arith.cmpi slt, %select_n3A_751, %lt3A_757 : i32
        %ne3A_759 = arith.xori %lt3A_756, %lt3A_758 : i1
        %and3A_760 = arith.andi %ne3A_759, %ne3A_754 : i1
        %add3A_761 = arith.addi %rem3A_752, %select_n3A_751 : i32
        %select_n3A_762 = arith.select %and3A_760, %add3A_761, %rem3A_752 : i32
        %mul3A_763 = arith.constant 2048 : i32
        %mul3A_764 = arith.muli %select_n3A_762, %mul3A_763 : i32
        %jit3A_765 = arith.constant 128 : i32
        %div3A_766 = arith.divsi %mul3A_764, %jit3A_765 : i32
        %sign3A_767 = arith.constant 0 : i32
        %sign3A_768 = arith.cmpi sgt, %mul3A_764, %sign3A_767 : i32
        %sign3A_769 = arith.extui %sign3A_768 : i1 to i32
        %sign3A_770 = arith.constant 0 : i32
        %sign3A_771 = arith.cmpi slt, %mul3A_764, %sign3A_770 : i32
        %sign3A_772 = arith.extui %sign3A_771 : i1 to i32
        %sign3A_773 = arith.subi %sign3A_769, %sign3A_772 : i32
        %sign3A_774 = arith.constant 0 : i32
        %sign3A_775 = arith.cmpi sgt, %jit3A_765, %sign3A_774 : i32
        %sign3A_776 = arith.extui %sign3A_775 : i1 to i32
        %sign3A_777 = arith.constant 0 : i32
        %sign3A_778 = arith.cmpi slt, %jit3A_765, %sign3A_777 : i32
        %sign3A_779 = arith.extui %sign3A_778 : i1 to i32
        %sign3A_780 = arith.subi %sign3A_776, %sign3A_779 : i32
        %ne3A_781 = arith.cmpi ne, %sign3A_773, %sign3A_780 : i32
        %rem3A_782 = arith.remsi %mul3A_764, %jit3A_765 : i32
        %ne3A_783 = arith.constant 0 : i32
        %ne3A_784 = arith.cmpi ne, %rem3A_782, %ne3A_783 : i32
        %and3A_785 = arith.andi %ne3A_781, %ne3A_784 : i1
        %sub3A_786 = arith.constant 1 : i32
        %sub3A_787 = arith.subi %div3A_766, %sub3A_786 : i32
        %select_n3A_788 = arith.select %and3A_785, %sub3A_787, %div3A_766 : i32
        %dma_wait3A_789 = arith.constant 0 : i32
        %dma_wait3A_790 = arith.constant 0 : i32
        %dma_wait3A_791 = arith.constant 0 : i32
        %dma_wait3A_792 = arith.constant 0 : i32
        %dma_wait3A_793 = arith.constant 0 : i32
        %dma_wait3A_794 = tpu.memref_slice %arg8[%dma_wait3A_789, %dma_wait3A_791, %dma_wait3A_792, %dma_wait3A_793] : memref<2x16x8x128xf32, #tpu.memory_space<vmem>> -> memref<1x16x8x128xf32, #tpu.memory_space<vmem>>
        %dma_wait3A_795 = tpu.memref_squeeze %dma_wait3A_794 : memref<1x16x8x128xf32, #tpu.memory_space<vmem>> -> memref<16x8x128xf32, #tpu.memory_space<vmem>>
        %dma_wait3A_796 = arith.constant 0 : i32
        %dma_wait3A_797 = arith.constant 0 : i32
        %dma_wait3A_798 = tpu.memref_slice %arg4[%select_n3A_746, %dma_wait3A_790, %select_n3A_788, %dma_wait3A_796, %dma_wait3A_797] : memref<200x2x128x8x128xf32, #tpu.memory_space<hbm>> -> memref<1x1x16x8x128xf32, #tpu.memory_space<hbm>>
        %dma_wait3A_799 = tpu.memref_squeeze %dma_wait3A_798 : memref<1x1x16x8x128xf32, #tpu.memory_space<hbm>> -> memref<16x8x128xf32, #tpu.memory_space<hbm>>
        %dma_wait3A_800 = arith.constant 0 : i32
        %dma_wait3A_801 = arith.constant 0 : i32
        %dma_wait3A_802 = tpu.memref_slice %arg4[%select_n3A_746, %dma_wait3A_790, %select_n3A_788, %dma_wait3A_800, %dma_wait3A_801] : memref<200x2x128x8x128xf32, #tpu.memory_space<hbm>> -> memref<1x1x16x8x128xf32, #tpu.memory_space<hbm>>
        %dma_wait3A_803 = tpu.memref_squeeze %dma_wait3A_802 : memref<1x1x16x8x128xf32, #tpu.memory_space<hbm>> -> memref<16x8x128xf32, #tpu.memory_space<hbm>>
        %dma_wait3A_804 = arith.constant 0 : i32
        %dma_wait3A_805 = arith.constant 0 : i32
        %dma_wait3A_806 = arith.constant 0 : i32
        %dma_wait3A_807 = tpu.memref_slice %arg8[%dma_wait3A_789, %dma_wait3A_804, %dma_wait3A_805, %dma_wait3A_806] : memref<2x16x8x128xf32, #tpu.memory_space<vmem>> -> memref<1x16x8x128xf32, #tpu.memory_space<vmem>>
        %dma_wait3A_808 = tpu.memref_squeeze %dma_wait3A_807 : memref<1x16x8x128xf32, #tpu.memory_space<vmem>> -> memref<16x8x128xf32, #tpu.memory_space<vmem>>
        tpu.wait_dma2 semaphore(%arg12 : memref<!tpu.dma_semaphore, #tpu.memory_space<semaphore_mem>>) src(%dma_wait3A_808 : memref<16x8x128xf32, #tpu.memory_space<vmem>>) dst(%dma_wait3A_803 : memref<16x8x128xf32, #tpu.memory_space<hbm>>)
        %dma_wait3A_809 = arith.constant 1 : i32
        %dma_wait3A_810 = arith.constant 1 : i32
        %dma_wait3A_811 = arith.constant 0 : i32
        %dma_wait3A_812 = arith.constant 0 : i32
        %dma_wait3A_813 = arith.constant 0 : i32
        %dma_wait3A_814 = tpu.memref_slice %arg8[%dma_wait3A_809, %dma_wait3A_811, %dma_wait3A_812, %dma_wait3A_813] : memref<2x16x8x128xf32, #tpu.memory_space<vmem>> -> memref<1x16x8x128xf32, #tpu.memory_space<vmem>>
        %dma_wait3A_815 = tpu.memref_squeeze %dma_wait3A_814 : memref<1x16x8x128xf32, #tpu.memory_space<vmem>> -> memref<16x8x128xf32, #tpu.memory_space<vmem>>
        %dma_wait3A_816 = arith.constant 0 : i32
        %dma_wait3A_817 = arith.constant 0 : i32
        %dma_wait3A_818 = tpu.memref_slice %arg4[%select_n3A_746, %dma_wait3A_810, %select_n3A_788, %dma_wait3A_816, %dma_wait3A_817] : memref<200x2x128x8x128xf32, #tpu.memory_space<hbm>> -> memref<1x1x16x8x128xf32, #tpu.memory_space<hbm>>
        %dma_wait3A_819 = tpu.memref_squeeze %dma_wait3A_818 : memref<1x1x16x8x128xf32, #tpu.memory_space<hbm>> -> memref<16x8x128xf32, #tpu.memory_space<hbm>>
        %dma_wait3A_820 = arith.constant 0 : i32
        %dma_wait3A_821 = arith.constant 0 : i32
        %dma_wait3A_822 = tpu.memref_slice %arg4[%select_n3A_746, %dma_wait3A_810, %select_n3A_788, %dma_wait3A_820, %dma_wait3A_821] : memref<200x2x128x8x128xf32, #tpu.memory_space<hbm>> -> memref<1x1x16x8x128xf32, #tpu.memory_space<hbm>>
        %dma_wait3A_823 = tpu.memref_squeeze %dma_wait3A_822 : memref<1x1x16x8x128xf32, #tpu.memory_space<hbm>> -> memref<16x8x128xf32, #tpu.memory_space<hbm>>
        %dma_wait3A_824 = arith.constant 0 : i32
        %dma_wait3A_825 = arith.constant 0 : i32
        %dma_wait3A_826 = arith.constant 0 : i32
        %dma_wait3A_827 = tpu.memref_slice %arg8[%dma_wait3A_809, %dma_wait3A_824, %dma_wait3A_825, %dma_wait3A_826] : memref<2x16x8x128xf32, #tpu.memory_space<vmem>> -> memref<1x16x8x128xf32, #tpu.memory_space<vmem>>
        %dma_wait3A_828 = tpu.memref_squeeze %dma_wait3A_827 : memref<1x16x8x128xf32, #tpu.memory_space<vmem>> -> memref<16x8x128xf32, #tpu.memory_space<vmem>>
        tpu.wait_dma2 semaphore(%arg12 : memref<!tpu.dma_semaphore, #tpu.memory_space<semaphore_mem>>) src(%dma_wait3A_828 : memref<16x8x128xf32, #tpu.memory_space<vmem>>) dst(%dma_wait3A_823 : memref<16x8x128xf32, #tpu.memory_space<hbm>>)
      } else {
      }
      %iota3A_576 = tpu.iota {dimensions = array<i32: 0>} : vector<16xi32>
      %broadcast_in_dim3A_577 = arith.constant 0 : i32
      %broadcast_in_dim3A_578 = vector.broadcast %broadcast_in_dim3A_577 : i32 to vector<16xi32>
      %broadcast_in_dim3A_579 = arith.constant 1 : i32
      %broadcast_in_dim3A_580 = vector.broadcast %broadcast_in_dim3A_579 : i32 to vector<16xi32>
      %broadcast_in_dim3A_581 = arith.constant 2 : i32
      %broadcast_in_dim3A_582 = vector.broadcast %broadcast_in_dim3A_581 : i32 to vector<16xi32>
      %broadcast_in_dim3A_583 = arith.constant 3 : i32
      %broadcast_in_dim3A_584 = vector.broadcast %broadcast_in_dim3A_583 : i32 to vector<16xi32>
      %broadcast_in_dim3A_585 = arith.constant 4 : i32
      %broadcast_in_dim3A_586 = vector.broadcast %broadcast_in_dim3A_585 : i32 to vector<16xi32>
      %broadcast_in_dim3A_587 = arith.constant 5 : i32
      %broadcast_in_dim3A_588 = vector.broadcast %broadcast_in_dim3A_587 : i32 to vector<16xi32>
      %broadcast_in_dim3A_589 = arith.constant 6 : i32
      %broadcast_in_dim3A_590 = vector.broadcast %broadcast_in_dim3A_589 : i32 to vector<16xi32>
      %broadcast_in_dim3A_591 = arith.constant 7 : i32
      %broadcast_in_dim3A_592 = vector.broadcast %broadcast_in_dim3A_591 : i32 to vector<16xi32>
      %broadcast_in_dim3A_593 = arith.constant 8 : i32
      %broadcast_in_dim3A_594 = vector.broadcast %broadcast_in_dim3A_593 : i32 to vector<16xi32>
      %broadcast_in_dim3A_595 = arith.constant 9 : i32
      %broadcast_in_dim3A_596 = vector.broadcast %broadcast_in_dim3A_595 : i32 to vector<16xi32>
      %broadcast_in_dim3A_597 = arith.constant 10 : i32
      %broadcast_in_dim3A_598 = vector.broadcast %broadcast_in_dim3A_597 : i32 to vector<16xi32>
      %broadcast_in_dim3A_599 = arith.constant 11 : i32
      %broadcast_in_dim3A_600 = vector.broadcast %broadcast_in_dim3A_599 : i32 to vector<16xi32>
      %broadcast_in_dim3A_601 = arith.constant 12 : i32
      %broadcast_in_dim3A_602 = vector.broadcast %broadcast_in_dim3A_601 : i32 to vector<16xi32>
      %broadcast_in_dim3A_603 = arith.constant 13 : i32
      %broadcast_in_dim3A_604 = vector.broadcast %broadcast_in_dim3A_603 : i32 to vector<16xi32>
      %broadcast_in_dim3A_605 = arith.constant 14 : i32
      %broadcast_in_dim3A_606 = vector.broadcast %broadcast_in_dim3A_605 : i32 to vector<16xi32>
      %broadcast_in_dim3A_607 = arith.constant 15 : i32
      %broadcast_in_dim3A_608 = vector.broadcast %broadcast_in_dim3A_607 : i32 to vector<16xi32>
      %scan3A_609 = arith.constant 0 : i32
      %scan3A_610 = arith.constant 128 : i32
      %scan3A_611 = arith.addi %scan3A_609, %scan3A_610 : i32
      %scan3A_612 = arith.constant 2 : i32
      %scan3A_613 = scf.for %scan3A_721 = %scan3A_609 to %scan3A_611 step %scan3A_612 iter_args(%scan3A_722 = %iota3A_576) -> (vector<16xi32>)  : i32 {
        %jit3A_723 = arith.constant 8 : i32
        %div3A_724 = arith.divsi %scan3A_721, %jit3A_723 : i32
        %sign3A_725 = arith.constant 0 : i32
        %sign3A_726 = arith.cmpi sgt, %scan3A_721, %sign3A_725 : i32
        %sign3A_727 = arith.extui %sign3A_726 : i1 to i32
        %sign3A_728 = arith.constant 0 : i32
        %sign3A_729 = arith.cmpi slt, %scan3A_721, %sign3A_728 : i32
        %sign3A_730 = arith.extui %sign3A_729 : i1 to i32
        %sign3A_731 = arith.subi %sign3A_727, %sign3A_730 : i32
        %sign3A_732 = arith.constant 0 : i32
        %sign3A_733 = arith.cmpi sgt, %jit3A_723, %sign3A_732 : i32
        %sign3A_734 = arith.extui %sign3A_733 : i1 to i32
        %sign3A_735 = arith.constant 0 : i32
        %sign3A_736 = arith.cmpi slt, %jit3A_723, %sign3A_735 : i32
        %sign3A_737 = arith.extui %sign3A_736 : i1 to i32
        %sign3A_738 = arith.subi %sign3A_734, %sign3A_737 : i32
        %ne3A_739 = arith.cmpi ne, %sign3A_731, %sign3A_738 : i32
        %rem3A_740 = arith.remsi %scan3A_721, %jit3A_723 : i32
        %ne3A_741 = arith.constant 0 : i32
        %ne3A_742 = arith.cmpi ne, %rem3A_740, %ne3A_741 : i32
        %and3A_743 = arith.andi %ne3A_739, %ne3A_742 : i1
        %sub3A_744 = arith.constant 1 : i32
        %sub3A_745 = arith.subi %div3A_724, %sub3A_744 : i32
        %select_n3A_746 = arith.select %and3A_743, %sub3A_745, %div3A_724 : i32
        %jit3A_747 = arith.constant 8 : i32
        %eq3A_748 = arith.constant 0 : i32
        %eq3A_749 = arith.cmpi eq, %jit3A_747, %eq3A_748 : i32
        %jit3A_750 = arith.constant 1 : i32
        %select_n3A_751 = arith.select %eq3A_749, %jit3A_750, %jit3A_747 : i32
        %rem3A_752 = arith.remsi %scan3A_721, %select_n3A_751 : i32
        %ne3A_753 = arith.constant 0 : i32
        %ne3A_754 = arith.cmpi ne, %rem3A_752, %ne3A_753 : i32
        %lt3A_755 = arith.constant 0 : i32
        %lt3A_756 = arith.cmpi slt, %rem3A_752, %lt3A_755 : i32
        %lt3A_757 = arith.constant 0 : i32
        %lt3A_758 = arith.cmpi slt, %select_n3A_751, %lt3A_757 : i32
        %ne3A_759 = arith.xori %lt3A_756, %lt3A_758 : i1
        %and3A_760 = arith.andi %ne3A_759, %ne3A_754 : i1
        %add3A_761 = arith.addi %rem3A_752, %select_n3A_751 : i32
        %select_n3A_762 = arith.select %and3A_760, %add3A_761, %rem3A_752 : i32
        %gather3A = arith.constant 0 : i32
        %gather3A_763 = arith.constant 0 : i32
        %gather3A_764 = tpu.memref_slice %arg7[%select_n3A_562, %gather3A, %gather3A_763] : memref<2x2048x16xf32, #tpu.memory_space<vmem>> -> memref<1x2048x16xf32, #tpu.memory_space<vmem>>
        %gather3A_765 = tpu.memref_squeeze %gather3A_764 : memref<1x2048x16xf32, #tpu.memory_space<vmem>> -> memref<2048x16xf32, #tpu.memory_space<vmem>>
        %gather3A_766 = tpu.vector_load_idx %gather3A_765[%scan3A_722, %broadcast_in_dim3A_578] : memref<2048x16xf32, #tpu.memory_space<vmem>>[vector<16xi32>, vector<16xi32>], vector<16xf32>,
        %gather3A_767 = arith.constant 0 : i32
        %gather3A_768 = arith.constant 0 : i32
        %gather3A_769 = tpu.memref_slice %arg7[%select_n3A_562, %gather3A_767, %gather3A_768] : memref<2x2048x16xf32, #tpu.memory_space<vmem>> -> memref<1x2048x16xf32, #tpu.memory_space<vmem>>
        %gather3A_770 = tpu.memref_squeeze %gather3A_769 : memref<1x2048x16xf32, #tpu.memory_space<vmem>> -> memref<2048x16xf32, #tpu.memory_space<vmem>>
        %gather3A_771 = tpu.vector_load_idx %gather3A_770[%scan3A_722, %broadcast_in_dim3A_580] : memref<2048x16xf32, #tpu.memory_space<vmem>>[vector<16xi32>, vector<16xi32>], vector<16xf32>,
        %gather3A_772 = arith.constant 0 : i32
        %gather3A_773 = arith.constant 0 : i32
        %gather3A_774 = tpu.memref_slice %arg7[%select_n3A_562, %gather3A_772, %gather3A_773] : memref<2x2048x16xf32, #tpu.memory_space<vmem>> -> memref<1x2048x16xf32, #tpu.memory_space<vmem>>
        %gather3A_775 = tpu.memref_squeeze %gather3A_774 : memref<1x2048x16xf32, #tpu.memory_space<vmem>> -> memref<2048x16xf32, #tpu.memory_space<vmem>>
        %gather3A_776 = tpu.vector_load_idx %gather3A_775[%scan3A_722, %broadcast_in_dim3A_582] : memref<2048x16xf32, #tpu.memory_space<vmem>>[vector<16xi32>, vector<16xi32>], vector<16xf32>,
        %gather3A_777 = arith.constant 0 : i32
        %gather3A_778 = arith.constant 0 : i32
        %gather3A_779 = tpu.memref_slice %arg7[%select_n3A_562, %gather3A_777, %gather3A_778] : memref<2x2048x16xf32, #tpu.memory_space<vmem>> -> memref<1x2048x16xf32, #tpu.memory_space<vmem>>
        %gather3A_780 = tpu.memref_squeeze %gather3A_779 : memref<1x2048x16xf32, #tpu.memory_space<vmem>> -> memref<2048x16xf32, #tpu.memory_space<vmem>>
        %gather3A_781 = tpu.vector_load_idx %gather3A_780[%scan3A_722, %broadcast_in_dim3A_584] : memref<2048x16xf32, #tpu.memory_space<vmem>>[vector<16xi32>, vector<16xi32>], vector<16xf32>,
        %gather3A_782 = arith.constant 0 : i32
        %gather3A_783 = arith.constant 0 : i32
        %gather3A_784 = tpu.memref_slice %arg7[%select_n3A_562, %gather3A_782, %gather3A_783] : memref<2x2048x16xf32, #tpu.memory_space<vmem>> -> memref<1x2048x16xf32, #tpu.memory_space<vmem>>
        %gather3A_785 = tpu.memref_squeeze %gather3A_784 : memref<1x2048x16xf32, #tpu.memory_space<vmem>> -> memref<2048x16xf32, #tpu.memory_space<vmem>>
        %gather3A_786 = tpu.vector_load_idx %gather3A_785[%scan3A_722, %broadcast_in_dim3A_586] : memref<2048x16xf32, #tpu.memory_space<vmem>>[vector<16xi32>, vector<16xi32>], vector<16xf32>,
        %gather3A_787 = arith.constant 0 : i32
        %gather3A_788 = arith.constant 0 : i32
        %gather3A_789 = tpu.memref_slice %arg7[%select_n3A_562, %gather3A_787, %gather3A_788] : memref<2x2048x16xf32, #tpu.memory_space<vmem>> -> memref<1x2048x16xf32, #tpu.memory_space<vmem>>
        %gather3A_790 = tpu.memref_squeeze %gather3A_789 : memref<1x2048x16xf32, #tpu.memory_space<vmem>> -> memref<2048x16xf32, #tpu.memory_space<vmem>>
        %gather3A_791 = tpu.vector_load_idx %gather3A_790[%scan3A_722, %broadcast_in_dim3A_588] : memref<2048x16xf32, #tpu.memory_space<vmem>>[vector<16xi32>, vector<16xi32>], vector<16xf32>,
        %gather3A_792 = arith.constant 0 : i32
        %gather3A_793 = arith.constant 0 : i32
        %gather3A_794 = tpu.memref_slice %arg7[%select_n3A_562, %gather3A_792, %gather3A_793] : memref<2x2048x16xf32, #tpu.memory_space<vmem>> -> memref<1x2048x16xf32, #tpu.memory_space<vmem>>
        %gather3A_795 = tpu.memref_squeeze %gather3A_794 : memref<1x2048x16xf32, #tpu.memory_space<vmem>> -> memref<2048x16xf32, #tpu.memory_space<vmem>>
        %gather3A_796 = tpu.vector_load_idx %gather3A_795[%scan3A_722, %broadcast_in_dim3A_590] : memref<2048x16xf32, #tpu.memory_space<vmem>>[vector<16xi32>, vector<16xi32>], vector<16xf32>,
        %gather3A_797 = arith.constant 0 : i32
        %gather3A_798 = arith.constant 0 : i32
        %gather3A_799 = tpu.memref_slice %arg7[%select_n3A_562, %gather3A_797, %gather3A_798] : memref<2x2048x16xf32, #tpu.memory_space<vmem>> -> memref<1x2048x16xf32, #tpu.memory_space<vmem>>
        %gather3A_800 = tpu.memref_squeeze %gather3A_799 : memref<1x2048x16xf32, #tpu.memory_space<vmem>> -> memref<2048x16xf32, #tpu.memory_space<vmem>>
        %gather3A_801 = tpu.vector_load_idx %gather3A_800[%scan3A_722, %broadcast_in_dim3A_592] : memref<2048x16xf32, #tpu.memory_space<vmem>>[vector<16xi32>, vector<16xi32>], vector<16xf32>,
        %gather3A_802 = arith.constant 0 : i32
        %gather3A_803 = arith.constant 0 : i32
        %gather3A_804 = tpu.memref_slice %arg7[%select_n3A_562, %gather3A_802, %gather3A_803] : memref<2x2048x16xf32, #tpu.memory_space<vmem>> -> memref<1x2048x16xf32, #tpu.memory_space<vmem>>
        %gather3A_805 = tpu.memref_squeeze %gather3A_804 : memref<1x2048x16xf32, #tpu.memory_space<vmem>> -> memref<2048x16xf32, #tpu.memory_space<vmem>>
        %gather3A_806 = tpu.vector_load_idx %gather3A_805[%scan3A_722, %broadcast_in_dim3A_594] : memref<2048x16xf32, #tpu.memory_space<vmem>>[vector<16xi32>, vector<16xi32>], vector<16xf32>,
        %gather3A_807 = arith.constant 0 : i32
        %gather3A_808 = arith.constant 0 : i32
        %gather3A_809 = tpu.memref_slice %arg7[%select_n3A_562, %gather3A_807, %gather3A_808] : memref<2x2048x16xf32, #tpu.memory_space<vmem>> -> memref<1x2048x16xf32, #tpu.memory_space<vmem>>
        %gather3A_810 = tpu.memref_squeeze %gather3A_809 : memref<1x2048x16xf32, #tpu.memory_space<vmem>> -> memref<2048x16xf32, #tpu.memory_space<vmem>>
        %gather3A_811 = tpu.vector_load_idx %gather3A_810[%scan3A_722, %broadcast_in_dim3A_596] : memref<2048x16xf32, #tpu.memory_space<vmem>>[vector<16xi32>, vector<16xi32>], vector<16xf32>,
        %gather3A_812 = arith.constant 0 : i32
        %gather3A_813 = arith.constant 0 : i32
        %gather3A_814 = tpu.memref_slice %arg7[%select_n3A_562, %gather3A_812, %gather3A_813] : memref<2x2048x16xf32, #tpu.memory_space<vmem>> -> memref<1x2048x16xf32, #tpu.memory_space<vmem>>
        %gather3A_815 = tpu.memref_squeeze %gather3A_814 : memref<1x2048x16xf32, #tpu.memory_space<vmem>> -> memref<2048x16xf32, #tpu.memory_space<vmem>>
        %gather3A_816 = tpu.vector_load_idx %gather3A_815[%scan3A_722, %broadcast_in_dim3A_598] : memref<2048x16xf32, #tpu.memory_space<vmem>>[vector<16xi32>, vector<16xi32>], vector<16xf32>,
        %gather3A_817 = arith.constant 0 : i32
        %gather3A_818 = arith.constant 0 : i32
        %gather3A_819 = tpu.memref_slice %arg7[%select_n3A_562, %gather3A_817, %gather3A_818] : memref<2x2048x16xf32, #tpu.memory_space<vmem>> -> memref<1x2048x16xf32, #tpu.memory_space<vmem>>
        %gather3A_820 = tpu.memref_squeeze %gather3A_819 : memref<1x2048x16xf32, #tpu.memory_space<vmem>> -> memref<2048x16xf32, #tpu.memory_space<vmem>>
        %gather3A_821 = tpu.vector_load_idx %gather3A_820[%scan3A_722, %broadcast_in_dim3A_600] : memref<2048x16xf32, #tpu.memory_space<vmem>>[vector<16xi32>, vector<16xi32>], vector<16xf32>,
        %gather3A_822 = arith.constant 0 : i32
        %gather3A_823 = arith.constant 0 : i32
        %gather3A_824 = tpu.memref_slice %arg7[%select_n3A_562, %gather3A_822, %gather3A_823] : memref<2x2048x16xf32, #tpu.memory_space<vmem>> -> memref<1x2048x16xf32, #tpu.memory_space<vmem>>
        %gather3A_825 = tpu.memref_squeeze %gather3A_824 : memref<1x2048x16xf32, #tpu.memory_space<vmem>> -> memref<2048x16xf32, #tpu.memory_space<vmem>>
        %gather3A_826 = tpu.vector_load_idx %gather3A_825[%scan3A_722, %broadcast_in_dim3A_602] : memref<2048x16xf32, #tpu.memory_space<vmem>>[vector<16xi32>, vector<16xi32>], vector<16xf32>,
        %gather3A_827 = arith.constant 0 : i32
        %gather3A_828 = arith.constant 0 : i32
        %gather3A_829 = tpu.memref_slice %arg7[%select_n3A_562, %gather3A_827, %gather3A_828] : memref<2x2048x16xf32, #tpu.memory_space<vmem>> -> memref<1x2048x16xf32, #tpu.memory_space<vmem>>
        %gather3A_830 = tpu.memref_squeeze %gather3A_829 : memref<1x2048x16xf32, #tpu.memory_space<vmem>> -> memref<2048x16xf32, #tpu.memory_space<vmem>>
        %gather3A_831 = tpu.vector_load_idx %gather3A_830[%scan3A_722, %broadcast_in_dim3A_604] : memref<2048x16xf32, #tpu.memory_space<vmem>>[vector<16xi32>, vector<16xi32>], vector<16xf32>,
        %gather3A_832 = arith.constant 0 : i32
        %gather3A_833 = arith.constant 0 : i32
        %gather3A_834 = tpu.memref_slice %arg7[%select_n3A_562, %gather3A_832, %gather3A_833] : memref<2x2048x16xf32, #tpu.memory_space<vmem>> -> memref<1x2048x16xf32, #tpu.memory_space<vmem>>
        %gather3A_835 = tpu.memref_squeeze %gather3A_834 : memref<1x2048x16xf32, #tpu.memory_space<vmem>> -> memref<2048x16xf32, #tpu.memory_space<vmem>>
        %gather3A_836 = tpu.vector_load_idx %gather3A_835[%scan3A_722, %broadcast_in_dim3A_606] : memref<2048x16xf32, #tpu.memory_space<vmem>>[vector<16xi32>, vector<16xi32>], vector<16xf32>,
        %gather3A_837 = arith.constant 0 : i32
        %gather3A_838 = arith.constant 0 : i32
        %gather3A_839 = tpu.memref_slice %arg7[%select_n3A_562, %gather3A_837, %gather3A_838] : memref<2x2048x16xf32, #tpu.memory_space<vmem>> -> memref<1x2048x16xf32, #tpu.memory_space<vmem>>
        %gather3A_840 = tpu.memref_squeeze %gather3A_839 : memref<1x2048x16xf32, #tpu.memory_space<vmem>> -> memref<2048x16xf32, #tpu.memory_space<vmem>>
        %gather3A_841 = tpu.vector_load_idx %gather3A_840[%scan3A_722, %broadcast_in_dim3A_608] : memref<2048x16xf32, #tpu.memory_space<vmem>>[vector<16xi32>, vector<16xi32>], vector<16xf32>,
        %mul3A_842 = arith.constant 16 : i32
        %mul3A_843 = arith.muli %select_n3A_762, %mul3A_842 : i32
        %swap3A = arith.constant 0 : i32
        %swap3A_844 = arith.constant 0 : i32
        %swap3A_845 = arith.index_cast %swap3A : i32 to index
        %swap3A_846 = arith.index_cast %select_n3A_746 : i32 to index
        %swap3A_847 = arith.index_cast %swap3A_844 : i32 to index
        %swap3A_848 = arith.index_cast %mul3A_843 : i32 to index
        %swap3A_849 = tpu.vector_load %arg8[%swap3A_845, %swap3A_846, %swap3A_847, %swap3A_848] {strides = array<i32>} : memref<2x16x8x128xf32, #tpu.memory_space<vmem>>, vector<16xf32>,
        tpu.vector_store %arg8[%swap3A_845, %swap3A_846, %swap3A_847, %swap3A_848], %gather3A_766 {strides = array<i32>} : memref<2x16x8x128xf32, #tpu.memory_space<vmem>>, vector<16xf32>,
        %mul3A_850 = arith.constant 16 : i32
        %mul3A_851 = arith.muli %select_n3A_762, %mul3A_850 : i32
        %swap3A_852 = arith.constant 0 : i32
        %swap3A_853 = arith.constant 1 : i32
        %swap3A_854 = arith.index_cast %swap3A_852 : i32 to index
        %swap3A_855 = arith.index_cast %select_n3A_746 : i32 to index
        %swap3A_856 = arith.index_cast %swap3A_853 : i32 to index
        %swap3A_857 = arith.index_cast %mul3A_851 : i32 to index
        %swap3A_858 = tpu.vector_load %arg8[%swap3A_854, %swap3A_855, %swap3A_856, %swap3A_857] {strides = array<i32>} : memref<2x16x8x128xf32, #tpu.memory_space<vmem>>, vector<16xf32>,
        tpu.vector_store %arg8[%swap3A_854, %swap3A_855, %swap3A_856, %swap3A_857], %gather3A_771 {strides = array<i32>} : memref<2x16x8x128xf32, #tpu.memory_space<vmem>>, vector<16xf32>,
        %mul3A_859 = arith.constant 16 : i32
        %mul3A_860 = arith.muli %select_n3A_762, %mul3A_859 : i32
        %swap3A_861 = arith.constant 0 : i32
        %swap3A_862 = arith.constant 2 : i32
        %swap3A_863 = arith.index_cast %swap3A_861 : i32 to index
        %swap3A_864 = arith.index_cast %select_n3A_746 : i32 to index
        %swap3A_865 = arith.index_cast %swap3A_862 : i32 to index
        %swap3A_866 = arith.index_cast %mul3A_860 : i32 to index
        %swap3A_867 = tpu.vector_load %arg8[%swap3A_863, %swap3A_864, %swap3A_865, %swap3A_866] {strides = array<i32>} : memref<2x16x8x128xf32, #tpu.memory_space<vmem>>, vector<16xf32>,
        tpu.vector_store %arg8[%swap3A_863, %swap3A_864, %swap3A_865, %swap3A_866], %gather3A_776 {strides = array<i32>} : memref<2x16x8x128xf32, #tpu.memory_space<vmem>>, vector<16xf32>,
        %mul3A_868 = arith.constant 16 : i32
        %mul3A_869 = arith.muli %select_n3A_762, %mul3A_868 : i32
        %swap3A_870 = arith.constant 0 : i32
        %swap3A_871 = arith.constant 3 : i32
        %swap3A_872 = arith.index_cast %swap3A_870 : i32 to index
        %swap3A_873 = arith.index_cast %select_n3A_746 : i32 to index
        %swap3A_874 = arith.index_cast %swap3A_871 : i32 to index
        %swap3A_875 = arith.index_cast %mul3A_869 : i32 to index
        %swap3A_876 = tpu.vector_load %arg8[%swap3A_872, %swap3A_873, %swap3A_874, %swap3A_875] {strides = array<i32>} : memref<2x16x8x128xf32, #tpu.memory_space<vmem>>, vector<16xf32>,
        tpu.vector_store %arg8[%swap3A_872, %swap3A_873, %swap3A_874, %swap3A_875], %gather3A_781 {strides = array<i32>} : memref<2x16x8x128xf32, #tpu.memory_space<vmem>>, vector<16xf32>,
        %mul3A_877 = arith.constant 16 : i32
        %mul3A_878 = arith.muli %select_n3A_762, %mul3A_877 : i32
        %swap3A_879 = arith.constant 0 : i32
        %swap3A_880 = arith.constant 4 : i32
        %swap3A_881 = arith.index_cast %swap3A_879 : i32 to index
        %swap3A_882 = arith.index_cast %select_n3A_746 : i32 to index
        %swap3A_883 = arith.index_cast %swap3A_880 : i32 to index
        %swap3A_884 = arith.index_cast %mul3A_878 : i32 to index
        %swap3A_885 = tpu.vector_load %arg8[%swap3A_881, %swap3A_882, %swap3A_883, %swap3A_884] {strides = array<i32>} : memref<2x16x8x128xf32, #tpu.memory_space<vmem>>, vector<16xf32>,
        tpu.vector_store %arg8[%swap3A_881, %swap3A_882, %swap3A_883, %swap3A_884], %gather3A_786 {strides = array<i32>} : memref<2x16x8x128xf32, #tpu.memory_space<vmem>>, vector<16xf32>,
        %mul3A_886 = arith.constant 16 : i32
        %mul3A_887 = arith.muli %select_n3A_762, %mul3A_886 : i32
        %swap3A_888 = arith.constant 0 : i32
        %swap3A_889 = arith.constant 5 : i32
        %swap3A_890 = arith.index_cast %swap3A_888 : i32 to index
        %swap3A_891 = arith.index_cast %select_n3A_746 : i32 to index
        %swap3A_892 = arith.index_cast %swap3A_889 : i32 to index
        %swap3A_893 = arith.index_cast %mul3A_887 : i32 to index
        %swap3A_894 = tpu.vector_load %arg8[%swap3A_890, %swap3A_891, %swap3A_892, %swap3A_893] {strides = array<i32>} : memref<2x16x8x128xf32, #tpu.memory_space<vmem>>, vector<16xf32>,
        tpu.vector_store %arg8[%swap3A_890, %swap3A_891, %swap3A_892, %swap3A_893], %gather3A_791 {strides = array<i32>} : memref<2x16x8x128xf32, #tpu.memory_space<vmem>>, vector<16xf32>,
        %mul3A_895 = arith.constant 16 : i32
        %mul3A_896 = arith.muli %select_n3A_762, %mul3A_895 : i32
        %swap3A_897 = arith.constant 0 : i32
        %swap3A_898 = arith.constant 6 : i32
        %swap3A_899 = arith.index_cast %swap3A_897 : i32 to index
        %swap3A_900 = arith.index_cast %select_n3A_746 : i32 to index
        %swap3A_901 = arith.index_cast %swap3A_898 : i32 to index
        %swap3A_902 = arith.index_cast %mul3A_896 : i32 to index
        %swap3A_903 = tpu.vector_load %arg8[%swap3A_899, %swap3A_900, %swap3A_901, %swap3A_902] {strides = array<i32>} : memref<2x16x8x128xf32, #tpu.memory_space<vmem>>, vector<16xf32>,
        tpu.vector_store %arg8[%swap3A_899, %swap3A_900, %swap3A_901, %swap3A_902], %gather3A_796 {strides = array<i32>} : memref<2x16x8x128xf32, #tpu.memory_space<vmem>>, vector<16xf32>,
        %mul3A_904 = arith.constant 16 : i32
        %mul3A_905 = arith.muli %select_n3A_762, %mul3A_904 : i32
        %swap3A_906 = arith.constant 0 : i32
        %swap3A_907 = arith.constant 7 : i32
        %swap3A_908 = arith.index_cast %swap3A_906 : i32 to index
        %swap3A_909 = arith.index_cast %select_n3A_746 : i32 to index
        %swap3A_910 = arith.index_cast %swap3A_907 : i32 to index
        %swap3A_911 = arith.index_cast %mul3A_905 : i32 to index
        %swap3A_912 = tpu.vector_load %arg8[%swap3A_908, %swap3A_909, %swap3A_910, %swap3A_911] {strides = array<i32>} : memref<2x16x8x128xf32, #tpu.memory_space<vmem>>, vector<16xf32>,
        tpu.vector_store %arg8[%swap3A_908, %swap3A_909, %swap3A_910, %swap3A_911], %gather3A_801 {strides = array<i32>} : memref<2x16x8x128xf32, #tpu.memory_space<vmem>>, vector<16xf32>,
        %mul3A_913 = arith.constant 16 : i32
        %mul3A_914 = arith.muli %select_n3A_762, %mul3A_913 : i32
        %swap3A_915 = arith.constant 1 : i32
        %swap3A_916 = arith.constant 0 : i32
        %swap3A_917 = arith.index_cast %swap3A_915 : i32 to index
        %swap3A_918 = arith.index_cast %select_n3A_746 : i32 to index
        %swap3A_919 = arith.index_cast %swap3A_916 : i32 to index
        %swap3A_920 = arith.index_cast %mul3A_914 : i32 to index
        %swap3A_921 = tpu.vector_load %arg8[%swap3A_917, %swap3A_918, %swap3A_919, %swap3A_920] {strides = array<i32>} : memref<2x16x8x128xf32, #tpu.memory_space<vmem>>, vector<16xf32>,
        tpu.vector_store %arg8[%swap3A_917, %swap3A_918, %swap3A_919, %swap3A_920], %gather3A_806 {strides = array<i32>} : memref<2x16x8x128xf32, #tpu.memory_space<vmem>>, vector<16xf32>,
        %mul3A_922 = arith.constant 16 : i32
        %mul3A_923 = arith.muli %select_n3A_762, %mul3A_922 : i32
        %swap3A_924 = arith.constant 1 : i32
        %swap3A_925 = arith.constant 1 : i32
        %swap3A_926 = arith.index_cast %swap3A_924 : i32 to index
        %swap3A_927 = arith.index_cast %select_n3A_746 : i32 to index
        %swap3A_928 = arith.index_cast %swap3A_925 : i32 to index
        %swap3A_929 = arith.index_cast %mul3A_923 : i32 to index
        %swap3A_930 = tpu.vector_load %arg8[%swap3A_926, %swap3A_927, %swap3A_928, %swap3A_929] {strides = array<i32>} : memref<2x16x8x128xf32, #tpu.memory_space<vmem>>, vector<16xf32>,
        tpu.vector_store %arg8[%swap3A_926, %swap3A_927, %swap3A_928, %swap3A_929], %gather3A_811 {strides = array<i32>} : memref<2x16x8x128xf32, #tpu.memory_space<vmem>>, vector<16xf32>,
        %mul3A_931 = arith.constant 16 : i32
        %mul3A_932 = arith.muli %select_n3A_762, %mul3A_931 : i32
        %swap3A_933 = arith.constant 1 : i32
        %swap3A_934 = arith.constant 2 : i32
        %swap3A_935 = arith.index_cast %swap3A_933 : i32 to index
        %swap3A_936 = arith.index_cast %select_n3A_746 : i32 to index
        %swap3A_937 = arith.index_cast %swap3A_934 : i32 to index
        %swap3A_938 = arith.index_cast %mul3A_932 : i32 to index
        %swap3A_939 = tpu.vector_load %arg8[%swap3A_935, %swap3A_936, %swap3A_937, %swap3A_938] {strides = array<i32>} : memref<2x16x8x128xf32, #tpu.memory_space<vmem>>, vector<16xf32>,
        tpu.vector_store %arg8[%swap3A_935, %swap3A_936, %swap3A_937, %swap3A_938], %gather3A_816 {strides = array<i32>} : memref<2x16x8x128xf32, #tpu.memory_space<vmem>>, vector<16xf32>,
        %mul3A_940 = arith.constant 16 : i32
        %mul3A_941 = arith.muli %select_n3A_762, %mul3A_940 : i32
        %swap3A_942 = arith.constant 1 : i32
        %swap3A_943 = arith.constant 3 : i32
        %swap3A_944 = arith.index_cast %swap3A_942 : i32 to index
        %swap3A_945 = arith.index_cast %select_n3A_746 : i32 to index
        %swap3A_946 = arith.index_cast %swap3A_943 : i32 to index
        %swap3A_947 = arith.index_cast %mul3A_941 : i32 to index
        %swap3A_948 = tpu.vector_load %arg8[%swap3A_944, %swap3A_945, %swap3A_946, %swap3A_947] {strides = array<i32>} : memref<2x16x8x128xf32, #tpu.memory_space<vmem>>, vector<16xf32>,
        tpu.vector_store %arg8[%swap3A_944, %swap3A_945, %swap3A_946, %swap3A_947], %gather3A_821 {strides = array<i32>} : memref<2x16x8x128xf32, #tpu.memory_space<vmem>>, vector<16xf32>,
        %mul3A_949 = arith.constant 16 : i32
        %mul3A_950 = arith.muli %select_n3A_762, %mul3A_949 : i32
        %swap3A_951 = arith.constant 1 : i32
        %swap3A_952 = arith.constant 4 : i32
        %swap3A_953 = arith.index_cast %swap3A_951 : i32 to index
        %swap3A_954 = arith.index_cast %select_n3A_746 : i32 to index
        %swap3A_955 = arith.index_cast %swap3A_952 : i32 to index
        %swap3A_956 = arith.index_cast %mul3A_950 : i32 to index
        %swap3A_957 = tpu.vector_load %arg8[%swap3A_953, %swap3A_954, %swap3A_955, %swap3A_956] {strides = array<i32>} : memref<2x16x8x128xf32, #tpu.memory_space<vmem>>, vector<16xf32>,
        tpu.vector_store %arg8[%swap3A_953, %swap3A_954, %swap3A_955, %swap3A_956], %gather3A_826 {strides = array<i32>} : memref<2x16x8x128xf32, #tpu.memory_space<vmem>>, vector<16xf32>,
        %mul3A_958 = arith.constant 16 : i32
        %mul3A_959 = arith.muli %select_n3A_762, %mul3A_958 : i32
        %swap3A_960 = arith.constant 1 : i32
        %swap3A_961 = arith.constant 5 : i32
        %swap3A_962 = arith.index_cast %swap3A_960 : i32 to index
        %swap3A_963 = arith.index_cast %select_n3A_746 : i32 to index
        %swap3A_964 = arith.index_cast %swap3A_961 : i32 to index
        %swap3A_965 = arith.index_cast %mul3A_959 : i32 to index
        %swap3A_966 = tpu.vector_load %arg8[%swap3A_962, %swap3A_963, %swap3A_964, %swap3A_965] {strides = array<i32>} : memref<2x16x8x128xf32, #tpu.memory_space<vmem>>, vector<16xf32>,
        tpu.vector_store %arg8[%swap3A_962, %swap3A_963, %swap3A_964, %swap3A_965], %gather3A_831 {strides = array<i32>} : memref<2x16x8x128xf32, #tpu.memory_space<vmem>>, vector<16xf32>,
        %mul3A_967 = arith.constant 16 : i32
        %mul3A_968 = arith.muli %select_n3A_762, %mul3A_967 : i32
        %swap3A_969 = arith.constant 1 : i32
        %swap3A_970 = arith.constant 6 : i32
        %swap3A_971 = arith.index_cast %swap3A_969 : i32 to index
        %swap3A_972 = arith.index_cast %select_n3A_746 : i32 to index
        %swap3A_973 = arith.index_cast %swap3A_970 : i32 to index
        %swap3A_974 = arith.index_cast %mul3A_968 : i32 to index
        %swap3A_975 = tpu.vector_load %arg8[%swap3A_971, %swap3A_972, %swap3A_973, %swap3A_974] {strides = array<i32>} : memref<2x16x8x128xf32, #tpu.memory_space<vmem>>, vector<16xf32>,
        tpu.vector_store %arg8[%swap3A_971, %swap3A_972, %swap3A_973, %swap3A_974], %gather3A_836 {strides = array<i32>} : memref<2x16x8x128xf32, #tpu.memory_space<vmem>>, vector<16xf32>,
        %mul3A_976 = arith.constant 16 : i32
        %mul3A_977 = arith.muli %select_n3A_762, %mul3A_976 : i32
        %swap3A_978 = arith.constant 1 : i32
        %swap3A_979 = arith.constant 7 : i32
        %swap3A_980 = arith.index_cast %swap3A_978 : i32 to index
        %swap3A_981 = arith.index_cast %select_n3A_746 : i32 to index
        %swap3A_982 = arith.index_cast %swap3A_979 : i32 to index
        %swap3A_983 = arith.index_cast %mul3A_977 : i32 to index
        %swap3A_984 = tpu.vector_load %arg8[%swap3A_980, %swap3A_981, %swap3A_982, %swap3A_983] {strides = array<i32>} : memref<2x16x8x128xf32, #tpu.memory_space<vmem>>, vector<16xf32>,
        tpu.vector_store %arg8[%swap3A_980, %swap3A_981, %swap3A_982, %swap3A_983], %gather3A_841 {strides = array<i32>} : memref<2x16x8x128xf32, #tpu.memory_space<vmem>>, vector<16xf32>,
        %add3A_985 = arith.constant 16 : i32
        %add3A_986 = vector.broadcast %add3A_985 : i32 to vector<16xi32>
        %add3A_987 = arith.addi %scan3A_722, %add3A_986 : vector<16xi32>
        %scan3A_988 = arith.constant 1 : i32
        %scan3A_989 = arith.addi %scan3A_721, %scan3A_988 : i32
        %jit3A_990 = arith.constant 8 : i32
        %div3A_991 = arith.divsi %scan3A_989, %jit3A_990 : i32
        %sign3A_992 = arith.constant 0 : i32
        %sign3A_993 = arith.cmpi sgt, %scan3A_989, %sign3A_992 : i32
        %sign3A_994 = arith.extui %sign3A_993 : i1 to i32
        %sign3A_995 = arith.constant 0 : i32
        %sign3A_996 = arith.cmpi slt, %scan3A_989, %sign3A_995 : i32
        %sign3A_997 = arith.extui %sign3A_996 : i1 to i32
        %sign3A_998 = arith.subi %sign3A_994, %sign3A_997 : i32
        %sign3A_999 = arith.constant 0 : i32
        %sign3A_1000 = arith.cmpi sgt, %jit3A_990, %sign3A_999 : i32
        %sign3A_1001 = arith.extui %sign3A_1000 : i1 to i32
        %sign3A_1002 = arith.constant 0 : i32
        %sign3A_1003 = arith.cmpi slt, %jit3A_990, %sign3A_1002 : i32
        %sign3A_1004 = arith.extui %sign3A_1003 : i1 to i32
        %sign3A_1005 = arith.subi %sign3A_1001, %sign3A_1004 : i32
        %ne3A_1006 = arith.cmpi ne, %sign3A_998, %sign3A_1005 : i32
        %rem3A_1007 = arith.remsi %scan3A_989, %jit3A_990 : i32
        %ne3A_1008 = arith.constant 0 : i32
        %ne3A_1009 = arith.cmpi ne, %rem3A_1007, %ne3A_1008 : i32
        %and3A_1010 = arith.andi %ne3A_1006, %ne3A_1009 : i1
        %sub3A_1011 = arith.constant 1 : i32
        %sub3A_1012 = arith.subi %div3A_991, %sub3A_1011 : i32
        %select_n3A_1013 = arith.select %and3A_1010, %sub3A_1012, %div3A_991 : i32
        %jit3A_1014 = arith.constant 8 : i32
        %eq3A_1015 = arith.constant 0 : i32
        %eq3A_1016 = arith.cmpi eq, %jit3A_1014, %eq3A_1015 : i32
        %jit3A_1017 = arith.constant 1 : i32
        %select_n3A_1018 = arith.select %eq3A_1016, %jit3A_1017, %jit3A_1014 : i32
        %rem3A_1019 = arith.remsi %scan3A_989, %select_n3A_1018 : i32
        %ne3A_1020 = arith.constant 0 : i32
        %ne3A_1021 = arith.cmpi ne, %rem3A_1019, %ne3A_1020 : i32
        %lt3A_1022 = arith.constant 0 : i32
        %lt3A_1023 = arith.cmpi slt, %rem3A_1019, %lt3A_1022 : i32
        %lt3A_1024 = arith.constant 0 : i32
        %lt3A_1025 = arith.cmpi slt, %select_n3A_1018, %lt3A_1024 : i32
        %ne3A_1026 = arith.xori %lt3A_1023, %lt3A_1025 : i1
        %and3A_1027 = arith.andi %ne3A_1026, %ne3A_1021 : i1
        %add3A_1028 = arith.addi %rem3A_1019, %select_n3A_1018 : i32
        %select_n3A_1029 = arith.select %and3A_1027, %add3A_1028, %rem3A_1019 : i32
        %gather3A_1030 = arith.constant 0 : i32
        %gather3A_1031 = arith.constant 0 : i32
        %gather3A_1032 = tpu.memref_slice %arg7[%select_n3A_562, %gather3A_1030, %gather3A_1031] : memref<2x2048x16xf32, #tpu.memory_space<vmem>> -> memref<1x2048x16xf32, #tpu.memory_space<vmem>>
        %gather3A_1033 = tpu.memref_squeeze %gather3A_1032 : memref<1x2048x16xf32, #tpu.memory_space<vmem>> -> memref<2048x16xf32, #tpu.memory_space<vmem>>
        %gather3A_1034 = tpu.vector_load_idx %gather3A_1033[%add3A_987, %broadcast_in_dim3A_578] : memref<2048x16xf32, #tpu.memory_space<vmem>>[vector<16xi32>, vector<16xi32>], vector<16xf32>,
        %gather3A_1035 = arith.constant 0 : i32
        %gather3A_1036 = arith.constant 0 : i32
        %gather3A_1037 = tpu.memref_slice %arg7[%select_n3A_562, %gather3A_1035, %gather3A_1036] : memref<2x2048x16xf32, #tpu.memory_space<vmem>> -> memref<1x2048x16xf32, #tpu.memory_space<vmem>>
        %gather3A_1038 = tpu.memref_squeeze %gather3A_1037 : memref<1x2048x16xf32, #tpu.memory_space<vmem>> -> memref<2048x16xf32, #tpu.memory_space<vmem>>
        %gather3A_1039 = tpu.vector_load_idx %gather3A_1038[%add3A_987, %broadcast_in_dim3A_580] : memref<2048x16xf32, #tpu.memory_space<vmem>>[vector<16xi32>, vector<16xi32>], vector<16xf32>,
        %gather3A_1040 = arith.constant 0 : i32
        %gather3A_1041 = arith.constant 0 : i32
        %gather3A_1042 = tpu.memref_slice %arg7[%select_n3A_562, %gather3A_1040, %gather3A_1041] : memref<2x2048x16xf32, #tpu.memory_space<vmem>> -> memref<1x2048x16xf32, #tpu.memory_space<vmem>>
        %gather3A_1043 = tpu.memref_squeeze %gather3A_1042 : memref<1x2048x16xf32, #tpu.memory_space<vmem>> -> memref<2048x16xf32, #tpu.memory_space<vmem>>
        %gather3A_1044 = tpu.vector_load_idx %gather3A_1043[%add3A_987, %broadcast_in_dim3A_582] : memref<2048x16xf32, #tpu.memory_space<vmem>>[vector<16xi32>, vector<16xi32>], vector<16xf32>,
        %gather3A_1045 = arith.constant 0 : i32
        %gather3A_1046 = arith.constant 0 : i32
        %gather3A_1047 = tpu.memref_slice %arg7[%select_n3A_562, %gather3A_1045, %gather3A_1046] : memref<2x2048x16xf32, #tpu.memory_space<vmem>> -> memref<1x2048x16xf32, #tpu.memory_space<vmem>>
        %gather3A_1048 = tpu.memref_squeeze %gather3A_1047 : memref<1x2048x16xf32, #tpu.memory_space<vmem>> -> memref<2048x16xf32, #tpu.memory_space<vmem>>
        %gather3A_1049 = tpu.vector_load_idx %gather3A_1048[%add3A_987, %broadcast_in_dim3A_584] : memref<2048x16xf32, #tpu.memory_space<vmem>>[vector<16xi32>, vector<16xi32>], vector<16xf32>,
        %gather3A_1050 = arith.constant 0 : i32
        %gather3A_1051 = arith.constant 0 : i32
        %gather3A_1052 = tpu.memref_slice %arg7[%select_n3A_562, %gather3A_1050, %gather3A_1051] : memref<2x2048x16xf32, #tpu.memory_space<vmem>> -> memref<1x2048x16xf32, #tpu.memory_space<vmem>>
        %gather3A_1053 = tpu.memref_squeeze %gather3A_1052 : memref<1x2048x16xf32, #tpu.memory_space<vmem>> -> memref<2048x16xf32, #tpu.memory_space<vmem>>
        %gather3A_1054 = tpu.vector_load_idx %gather3A_1053[%add3A_987, %broadcast_in_dim3A_586] : memref<2048x16xf32, #tpu.memory_space<vmem>>[vector<16xi32>, vector<16xi32>], vector<16xf32>,
        %gather3A_1055 = arith.constant 0 : i32
        %gather3A_1056 = arith.constant 0 : i32
        %gather3A_1057 = tpu.memref_slice %arg7[%select_n3A_562, %gather3A_1055, %gather3A_1056] : memref<2x2048x16xf32, #tpu.memory_space<vmem>> -> memref<1x2048x16xf32, #tpu.memory_space<vmem>>
        %gather3A_1058 = tpu.memref_squeeze %gather3A_1057 : memref<1x2048x16xf32, #tpu.memory_space<vmem>> -> memref<2048x16xf32, #tpu.memory_space<vmem>>
        %gather3A_1059 = tpu.vector_load_idx %gather3A_1058[%add3A_987, %broadcast_in_dim3A_588] : memref<2048x16xf32, #tpu.memory_space<vmem>>[vector<16xi32>, vector<16xi32>], vector<16xf32>,
        %gather3A_1060 = arith.constant 0 : i32
        %gather3A_1061 = arith.constant 0 : i32
        %gather3A_1062 = tpu.memref_slice %arg7[%select_n3A_562, %gather3A_1060, %gather3A_1061] : memref<2x2048x16xf32, #tpu.memory_space<vmem>> -> memref<1x2048x16xf32, #tpu.memory_space<vmem>>
        %gather3A_1063 = tpu.memref_squeeze %gather3A_1062 : memref<1x2048x16xf32, #tpu.memory_space<vmem>> -> memref<2048x16xf32, #tpu.memory_space<vmem>>
        %gather3A_1064 = tpu.vector_load_idx %gather3A_1063[%add3A_987, %broadcast_in_dim3A_590] : memref<2048x16xf32, #tpu.memory_space<vmem>>[vector<16xi32>, vector<16xi32>], vector<16xf32>,
        %gather3A_1065 = arith.constant 0 : i32
        %gather3A_1066 = arith.constant 0 : i32
        %gather3A_1067 = tpu.memref_slice %arg7[%select_n3A_562, %gather3A_1065, %gather3A_1066] : memref<2x2048x16xf32, #tpu.memory_space<vmem>> -> memref<1x2048x16xf32, #tpu.memory_space<vmem>>
        %gather3A_1068 = tpu.memref_squeeze %gather3A_1067 : memref<1x2048x16xf32, #tpu.memory_space<vmem>> -> memref<2048x16xf32, #tpu.memory_space<vmem>>
        %gather3A_1069 = tpu.vector_load_idx %gather3A_1068[%add3A_987, %broadcast_in_dim3A_592] : memref<2048x16xf32, #tpu.memory_space<vmem>>[vector<16xi32>, vector<16xi32>], vector<16xf32>,
        %gather3A_1070 = arith.constant 0 : i32
        %gather3A_1071 = arith.constant 0 : i32
        %gather3A_1072 = tpu.memref_slice %arg7[%select_n3A_562, %gather3A_1070, %gather3A_1071] : memref<2x2048x16xf32, #tpu.memory_space<vmem>> -> memref<1x2048x16xf32, #tpu.memory_space<vmem>>
        %gather3A_1073 = tpu.memref_squeeze %gather3A_1072 : memref<1x2048x16xf32, #tpu.memory_space<vmem>> -> memref<2048x16xf32, #tpu.memory_space<vmem>>
        %gather3A_1074 = tpu.vector_load_idx %gather3A_1073[%add3A_987, %broadcast_in_dim3A_594] : memref<2048x16xf32, #tpu.memory_space<vmem>>[vector<16xi32>, vector<16xi32>], vector<16xf32>,
        %gather3A_1075 = arith.constant 0 : i32
        %gather3A_1076 = arith.constant 0 : i32
        %gather3A_1077 = tpu.memref_slice %arg7[%select_n3A_562, %gather3A_1075, %gather3A_1076] : memref<2x2048x16xf32, #tpu.memory_space<vmem>> -> memref<1x2048x16xf32, #tpu.memory_space<vmem>>
        %gather3A_1078 = tpu.memref_squeeze %gather3A_1077 : memref<1x2048x16xf32, #tpu.memory_space<vmem>> -> memref<2048x16xf32, #tpu.memory_space<vmem>>
        %gather3A_1079 = tpu.vector_load_idx %gather3A_1078[%add3A_987, %broadcast_in_dim3A_596] : memref<2048x16xf32, #tpu.memory_space<vmem>>[vector<16xi32>, vector<16xi32>], vector<16xf32>,
        %gather3A_1080 = arith.constant 0 : i32
        %gather3A_1081 = arith.constant 0 : i32
        %gather3A_1082 = tpu.memref_slice %arg7[%select_n3A_562, %gather3A_1080, %gather3A_1081] : memref<2x2048x16xf32, #tpu.memory_space<vmem>> -> memref<1x2048x16xf32, #tpu.memory_space<vmem>>
        %gather3A_1083 = tpu.memref_squeeze %gather3A_1082 : memref<1x2048x16xf32, #tpu.memory_space<vmem>> -> memref<2048x16xf32, #tpu.memory_space<vmem>>
        %gather3A_1084 = tpu.vector_load_idx %gather3A_1083[%add3A_987, %broadcast_in_dim3A_598] : memref<2048x16xf32, #tpu.memory_space<vmem>>[vector<16xi32>, vector<16xi32>], vector<16xf32>,
        %gather3A_1085 = arith.constant 0 : i32
        %gather3A_1086 = arith.constant 0 : i32
        %gather3A_1087 = tpu.memref_slice %arg7[%select_n3A_562, %gather3A_1085, %gather3A_1086] : memref<2x2048x16xf32, #tpu.memory_space<vmem>> -> memref<1x2048x16xf32, #tpu.memory_space<vmem>>
        %gather3A_1088 = tpu.memref_squeeze %gather3A_1087 : memref<1x2048x16xf32, #tpu.memory_space<vmem>> -> memref<2048x16xf32, #tpu.memory_space<vmem>>
        %gather3A_1089 = tpu.vector_load_idx %gather3A_1088[%add3A_987, %broadcast_in_dim3A_600] : memref<2048x16xf32, #tpu.memory_space<vmem>>[vector<16xi32>, vector<16xi32>], vector<16xf32>,
        %gather3A_1090 = arith.constant 0 : i32
        %gather3A_1091 = arith.constant 0 : i32
        %gather3A_1092 = tpu.memref_slice %arg7[%select_n3A_562, %gather3A_1090, %gather3A_1091] : memref<2x2048x16xf32, #tpu.memory_space<vmem>> -> memref<1x2048x16xf32, #tpu.memory_space<vmem>>
        %gather3A_1093 = tpu.memref_squeeze %gather3A_1092 : memref<1x2048x16xf32, #tpu.memory_space<vmem>> -> memref<2048x16xf32, #tpu.memory_space<vmem>>
        %gather3A_1094 = tpu.vector_load_idx %gather3A_1093[%add3A_987, %broadcast_in_dim3A_602] : memref<2048x16xf32, #tpu.memory_space<vmem>>[vector<16xi32>, vector<16xi32>], vector<16xf32>,
        %gather3A_1095 = arith.constant 0 : i32
        %gather3A_1096 = arith.constant 0 : i32
        %gather3A_1097 = tpu.memref_slice %arg7[%select_n3A_562, %gather3A_1095, %gather3A_1096] : memref<2x2048x16xf32, #tpu.memory_space<vmem>> -> memref<1x2048x16xf32, #tpu.memory_space<vmem>>
        %gather3A_1098 = tpu.memref_squeeze %gather3A_1097 : memref<1x2048x16xf32, #tpu.memory_space<vmem>> -> memref<2048x16xf32, #tpu.memory_space<vmem>>
        %gather3A_1099 = tpu.vector_load_idx %gather3A_1098[%add3A_987, %broadcast_in_dim3A_604] : memref<2048x16xf32, #tpu.memory_space<vmem>>[vector<16xi32>, vector<16xi32>], vector<16xf32>,
        %gather3A_1100 = arith.constant 0 : i32
        %gather3A_1101 = arith.constant 0 : i32
        %gather3A_1102 = tpu.memref_slice %arg7[%select_n3A_562, %gather3A_1100, %gather3A_1101] : memref<2x2048x16xf32, #tpu.memory_space<vmem>> -> memref<1x2048x16xf32, #tpu.memory_space<vmem>>
        %gather3A_1103 = tpu.memref_squeeze %gather3A_1102 : memref<1x2048x16xf32, #tpu.memory_space<vmem>> -> memref<2048x16xf32, #tpu.memory_space<vmem>>
        %gather3A_1104 = tpu.vector_load_idx %gather3A_1103[%add3A_987, %broadcast_in_dim3A_606] : memref<2048x16xf32, #tpu.memory_space<vmem>>[vector<16xi32>, vector<16xi32>], vector<16xf32>,
        %gather3A_1105 = arith.constant 0 : i32
        %gather3A_1106 = arith.constant 0 : i32
        %gather3A_1107 = tpu.memref_slice %arg7[%select_n3A_562, %gather3A_1105, %gather3A_1106] : memref<2x2048x16xf32, #tpu.memory_space<vmem>> -> memref<1x2048x16xf32, #tpu.memory_space<vmem>>
        %gather3A_1108 = tpu.memref_squeeze %gather3A_1107 : memref<1x2048x16xf32, #tpu.memory_space<vmem>> -> memref<2048x16xf32, #tpu.memory_space<vmem>>
        %gather3A_1109 = tpu.vector_load_idx %gather3A_1108[%add3A_987, %broadcast_in_dim3A_608] : memref<2048x16xf32, #tpu.memory_space<vmem>>[vector<16xi32>, vector<16xi32>], vector<16xf32>,
        %mul3A_1110 = arith.constant 16 : i32
        %mul3A_1111 = arith.muli %select_n3A_1029, %mul3A_1110 : i32
        %swap3A_1112 = arith.constant 0 : i32
        %swap3A_1113 = arith.constant 0 : i32
        %swap3A_1114 = arith.index_cast %swap3A_1112 : i32 to index
        %swap3A_1115 = arith.index_cast %select_n3A_1013 : i32 to index
        %swap3A_1116 = arith.index_cast %swap3A_1113 : i32 to index
        %swap3A_1117 = arith.index_cast %mul3A_1111 : i32 to index
        %swap3A_1118 = tpu.vector_load %arg8[%swap3A_1114, %swap3A_1115, %swap3A_1116, %swap3A_1117] {strides = array<i32>} : memref<2x16x8x128xf32, #tpu.memory_space<vmem>>, vector<16xf32>,
        tpu.vector_store %arg8[%swap3A_1114, %swap3A_1115, %swap3A_1116, %swap3A_1117], %gather3A_1034 {strides = array<i32>} : memref<2x16x8x128xf32, #tpu.memory_space<vmem>>, vector<16xf32>,
        %mul3A_1119 = arith.constant 16 : i32
        %mul3A_1120 = arith.muli %select_n3A_1029, %mul3A_1119 : i32
        %swap3A_1121 = arith.constant 0 : i32
        %swap3A_1122 = arith.constant 1 : i32
        %swap3A_1123 = arith.index_cast %swap3A_1121 : i32 to index
        %swap3A_1124 = arith.index_cast %select_n3A_1013 : i32 to index
        %swap3A_1125 = arith.index_cast %swap3A_1122 : i32 to index
        %swap3A_1126 = arith.index_cast %mul3A_1120 : i32 to index
        %swap3A_1127 = tpu.vector_load %arg8[%swap3A_1123, %swap3A_1124, %swap3A_1125, %swap3A_1126] {strides = array<i32>} : memref<2x16x8x128xf32, #tpu.memory_space<vmem>>, vector<16xf32>,
        tpu.vector_store %arg8[%swap3A_1123, %swap3A_1124, %swap3A_1125, %swap3A_1126], %gather3A_1039 {strides = array<i32>} : memref<2x16x8x128xf32, #tpu.memory_space<vmem>>, vector<16xf32>,
        %mul3A_1128 = arith.constant 16 : i32
        %mul3A_1129 = arith.muli %select_n3A_1029, %mul3A_1128 : i32
        %swap3A_1130 = arith.constant 0 : i32
        %swap3A_1131 = arith.constant 2 : i32
        %swap3A_1132 = arith.index_cast %swap3A_1130 : i32 to index
        %swap3A_1133 = arith.index_cast %select_n3A_1013 : i32 to index
        %swap3A_1134 = arith.index_cast %swap3A_1131 : i32 to index
        %swap3A_1135 = arith.index_cast %mul3A_1129 : i32 to index
        %swap3A_1136 = tpu.vector_load %arg8[%swap3A_1132, %swap3A_1133, %swap3A_1134, %swap3A_1135] {strides = array<i32>} : memref<2x16x8x128xf32, #tpu.memory_space<vmem>>, vector<16xf32>,
        tpu.vector_store %arg8[%swap3A_1132, %swap3A_1133, %swap3A_1134, %swap3A_1135], %gather3A_1044 {strides = array<i32>} : memref<2x16x8x128xf32, #tpu.memory_space<vmem>>, vector<16xf32>,
        %mul3A_1137 = arith.constant 16 : i32
        %mul3A_1138 = arith.muli %select_n3A_1029, %mul3A_1137 : i32
        %swap3A_1139 = arith.constant 0 : i32
        %swap3A_1140 = arith.constant 3 : i32
        %swap3A_1141 = arith.index_cast %swap3A_1139 : i32 to index
        %swap3A_1142 = arith.index_cast %select_n3A_1013 : i32 to index
        %swap3A_1143 = arith.index_cast %swap3A_1140 : i32 to index
        %swap3A_1144 = arith.index_cast %mul3A_1138 : i32 to index
        %swap3A_1145 = tpu.vector_load %arg8[%swap3A_1141, %swap3A_1142, %swap3A_1143, %swap3A_1144] {strides = array<i32>} : memref<2x16x8x128xf32, #tpu.memory_space<vmem>>, vector<16xf32>,
        tpu.vector_store %arg8[%swap3A_1141, %swap3A_1142, %swap3A_1143, %swap3A_1144], %gather3A_1049 {strides = array<i32>} : memref<2x16x8x128xf32, #tpu.memory_space<vmem>>, vector<16xf32>,
        %mul3A_1146 = arith.constant 16 : i32
        %mul3A_1147 = arith.muli %select_n3A_1029, %mul3A_1146 : i32
        %swap3A_1148 = arith.constant 0 : i32
        %swap3A_1149 = arith.constant 4 : i32
        %swap3A_1150 = arith.index_cast %swap3A_1148 : i32 to index
        %swap3A_1151 = arith.index_cast %select_n3A_1013 : i32 to index
        %swap3A_1152 = arith.index_cast %swap3A_1149 : i32 to index
        %swap3A_1153 = arith.index_cast %mul3A_1147 : i32 to index
        %swap3A_1154 = tpu.vector_load %arg8[%swap3A_1150, %swap3A_1151, %swap3A_1152, %swap3A_1153] {strides = array<i32>} : memref<2x16x8x128xf32, #tpu.memory_space<vmem>>, vector<16xf32>,
        tpu.vector_store %arg8[%swap3A_1150, %swap3A_1151, %swap3A_1152, %swap3A_1153], %gather3A_1054 {strides = array<i32>} : memref<2x16x8x128xf32, #tpu.memory_space<vmem>>, vector<16xf32>,
        %mul3A_1155 = arith.constant 16 : i32
        %mul3A_1156 = arith.muli %select_n3A_1029, %mul3A_1155 : i32
        %swap3A_1157 = arith.constant 0 : i32
        %swap3A_1158 = arith.constant 5 : i32
        %swap3A_1159 = arith.index_cast %swap3A_1157 : i32 to index
        %swap3A_1160 = arith.index_cast %select_n3A_1013 : i32 to index
        %swap3A_1161 = arith.index_cast %swap3A_1158 : i32 to index
        %swap3A_1162 = arith.index_cast %mul3A_1156 : i32 to index
        %swap3A_1163 = tpu.vector_load %arg8[%swap3A_1159, %swap3A_1160, %swap3A_1161, %swap3A_1162] {strides = array<i32>} : memref<2x16x8x128xf32, #tpu.memory_space<vmem>>, vector<16xf32>,
        tpu.vector_store %arg8[%swap3A_1159, %swap3A_1160, %swap3A_1161, %swap3A_1162], %gather3A_1059 {strides = array<i32>} : memref<2x16x8x128xf32, #tpu.memory_space<vmem>>, vector<16xf32>,
        %mul3A_1164 = arith.constant 16 : i32
        %mul3A_1165 = arith.muli %select_n3A_1029, %mul3A_1164 : i32
        %swap3A_1166 = arith.constant 0 : i32
        %swap3A_1167 = arith.constant 6 : i32
        %swap3A_1168 = arith.index_cast %swap3A_1166 : i32 to index
        %swap3A_1169 = arith.index_cast %select_n3A_1013 : i32 to index
        %swap3A_1170 = arith.index_cast %swap3A_1167 : i32 to index
        %swap3A_1171 = arith.index_cast %mul3A_1165 : i32 to index
        %swap3A_1172 = tpu.vector_load %arg8[%swap3A_1168, %swap3A_1169, %swap3A_1170, %swap3A_1171] {strides = array<i32>} : memref<2x16x8x128xf32, #tpu.memory_space<vmem>>, vector<16xf32>,
        tpu.vector_store %arg8[%swap3A_1168, %swap3A_1169, %swap3A_1170, %swap3A_1171], %gather3A_1064 {strides = array<i32>} : memref<2x16x8x128xf32, #tpu.memory_space<vmem>>, vector<16xf32>,
        %mul3A_1173 = arith.constant 16 : i32
        %mul3A_1174 = arith.muli %select_n3A_1029, %mul3A_1173 : i32
        %swap3A_1175 = arith.constant 0 : i32
        %swap3A_1176 = arith.constant 7 : i32
        %swap3A_1177 = arith.index_cast %swap3A_1175 : i32 to index
        %swap3A_1178 = arith.index_cast %select_n3A_1013 : i32 to index
        %swap3A_1179 = arith.index_cast %swap3A_1176 : i32 to index
        %swap3A_1180 = arith.index_cast %mul3A_1174 : i32 to index
        %swap3A_1181 = tpu.vector_load %arg8[%swap3A_1177, %swap3A_1178, %swap3A_1179, %swap3A_1180] {strides = array<i32>} : memref<2x16x8x128xf32, #tpu.memory_space<vmem>>, vector<16xf32>,
        tpu.vector_store %arg8[%swap3A_1177, %swap3A_1178, %swap3A_1179, %swap3A_1180], %gather3A_1069 {strides = array<i32>} : memref<2x16x8x128xf32, #tpu.memory_space<vmem>>, vector<16xf32>,
        %mul3A_1182 = arith.constant 16 : i32
        %mul3A_1183 = arith.muli %select_n3A_1029, %mul3A_1182 : i32
        %swap3A_1184 = arith.constant 1 : i32
        %swap3A_1185 = arith.constant 0 : i32
        %swap3A_1186 = arith.index_cast %swap3A_1184 : i32 to index
        %swap3A_1187 = arith.index_cast %select_n3A_1013 : i32 to index
        %swap3A_1188 = arith.index_cast %swap3A_1185 : i32 to index
        %swap3A_1189 = arith.index_cast %mul3A_1183 : i32 to index
        %swap3A_1190 = tpu.vector_load %arg8[%swap3A_1186, %swap3A_1187, %swap3A_1188, %swap3A_1189] {strides = array<i32>} : memref<2x16x8x128xf32, #tpu.memory_space<vmem>>, vector<16xf32>,
        tpu.vector_store %arg8[%swap3A_1186, %swap3A_1187, %swap3A_1188, %swap3A_1189], %gather3A_1074 {strides = array<i32>} : memref<2x16x8x128xf32, #tpu.memory_space<vmem>>, vector<16xf32>,
        %mul3A_1191 = arith.constant 16 : i32
        %mul3A_1192 = arith.muli %select_n3A_1029, %mul3A_1191 : i32
        %swap3A_1193 = arith.constant 1 : i32
        %swap3A_1194 = arith.constant 1 : i32
        %swap3A_1195 = arith.index_cast %swap3A_1193 : i32 to index
        %swap3A_1196 = arith.index_cast %select_n3A_1013 : i32 to index
        %swap3A_1197 = arith.index_cast %swap3A_1194 : i32 to index
        %swap3A_1198 = arith.index_cast %mul3A_1192 : i32 to index
        %swap3A_1199 = tpu.vector_load %arg8[%swap3A_1195, %swap3A_1196, %swap3A_1197, %swap3A_1198] {strides = array<i32>} : memref<2x16x8x128xf32, #tpu.memory_space<vmem>>, vector<16xf32>,
        tpu.vector_store %arg8[%swap3A_1195, %swap3A_1196, %swap3A_1197, %swap3A_1198], %gather3A_1079 {strides = array<i32>} : memref<2x16x8x128xf32, #tpu.memory_space<vmem>>, vector<16xf32>,
        %mul3A_1200 = arith.constant 16 : i32
        %mul3A_1201 = arith.muli %select_n3A_1029, %mul3A_1200 : i32
        %swap3A_1202 = arith.constant 1 : i32
        %swap3A_1203 = arith.constant 2 : i32
        %swap3A_1204 = arith.index_cast %swap3A_1202 : i32 to index
        %swap3A_1205 = arith.index_cast %select_n3A_1013 : i32 to index
        %swap3A_1206 = arith.index_cast %swap3A_1203 : i32 to index
        %swap3A_1207 = arith.index_cast %mul3A_1201 : i32 to index
        %swap3A_1208 = tpu.vector_load %arg8[%swap3A_1204, %swap3A_1205, %swap3A_1206, %swap3A_1207] {strides = array<i32>} : memref<2x16x8x128xf32, #tpu.memory_space<vmem>>, vector<16xf32>,
        tpu.vector_store %arg8[%swap3A_1204, %swap3A_1205, %swap3A_1206, %swap3A_1207], %gather3A_1084 {strides = array<i32>} : memref<2x16x8x128xf32, #tpu.memory_space<vmem>>, vector<16xf32>,
        %mul3A_1209 = arith.constant 16 : i32
        %mul3A_1210 = arith.muli %select_n3A_1029, %mul3A_1209 : i32
        %swap3A_1211 = arith.constant 1 : i32
        %swap3A_1212 = arith.constant 3 : i32
        %swap3A_1213 = arith.index_cast %swap3A_1211 : i32 to index
        %swap3A_1214 = arith.index_cast %select_n3A_1013 : i32 to index
        %swap3A_1215 = arith.index_cast %swap3A_1212 : i32 to index
        %swap3A_1216 = arith.index_cast %mul3A_1210 : i32 to index
        %swap3A_1217 = tpu.vector_load %arg8[%swap3A_1213, %swap3A_1214, %swap3A_1215, %swap3A_1216] {strides = array<i32>} : memref<2x16x8x128xf32, #tpu.memory_space<vmem>>, vector<16xf32>,
        tpu.vector_store %arg8[%swap3A_1213, %swap3A_1214, %swap3A_1215, %swap3A_1216], %gather3A_1089 {strides = array<i32>} : memref<2x16x8x128xf32, #tpu.memory_space<vmem>>, vector<16xf32>,
        %mul3A_1218 = arith.constant 16 : i32
        %mul3A_1219 = arith.muli %select_n3A_1029, %mul3A_1218 : i32
        %swap3A_1220 = arith.constant 1 : i32
        %swap3A_1221 = arith.constant 4 : i32
        %swap3A_1222 = arith.index_cast %swap3A_1220 : i32 to index
        %swap3A_1223 = arith.index_cast %select_n3A_1013 : i32 to index
        %swap3A_1224 = arith.index_cast %swap3A_1221 : i32 to index
        %swap3A_1225 = arith.index_cast %mul3A_1219 : i32 to index
        %swap3A_1226 = tpu.vector_load %arg8[%swap3A_1222, %swap3A_1223, %swap3A_1224, %swap3A_1225] {strides = array<i32>} : memref<2x16x8x128xf32, #tpu.memory_space<vmem>>, vector<16xf32>,
        tpu.vector_store %arg8[%swap3A_1222, %swap3A_1223, %swap3A_1224, %swap3A_1225], %gather3A_1094 {strides = array<i32>} : memref<2x16x8x128xf32, #tpu.memory_space<vmem>>, vector<16xf32>,
        %mul3A_1227 = arith.constant 16 : i32
        %mul3A_1228 = arith.muli %select_n3A_1029, %mul3A_1227 : i32
        %swap3A_1229 = arith.constant 1 : i32
        %swap3A_1230 = arith.constant 5 : i32
        %swap3A_1231 = arith.index_cast %swap3A_1229 : i32 to index
        %swap3A_1232 = arith.index_cast %select_n3A_1013 : i32 to index
        %swap3A_1233 = arith.index_cast %swap3A_1230 : i32 to index
        %swap3A_1234 = arith.index_cast %mul3A_1228 : i32 to index
        %swap3A_1235 = tpu.vector_load %arg8[%swap3A_1231, %swap3A_1232, %swap3A_1233, %swap3A_1234] {strides = array<i32>} : memref<2x16x8x128xf32, #tpu.memory_space<vmem>>, vector<16xf32>,
        tpu.vector_store %arg8[%swap3A_1231, %swap3A_1232, %swap3A_1233, %swap3A_1234], %gather3A_1099 {strides = array<i32>} : memref<2x16x8x128xf32, #tpu.memory_space<vmem>>, vector<16xf32>,
        %mul3A_1236 = arith.constant 16 : i32
        %mul3A_1237 = arith.muli %select_n3A_1029, %mul3A_1236 : i32
        %swap3A_1238 = arith.constant 1 : i32
        %swap3A_1239 = arith.constant 6 : i32
        %swap3A_1240 = arith.index_cast %swap3A_1238 : i32 to index
        %swap3A_1241 = arith.index_cast %select_n3A_1013 : i32 to index
        %swap3A_1242 = arith.index_cast %swap3A_1239 : i32 to index
        %swap3A_1243 = arith.index_cast %mul3A_1237 : i32 to index
        %swap3A_1244 = tpu.vector_load %arg8[%swap3A_1240, %swap3A_1241, %swap3A_1242, %swap3A_1243] {strides = array<i32>} : memref<2x16x8x128xf32, #tpu.memory_space<vmem>>, vector<16xf32>,
        tpu.vector_store %arg8[%swap3A_1240, %swap3A_1241, %swap3A_1242, %swap3A_1243], %gather3A_1104 {strides = array<i32>} : memref<2x16x8x128xf32, #tpu.memory_space<vmem>>, vector<16xf32>,
        %mul3A_1245 = arith.constant 16 : i32
        %mul3A_1246 = arith.muli %select_n3A_1029, %mul3A_1245 : i32
        %swap3A_1247 = arith.constant 1 : i32
        %swap3A_1248 = arith.constant 7 : i32
        %swap3A_1249 = arith.index_cast %swap3A_1247 : i32 to index
        %swap3A_1250 = arith.index_cast %select_n3A_1013 : i32 to index
        %swap3A_1251 = arith.index_cast %swap3A_1248 : i32 to index
        %swap3A_1252 = arith.index_cast %mul3A_1246 : i32 to index
        %swap3A_1253 = tpu.vector_load %arg8[%swap3A_1249, %swap3A_1250, %swap3A_1251, %swap3A_1252] {strides = array<i32>} : memref<2x16x8x128xf32, #tpu.memory_space<vmem>>, vector<16xf32>,
        tpu.vector_store %arg8[%swap3A_1249, %swap3A_1250, %swap3A_1251, %swap3A_1252], %gather3A_1109 {strides = array<i32>} : memref<2x16x8x128xf32, #tpu.memory_space<vmem>>, vector<16xf32>,
        %add3A_1254 = arith.constant 16 : i32
        %add3A_1255 = vector.broadcast %add3A_1254 : i32 to vector<16xi32>
        %add3A_1256 = arith.addi %add3A_987, %add3A_1255 : vector<16xi32>
        scf.yield %add3A_1256 : vector<16xi32>
      }
      %scan3A_614 = arith.constant 128 : i32
      %jit3A_615 = arith.constant 8 : i32
      %div3A_616 = arith.divsi %add3A_546, %jit3A_615 : i32
      %sign3A_617 = arith.constant 0 : i32
      %sign3A_618 = arith.cmpi sgt, %add3A_546, %sign3A_617 : i32
      %sign3A_619 = arith.extui %sign3A_618 : i1 to i32
      %sign3A_620 = arith.constant 0 : i32
      %sign3A_621 = arith.cmpi slt, %add3A_546, %sign3A_620 : i32
      %sign3A_622 = arith.extui %sign3A_621 : i1 to i32
      %sign3A_623 = arith.subi %sign3A_619, %sign3A_622 : i32
      %sign3A_624 = arith.constant 0 : i32
      %sign3A_625 = arith.cmpi sgt, %jit3A_615, %sign3A_624 : i32
      %sign3A_626 = arith.extui %sign3A_625 : i1 to i32
      %sign3A_627 = arith.constant 0 : i32
      %sign3A_628 = arith.cmpi slt, %jit3A_615, %sign3A_627 : i32
      %sign3A_629 = arith.extui %sign3A_628 : i1 to i32
      %sign3A_630 = arith.subi %sign3A_626, %sign3A_629 : i32
      %ne3A_631 = arith.cmpi ne, %sign3A_623, %sign3A_630 : i32
      %rem3A_632 = arith.remsi %add3A_546, %jit3A_615 : i32
      %ne3A_633 = arith.constant 0 : i32
      %ne3A_634 = arith.cmpi ne, %rem3A_632, %ne3A_633 : i32
      %and3A_635 = arith.andi %ne3A_631, %ne3A_634 : i1
      %sub3A_636 = arith.constant 1 : i32
      %sub3A_637 = arith.subi %div3A_616, %sub3A_636 : i32
      %select_n3A_638 = arith.select %and3A_635, %sub3A_637, %div3A_616 : i32
      %jit3A_639 = arith.constant 8 : i32
      %eq3A_640 = arith.constant 0 : i32
      %eq3A_641 = arith.cmpi eq, %jit3A_639, %eq3A_640 : i32
      %jit3A_642 = arith.constant 1 : i32
      %select_n3A_643 = arith.select %eq3A_641, %jit3A_642, %jit3A_639 : i32
      %rem3A_644 = arith.remsi %add3A_546, %select_n3A_643 : i32
      %ne3A_645 = arith.constant 0 : i32
      %ne3A_646 = arith.cmpi ne, %rem3A_644, %ne3A_645 : i32
      %lt3A_647 = arith.constant 0 : i32
      %lt3A_648 = arith.cmpi slt, %rem3A_644, %lt3A_647 : i32
      %lt3A_649 = arith.constant 0 : i32
      %lt3A_650 = arith.cmpi slt, %select_n3A_643, %lt3A_649 : i32
      %ne3A_651 = arith.xori %lt3A_648, %lt3A_650 : i1
      %and3A_652 = arith.andi %ne3A_651, %ne3A_646 : i1
      %add3A_653 = arith.addi %rem3A_644, %select_n3A_643 : i32
      %select_n3A_654 = arith.select %and3A_652, %add3A_653, %rem3A_644 : i32
      %mul3A_655 = arith.constant 2048 : i32
      %mul3A_656 = arith.muli %select_n3A_654, %mul3A_655 : i32
      %jit3A_657 = arith.constant 128 : i32
      %div3A_658 = arith.divsi %mul3A_656, %jit3A_657 : i32
      %sign3A_659 = arith.constant 0 : i32
      %sign3A_660 = arith.cmpi sgt, %mul3A_656, %sign3A_659 : i32
      %sign3A_661 = arith.extui %sign3A_660 : i1 to i32
      %sign3A_662 = arith.constant 0 : i32
      %sign3A_663 = arith.cmpi slt, %mul3A_656, %sign3A_662 : i32
      %sign3A_664 = arith.extui %sign3A_663 : i1 to i32
      %sign3A_665 = arith.subi %sign3A_661, %sign3A_664 : i32
      %sign3A_666 = arith.constant 0 : i32
      %sign3A_667 = arith.cmpi sgt, %jit3A_657, %sign3A_666 : i32
      %sign3A_668 = arith.extui %sign3A_667 : i1 to i32
      %sign3A_669 = arith.constant 0 : i32
      %sign3A_670 = arith.cmpi slt, %jit3A_657, %sign3A_669 : i32
      %sign3A_671 = arith.extui %sign3A_670 : i1 to i32
      %sign3A_672 = arith.subi %sign3A_668, %sign3A_671 : i32
      %ne3A_673 = arith.cmpi ne, %sign3A_665, %sign3A_672 : i32
      %rem3A_674 = arith.remsi %mul3A_656, %jit3A_657 : i32
      %ne3A_675 = arith.constant 0 : i32
      %ne3A_676 = arith.cmpi ne, %rem3A_674, %ne3A_675 : i32
      %and3A_677 = arith.andi %ne3A_673, %ne3A_676 : i1
      %sub3A_678 = arith.constant 1 : i32
      %sub3A_679 = arith.subi %div3A_658, %sub3A_678 : i32
      %select_n3A_680 = arith.select %and3A_677, %sub3A_679, %div3A_658 : i32
      %dma_start3A_681 = arith.constant 0 : i32
      %dma_start3A_682 = arith.constant 0 : i32
      %dma_start3A_683 = arith.constant 0 : i32
      %dma_start3A_684 = arith.constant 0 : i32
      %dma_start3A_685 = arith.constant 0 : i32
      %dma_start3A_686 = tpu.memref_slice %arg8[%dma_start3A_681, %dma_start3A_683, %dma_start3A_684, %dma_start3A_685] : memref<2x16x8x128xf32, #tpu.memory_space<vmem>> -> memref<1x16x8x128xf32, #tpu.memory_space<vmem>>
      %dma_start3A_687 = tpu.memref_squeeze %dma_start3A_686 : memref<1x16x8x128xf32, #tpu.memory_space<vmem>> -> memref<16x8x128xf32, #tpu.memory_space<vmem>>
      %dma_start3A_688 = arith.constant 0 : i32
      %dma_start3A_689 = arith.constant 0 : i32
      %dma_start3A_690 = tpu.memref_slice %arg4[%select_n3A_638, %dma_start3A_682, %select_n3A_680, %dma_start3A_688, %dma_start3A_689] : memref<200x2x128x8x128xf32, #tpu.memory_space<hbm>> -> memref<1x1x16x8x128xf32, #tpu.memory_space<hbm>>
      %dma_start3A_691 = tpu.memref_squeeze %dma_start3A_690 : memref<1x1x16x8x128xf32, #tpu.memory_space<hbm>> -> memref<16x8x128xf32, #tpu.memory_space<hbm>>
      %dma_start3A_692 = arith.constant 0 : i32
      %dma_start3A_693 = arith.constant 0 : i32
      %dma_start3A_694 = tpu.memref_slice %arg4[%select_n3A_638, %dma_start3A_682, %select_n3A_680, %dma_start3A_692, %dma_start3A_693] : memref<200x2x128x8x128xf32, #tpu.memory_space<hbm>> -> memref<1x1x16x8x128xf32, #tpu.memory_space<hbm>>
      %dma_start3A_695 = tpu.memref_squeeze %dma_start3A_694 : memref<1x1x16x8x128xf32, #tpu.memory_space<hbm>> -> memref<16x8x128xf32, #tpu.memory_space<hbm>>
      %dma_start3A_696 = arith.constant 0 : i32
      %dma_start3A_697 = arith.constant 0 : i32
      %dma_start3A_698 = arith.constant 0 : i32
      %dma_start3A_699 = tpu.memref_slice %arg8[%dma_start3A_681, %dma_start3A_696, %dma_start3A_697, %dma_start3A_698] : memref<2x16x8x128xf32, #tpu.memory_space<vmem>> -> memref<1x16x8x128xf32, #tpu.memory_space<vmem>>
      %dma_start3A_700 = tpu.memref_squeeze %dma_start3A_699 : memref<1x16x8x128xf32, #tpu.memory_space<vmem>> -> memref<16x8x128xf32, #tpu.memory_space<vmem>>
      tpu.enqueue_dma source(%dma_start3A_700 : memref<16x8x128xf32, #tpu.memory_space<vmem>>) target(%dma_start3A_695 : memref<16x8x128xf32, #tpu.memory_space<hbm>>) target_semaphore(%arg12 : memref<!tpu.dma_semaphore, #tpu.memory_space<semaphore_mem>>)
      %dma_start3A_701 = arith.constant 1 : i32
      %dma_start3A_702 = arith.constant 1 : i32
      %dma_start3A_703 = arith.constant 0 : i32
      %dma_start3A_704 = arith.constant 0 : i32
      %dma_start3A_705 = arith.constant 0 : i32
      %dma_start3A_706 = tpu.memref_slice %arg8[%dma_start3A_701, %dma_start3A_703, %dma_start3A_704, %dma_start3A_705] : memref<2x16x8x128xf32, #tpu.memory_space<vmem>> -> memref<1x16x8x128xf32, #tpu.memory_space<vmem>>
      %dma_start3A_707 = tpu.memref_squeeze %dma_start3A_706 : memref<1x16x8x128xf32, #tpu.memory_space<vmem>> -> memref<16x8x128xf32, #tpu.memory_space<vmem>>
      %dma_start3A_708 = arith.constant 0 : i32
      %dma_start3A_709 = arith.constant 0 : i32
      %dma_start3A_710 = tpu.memref_slice %arg4[%select_n3A_638, %dma_start3A_702, %select_n3A_680, %dma_start3A_708, %dma_start3A_709] : memref<200x2x128x8x128xf32, #tpu.memory_space<hbm>> -> memref<1x1x16x8x128xf32, #tpu.memory_space<hbm>>
      %dma_start3A_711 = tpu.memref_squeeze %dma_start3A_710 : memref<1x1x16x8x128xf32, #tpu.memory_space<hbm>> -> memref<16x8x128xf32, #tpu.memory_space<hbm>>
      %dma_start3A_712 = arith.constant 0 : i32
      %dma_start3A_713 = arith.constant 0 : i32
      %dma_start3A_714 = tpu.memref_slice %arg4[%select_n3A_638, %dma_start3A_702, %select_n3A_680, %dma_start3A_712, %dma_start3A_713] : memref<200x2x128x8x128xf32, #tpu.memory_space<hbm>> -> memref<1x1x16x8x128xf32, #tpu.memory_space<hbm>>
      %dma_start3A_715 = tpu.memref_squeeze %dma_start3A_714 : memref<1x1x16x8x128xf32, #tpu.memory_space<hbm>> -> memref<16x8x128xf32, #tpu.memory_space<hbm>>
      %dma_start3A_716 = arith.constant 0 : i32
      %dma_start3A_717 = arith.constant 0 : i32
      %dma_start3A_718 = arith.constant 0 : i32
      %dma_start3A_719 = tpu.memref_slice %arg8[%dma_start3A_701, %dma_start3A_716, %dma_start3A_717, %dma_start3A_718] : memref<2x16x8x128xf32, #tpu.memory_space<vmem>> -> memref<1x16x8x128xf32, #tpu.memory_space<vmem>>
      %dma_start3A_720 = tpu.memref_squeeze %dma_start3A_719 : memref<1x16x8x128xf32, #tpu.memory_space<vmem>> -> memref<16x8x128xf32, #tpu.memory_space<vmem>>
      tpu.enqueue_dma source(%dma_start3A_720 : memref<16x8x128xf32, #tpu.memory_space<vmem>>) target(%dma_start3A_715 : memref<16x8x128xf32, #tpu.memory_space<hbm>>) target_semaphore(%arg12 : memref<!tpu.dma_semaphore, #tpu.memory_space<semaphore_mem>>)
    }
    %scan3A_434 = arith.constant 50 : i32
    %add3A_435 = arith.constant 50 : i32
    %add3A_436 = arith.addi %mul3A_2, %add3A_435 : i32
    %sub3A_437 = arith.constant 1 : i32
    %sub3A_438 = arith.subi %add3A_436, %sub3A_437 : i32
    %jit3A_439 = arith.constant 8 : i32
    %div3A_440 = arith.divsi %sub3A_438, %jit3A_439 : i32
    %sign3A_441 = arith.constant 0 : i32
    %sign3A_442 = arith.cmpi sgt, %sub3A_438, %sign3A_441 : i32
    %sign3A_443 = arith.extui %sign3A_442 : i1 to i32
    %sign3A_444 = arith.constant 0 : i32
    %sign3A_445 = arith.cmpi slt, %sub3A_438, %sign3A_444 : i32
    %sign3A_446 = arith.extui %sign3A_445 : i1 to i32
    %sign3A_447 = arith.subi %sign3A_443, %sign3A_446 : i32
    %sign3A_448 = arith.constant 0 : i32
    %sign3A_449 = arith.cmpi sgt, %jit3A_439, %sign3A_448 : i32
    %sign3A_450 = arith.extui %sign3A_449 : i1 to i32
    %sign3A_451 = arith.constant 0 : i32
    %sign3A_452 = arith.cmpi slt, %jit3A_439, %sign3A_451 : i32
    %sign3A_453 = arith.extui %sign3A_452 : i1 to i32
    %sign3A_454 = arith.subi %sign3A_450, %sign3A_453 : i32
    %ne3A_455 = arith.cmpi ne, %sign3A_447, %sign3A_454 : i32
    %rem3A_456 = arith.remsi %sub3A_438, %jit3A_439 : i32
    %ne3A_457 = arith.constant 0 : i32
    %ne3A_458 = arith.cmpi ne, %rem3A_456, %ne3A_457 : i32
    %and3A_459 = arith.andi %ne3A_455, %ne3A_458 : i1
    %sub3A_460 = arith.constant 1 : i32
    %sub3A_461 = arith.subi %div3A_440, %sub3A_460 : i32
    %select_n3A_462 = arith.select %and3A_459, %sub3A_461, %div3A_440 : i32
    %jit3A_463 = arith.constant 8 : i32
    %eq3A_464 = arith.constant 0 : i32
    %eq3A_465 = arith.cmpi eq, %jit3A_463, %eq3A_464 : i32
    %jit3A_466 = arith.constant 1 : i32
    %select_n3A_467 = arith.select %eq3A_465, %jit3A_466, %jit3A_463 : i32
    %rem3A_468 = arith.remsi %sub3A_438, %select_n3A_467 : i32
    %ne3A_469 = arith.constant 0 : i32
    %ne3A_470 = arith.cmpi ne, %rem3A_468, %ne3A_469 : i32
    %lt3A_471 = arith.constant 0 : i32
    %lt3A_472 = arith.cmpi slt, %rem3A_468, %lt3A_471 : i32
    %lt3A_473 = arith.constant 0 : i32
    %lt3A_474 = arith.cmpi slt, %select_n3A_467, %lt3A_473 : i32
    %ne3A_475 = arith.xori %lt3A_472, %lt3A_474 : i1
    %and3A_476 = arith.andi %ne3A_475, %ne3A_470 : i1
    %add3A_477 = arith.addi %rem3A_468, %select_n3A_467 : i32
    %select_n3A_478 = arith.select %and3A_476, %add3A_477, %rem3A_468 : i32
    %mul3A_479 = arith.constant 2048 : i32
    %mul3A_480 = arith.muli %select_n3A_478, %mul3A_479 : i32
    %jit3A_481 = arith.constant 128 : i32
    %div3A_482 = arith.divsi %mul3A_480, %jit3A_481 : i32
    %sign3A_483 = arith.constant 0 : i32
    %sign3A_484 = arith.cmpi sgt, %mul3A_480, %sign3A_483 : i32
    %sign3A_485 = arith.extui %sign3A_484 : i1 to i32
    %sign3A_486 = arith.constant 0 : i32
    %sign3A_487 = arith.cmpi slt, %mul3A_480, %sign3A_486 : i32
    %sign3A_488 = arith.extui %sign3A_487 : i1 to i32
    %sign3A_489 = arith.subi %sign3A_485, %sign3A_488 : i32
    %sign3A_490 = arith.constant 0 : i32
    %sign3A_491 = arith.cmpi sgt, %jit3A_481, %sign3A_490 : i32
    %sign3A_492 = arith.extui %sign3A_491 : i1 to i32
    %sign3A_493 = arith.constant 0 : i32
    %sign3A_494 = arith.cmpi slt, %jit3A_481, %sign3A_493 : i32
    %sign3A_495 = arith.extui %sign3A_494 : i1 to i32
    %sign3A_496 = arith.subi %sign3A_492, %sign3A_495 : i32
    %ne3A_497 = arith.cmpi ne, %sign3A_489, %sign3A_496 : i32
    %rem3A_498 = arith.remsi %mul3A_480, %jit3A_481 : i32
    %ne3A_499 = arith.constant 0 : i32
    %ne3A_500 = arith.cmpi ne, %rem3A_498, %ne3A_499 : i32
    %and3A_501 = arith.andi %ne3A_497, %ne3A_500 : i1
    %sub3A_502 = arith.constant 1 : i32
    %sub3A_503 = arith.subi %div3A_482, %sub3A_502 : i32
    %select_n3A_504 = arith.select %and3A_501, %sub3A_503, %div3A_482 : i32
    %dma_wait3A_505 = arith.constant 0 : i32
    %dma_wait3A_506 = arith.constant 0 : i32
    %dma_wait3A_507 = arith.constant 0 : i32
    %dma_wait3A_508 = arith.constant 0 : i32
    %dma_wait3A_509 = arith.constant 0 : i32
    %dma_wait3A_510 = tpu.memref_slice %arg8[%dma_wait3A_505, %dma_wait3A_507, %dma_wait3A_508, %dma_wait3A_509] : memref<2x16x8x128xf32, #tpu.memory_space<vmem>> -> memref<1x16x8x128xf32, #tpu.memory_space<vmem>>
    %dma_wait3A_511 = tpu.memref_squeeze %dma_wait3A_510 : memref<1x16x8x128xf32, #tpu.memory_space<vmem>> -> memref<16x8x128xf32, #tpu.memory_space<vmem>>
    %dma_wait3A_512 = arith.constant 0 : i32
    %dma_wait3A_513 = arith.constant 0 : i32
    %dma_wait3A_514 = tpu.memref_slice %arg4[%select_n3A_462, %dma_wait3A_506, %select_n3A_504, %dma_wait3A_512, %dma_wait3A_513] : memref<200x2x128x8x128xf32, #tpu.memory_space<hbm>> -> memref<1x1x16x8x128xf32, #tpu.memory_space<hbm>>
    %dma_wait3A_515 = tpu.memref_squeeze %dma_wait3A_514 : memref<1x1x16x8x128xf32, #tpu.memory_space<hbm>> -> memref<16x8x128xf32, #tpu.memory_space<hbm>>
    %dma_wait3A_516 = arith.constant 0 : i32
    %dma_wait3A_517 = arith.constant 0 : i32
    %dma_wait3A_518 = tpu.memref_slice %arg4[%select_n3A_462, %dma_wait3A_506, %select_n3A_504, %dma_wait3A_516, %dma_wait3A_517] : memref<200x2x128x8x128xf32, #tpu.memory_space<hbm>> -> memref<1x1x16x8x128xf32, #tpu.memory_space<hbm>>
    %dma_wait3A_519 = tpu.memref_squeeze %dma_wait3A_518 : memref<1x1x16x8x128xf32, #tpu.memory_space<hbm>> -> memref<16x8x128xf32, #tpu.memory_space<hbm>>
    %dma_wait3A_520 = arith.constant 0 : i32
    %dma_wait3A_521 = arith.constant 0 : i32
    %dma_wait3A_522 = arith.constant 0 : i32
    %dma_wait3A_523 = tpu.memref_slice %arg8[%dma_wait3A_505, %dma_wait3A_520, %dma_wait3A_521, %dma_wait3A_522] : memref<2x16x8x128xf32, #tpu.memory_space<vmem>> -> memref<1x16x8x128xf32, #tpu.memory_space<vmem>>
    %dma_wait3A_524 = tpu.memref_squeeze %dma_wait3A_523 : memref<1x16x8x128xf32, #tpu.memory_space<vmem>> -> memref<16x8x128xf32, #tpu.memory_space<vmem>>
    tpu.wait_dma2 semaphore(%arg12 : memref<!tpu.dma_semaphore, #tpu.memory_space<semaphore_mem>>) src(%dma_wait3A_524 : memref<16x8x128xf32, #tpu.memory_space<vmem>>) dst(%dma_wait3A_519 : memref<16x8x128xf32, #tpu.memory_space<hbm>>)
    %dma_wait3A_525 = arith.constant 1 : i32
    %dma_wait3A_526 = arith.constant 1 : i32
    %dma_wait3A_527 = arith.constant 0 : i32
    %dma_wait3A_528 = arith.constant 0 : i32
    %dma_wait3A_529 = arith.constant 0 : i32
    %dma_wait3A_530 = tpu.memref_slice %arg8[%dma_wait3A_525, %dma_wait3A_527, %dma_wait3A_528, %dma_wait3A_529] : memref<2x16x8x128xf32, #tpu.memory_space<vmem>> -> memref<1x16x8x128xf32, #tpu.memory_space<vmem>>
    %dma_wait3A_531 = tpu.memref_squeeze %dma_wait3A_530 : memref<1x16x8x128xf32, #tpu.memory_space<vmem>> -> memref<16x8x128xf32, #tpu.memory_space<vmem>>
    %dma_wait3A_532 = arith.constant 0 : i32
    %dma_wait3A_533 = arith.constant 0 : i32
    %dma_wait3A_534 = tpu.memref_slice %arg4[%select_n3A_462, %dma_wait3A_526, %select_n3A_504, %dma_wait3A_532, %dma_wait3A_533] : memref<200x2x128x8x128xf32, #tpu.memory_space<hbm>> -> memref<1x1x16x8x128xf32, #tpu.memory_space<hbm>>
    %dma_wait3A_535 = tpu.memref_squeeze %dma_wait3A_534 : memref<1x1x16x8x128xf32, #tpu.memory_space<hbm>> -> memref<16x8x128xf32, #tpu.memory_space<hbm>>
    %dma_wait3A_536 = arith.constant 0 : i32
    %dma_wait3A_537 = arith.constant 0 : i32
    %dma_wait3A_538 = tpu.memref_slice %arg4[%select_n3A_462, %dma_wait3A_526, %select_n3A_504, %dma_wait3A_536, %dma_wait3A_537] : memref<200x2x128x8x128xf32, #tpu.memory_space<hbm>> -> memref<1x1x16x8x128xf32, #tpu.memory_space<hbm>>
    %dma_wait3A_539 = tpu.memref_squeeze %dma_wait3A_538 : memref<1x1x16x8x128xf32, #tpu.memory_space<hbm>> -> memref<16x8x128xf32, #tpu.memory_space<hbm>>
    %dma_wait3A_540 = arith.constant 0 : i32
    %dma_wait3A_541 = arith.constant 0 : i32
    %dma_wait3A_542 = arith.constant 0 : i32
    %dma_wait3A_543 = tpu.memref_slice %arg8[%dma_wait3A_525, %dma_wait3A_540, %dma_wait3A_541, %dma_wait3A_542] : memref<2x16x8x128xf32, #tpu.memory_space<vmem>> -> memref<1x16x8x128xf32, #tpu.memory_space<vmem>>
    %dma_wait3A_544 = tpu.memref_squeeze %dma_wait3A_543 : memref<1x16x8x128xf32, #tpu.memory_space<vmem>> -> memref<16x8x128xf32, #tpu.memory_space<vmem>>
    tpu.wait_dma2 semaphore(%arg12 : memref<!tpu.dma_semaphore, #tpu.memory_space<semaphore_mem>>) src(%dma_wait3A_544 : memref<16x8x128xf32, #tpu.memory_space<vmem>>) dst(%dma_wait3A_539 : memref<16x8x128xf32, #tpu.memory_space<hbm>>)
    return
  }
}

</mosaic_0001>

<sc_bundles>
// kernel: kernel.3.cloned.1.call-start
scs
__scs_entry_jumppad:
0x0: {  	(pc) =	sbr.rel $0x88, $3  }
0x1: {  	(tag) =	ssettag $0x0;
	lr =	simm.s32 $0x1  }
0x2: {  	[smem:$0x3F9F] =	sst lr;
	_ =	strace $0xD0000000  }
0x3: {  	_ = 	snop  }
0x4: {  	_ = 	snop  }
0x5: {  	_ = 	snop  }
0x6: {  	_ = 	snop  }
0x7: {  	_ = 	snop  }
__scs_overlays_trampoline_lowered:
0x8: {  	[smem:$0x3FAE] =	sst s0  }
0x9: {  	[smem:$0x3FAF] =	sst s1  }
0xa: {  	[smem:$0x3FB0] =	sst s2  }
0xb: {  	[smem:$0x3FB1] =	sst s3  }
0xc: {  	[smem:$0x3FB2] =	sst s4  }
0xd: {  	[smem:$0x3FB3] =	sst s5  }
0xe: {  	[smem:$0x3FB4] =	sst s6  }
0xf: {  	[smem:$0x3FB5] =	sst s7  }
0x10: {  	[smem:$0x3FB6] =	sst s8  }
0x11: {  	[smem:$0x3FB7] =	sst s9;
	s0 =	simm.s32 @!p0 $0x0  }
0x12: {  	s1 =	sld [smem:$0x3F9D];
	s0 =	simm.s32 @p0 $0x1  }
0x13: {  	[smem:$0x3FB8] =	sst s0;
	s0 =	simm.s32 @!p1 $0x0  }
0x14: {  	s2 =	sld [smem:$0x3F9C];
	s0 =	simm.s32 @p1 $0x1  }
0x15: {  	[smem:$0x3FB9] =	sst s0;
	s0 =	simm.s32 @!p2 $0x0  }
0x16: {  	s3 =	sld [smem:$0x3FDB];
	s0 =	simm.s32 @p2 $0x1  }
0x17: {  	s4 =	simm.s32 $0x1BF5;
	[smem:$0x3FBB] =	sst s0  }
0x18: {  	s0 =	sld [smem:$0x3F9E];
	_ =	swait.ge [sflag:s4], $0x0  }
0x19: {  	s7 =	sld [smem:$0x3F9F]  }
0x1a: {  	s8 =	sadd.s32 $0xFFFFE003, lr  }
0x1b: {  	s9 =	sadd.s32 $0xFFFFFEF7, lr;
	s5 =	simm.s32 $0xFFFFFFFF;
	p2 =	slt.u32 s8, $0xFFFFF086  }
0x1c: {  	p1 =	slt.u32 s9, $0xF7A;
	s5 =	simm.s32 @!p2 $0x0  }
0x1d: {  	s5 =	simm.s32 @p1 $0x1;
	p0 =	seq.s32 s7, s2  }
0x1e: {  	s7 =	smul.u32 @!p0 $0xF7A, s2;
	p2 =	seq.s32 @!p0 s5, $0x0  }
0x1f: {  	s9 =	smul.u32 $0xF7A, s1;
	s8 =	simm.s32 @!p0 $0x1BF5;
	p2 =	por !p2, p0  }
0x20: {  	[sflag:s8] =	ssyncset.s32 @!p0 $0xFFFFF086;
	s6 =	sadd.s32 @!p0 s3, s7;
	s7 =	simm.s32 @!p0 $0x108  }
0x21: {  	s3 =	sadd.s32 s3, s9;
	s6 =	sadd.s32 @!p0 $0x88, s6;
	s7 =	simm.s32 @p2 $0x1082  }
0x22: {  	[simem:s7], [sflag:s8] =	dma.local @!p0 [hbm:s6], $0xF7A  }
0x23: {  	s9 =	sor.u32 $0xD0000000, s2;
	s6 =	simm.s32 $0x108;
	_ =	swait.ge @!p0 [sflag:s8], $0x0  }
0x24: {  	s3 =	sadd.s32 $0x88, s3;
	s6 =	simm.s32 @!p1 $0x1082;
	[sflag:s4] =	ssyncset.s32 $0xFFFFF086  }
0x25: {  	[simem:s6], [sflag:s4] =	dma.local [hbm:s3], $0xF7A  }
0x26: {  	[smem:$0x3F9F] =	sst s1;
	(tag) =	ssettag s2;
	_ =	strace s9  }
0x27: {  	s1 =	sld [smem:$0x3FAF]  }
0x28: {  	s2 =	sld [smem:$0x3FB0]  }
0x29: {  	s4 =	sld [smem:$0x3FB2]  }
0x2a: {  	p0 =	seq.s32 s5, $0x0;
	s5 =	sld [smem:$0x3FB3]  }
0x2b: {  	s6 =	sld [smem:$0x3FB4]  }
0x2c: {  	s7 =	sld [smem:$0x3FB5]  }
0x2d: {  	s3 =	simm.s32 $0x108;
	s8 =	sld [smem:$0x3FB6]  }
0x2e: {  	s3 =	simm.s32 @!p0 $0x1082;
	s9 =	sld [smem:$0x3FB7]  }
0x2f: {  	lr =	sadd.s32 s0, s3;
	s0 =	sld [smem:$0x3FAE]  }
0x30: {  	s3 =	sld [smem:$0x3FB1]  }
0x31: {  	[smem:$0x3FBA] =	sst s10  }
0x32: {  	s10 =	sld [smem:$0x3FB8];
	_ =	sdelay $0x3  }
0x33: {  	p0 =	seq.s32 s10, $0x1;
	s10 =	sld [smem:$0x3FBA];
	_ =	sdelay $0x3  }
0x34: {  	[smem:$0x3FBA] =	sst s10  }
0x35: {  	s10 =	sld [smem:$0x3FB9];
	_ =	sdelay $0x3  }
0x36: {  	p1 =	seq.s32 s10, $0x1;
	s10 =	sld [smem:$0x3FBA];
	_ =	sdelay $0x3  }
0x37: {  	[smem:$0x3FBA] =	sst s10  }
0x38: {  	s10 =	sld [smem:$0x3FBB]  }
0x39: {  	_ = 	snop;
	(pc) =	sbr.ind lr, $3  }
0x3a: {  	_ = 	snop  }
0x3b: {  	_ = 	snop  }
0x3c: {  	p2 =	seq.s32 s10, $0x1;
	s10 =	sld [smem:$0x3FBA]  }
0x3d: {  	_ =	shalt  }
0x3e: {  	_ =	shalt  }
0x3f: {  	_ =	shalt  }
0x40: {  	_ =	shalt  }
0x41: {  	_ =	shalt  }
0x42: {  	_ =	shalt  }
0x43: {  	_ =	shalt  }
0x44: {  	_ =	shalt  }
0x45: {  	_ =	shalt  }
0x46: {  	_ =	shalt  }
0x47: {  	_ =	shalt  }
0x48: {  	_ =	shalt  }
0x49: {  	_ =	shalt  }
0x4a: {  	_ =	shalt  }
0x4b: {  	_ =	shalt  }
0x4c: {  	_ =	shalt  }
0x4d: {  	_ =	shalt  }
0x4e: {  	_ =	shalt  }
0x4f: {  	_ =	shalt  }
0x50: {  	_ =	shalt  }
0x51: {  	_ =	shalt  }
0x52: {  	_ =	shalt  }
0x53: {  	_ =	shalt  }
0x54: {  	_ =	shalt  }
0x55: {  	_ =	shalt  }
0x56: {  	_ =	shalt  }
0x57: {  	_ =	shalt  }
0x58: {  	_ =	shalt  }
0x59: {  	_ =	shalt  }
0x5a: {  	_ =	shalt  }
0x5b: {  	_ =	shalt  }
0x5c: {  	_ =	shalt  }
0x5d: {  	_ =	shalt  }
0x5e: {  	_ =	shalt  }
0x5f: {  	_ =	shalt  }
0x60: {  	_ =	shalt  }
0x61: {  	_ =	shalt  }
0x62: {  	_ =	shalt  }
0x63: {  	_ =	shalt  }
0x64: {  	_ =	shalt  }
0x65: {  	_ =	shalt  }
0x66: {  	_ =	shalt  }
0x67: {  	_ =	shalt  }
0x68: {  	_ =	shalt  }
0x69: {  	_ =	shalt  }
0x6a: {  	_ =	shalt  }
0x6b: {  	_ =	shalt  }
0x6c: {  	_ =	shalt  }
0x6d: {  	_ =	shalt  }
0x6e: {  	_ =	shalt  }
0x6f: {  	_ =	shalt  }
0x70: {  	_ =	shalt  }
0x71: {  	_ =	shalt  }
0x72: {  	_ =	shalt  }
0x73: {  	_ =	shalt  }
0x74: {  	_ =	shalt  }
0x75: {  	_ =	shalt  }
0x76: {  	_ =	shalt  }
0x77: {  	_ =	shalt  }
0x78: {  	_ =	shalt  }
0x79: {  	_ =	shalt  }
0x7a: {  	_ =	shalt  }
0x7b: {  	_ =	shalt  }
0x7c: {  	_ =	shalt  }
0x7d: {  	_ =	shalt  }
0x7e: {  	_ =	shalt  }
0x7f: {  	_ =	shalt  }
0x80: {  	_ =	shalt  }
0x81: {  	_ =	shalt  }
0x82: {  	_ =	shalt  }
0x83: {  	_ =	shalt  }
0x84: {  	_ =	shalt  }
0x85: {  	_ =	shalt  }
0x86: {  	_ =	shalt  }
0x87: {  	_ =	shalt  }
.Lfunc_end0:
.L_simem_size_0:
called_computation_lowered:
.L_overlay_start_0:
0x88: {  	s2 =	sld [smem:$0x3FD9]  }
0x89: {  	s3 =	sld [smem:$0x3FFE];
	_ =	sdelay $0x1  }
0x8a: {  	s1 =	srdreg.scid  }
0x8b: {  	s0 =	sand.u32 $0x1, s1  }
0x8c: {  	s17 =	sshll.u32 s0, $0xA;
	s2 =	sadd.s32 s3, s2  }
0x8d: {  	s2 =	sadd.s32 s2, s17  }
0x8e: {  	[smem:$0x3FC6] =	sst s2  }
0x8f: {  	_ = 	snop  }
0x90: {  	s2 =	sld [smem:$0x3FC9]  }
0x91: {  	s18 =	sld [smem:$0x3FD0];
	(tm) =	ssettm $0x1  }
0x92: {  	s4 =	sld [smem:$0x3FFB];
	_ =	sdelay $0x3  }
0x93: {  	_ =	strace s4  }
0x94: {  	s4 =	sld [smem:$0x3FFC];
	_ =	sdelay $0x3  }
0x95: {  	_ =	strace s4  }
0x96: {  	s4 =	sld [smem:$0x3FFD];
	_ =	sdelay $0x3  }
0x97: {  	_ =	strace s4  }
0x98: {  	_ =	strace $0x8FFFFFFF  }
0x99: {  	s19 =	sld [smem:$0x3FDB];
	_ =	sdelay $0x1  }
0x9a: {  	s5 =	simm.s32 $_scs_section_size  }
0x9b: {  	s6 =	simm.s32 $_size__tile_overlayer_lowered;
	s7 =	simm.s32 $_tile_overlayer_lowered  }
0x9c: {  	s22 =	simm.s32 $0x1BFF;
	s21 =	sshll.u32 s7, $0x1;
	s4 =	sadd.s32 s5, s19  }
0x9d: {  	s8 =	simm.s32 $0x0;
	s20 =	sshll.u32 s6, $0x1;
	s6 =	sadd.s32 s21, s4  }
0x9e: {  	[timem:s8], [sflag:s22] =	dma.local [hbm:s6], s20  }
0x9f: {  	_ =	swait.ge [sflag:s22], s20  }
0xa0: {  	s5 =	ssub.s32 $0x0, s20;
	[sflag:s22] =	ssyncset.done $0x0  }
0xa1: {  	[sflag:s22] =	ssyncadd.s32 s5;
	_ =	sdelay $0x1  }
0xa2: {  	s23 =	simm.s32 $0x1B8B  }
0xa3: {  	_ =	swait.ge [sflag:s23], $0x1  }
0xa4: {  	[sflag:s23] =	ssyncset.done $0x0  }
0xa5: {  	s25 =	simm.s32 $0x1B8E;
	s24 =	sld [smem:$0x3FFE];
	[sflag:s23] =	ssyncadd.s32 $0xFFFFFFFF  }
0xa6: {  	s26 =	simm.s32 $execute0_lowered;
	[smem:$0x3FD2] =	sst s25  }
0xa7: {  	s6 =	sshll.u32 s26, $0x1;
	_ =	strace $0x80000046;
	[dreg:$0x1] =	wrdreg $0xFFFFFFFF  }
0xa8: {  	s28 =	simm.s32 $_size_execute0_lowered;
	s4 =	sadd.s32 s4, s6;
	[dreg:$0x0] =	wrdreg $0x0  }
0xa9: {  	s6 =	sshll.u32 s28, $0x1;
	[dreg:$0x2] =	wrdreg s4  }
0xaa: {  	[dreg:$0x3] =	wrdreg s6  }
0xab: {  	[dreg:$0x4] =	wrdreg $0xC0  }
0xac: {  	_ =	task [dreg:s8], $0x5FFFF  }
0xad: {  	[dreg:$0x1] =	wrdreg $0xFFFFFFFF  }
0xae: {  	[dreg:$0x0] =	wrdreg $0x60  }
0xaf: {  	[dreg:$0x2] =	wrdreg s2  }
0xb0: {  	[dreg:$0x3] =	wrdreg s24  }
0xb1: {  	[dreg:$0x4] =	wrdreg s18  }
0xb2: {  	[dreg:$0x5] =	wrdreg $0x9  }
0xb3: {  	_ =	task.clear_ibuf [dreg:s8], $0x6FFFF;
	_ =	strace $0x90000046  }
0xb4: {  	s29 =	simm.s32 $0x9;
	_ =	strace $0x80000048  }
0xb5: {  	_ =	swait.ge [sflag:s29], $0x1  }
0xb6: {  	[sflag:s29] =	ssyncadd.s32 $0xFFFFFFFF  }
0xb7: {  	_ =	strace $0x90000048  }
0xb8: {  	_ =	sfence  }
0xb9: {  	s30 =	sld [smem:$0x0];
	_ =	sdelay $0x2  }
0xba: {  	s31 =	sshll.u32 s1, $0xD;
	s1 =	sshrl.u32 s1, $0x2  }
0xbb: {  	s3 =	sand.u32 $0x4000, s31;
	s1 =	sadd.s32 s1, s30  }
0xbc: {  	s0 =	sor.u32 s3, s0;
	s1 =	sshll.u32 s1, $0x11  }
0xbd: {  	s0 =	sor.u32 s1, s0  }
0xbe: {  	s0 =	sadd.s32 $0x8F2B, s0  }
0xbf: {  	[sflag:s0] =	ssyncadd.remote.s32 $0x1  }
0xc0: {  	_ =	sfence.sel $0xFFFF  }
0xc1: {  	[dreg:$0x0] =	wrdreg $0xFFFFFFFF;
	(pc) =	sbr.abs _section_cstart, $3  }
0xc2: {  	[dreg:$0x1] =	wrdreg $0xFFFFFFFF  }
0xc3: {  	_ =	task.clear_ibuf [dreg:s8], $0x2FFFF;
	_ =	strace $0x9FFFFFFF  }
0xc4: {  	(tm) =	ssettm $0x7FFFFFFF  }
0xc5: {  	_ =	shalt  }
tec
execute0_lowered:
.L_overlay_start_1:
0x0: {  	(tag) =	ssettag $0x1  }
0x1: {  	v0 =	vimm.s32 $0xB80;
	vm14 =	vcmask $0x300;
	v1 =	vimm.s32 $0xB81  }
0x2: {  	vm13 =	vcmask $0x704;
	vm12 =	vcmask $0xB08;
	vm11 =	vcmask $0xF0C  }
0x3: {  	vm10 =	vcmask $0x1310;
	vm9 =	vcmask $0x1714;
	vm8 =	vcmask $0x1B18  }
0x4: {  	vm7 =	vcmask $0x1F1C;
	vm6 =	vcmask $0x2320;
	vm5 =	vcmask $0x2724  }
0x5: {  	vm4 =	vcmask $0x2B28;
	vm3 =	vcmask $0x2F2C;
	vm2 =	vcmask $0x3330  }
0x6: {  	vm1 =	vcmask $0x3734;
	vm0 =	vcmask $0x3B38;
	v4 =	vimm.s32 $0xB83  }
0x7: {  	v5 =	vimm.s32 $0xB84;
	v6 =	vimm.s32 $0xB85;
	v7 =	vimm.s32 $0xB86  }
0x8: {  	v8 =	vimm.s32 $0xB87;
	v9 =	vimm.s32 $0xB88;
	v10 =	vimm.s32 $0xB89  }
0x9: {  	v11 =	vimm.s32 $0xB8A;
	v12 =	vimm.s32 $0xB8B;
	v13 =	vimm.s32 $0xB8C  }
0xa: {  	v14 =	vimm.s32 $0xB8D;
	v15 =	vimm.s32 $0xB8E;
	v16 =	vimm.s32 $0xB8F  }
0xb: {  	v17 =	vimm.s32 $0xF80;
	v18 =	vimm.s32 $0xF81;
	v19 =	vimm.s32 $0xF82  }
0xc: {  	v20 =	vimm.s32 $0xF83;
	v21 =	vimm.s32 $0xF84;
	v22 =	vimm.s32 $0xF85  }
0xd: {  	v23 =	vimm.s32 $0xF86;
	v24 =	vimm.s32 $0xF87;
	v25 =	vimm.s32 $0xF88  }
0xe: {  	v26 =	vimm.s32 $0xF89;
	v27 =	vimm.s32 $0xF8A;
	v28 =	vimm.s32 $0xF8B  }
0xf: {  	v29 =	vimm.s32 $0xF8C;
	v30 =	vimm.s32 $0xF8D;
	v31 =	vimm.s32 $0xF8E  }
0x10: {  	v32 =	vimm.s32 $0xF8F;
	v0 =	vsel vm14, $0x0, v0;
	v1 =	vsel vm14, $0x1, v1  }
0x11: {  	v4 =	vsel vm14, $0x3, v4;
	v5 =	vsel vm14, $0x4, v5;
	v6 =	vsel vm14, $0x5, v6  }
0x12: {  	v7 =	vsel vm14, $0x6, v7;
	v8 =	vsel vm14, $0x7, v8;
	v9 =	vsel vm14, $0x8, v9  }
0x13: {  	v10 =	vsel vm14, $0x9, v10;
	v11 =	vsel vm14, $0xA, v11;
	v12 =	vsel vm14, $0xB, v12  }
0x14: {  	v13 =	vsel vm14, $0xC, v13;
	v14 =	vsel vm14, $0xD, v14;
	v15 =	vsel vm14, $0xE, v15  }
0x15: {  	v16 =	vsel vm14, $0xF, v16;
	v17 =	vsel vm14, $0x400, v17;
	v18 =	vsel vm14, $0x401, v18  }
0x16: {  	v19 =	vsel vm14, $0x402, v19;
	v20 =	vsel vm14, $0x403, v20;
	v21 =	vsel vm14, $0x404, v21  }
0x17: {  	v22 =	vsel vm14, $0x405, v22;
	v23 =	vsel vm14, $0x406, v23;
	v24 =	vsel vm14, $0x407, v24  }
0x18: {  	v25 =	vsel vm14, $0x408, v25;
	v26 =	vsel vm14, $0x409, v26;
	v27 =	vsel vm14, $0x40A, v27  }
0x19: {  	v28 =	vsel vm14, $0x40B, v28;
	v29 =	vsel vm14, $0x40C, v29;
	v30 =	vsel vm14, $0x40D, v30  }
0x1a: {  	v31 =	vsel vm14, $0x40E, v31;
	v32 =	vsel vm14, $0x40F, v32;
	v0 =	vsel vm13, $0x80, v0  }
0x1b: {  	v1 =	vsel vm13, $0x81, v1;
	v4 =	vsel vm13, $0x83, v4;
	v5 =	vsel vm13, $0x84, v5  }
0x1c: {  	v6 =	vsel vm13, $0x85, v6;
	v7 =	vsel vm13, $0x86, v7;
	v8 =	vsel vm13, $0x87, v8  }
0x1d: {  	v9 =	vsel vm13, $0x88, v9;
	v10 =	vsel vm13, $0x89, v10;
	v11 =	vsel vm13, $0x8A, v11  }
0x1e: {  	v12 =	vsel vm13, $0x8B, v12;
	v13 =	vsel vm13, $0x8C, v13;
	v14 =	vsel vm13, $0x8D, v14  }
0x1f: {  	v15 =	vsel vm13, $0x8E, v15;
	v16 =	vsel vm13, $0x8F, v16;
	v17 =	vsel vm13, $0x480, v17  }
0x20: {  	v18 =	vsel vm13, $0x481, v18;
	v19 =	vsel vm13, $0x482, v19;
	v20 =	vsel vm13, $0x483, v20  }
0x21: {  	v21 =	vsel vm13, $0x484, v21;
	v22 =	vsel vm13, $0x485, v22;
	v23 =	vsel vm13, $0x486, v23  }
0x22: {  	v24 =	vsel vm13, $0x487, v24;
	v25 =	vsel vm13, $0x488, v25;
	v26 =	vsel vm13, $0x489, v26  }
0x23: {  	v27 =	vsel vm13, $0x48A, v27;
	v28 =	vsel vm13, $0x48B, v28;
	v29 =	vsel vm13, $0x48C, v29  }
0x24: {  	v30 =	vsel vm13, $0x48D, v30;
	v31 =	vsel vm13, $0x48E, v31;
	v32 =	vsel vm13, $0x48F, v32  }
0x25: {  	v0 =	vsel vm12, $0x100, v0;
	v1 =	vsel vm12, $0x101, v1;
	v4 =	vsel vm12, $0x103, v4  }
0x26: {  	v5 =	vsel vm12, $0x104, v5;
	v6 =	vsel vm12, $0x105, v6;
	v7 =	vsel vm12, $0x106, v7  }
0x27: {  	v8 =	vsel vm12, $0x107, v8;
	v9 =	vsel vm12, $0x108, v9;
	v10 =	vsel vm12, $0x109, v10  }
0x28: {  	v11 =	vsel vm12, $0x10A, v11;
	v12 =	vsel vm12, $0x10B, v12;
	v13 =	vsel vm12, $0x10C, v13  }
0x29: {  	v14 =	vsel vm12, $0x10D, v14;
	v15 =	vsel vm12, $0x10E, v15;
	v16 =	vsel vm12, $0x10F, v16  }
0x2a: {  	v17 =	vsel vm12, $0x500, v17;
	v18 =	vsel vm12, $0x501, v18;
	v19 =	vsel vm12, $0x502, v19  }
0x2b: {  	v20 =	vsel vm12, $0x503, v20;
	v21 =	vsel vm12, $0x504, v21;
	v22 =	vsel vm12, $0x505, v22  }
0x2c: {  	v23 =	vsel vm12, $0x506, v23;
	v24 =	vsel vm12, $0x507, v24;
	v25 =	vsel vm12, $0x508, v25  }
0x2d: {  	v26 =	vsel vm12, $0x509, v26;
	v27 =	vsel vm12, $0x50A, v27;
	v28 =	vsel vm12, $0x50B, v28  }
0x2e: {  	v29 =	vsel vm12, $0x50C, v29;
	v30 =	vsel vm12, $0x50D, v30;
	v31 =	vsel vm12, $0x50E, v31  }
0x2f: {  	v32 =	vsel vm12, $0x50F, v32;
	v0 =	vsel vm11, $0x180, v0;
	v1 =	vsel vm11, $0x181, v1  }
0x30: {  	v4 =	vsel vm11, $0x183, v4;
	v5 =	vsel vm11, $0x184, v5;
	v6 =	vsel vm11, $0x185, v6  }
0x31: {  	v7 =	vsel vm11, $0x186, v7;
	v8 =	vsel vm11, $0x187, v8;
	v9 =	vsel vm11, $0x188, v9  }
0x32: {  	v10 =	vsel vm11, $0x189, v10;
	v11 =	vsel vm11, $0x18A, v11;
	v12 =	vsel vm11, $0x18B, v12  }
0x33: {  	v13 =	vsel vm11, $0x18C, v13;
	v14 =	vsel vm11, $0x18D, v14;
	v15 =	vsel vm11, $0x18E, v15  }
0x34: {  	v16 =	vsel vm11, $0x18F, v16;
	v17 =	vsel vm11, $0x580, v17;
	v18 =	vsel vm11, $0x581, v18  }
0x35: {  	v19 =	vsel vm11, $0x582, v19;
	v20 =	vsel vm11, $0x583, v20;
	v21 =	vsel vm11, $0x584, v21  }
0x36: {  	v22 =	vsel vm11, $0x585, v22;
	v23 =	vsel vm11, $0x586, v23;
	v24 =	vsel vm11, $0x587, v24  }
0x37: {  	v25 =	vsel vm11, $0x588, v25;
	v26 =	vsel vm11, $0x589, v26;
	v27 =	vsel vm11, $0x58A, v27  }
0x38: {  	v28 =	vsel vm11, $0x58B, v28;
	v29 =	vsel vm11, $0x58C, v29;
	v30 =	vsel vm11, $0x58D, v30  }
0x39: {  	v31 =	vsel vm11, $0x58E, v31;
	v32 =	vsel vm11, $0x58F, v32;
	v0 =	vsel vm10, $0x200, v0  }
0x3a: {  	v1 =	vsel vm10, $0x201, v1;
	v4 =	vsel vm10, $0x203, v4;
	v5 =	vsel vm10, $0x204, v5  }
0x3b: {  	v6 =	vsel vm10, $0x205, v6;
	v7 =	vsel vm10, $0x206, v7;
	v8 =	vsel vm10, $0x207, v8  }
0x3c: {  	v9 =	vsel vm10, $0x208, v9;
	v10 =	vsel vm10, $0x209, v10;
	v11 =	vsel vm10, $0x20A, v11  }
0x3d: {  	v12 =	vsel vm10, $0x20B, v12;
	v13 =	vsel vm10, $0x20C, v13;
	v14 =	vsel vm10, $0x20D, v14  }
0x3e: {  	v15 =	vsel vm10, $0x20E, v15;
	v16 =	vsel vm10, $0x20F, v16;
	v17 =	vsel vm10, $0x600, v17  }
0x3f: {  	v18 =	vsel vm10, $0x601, v18;
	v19 =	vsel vm10, $0x602, v19;
	v20 =	vsel vm10, $0x603, v20  }
0x40: {  	v21 =	vsel vm10, $0x604, v21;
	v22 =	vsel vm10, $0x605, v22;
	v23 =	vsel vm10, $0x606, v23  }
0x41: {  	v24 =	vsel vm10, $0x607, v24;
	v25 =	vsel vm10, $0x608, v25;
	v26 =	vsel vm10, $0x609, v26  }
0x42: {  	v27 =	vsel vm10, $0x60A, v27;
	v28 =	vsel vm10, $0x60B, v28;
	v29 =	vsel vm10, $0x60C, v29  }
0x43: {  	v30 =	vsel vm10, $0x60D, v30;
	v31 =	vsel vm10, $0x60E, v31;
	v32 =	vsel vm10, $0x60F, v32  }
0x44: {  	v0 =	vsel vm9, $0x280, v0;
	v1 =	vsel vm9, $0x281, v1;
	v4 =	vsel vm9, $0x283, v4  }
0x45: {  	v5 =	vsel vm9, $0x284, v5;
	v6 =	vsel vm9, $0x285, v6;
	v7 =	vsel vm9, $0x286, v7  }
0x46: {  	v8 =	vsel vm9, $0x287, v8;
	v9 =	vsel vm9, $0x288, v9;
	v10 =	vsel vm9, $0x289, v10  }
0x47: {  	v11 =	vsel vm9, $0x28A, v11;
	v12 =	vsel vm9, $0x28B, v12;
	v13 =	vsel vm9, $0x28C, v13  }
0x48: {  	v14 =	vsel vm9, $0x28D, v14;
	v15 =	vsel vm9, $0x28E, v15;
	v16 =	vsel vm9, $0x28F, v16  }
0x49: {  	v17 =	vsel vm9, $0x680, v17;
	v18 =	vsel vm9, $0x681, v18;
	v19 =	vsel vm9, $0x682, v19  }
0x4a: {  	v20 =	vsel vm9, $0x683, v20;
	v21 =	vsel vm9, $0x684, v21;
	v22 =	vsel vm9, $0x685, v22  }
0x4b: {  	v23 =	vsel vm9, $0x686, v23;
	v24 =	vsel vm9, $0x687, v24;
	v25 =	vsel vm9, $0x688, v25  }
0x4c: {  	v26 =	vsel vm9, $0x689, v26;
	v27 =	vsel vm9, $0x68A, v27;
	v28 =	vsel vm9, $0x68B, v28  }
0x4d: {  	v29 =	vsel vm9, $0x68C, v29;
	v30 =	vsel vm9, $0x68D, v30;
	v31 =	vsel vm9, $0x68E, v31  }
0x4e: {  	v32 =	vsel vm9, $0x68F, v32;
	v0 =	vsel vm8, $0x300, v0;
	v1 =	vsel vm8, $0x301, v1  }
0x4f: {  	v4 =	vsel vm8, $0x303, v4;
	v5 =	vsel vm8, $0x304, v5;
	v6 =	vsel vm8, $0x305, v6  }
0x50: {  	v7 =	vsel vm8, $0x306, v7;
	v8 =	vsel vm8, $0x307, v8;
	v9 =	vsel vm8, $0x308, v9  }
0x51: {  	v10 =	vsel vm8, $0x309, v10;
	v11 =	vsel vm8, $0x30A, v11;
	v12 =	vsel vm8, $0x30B, v12  }
0x52: {  	v13 =	vsel vm8, $0x30C, v13;
	v14 =	vsel vm8, $0x30D, v14;
	v15 =	vsel vm8, $0x30E, v15  }
0x53: {  	v16 =	vsel vm8, $0x30F, v16;
	v17 =	vsel vm8, $0x700, v17;
	v18 =	vsel vm8, $0x701, v18  }
0x54: {  	v19 =	vsel vm8, $0x702, v19;
	v20 =	vsel vm8, $0x703, v20;
	v21 =	vsel vm8, $0x704, v21  }
0x55: {  	v22 =	vsel vm8, $0x705, v22;
	v23 =	vsel vm8, $0x706, v23;
	v24 =	vsel vm8, $0x707, v24  }
0x56: {  	v25 =	vsel vm8, $0x708, v25;
	v26 =	vsel vm8, $0x709, v26;
	v27 =	vsel vm8, $0x70A, v27  }
0x57: {  	v28 =	vsel vm8, $0x70B, v28;
	v29 =	vsel vm8, $0x70C, v29;
	v30 =	vsel vm8, $0x70D, v30  }
0x58: {  	v31 =	vsel vm8, $0x70E, v31;
	v32 =	vsel vm8, $0x70F, v32;
	v0 =	vsel vm7, $0x380, v0  }
0x59: {  	v1 =	vsel vm7, $0x381, v1;
	v4 =	vsel vm7, $0x383, v4;
	v5 =	vsel vm7, $0x384, v5  }
0x5a: {  	v6 =	vsel vm7, $0x385, v6;
	v7 =	vsel vm7, $0x386, v7;
	v8 =	vsel vm7, $0x387, v8  }
0x5b: {  	v9 =	vsel vm7, $0x388, v9;
	v10 =	vsel vm7, $0x389, v10;
	v11 =	vsel vm7, $0x38A, v11  }
0x5c: {  	v12 =	vsel vm7, $0x38B, v12;
	v13 =	vsel vm7, $0x38C, v13;
	v14 =	vsel vm7, $0x38D, v14  }
0x5d: {  	v15 =	vsel vm7, $0x38E, v15;
	v16 =	vsel vm7, $0x38F, v16;
	v17 =	vsel vm7, $0x780, v17  }
0x5e: {  	v18 =	vsel vm7, $0x781, v18;
	v19 =	vsel vm7, $0x782, v19;
	v20 =	vsel vm7, $0x783, v20  }
0x5f: {  	v21 =	vsel vm7, $0x784, v21;
	v22 =	vsel vm7, $0x785, v22;
	v23 =	vsel vm7, $0x786, v23  }
0x60: {  	v24 =	vsel vm7, $0x787, v24;
	v25 =	vsel vm7, $0x788, v25;
	v26 =	vsel vm7, $0x789, v26  }
0x61: {  	v27 =	vsel vm7, $0x78A, v27;
	v28 =	vsel vm7, $0x78B, v28;
	v29 =	vsel vm7, $0x78C, v29  }
0x62: {  	v30 =	vsel vm7, $0x78D, v30;
	v31 =	vsel vm7, $0x78E, v31;
	v32 =	vsel vm7, $0x78F, v32  }
0x63: {  	v0 =	vsel vm6, $0x800, v0;
	v1 =	vsel vm6, $0x801, v1;
	v4 =	vsel vm6, $0x803, v4  }
0x64: {  	v5 =	vsel vm6, $0x804, v5;
	v6 =	vsel vm6, $0x805, v6;
	v7 =	vsel vm6, $0x806, v7  }
0x65: {  	v8 =	vsel vm6, $0x807, v8;
	v9 =	vsel vm6, $0x808, v9;
	v10 =	vsel vm6, $0x809, v10  }
0x66: {  	v11 =	vsel vm6, $0x80A, v11;
	v12 =	vsel vm6, $0x80B, v12;
	v13 =	vsel vm6, $0x80C, v13  }
0x67: {  	v14 =	vsel vm6, $0x80D, v14;
	v15 =	vsel vm6, $0x80E, v15;
	v16 =	vsel vm6, $0x80F, v16  }
0x68: {  	v17 =	vsel vm6, $0xC00, v17;
	v18 =	vsel vm6, $0xC01, v18;
	v19 =	vsel vm6, $0xC02, v19  }
0x69: {  	v20 =	vsel vm6, $0xC03, v20;
	v21 =	vsel vm6, $0xC04, v21;
	v22 =	vsel vm6, $0xC05, v22  }
0x6a: {  	v23 =	vsel vm6, $0xC06, v23;
	v24 =	vsel vm6, $0xC07, v24;
	v25 =	vsel vm6, $0xC08, v25  }
0x6b: {  	v26 =	vsel vm6, $0xC09, v26;
	v27 =	vsel vm6, $0xC0A, v27;
	v28 =	vsel vm6, $0xC0B, v28  }
0x6c: {  	v29 =	vsel vm6, $0xC0C, v29;
	v30 =	vsel vm6, $0xC0D, v30;
	v31 =	vsel vm6, $0xC0E, v31  }
0x6d: {  	v32 =	vsel vm6, $0xC0F, v32;
	v0 =	vsel vm5, $0x880, v0;
	v1 =	vsel vm5, $0x881, v1  }
0x6e: {  	v4 =	vsel vm5, $0x883, v4;
	v5 =	vsel vm5, $0x884, v5;
	v6 =	vsel vm5, $0x885, v6  }
0x6f: {  	v7 =	vsel vm5, $0x886, v7;
	v8 =	vsel vm5, $0x887, v8;
	v9 =	vsel vm5, $0x888, v9  }
0x70: {  	v10 =	vsel vm5, $0x889, v10;
	v11 =	vsel vm5, $0x88A, v11;
	v12 =	vsel vm5, $0x88B, v12  }
0x71: {  	v13 =	vsel vm5, $0x88C, v13;
	v14 =	vsel vm5, $0x88D, v14;
	v15 =	vsel vm5, $0x88E, v15  }
0x72: {  	v16 =	vsel vm5, $0x88F, v16;
	v17 =	vsel vm5, $0xC80, v17;
	v18 =	vsel vm5, $0xC81, v18  }
0x73: {  	v19 =	vsel vm5, $0xC82, v19;
	v20 =	vsel vm5, $0xC83, v20;
	v21 =	vsel vm5, $0xC84, v21  }
0x74: {  	v22 =	vsel vm5, $0xC85, v22;
	v23 =	vsel vm5, $0xC86, v23;
	v24 =	vsel vm5, $0xC87, v24  }
0x75: {  	v25 =	vsel vm5, $0xC88, v25;
	v26 =	vsel vm5, $0xC89, v26;
	v27 =	vsel vm5, $0xC8A, v27  }
0x76: {  	v28 =	vsel vm5, $0xC8B, v28;
	v29 =	vsel vm5, $0xC8C, v29;
	v30 =	vsel vm5, $0xC8D, v30  }
0x77: {  	v31 =	vsel vm5, $0xC8E, v31;
	v32 =	vsel vm5, $0xC8F, v32;
	v0 =	vsel vm4, $0x900, v0  }
0x78: {  	v1 =	vsel vm4, $0x901, v1;
	v4 =	vsel vm4, $0x903, v4;
	v5 =	vsel vm4, $0x904, v5  }
0x79: {  	v6 =	vsel vm4, $0x905, v6;
	v7 =	vsel vm4, $0x906, v7;
	v8 =	vsel vm4, $0x907, v8  }
0x7a: {  	v9 =	vsel vm4, $0x908, v9;
	v10 =	vsel vm4, $0x909, v10;
	v11 =	vsel vm4, $0x90A, v11  }
0x7b: {  	v12 =	vsel vm4, $0x90B, v12;
	v13 =	vsel vm4, $0x90C, v13;
	v14 =	vsel vm4, $0x90D, v14  }
0x7c: {  	v15 =	vsel vm4, $0x90E, v15;
	v16 =	vsel vm4, $0x90F, v16;
	v17 =	vsel vm4, $0xD00, v17  }
0x7d: {  	v18 =	vsel vm4, $0xD01, v18;
	v19 =	vsel vm4, $0xD02, v19;
	v20 =	vsel vm4, $0xD03, v20  }
0x7e: {  	v21 =	vsel vm4, $0xD04, v21;
	v22 =	vsel vm4, $0xD05, v22;
	v23 =	vsel vm4, $0xD06, v23  }
0x7f: {  	v24 =	vsel vm4, $0xD07, v24;
	v25 =	vsel vm4, $0xD08, v25;
	v26 =	vsel vm4, $0xD09, v26  }
0x80: {  	v27 =	vsel vm4, $0xD0A, v27;
	v28 =	vsel vm4, $0xD0B, v28;
	v29 =	vsel vm4, $0xD0C, v29  }
0x81: {  	v30 =	vsel vm4, $0xD0D, v30;
	v31 =	vsel vm4, $0xD0E, v31;
	v32 =	vsel vm4, $0xD0F, v32  }
0x82: {  	v0 =	vsel vm3, $0x980, v0;
	v1 =	vsel vm3, $0x981, v1;
	v4 =	vsel vm3, $0x983, v4  }
0x83: {  	v5 =	vsel vm3, $0x984, v5;
	v6 =	vsel vm3, $0x985, v6;
	v7 =	vsel vm3, $0x986, v7  }
0x84: {  	v8 =	vsel vm3, $0x987, v8;
	v9 =	vsel vm3, $0x988, v9;
	v10 =	vsel vm3, $0x989, v10  }
0x85: {  	v11 =	vsel vm3, $0x98A, v11;
	v12 =	vsel vm3, $0x98B, v12;
	v13 =	vsel vm3, $0x98C, v13  }
0x86: {  	v14 =	vsel vm3, $0x98D, v14;
	v15 =	vsel vm3, $0x98E, v15;
	v16 =	vsel vm3, $0x98F, v16  }
0x87: {  	v17 =	vsel vm3, $0xD80, v17;
	v18 =	vsel vm3, $0xD81, v18;
	v19 =	vsel vm3, $0xD82, v19  }
0x88: {  	v20 =	vsel vm3, $0xD83, v20;
	v21 =	vsel vm3, $0xD84, v21;
	v22 =	vsel vm3, $0xD85, v22  }
0x89: {  	v23 =	vsel vm3, $0xD86, v23;
	v24 =	vsel vm3, $0xD87, v24;
	v25 =	vsel vm3, $0xD88, v25  }
0x8a: {  	v26 =	vsel vm3, $0xD89, v26;
	v27 =	vsel vm3, $0xD8A, v27;
	v28 =	vsel vm3, $0xD8B, v28  }
0x8b: {  	v29 =	vsel vm3, $0xD8C, v29;
	v30 =	vsel vm3, $0xD8D, v30;
	v31 =	vsel vm3, $0xD8E, v31  }
0x8c: {  	v32 =	vsel vm3, $0xD8F, v32;
	v0 =	vsel vm2, $0xA00, v0;
	v1 =	vsel vm2, $0xA01, v1  }
0x8d: {  	v4 =	vsel vm2, $0xA03, v4;
	v5 =	vsel vm2, $0xA04, v5;
	v6 =	vsel vm2, $0xA05, v6  }
0x8e: {  	v7 =	vsel vm2, $0xA06, v7;
	v8 =	vsel vm2, $0xA07, v8;
	v9 =	vsel vm2, $0xA08, v9  }
0x8f: {  	v10 =	vsel vm2, $0xA09, v10;
	v11 =	vsel vm2, $0xA0A, v11;
	v12 =	vsel vm2, $0xA0B, v12  }
0x90: {  	v13 =	vsel vm2, $0xA0C, v13;
	v14 =	vsel vm2, $0xA0D, v14;
	v15 =	vsel vm2, $0xA0E, v15  }
0x91: {  	v16 =	vsel vm2, $0xA0F, v16;
	v17 =	vsel vm2, $0xE00, v17;
	v18 =	vsel vm2, $0xE01, v18  }
0x92: {  	v19 =	vsel vm2, $0xE02, v19;
	v20 =	vsel vm2, $0xE03, v20;
	v21 =	vsel vm2, $0xE04, v21  }
0x93: {  	s0 =	srdreg.scid;
	v22 =	vsel vm2, $0xE05, v22;
	v23 =	vsel vm2, $0xE06, v23;
	v24 =	vsel vm2, $0xE07, v24  }
0x94: {  	s1 =	sand.u32 $0x1, s0;
	v25 =	vsel vm2, $0xE08, v25;
	v26 =	vsel vm2, $0xE09, v26;
	v27 =	vsel vm2, $0xE0A, v27  }
0x95: {  	s0 =	smul.u32 $0xF4280, s1;
	v28 =	vsel vm2, $0xE0B, v28;
	v29 =	vsel vm2, $0xE0C, v29;
	v30 =	vsel vm2, $0xE0D, v30  }
0x96: {  	v31 =	vsel vm2, $0xE0E, v31;
	v32 =	vsel vm2, $0xE0F, v32;
	v2 =	vsel vm1, $0xA80, v0  }
0x97: {  	v3 =	vsel vm1, $0xA81, v1;
	v0 =	vmov s0;
	v4 =	vsel vm1, $0xA83, v4  }
0x98: {  	v5 =	vsel vm1, $0xA84, v5;
	v6 =	vsel vm1, $0xA85, v6;
	v7 =	vsel vm1, $0xA86, v7  }
0x99: {  	v8 =	vsel vm1, $0xA87, v8;
	v9 =	vsel vm1, $0xA88, v9;
	v10 =	vsel vm1, $0xA89, v10  }
0x9a: {  	v11 =	vsel vm1, $0xA8A, v11;
	v12 =	vsel vm1, $0xA8B, v12;
	v13 =	vsel vm1, $0xA8C, v13  }
0x9b: {  	v14 =	vsel vm1, $0xA8D, v14;
	v15 =	vsel vm1, $0xA8E, v15;
	v16 =	vsel vm1, $0xA8F, v16  }
0x9c: {  	v17 =	vsel vm1, $0xE80, v17;
	v18 =	vsel vm1, $0xE81, v18;
	v19 =	vsel vm1, $0xE82, v19  }
0x9d: {  	v20 =	vsel vm1, $0xE83, v20;
	v21 =	vsel vm1, $0xE84, v21;
	v22 =	vsel vm1, $0xE85, v22  }
0x9e: {  	v23 =	vsel vm1, $0xE86, v23;
	v24 =	vsel vm1, $0xE87, v24;
	v25 =	vsel vm1, $0xE88, v25  }
0x9f: {  	s12 =	rddreg [dreg:$0x0];
	v26 =	vsel vm1, $0xE89, v26;
	v27 =	vsel vm1, $0xE8A, v27;
	v28 =	vsel vm1, $0xE8B, v28  }
0xa0: {  	s20 =	rddreg [dreg:$0x1];
	v1 =	vsel vm0, $0xB00, v2;
	v2 =	vsel vm0, $0xB01, v3;
	v3 =	vimm.s32 $0xB82  }
0xa1: {  	s10 =	stileid.u32;
	s13 =	rddreg [dreg:$0x2];
	s4 =	simm.s32 $0x0;
	v29 =	vsel vm1, $0xE8C, v29;
	v30 =	vsel vm1, $0xE8D, v30;
	v3 =	vsel vm14, $0x2, v3  }
0xa2: {  	s29 =	simm.s32 $0x80;
	[smem:$0x7FF] =	sst s4;
	s6 =	smul.u32 $0x1E9, s10;
	v31 =	vsel vm1, $0xE8E, v31;
	v32 =	vsel vm1, $0xE8F, v32;
	v3 =	vsel vm13, $0x82, v3  }
0xa3: {  	s2 =	sshll.u32 s10, $0x1;
	s11 =	smul.u32 $0xF480, s10;
	s8 =	sadd.s32 $0x1E8E00, s20;
	v4 =	vsel vm0, $0xB03, v4;
	v5 =	vsel vm0, $0xB04, v5;
	v3 =	vsel vm12, $0x102, v3  }
0xa4: {  	s7 =	sadd.s32 $0x800, s20;
	s21 =	smul.u32 $0x7A400, s10;
	s10 =	sadd.s32 $0xF4A80, s20;
	v6 =	vsel vm0, $0xB05, v6;
	v7 =	vsel vm0, $0xB06, v7;
	v3 =	vsel vm11, $0x182, v3  }
0xa5: {  	s2 =	sor.u32 s1, s2;
	_ =	strace $0x80000047;
	s3 =	ssub.s32 $0x2, s1;
	v8 =	vsel vm0, $0xB07, v8;
	v9 =	vsel vm0, $0xB08, v9;
	v3 =	vsel vm10, $0x202, v3  }
0xa6: {  	s5 =	smul.u32 $0x32, s2;
	s9 =	sshrl.u32 s3, $0x1;
	s22 =	sadd.s32 s7, s11;
	v10 =	vsel vm0, $0xB09, v10;
	v11 =	vsel vm0, $0xB0A, v11;
	v3 =	vsel vm9, $0x282, v3  }
0xa7: {  	s23 =	smul.u32 $0x19000, s2;
	s11 =	sadd.s32 s11, s10;
	s24 =	sshll.u32 s2, $0xF;
	v12 =	vsel vm0, $0xB0B, v12;
	v13 =	vsel vm0, $0xB0C, v13;
	v3 =	vsel vm8, $0x302, v3  }
0xa8: {  	s2 =	smul.u32 $0x320, s2;
	s3 =	ssub.s32 s3, s9;
	[dreg:$0x4] =	wrdreg s22;
	v14 =	vsel vm0, $0xB0D, v14;
	v15 =	vsel vm0, $0xB0E, v15;
	v3 =	vsel vm7, $0x382, v3  }
0xa9: {  	[dreg:$0x5] =	wrdreg s11;
	s9 =	sshrl.u32 s21, $0x3;
	s11 =	sand.u32 $0x18000, s24;
	v16 =	vsel vm0, $0xB0F, v16;
	v17 =	vsel vm0, $0xF00, v17;
	v3 =	vsel vm6, $0x802, v3  }
0xaa: {  	s9 =	sadd.s32 s7, s9;
	s2 =	sand.u32 $0x380, s2;
	s31 =	smax.u32 s3, $0x1;
	v18 =	vsel vm0, $0xF01, v18;
	v19 =	vsel vm0, $0xF02, v19;
	v3 =	vsel vm5, $0x882, v3  }
0xab: {  	s25 =	sadd.s32 $0x100, s9;
	[dreg:$0xb] =	wrdreg s31;
	s0 =	sand.u32 $0x3E0000, s23;
	v20 =	vsel vm0, $0xF03, v20;
	v21 =	vsel vm0, $0xF04, v21;
	v3 =	vsel vm4, $0x902, v3  }
0xac: {  	s26 =	sadd.s32 $0xF4380, s9;
	[dreg:$0x6] =	wrdreg s25;
	v22 =	vsel vm0, $0xF05, v22;
	v23 =	vsel vm0, $0xF06, v23;
	s0 =	sor.u32 s11, s0;
	v3 =	vsel vm3, $0x982, v3  }
0xad: {  	s28 =	sadd.s32 $0x200, s9;
	[dreg:$0x7] =	wrdreg s26;
	v24 =	vsel vm0, $0xF07, v24;
	v25 =	vsel vm0, $0xF08, v25;
	s0 =	sor.u32 s2, s0;
	v3 =	vsel vm2, $0xA02, v3  }
0xae: {  	s30 =	sadd.s32 $0xF4480, s9;
	[dreg:$0x8] =	wrdreg s28;
	v26 =	vsel vm0, $0xF09, v26;
	v27 =	vsel vm0, $0xF0A, v27;
	[tilespmem:$0x1FFD0] =	vst v1;
	s0 =	sshrl.u32 s0, $0x3;
	v3 =	vsel vm1, $0xA82, v3  }
0xaf: {  	s18 =	sadd.s32 $0x4000, s13;
	[dreg:$0x9] =	wrdreg s30;
	v28 =	vsel vm0, $0xF0B, v28;
	v29 =	vsel vm0, $0xF0C, v29;
	[tilespmem:$0x1FFE0] =	vst v2;
	s0 =	sadd.s32 s12, s0;
	v3 =	vsel vm0, $0xB02, v3  }
0xb0: {  	s16 =	smul.u32 $0xF42800, s1;
	v30 =	vsel vm0, $0xF0D, v30;
	v31 =	vsel vm0, $0xF0E, v31;
	v32 =	vsel vm0, $0xF0F, v32;
	s2 =	simm.s32 $0x0;
	[dreg:$0xa] =	wrdreg s0;
	[tilespmem:$0x1FFF0] =	vst v3  }
.LBB2_1:
0xb1: {  	[dreg:$0xc] =	wrdreg s2  }
0xb2: {  	s0 =	rddreg [dreg:$0x4]  }
0xb3: {  	s1 =	simm.s32 $0x19000;
	s20 =	rddreg [dreg:$0x5]  }
0xb4: {  	[tilespmem:s1], [sflag:$0x4] =	stream.linear.gather [hbm4b:s0+s4], $0x800, $0x38;
	[tilespmem:$0x1F000] =	vst v63  }
0xb5: {  	s21 =	simm.s32 $0x19800;
	s22 =	rddreg [dreg:$0x6]  }
0xb6: {  	[tilespmem:s21], [sflag:$0x4] =	stream.linear.gather [hbm4b:s20+s4], $0x800, $0x38;
	[tilespmem:$0x1F000] =	vst v63  }
0xb7: {  	s23 =	simm.s32 $0x1A000;
	s24 =	rddreg [dreg:$0x7]  }
0xb8: {  	[tilespmem:s23], [sflag:$0x5] =	stream.linear.gather [hbm4b:s22+s4], $0x800, $0x38;
	[tilespmem:$0x1F000] =	vst v63  }
0xb9: {  	s25 =	simm.s32 $0x1A800;
	s26 =	rddreg [dreg:$0x8]  }
0xba: {  	[tilespmem:s25], [sflag:$0x5] =	stream.linear.gather [hbm4b:s24+s4], $0x800, $0x38;
	[tilespmem:$0x1F000] =	vst v63  }
0xbb: {  	s28 =	simm.s32 $0x1B000;
	s30 =	rddreg [dreg:$0x9]  }
0xbc: {  	[tilespmem:s28], [sflag:$0x6] =	stream.linear.gather [hbm4b:s26+s4], $0x800, $0x38;
	[tilespmem:$0x1F000] =	vst v63  }
0xbd: {  	s31 =	simm.s32 $0x1B800;
	p0 =	por $0x0, $0x0;
	s1 =	simm.s32 $0x0  }
0xbe: {  	[tilespmem:s31], [sflag:$0x6] =	stream.linear.gather [hbm4b:s30+s4], $0x800, $0x38;
	[tilespmem:$0x1F000] =	vst v63  }
.LBB2_2:
0xbf: {  	p1 =	sgt.u32 s1, $0xF1  }
0xc0: {  	s0 =	sadd.s32 @!p1 $0x3, s1  }
0xc1: {  	s2 =	sshll.u32 @!p1 s0, $0x1  }
0xc2: {  	s2 =	sadd.s32 @!p1 s6, s2  }
0xc3: {  	s24 =	sand.u32 $0x3, s1;
	s0 =	sand.u32 @!p1 $0x3, s0;
	s2 =	smin.u32 @!p1 s2, $0x1E83  }
0xc4: {  	s3 =	sor.u32 @!p1 $0x4, s0;
	s0 =	sshll.u32 @!p1 s0, $0xC;
	s2 =	sshll.u32 @!p1 s2, $0x7  }
0xc5: {  	s12 =	simm.s32 @!p1 $0x0;
	s9 =	sadd.s32 @!p1 $0x19000, s0;
	s11 =	sadd.s32 @!p1 s7, s2  }
0xc6: {  	[tilespmem:s9], [sflag:s3] =	stream.linear.gather @!p1 [hbm4b:s11+s12], $0x800, $0x38;
	[tilespmem:$0x1F000] =	vst v63  }
0xc7: {  	s25 =	sor.u32 $0x4, s24;
	s0 =	sadd.s32 @!p1 $0x19800, s0;
	s2 =	sadd.s32 @!p1 s2, s10  }
0xc8: {  	[tilespmem:s0], [sflag:s3] =	stream.linear.gather @!p1 [hbm4b:s2+s12], $0x800, $0x38;
	[tilespmem:$0x1F000] =	vst v63  }
0xc9: {  	_ =	swait.ge [sflag:s25], $0x800  }
0xca: {  	[sflag:s25] =	ssyncset.done $0x0  }
0xcb: {  	[sflag:s25] =	ssyncadd.s32 $0xFFFFF800  }
0xcc: {  	s13 =	simm.s32 $0x0;
	_ =	swait.ge [sflag:s25], $0x800  }
0xcd: {  	s20 =	sand.u32 $0x1, s1;
	v33 =	vor.u32 s13, v1;
	p1 =	slt.u32 s1, $0x2;
	[sflag:s25] =	ssyncset.done $0x0  }
0xce: {  	v34 =	vor.u32 s13, v2;
	s0 =	sor.u32 @!p1 $0x8, s20;
	[sflag:s25] =	ssyncadd.s32 $0xFFFFF800  }
0xcf: {  	v35 =	vor.u32 s13, v3;
	_ =	swait.ge @!p1 [sflag:s0], $0x1000  }
0xd0: {  	s26 =	sshll.u32 s24, $0xC;
	v36 =	vor.u32 s13, v4;
	[sflag:s0] =	ssyncset.done @!p1 $0x0  }
0xd1: {  	v37 =	vor.u32 s13, v5;
	s21 =	sadd.s32 $0x19000, s26;
	[sflag:s0] =	ssyncadd.s32 @!p1 $0xFFFFF000  }
0xd2: {  	v38 =	vor.u32 s13, v6;
	v33 =	vld.idx.msk [tilespmem:v33+s21+$0x0], $0xffff  }
0xd3: {  	v39 =	vor.u32 s13, v7;
	v34 =	vld.idx.msk [tilespmem:v34+s21+$0x0], $0xffff  }
0xd4: {  	v40 =	vor.u32 s13, v8;
	v35 =	vld.idx.msk [tilespmem:v35+s21+$0x0], $0xffff  }
0xd5: {  	v41 =	vor.u32 s13, v9;
	v36 =	vld.idx.msk [tilespmem:v36+s21+$0x0], $0xffff  }
0xd6: {  	v42 =	vor.u32 s13, v16;
	v37 =	vld.idx.msk [tilespmem:v37+s21+$0x0], $0xffff  }
0xd7: {  	v43 =	vor.u32 s13, v10;
	v38 =	vld.idx.msk [tilespmem:v38+s21+$0x0], $0xffff  }
0xd8: {  	v44 =	vor.u32 s13, v11;
	v39 =	vld.idx.msk [tilespmem:v39+s21+$0x0], $0xffff  }
0xd9: {  	v45 =	vor.u32 s13, v12;
	v40 =	vld.idx.msk [tilespmem:v40+s21+$0x0], $0xffff  }
0xda: {  	v46 =	vor.u32 s13, v13;
	v41 =	vld.idx.msk [tilespmem:v41+s21+$0x0], $0xffff  }
0xdb: {  	v47 =	vor.u32 s13, v14;
	v42 =	vld.idx.msk [tilespmem:v42+s21+$0x0], $0xffff  }
0xdc: {  	v48 =	vor.u32 s13, v15;
	v43 =	vld.idx.msk [tilespmem:v43+s21+$0x0], $0xffff  }
0xdd: {  	s0 =	simm.s32 $0x1;
	v44 =	vld.idx.msk [tilespmem:v44+s21+$0x0], $0xffff  }
0xde: {  	v45 =	vld.idx.msk [tilespmem:v45+s21+$0x0], $0xffff;
	s0 =	simm.s32 @!p0 $0x0  }
0xdf: {  	v46 =	vld.idx.msk [tilespmem:v46+s21+$0x0], $0xffff;
	s28 =	sshll.u32 s0, $0xC  }
0xe0: {  	v47 =	vld.idx.msk [tilespmem:v47+s21+$0x0], $0xffff;
	s0 =	sadd.s32 $0x1D080, s28  }
0xe1: {  	v48 =	vld.idx.msk [tilespmem:v48+s21+$0x0], $0xffff;
	[tilespmem:s0+$0x70] =	vst v42  }
0xe2: {  	[tilespmem:s0+$0xFFFFFF80] =	vst v33  }
0xe3: {  	[tilespmem:s0+$0xFFFFFF90] =	vst v34  }
0xe4: {  	[tilespmem:s0+$0xFFFFFFA0] =	vst v35  }
0xe5: {  	[tilespmem:s0+$0xFFFFFFB0] =	vst v36  }
0xe6: {  	[tilespmem:s0+$0xFFFFFFC0] =	vst v37  }
0xe7: {  	[tilespmem:s0+$0xFFFFFFD0] =	vst v38  }
0xe8: {  	[tilespmem:s0+$0xFFFFFFE0] =	vst v39  }
0xe9: {  	[tilespmem:s0+$0xFFFFFFF0] =	vst v40  }
0xea: {  	[tilespmem:s0+$0x0] =	vst v41  }
0xeb: {  	s11 =	simm.s32 $0x10;
	[tilespmem:s0+$0x10] =	vst v43  }
0xec: {  	v59 =	vor.u32 s11, v1;
	[tilespmem:s0+$0x20] =	vst v44  }
0xed: {  	v60 =	vor.u32 s11, v2;
	[tilespmem:s0+$0x30] =	vst v45  }
0xee: {  	v61 =	vor.u32 s11, v3;
	[tilespmem:s0+$0x40] =	vst v46  }
0xef: {  	v62 =	vor.u32 s11, v4;
	[tilespmem:s0+$0x50] =	vst v47  }
0xf0: {  	v63 =	vor.u32 s11, v5;
	[tilespmem:s0+$0x60] =	vst v48  }
0xf1: {  	v41 =	vor.u32 s11, v6;
	v33 =	vld.idx.msk [tilespmem:v59+s21+$0x0], $0xffff  }
0xf2: {  	v39 =	vor.u32 s11, v7;
	v34 =	vld.idx.msk [tilespmem:v60+s21+$0x0], $0xffff  }
0xf3: {  	s30 =	sshll.u32 s1, $0x1;
	s31 =	sshll.u32 s20, $0xC;
	v42 =	vor.u32 s11, v8;
	v35 =	vld.idx.msk [tilespmem:v61+s21+$0x0], $0xffff  }
0xf4: {  	s9 =	sadd.s32 $0x1D000, s31;
	s3 =	sadd.s32 s6, s30;
	s2 =	simm.s32 $0x10;
	v40 =	vor.u32 s11, v9;
	v36 =	vld.idx.msk [tilespmem:v62+s21+$0x0], $0xffff  }
0xf5: {  	s22 =	smin.u32 s3, $0x1E83;
	s3 =	simm.s32 $0x20;
	s12 =	sadd.s32 $0x1D8F0, s28;
	v38 =	vor.u32 s11, v16;
	v37 =	vld.idx.msk [tilespmem:v63+s21+$0x0], $0xffff  }
.LBB2_3:
0xf6: {  	p1 =	sne.s32 s3, $0x70;
	v41 =	vld.idx.msk [tilespmem:v41+s21+$0x0], $0xffff;
	v43 =	vor.u32 s2, v10  }
0xf7: {  	v44 =	vor.u32 s2, v11;
	v39 =	vld.idx.msk [tilespmem:v39+s21+$0x0], $0xffff  }
0xf8: {  	v45 =	vor.u32 s2, v12;
	v42 =	vld.idx.msk [tilespmem:v42+s21+$0x0], $0xffff  }
0xf9: {  	v46 =	vor.u32 s2, v13;
	v40 =	vld.idx.msk [tilespmem:v40+s21+$0x0], $0xffff  }
0xfa: {  	v47 =	vor.u32 s2, v14;
	v38 =	vld.idx.msk [tilespmem:v38+s21+$0x0], $0xffff  }
0xfb: {  	v48 =	vor.u32 s2, v15;
	s2 =	smov.u32 s3;
	v43 =	vld.idx.msk [tilespmem:v43+s21+$0x0], $0xffff  }
0xfc: {  	v44 =	vld.idx.msk [tilespmem:v44+s21+$0x0], $0xffff  }
0xfd: {  	v45 =	vld.idx.msk [tilespmem:v45+s21+$0x0], $0xffff  }
0xfe: {  	v46 =	vld.idx.msk [tilespmem:v46+s21+$0x0], $0xffff  }
0xff: {  	s0 =	sadd.s32 $0x100, s0;
	v47 =	vld.idx.msk [tilespmem:v47+s21+$0x0], $0xffff  }
0x100: {  	v48 =	vld.idx.msk [tilespmem:v48+s21+$0x0], $0xffff;
	[tilespmem:s0+$0x70] =	vst v38  }
0x101: {  	[tilespmem:s0+$0xFFFFFF80] =	vst v33  }
0x102: {  	[tilespmem:s0+$0xFFFFFF90] =	vst v34  }
0x103: {  	[tilespmem:s0+$0xFFFFFFA0] =	vst v35  }
0x104: {  	[tilespmem:s0+$0xFFFFFFB0] =	vst v36  }
0x105: {  	[tilespmem:s0+$0xFFFFFFC0] =	vst v37  }
0x106: {  	[tilespmem:s0+$0xFFFFFFD0] =	vst v41  }
0x107: {  	[tilespmem:s0+$0xFFFFFFE0] =	vst v39  }
0x108: {  	[tilespmem:s0+$0xFFFFFFF0] =	vst v42  }
0x109: {  	[tilespmem:s0+$0x0] =	vst v40  }
0x10a: {  	[tilespmem:s0+$0x10] =	vst v43  }
0x10b: {  	v33 =	vor.u32 s3, v1;
	[tilespmem:s0+$0x20] =	vst v44  }
0x10c: {  	v34 =	vor.u32 s3, v2;
	[tilespmem:s0+$0x30] =	vst v45  }
0x10d: {  	v35 =	vor.u32 s3, v3;
	[tilespmem:s0+$0x40] =	vst v46  }
0x10e: {  	v36 =	vor.u32 s3, v4;
	[tilespmem:s0+$0x50] =	vst v47  }
0x10f: {  	v37 =	vor.u32 s3, v5;
	[tilespmem:s0+$0x60] =	vst v48  }
.Ltmp0:
0x110: {  	v41 =	vor.u32 s3, v6;
	v33 =	vld.idx.msk [tilespmem:v33+s21+$0x0], $0xffff;
	(pc) =	sbr.rel @p1 .LBB2_3-.Ltmp0, $4  }
0x111: {  	v39 =	vor.u32 s3, v7;
	v34 =	vld.idx.msk [tilespmem:v34+s21+$0x0], $0xffff  }
0x112: {  	v42 =	vor.u32 s3, v8;
	v35 =	vld.idx.msk [tilespmem:v35+s21+$0x0], $0xffff  }
0x113: {  	v40 =	vor.u32 s3, v9;
	v36 =	vld.idx.msk [tilespmem:v36+s21+$0x0], $0xffff  }
0x114: {  	v38 =	vor.u32 s2, v16;
	s3 =	sadd.s32 $0x10, s3;
	v37 =	vld.idx.msk [tilespmem:v37+s21+$0x0], $0xffff  }
0x115: {  	_ =	sdelay $0x3  }
0x116: {  	v41 =	vld.idx.msk [tilespmem:v41+s21+$0x0], $0xffff;
	v43 =	vor.u32 s2, v10  }
0x117: {  	v39 =	vld.idx.msk [tilespmem:v39+s21+$0x0], $0xffff;
	v44 =	vor.u32 s2, v11  }
0x118: {  	v42 =	vld.idx.msk [tilespmem:v42+s21+$0x0], $0xffff;
	v45 =	vor.u32 s2, v12  }
0x119: {  	v40 =	vld.idx.msk [tilespmem:v40+s21+$0x0], $0xffff;
	v46 =	vor.u32 s2, v13  }
0x11a: {  	v47 =	vor.u32 s2, v14;
	v38 =	vld.idx.msk [tilespmem:v38+s21+$0x0], $0xffff  }
0x11b: {  	v48 =	vor.u32 s2, v15;
	v43 =	vld.idx.msk [tilespmem:v43+s21+$0x0], $0xffff  }
0x11c: {  	v44 =	vld.idx.msk [tilespmem:v44+s21+$0x0], $0xffff  }
0x11d: {  	v45 =	vld.idx.msk [tilespmem:v45+s21+$0x0], $0xffff  }
0x11e: {  	v46 =	vld.idx.msk [tilespmem:v46+s21+$0x0], $0xffff  }
0x11f: {  	s0 =	sadd.s32 $0x100, s0;
	v47 =	vld.idx.msk [tilespmem:v47+s21+$0x0], $0xffff  }
0x120: {  	v48 =	vld.idx.msk [tilespmem:v48+s21+$0x0], $0xffff;
	[tilespmem:s0+$0x70] =	vst v38  }
0x121: {  	[tilespmem:s0+$0xFFFFFF80] =	vst v33  }
0x122: {  	[tilespmem:s0+$0xFFFFFF90] =	vst v34  }
0x123: {  	[tilespmem:s0+$0xFFFFFFA0] =	vst v35  }
0x124: {  	[tilespmem:s0+$0xFFFFFFB0] =	vst v36  }
0x125: {  	[tilespmem:s0+$0xFFFFFFC0] =	vst v37  }
0x126: {  	[tilespmem:s0+$0xFFFFFFD0] =	vst v41  }
0x127: {  	[tilespmem:s0+$0xFFFFFFE0] =	vst v39  }
0x128: {  	[tilespmem:s0+$0xFFFFFFF0] =	vst v42  }
0x129: {  	[tilespmem:s0+$0x0] =	vst v40  }
0x12a: {  	[tilespmem:s0+$0x10] =	vst v43  }
0x12b: {  	v49 =	vor.u32 s13, v23;
	[tilespmem:s0+$0x20] =	vst v44  }
0x12c: {  	v50 =	vor.u32 s13, v24;
	[tilespmem:s0+$0x30] =	vst v45  }
0x12d: {  	v51 =	vor.u32 s13, v25;
	[tilespmem:s0+$0x40] =	vst v46  }
0x12e: {  	v52 =	vor.u32 s13, v32;
	[tilespmem:s0+$0x50] =	vst v47  }
0x12f: {  	v43 =	vor.u32 s13, v17;
	[tilespmem:s0+$0x60] =	vst v48  }
0x130: {  	v44 =	vor.u32 s13, v18;
	v39 =	vld.idx.msk [tilespmem:v49+s21+$0x0], $0xffff  }
0x131: {  	v45 =	vor.u32 s13, v19;
	v40 =	vld.idx.msk [tilespmem:v50+s21+$0x0], $0xffff  }
0x132: {  	v46 =	vor.u32 s13, v20;
	v41 =	vld.idx.msk [tilespmem:v51+s21+$0x0], $0xffff  }
0x133: {  	v47 =	vor.u32 s13, v21;
	v42 =	vld.idx.msk [tilespmem:v52+s21+$0x0], $0xffff  }
0x134: {  	v48 =	vor.u32 s13, v22;
	v33 =	vld.idx.msk [tilespmem:v43+s21+$0x0], $0xffff  }
0x135: {  	v53 =	vor.u32 s13, v26;
	v34 =	vld.idx.msk [tilespmem:v44+s21+$0x0], $0xffff  }
0x136: {  	v54 =	vor.u32 s13, v27;
	v35 =	vld.idx.msk [tilespmem:v45+s21+$0x0], $0xffff  }
0x137: {  	v55 =	vor.u32 s13, v28;
	v36 =	vld.idx.msk [tilespmem:v46+s21+$0x0], $0xffff  }
0x138: {  	v56 =	vor.u32 s13, v29;
	v37 =	vld.idx.msk [tilespmem:v47+s21+$0x0], $0xffff  }
0x139: {  	v57 =	vor.u32 s13, v30;
	v38 =	vld.idx.msk [tilespmem:v48+s21+$0x0], $0xffff  }
0x13a: {  	v58 =	vor.u32 s13, v31;
	v43 =	vld.idx.msk [tilespmem:v53+s21+$0x0], $0xffff  }
0x13b: {  	v44 =	vld.idx.msk [tilespmem:v54+s21+$0x0], $0xffff  }
0x13c: {  	v45 =	vld.idx.msk [tilespmem:v55+s21+$0x0], $0xffff  }
0x13d: {  	v46 =	vld.idx.msk [tilespmem:v56+s21+$0x0], $0xffff  }
0x13e: {  	v47 =	vld.idx.msk [tilespmem:v57+s21+$0x0], $0xffff  }
0x13f: {  	v48 =	vld.idx.msk [tilespmem:v58+s21+$0x0], $0xffff;
	[tilespmem:s12+$0x0] =	vst v42  }
0x140: {  	[tilespmem:s12+$0xFFFFFF70] =	vst v39  }
0x141: {  	[tilespmem:s12+$0xFFFFFF80] =	vst v40  }
0x142: {  	[tilespmem:s12+$0xFFFFFF90] =	vst v41  }
0x143: {  	[tilespmem:s12+$0xFFFFFF10] =	vst v33  }
0x144: {  	[tilespmem:s12+$0xFFFFFF20] =	vst v34  }
0x145: {  	[tilespmem:s12+$0xFFFFFF30] =	vst v35  }
0x146: {  	[tilespmem:s12+$0xFFFFFF40] =	vst v36  }
0x147: {  	[tilespmem:s12+$0xFFFFFF50] =	vst v37  }
0x148: {  	[tilespmem:s12+$0xFFFFFF60] =	vst v38  }
0x149: {  	[tilespmem:s12+$0xFFFFFFA0] =	vst v43  }
0x14a: {  	v59 =	vor.u32 s11, v17;
	[tilespmem:s12+$0xFFFFFFB0] =	vst v44  }
0x14b: {  	v60 =	vor.u32 s11, v18;
	[tilespmem:s12+$0xFFFFFFC0] =	vst v45  }
0x14c: {  	v61 =	vor.u32 s11, v19;
	[tilespmem:s12+$0xFFFFFFD0] =	vst v46  }
0x14d: {  	v62 =	vor.u32 s11, v20;
	[tilespmem:s12+$0xFFFFFFE0] =	vst v47  }
0x14e: {  	v63 =	vor.u32 s11, v21;
	[tilespmem:s12+$0xFFFFFFF0] =	vst v48  }
0x14f: {  	v42 =	vor.u32 s11, v22;
	v33 =	vld.idx.msk [tilespmem:v59+s21+$0x0], $0xffff  }
0x150: {  	v40 =	vor.u32 s11, v23;
	v34 =	vld.idx.msk [tilespmem:v60+s21+$0x0], $0xffff  }
0x151: {  	v41 =	vor.u32 s11, v24;
	v35 =	vld.idx.msk [tilespmem:v61+s21+$0x0], $0xffff  }
0x152: {  	v39 =	vor.u32 s11, v25;
	v36 =	vld.idx.msk [tilespmem:v62+s21+$0x0], $0xffff  }
0x153: {  	s0 =	simm.s32 $0x20;
	v38 =	vor.u32 s11, v32;
	v37 =	vld.idx.msk [tilespmem:v63+s21+$0x0], $0xffff  }
.LBB2_5:
0x154: {  	p1 =	sne.s32 s0, $0x70;
	v42 =	vld.idx.msk [tilespmem:v42+s21+$0x0], $0xffff;
	v43 =	vor.u32 s11, v26  }
0x155: {  	v44 =	vor.u32 s11, v27;
	v40 =	vld.idx.msk [tilespmem:v40+s21+$0x0], $0xffff  }
0x156: {  	v45 =	vor.u32 s11, v28;
	v41 =	vld.idx.msk [tilespmem:v41+s21+$0x0], $0xffff  }
0x157: {  	v46 =	vor.u32 s11, v29;
	v39 =	vld.idx.msk [tilespmem:v39+s21+$0x0], $0xffff  }
0x158: {  	v47 =	vor.u32 s11, v30;
	v38 =	vld.idx.msk [tilespmem:v38+s21+$0x0], $0xffff  }
0x159: {  	v48 =	vor.u32 s11, v31;
	s11 =	smov.u32 s0;
	v43 =	vld.idx.msk [tilespmem:v43+s21+$0x0], $0xffff  }
0x15a: {  	v44 =	vld.idx.msk [tilespmem:v44+s21+$0x0], $0xffff  }
0x15b: {  	v45 =	vld.idx.msk [tilespmem:v45+s21+$0x0], $0xffff  }
0x15c: {  	v46 =	vld.idx.msk [tilespmem:v46+s21+$0x0], $0xffff  }
0x15d: {  	s12 =	sadd.s32 $0x100, s12;
	v47 =	vld.idx.msk [tilespmem:v47+s21+$0x0], $0xffff  }
0x15e: {  	v48 =	vld.idx.msk [tilespmem:v48+s21+$0x0], $0xffff;
	[tilespmem:s12+$0x0] =	vst v38  }
0x15f: {  	[tilespmem:s12+$0xFFFFFF10] =	vst v33  }
0x160: {  	[tilespmem:s12+$0xFFFFFF20] =	vst v34  }
0x161: {  	[tilespmem:s12+$0xFFFFFF30] =	vst v35  }
0x162: {  	[tilespmem:s12+$0xFFFFFF40] =	vst v36  }
0x163: {  	[tilespmem:s12+$0xFFFFFF50] =	vst v37  }
0x164: {  	[tilespmem:s12+$0xFFFFFF60] =	vst v42  }
0x165: {  	[tilespmem:s12+$0xFFFFFF70] =	vst v40  }
0x166: {  	[tilespmem:s12+$0xFFFFFF80] =	vst v41  }
0x167: {  	[tilespmem:s12+$0xFFFFFF90] =	vst v39  }
0x168: {  	[tilespmem:s12+$0xFFFFFFA0] =	vst v43  }
0x169: {  	v33 =	vor.u32 s0, v17;
	[tilespmem:s12+$0xFFFFFFB0] =	vst v44  }
0x16a: {  	v34 =	vor.u32 s0, v18;
	[tilespmem:s12+$0xFFFFFFC0] =	vst v45  }
0x16b: {  	v35 =	vor.u32 s0, v19;
	[tilespmem:s12+$0xFFFFFFD0] =	vst v46  }
0x16c: {  	v36 =	vor.u32 s0, v20;
	[tilespmem:s12+$0xFFFFFFE0] =	vst v47  }
0x16d: {  	v37 =	vor.u32 s0, v21;
	[tilespmem:s12+$0xFFFFFFF0] =	vst v48  }
.Ltmp1:
0x16e: {  	v42 =	vor.u32 s0, v22;
	v33 =	vld.idx.msk [tilespmem:v33+s21+$0x0], $0xffff;
	(pc) =	sbr.rel @p1 .LBB2_5-.Ltmp1, $4  }
0x16f: {  	v40 =	vor.u32 s0, v23;
	v34 =	vld.idx.msk [tilespmem:v34+s21+$0x0], $0xffff  }
0x170: {  	v41 =	vor.u32 s0, v24;
	v35 =	vld.idx.msk [tilespmem:v35+s21+$0x0], $0xffff  }
0x171: {  	v39 =	vor.u32 s0, v25;
	v36 =	vld.idx.msk [tilespmem:v36+s21+$0x0], $0xffff  }
0x172: {  	v38 =	vor.u32 s11, v32;
	s0 =	sadd.s32 $0x10, s0;
	v37 =	vld.idx.msk [tilespmem:v37+s21+$0x0], $0xffff  }
0x173: {  	_ =	sdelay $0x3  }
0x174: {  	v42 =	vld.idx.msk [tilespmem:v42+s21+$0x0], $0xffff;
	v43 =	vor.u32 s11, v26  }
0x175: {  	v40 =	vld.idx.msk [tilespmem:v40+s21+$0x0], $0xffff;
	v44 =	vor.u32 s11, v27  }
0x176: {  	v41 =	vld.idx.msk [tilespmem:v41+s21+$0x0], $0xffff;
	v45 =	vor.u32 s11, v28  }
0x177: {  	v39 =	vld.idx.msk [tilespmem:v39+s21+$0x0], $0xffff;
	v46 =	vor.u32 s11, v29  }
0x178: {  	v47 =	vor.u32 s11, v30;
	v38 =	vld.idx.msk [tilespmem:v38+s21+$0x0], $0xffff  }
0x179: {  	v48 =	vor.u32 s11, v31;
	v43 =	vld.idx.msk [tilespmem:v43+s21+$0x0], $0xffff  }
0x17a: {  	v44 =	vld.idx.msk [tilespmem:v44+s21+$0x0], $0xffff  }
0x17b: {  	v45 =	vld.idx.msk [tilespmem:v45+s21+$0x0], $0xffff  }
0x17c: {  	v46 =	vld.idx.msk [tilespmem:v46+s21+$0x0], $0xffff  }
0x17d: {  	s0 =	sadd.s32 $0x100, s12;
	v47 =	vld.idx.msk [tilespmem:v47+s21+$0x0], $0xffff  }
0x17e: {  	v48 =	vld.idx.msk [tilespmem:v48+s21+$0x0], $0xffff;
	[tilespmem:s0+$0x0] =	vst v38  }
0x17f: {  	[tilespmem:s0+$0xFFFFFF10] =	vst v33  }
0x180: {  	[tilespmem:s0+$0xFFFFFF20] =	vst v34  }
0x181: {  	[tilespmem:s0+$0xFFFFFF30] =	vst v35  }
0x182: {  	[tilespmem:s0+$0xFFFFFF40] =	vst v36  }
0x183: {  	[tilespmem:s0+$0xFFFFFF50] =	vst v37  }
0x184: {  	[tilespmem:s0+$0xFFFFFF60] =	vst v42  }
0x185: {  	[tilespmem:s0+$0xFFFFFF70] =	vst v40  }
0x186: {  	[tilespmem:s0+$0xFFFFFF80] =	vst v41  }
0x187: {  	[tilespmem:s0+$0xFFFFFF90] =	vst v39  }
0x188: {  	s1 =	sadd.s32 $0x1, s1;
	[tilespmem:s0+$0xFFFFFFA0] =	vst v43  }
0x189: {  	p1 =	sne.s32 s1, $0xF5;
	[tilespmem:s0+$0xFFFFFFB0] =	vst v44  }
.Ltmp2:
0x18a: {  	s2 =	sshll.u32 s22, $0xB;
	[tilespmem:s0+$0xFFFFFFC0] =	vst v45;
	(pc) =	sbr.rel @p1 .LBB2_2-.Ltmp2, $4  }
0x18b: {  	s2 =	sadd.s32 s16, s2;
	[tilespmem:s0+$0xFFFFFFD0] =	vst v46  }
0x18c: {  	s2 =	sshrl.u32 s2, $0x3;
	[tilespmem:s0+$0xFFFFFFE0] =	vst v47  }
0x18d: {  	s31 =	sor.u32 $0x8, s20;
	p0 =	por !p0, !p0;
	s2 =	sadd.s32 s8, s2;
	[tilespmem:s0+$0xFFFFFFF0] =	vst v48  }
0x18e: {  	[hbm4b:s2+s4] =	stream.linear.scatter [tilespmem:s9], [sflag:s31], $0x1000, $0x38;
	[tilespmem:$0x1F000] =	vst v63  }
0x18f: {  	s0 =	simm.s32 $0x9  }
0x190: {  	_ =	swait.ge [sflag:s0], $0x1000  }
0x191: {  	[sflag:s0] =	ssyncset.done $0x0  }
0x192: {  	s28 =	simm.s32 $0x8;
	[sflag:s0] =	ssyncadd.s32 $0xFFFFF000  }
0x193: {  	_ =	swait.ge [sflag:s28], $0x1000  }
0x194: {  	[sflag:s28] =	ssyncset.done $0x0  }
0x195: {  	[sflag:s28] =	ssyncadd.s32 $0xFFFFF000  }
0x196: {  	s30 =	simm.s32 $0x0;
	[bflag:$0x0] =	sbarrier.arrive $0xFFFF  }
0x197: {  	s2 =	simm.s32 $0x400;
	s31 =	simm.s32 $0xA;
	s1 =	rddreg [dreg:$0xa]  }
0x198: {  	[tilespmem:s30], [sflag:$0xA] =	stream.strided.gather [hbm4b:s1+s29], $0x800, s2, s29, $0x38;
	[tilespmem:$0x1F000] =	vst v63  }
0x199: {  	_ =	swait.ge [sflag:s31], $0x800  }
0x19a: {  	[sflag:s31] =	ssyncset.done $0x0  }
0x19b: {  	s9 =	simm.s32 $0x0;
	[sflag:s31] =	ssyncadd.s32 $0xFFFFF800  }
0x19c: {  	v33 =	vld [tilespmem:s9+$0x70]  }
0x19d: {  	v34 =	vld [tilespmem:s9+$0x60]  }
0x19e: {  	v36 =	vld [tilespmem:s9+$0x20]  }
0x19f: {  	v37 =	vld [tilespmem:s9+$0x0];
	_ =	sdelay $0x2  }
0x1a0: {  	v35 =	vld [tilespmem:s9+$0x50]  }
0x1a1: {  	vm0 =	vgt.s32 v33, $0x0;
	vm1 =	vgt.s32 v34, $0x0;
	vm2 =	vgt.s32 v36, $0x0  }
0x1a2: {  	vm3 =	veq.s32 v36, $0xFFFFFFFF;
	vm4 =	veq.s32 v37, $0xFFFFFFFF;
	v38 =	vnsel vm0, $0x0, v33  }
0x1a3: {  	vm0 =	veq.s32 v33, $0xFFFFFFFF;
	v40 =	vnsel vm1, $0x0, v34;
	vm1 =	veq.s32 v34, $0xFFFFFFFF  }
0x1a4: {  	v43 =	vnsel vm2, $0x0, v36;
	v38 =	vmin.u32 v38, $0xF4240;
	v33 =	vmin.u32 v40, $0xF4240  }
0x1a5: {  	v41 =	vsel vm0, $0xF4240, v38;
	vm0 =	vgt.s32 v35, $0x0;
	v33 =	vsel vm1, $0xF4240, v33  }
0x1a6: {  	vm1 =	vgt.s32 v37, $0x0;
	v34 =	vadd.s32 v0, v41;
	v39 =	vnsel vm0, $0x0, v35  }
0x1a7: {  	v42 =	vld [tilespmem:s9+$0x30];
	vm0 =	veq.s32 v35, $0xFFFFFFFF;
	v33 =	vadd.s32 v0, v33;
	v44 =	vmin.u32 v39, $0xF4240  }
0x1a8: {  	s1 =	simm.s32 $0x80;
	v37 =	vnsel vm1, $0x0, v37;
	[tilespmem:s9+$0x70] =	vst v34;
	v34 =	vmin.u32 v43, $0xF4240;
	v35 =	vsel vm0, $0xF4240, v44  }
0x1a9: {  	v46 =	vmin.u32 v37, $0xF4240;
	v45 =	vld [tilespmem:s1+$0x70];
	[tilespmem:s9+$0x60] =	vst v33;
	v34 =	vsel vm3, $0xF4240, v34;
	v35 =	vadd.s32 v0, v35  }
0x1aa: {  	v33 =	vsel vm4, $0xF4240, v46;
	v47 =	vld [tilespmem:s1+$0x60];
	v34 =	vadd.s32 v0, v34;
	[tilespmem:s9+$0x50] =	vst v35  }
0x1ab: {  	v33 =	vadd.s32 v0, v33;
	[tilespmem:s9+$0x20] =	vst v34  }
0x1ac: {  	vm0 =	vgt.s32 v42, $0x0;
	[tilespmem:s9+$0x0] =	vst v33  }
0x1ad: {  	v48 =	vnsel vm0, $0x0, v42;
	v33 =	vld [tilespmem:s1+$0x50]  }
0x1ae: {  	vm1 =	veq.s32 v42, $0xFFFFFFFF;
	v34 =	vmin.u32 v48, $0xF4240;
	v35 =	vld [tilespmem:s1+$0x20]  }
0x1af: {  	v49 =	vld [tilespmem:s1+$0x0];
	v34 =	vsel vm1, $0xF4240, v34;
	vm0 =	vgt.s32 v45, $0x0  }
0x1b0: {  	v34 =	vadd.s32 v0, v34;
	vm2 =	vgt.s32 v47, $0x0;
	v36 =	vnsel vm0, $0x0, v45  }
0x1b1: {  	vm3 =	veq.s32 v45, $0xFFFFFFFF;
	v50 =	vnsel vm2, $0x0, v47;
	v36 =	vmin.u32 v36, $0xF4240  }
0x1b2: {  	v51 =	vld [tilespmem:s9+$0x10];
	vm0 =	veq.s32 v47, $0xFFFFFFFF;
	v39 =	vmin.u32 v50, $0xF4240;
	v36 =	vsel vm3, $0xF4240, v36  }
0x1b3: {  	[tilespmem:s9+$0x30] =	vst v34;
	vm1 =	vgt.s32 v33, $0x0;
	vm2 =	vgt.s32 v35, $0x0;
	vm3 =	veq.s32 v35, $0xFFFFFFFF  }
0x1b4: {  	v34 =	vld [tilespmem:s1+$0x30];
	vm14 =	veq.s32 v49, $0xFFFFFFFF;
	v36 =	vadd.s32 v0, v36;
	v39 =	vsel vm0, $0xF4240, v39  }
0x1b5: {  	vm0 =	vgt.s32 v49, $0x0;
	v40 =	vnsel vm1, $0x0, v33;
	vm1 =	veq.s32 v33, $0xFFFFFFFF  }
0x1b6: {  	v35 =	vnsel vm2, $0x0, v35;
	[tilespmem:s1+$0x70] =	vst v36;
	v52 =	vnsel vm0, $0x0, v49;
	v53 =	vmin.u32 v40, $0xF4240  }
0x1b7: {  	v35 =	vmin.u32 v35, $0xF4240;
	v39 =	vadd.s32 v0, v39;
	vm0 =	vgt.s32 v51, $0x0;
	v54 =	vld [tilespmem:s9+$0x40]  }
0x1b8: {  	s11 =	simm.s32 $0x100;
	v36 =	vsel vm1, $0xF4240, v53;
	v33 =	vmin.u32 v52, $0xF4240;
	v35 =	vsel vm3, $0xF4240, v35  }
0x1b9: {  	v55 =	vld [tilespmem:s11+$0x70];
	[tilespmem:s1+$0x60] =	vst v39;
	vm1 =	vgt.s32 v34, $0x0;
	v41 =	vnsel vm0, $0x0, v51;
	v36 =	vadd.s32 v0, v36  }
0x1ba: {  	vm0 =	veq.s32 v51, $0xFFFFFFFF;
	v39 =	vld [tilespmem:s11+$0x60];
	v33 =	vsel vm14, $0xF4240, v33;
	v35 =	vadd.s32 v0, v35;
	[tilespmem:s1+$0x50] =	vst v36  }
0x1bb: {  	vm3 =	veq.s32 v34, $0xFFFFFFFF;
	v56 =	vnsel vm1, $0x0, v34;
	v33 =	vadd.s32 v0, v33;
	[tilespmem:s1+$0x20] =	vst v35  }
0x1bc: {  	v58 =	vmin.u32 v41, $0xF4240;
	v36 =	vmin.u32 v56, $0xF4240;
	[tilespmem:s1+$0x0] =	vst v33;
	vm1 =	vgt.s32 v54, $0x0  }
0x1bd: {  	v63 =	vsel vm0, $0xF4240, v58;
	v36 =	vsel vm3, $0xF4240, v36;
	v33 =	vld [tilespmem:s11+$0x50];
	v57 =	vnsel vm1, $0x0, v54  }
0x1be: {  	v34 =	vld [tilespmem:s11+$0x20];
	vm2 =	vgt.s32 v55, $0x0;
	vm1 =	veq.s32 v54, $0xFFFFFFFF;
	v35 =	vmin.u32 v57, $0xF4240  }
0x1bf: {  	vm15 =	vgt.s32 v39, $0x0;
	v60 =	vnsel vm2, $0x0, v55;
	v62 =	vsel vm1, $0xF4240, v35;
	v35 =	vld [tilespmem:s11+$0x0]  }
0x1c0: {  	vm5 =	veq.s32 v55, $0xFFFFFFFF;
	v59 =	vnsel vm15, $0x0, v39;
	v38 =	vmin.u32 v60, $0xF4240  }
0x1c1: {  	v61 =	vmin.u32 v59, $0xF4240;
	vm1 =	veq.s32 v39, $0xFFFFFFFF;
	v38 =	vsel vm5, $0xF4240, v38  }
0x1c2: {  	v39 =	vadd.s32 v0, v63;
	v37 =	vadd.s32 v0, v38;
	v38 =	vadd.s32 v0, v36  }
0x1c3: {  	s0 =	simm.s32 $0x600;
	vm0 =	vgt.s32 v33, $0x0;
	v36 =	vsel vm1, $0xF4240, v61;
	[tilespmem:s9+$0x10] =	vst v39;
	v39 =	vadd.s32 v0, v62  }
.LBB2_8:
0x1c4: {  	s2 =	sshra.s32 s0, $0x2;
	p0 =	sne.s32 s0, $0x1E00;
	s0 =	sadd.s32 $0x200, s0;
	vm1 =	vgt.s32 v35, $0x0;
	vm2 =	vgt.s32 v34, $0x0;
	vm3 =	veq.s32 v34, $0xFFFFFFFF;
	v40 =	vld [tilespmem:s1+$0x10];
	[tilespmem:s1+$0x30] =	vst v38  }
0x1c5: {  	vm4 =	veq.s32 v35, $0xFFFFFFFF;
	v41 =	vnsel vm0, $0x0, v33;
	vm0 =	veq.s32 v33, $0xFFFFFFFF;
	v38 =	vld [tilespmem:s11+$0x30];
	[tilespmem:s9+$0x40] =	vst v39;
	s9 =	smov.u32 s1;
	s1 =	smov.u32 s11;
	s11 =	smov.u32 s2  }
0x1c6: {  	v33 =	vnsel vm1, $0x0, v35;
	v34 =	vnsel vm2, $0x0, v34;
	v35 =	vmin.u32 v41, $0xF4240;
	[tilespmem:s1+$0x70] =	vst v37;
	v37 =	vld [tilespmem:s9+$0x40]  }
0x1c7: {  	v36 =	vadd.s32 v0, v36;
	v34 =	vmin.u32 v34, $0xF4240;
	v35 =	vsel vm0, $0xF4240, v35;
	v39 =	vld [tilespmem:s11+$0x70]  }
0x1c8: {  	v33 =	vmin.u32 v33, $0xF4240;
	v34 =	vsel vm3, $0xF4240, v34;
	v35 =	vadd.s32 v0, v35;
	[tilespmem:s1+$0x60] =	vst v36  }
0x1c9: {  	v33 =	vsel vm4, $0xF4240, v33;
	v34 =	vadd.s32 v0, v34;
	v36 =	vld [tilespmem:s11+$0x60];
	[tilespmem:s1+$0x50] =	vst v35;
	vm0 =	vgt.s32 v40, $0x0  }
0x1ca: {  	v33 =	vadd.s32 v0, v33;
	[tilespmem:s1+$0x20] =	vst v34;
	vm1 =	vgt.s32 v38, $0x0;
	v34 =	vnsel vm0, $0x0, v40  }
0x1cb: {  	vm0 =	veq.s32 v40, $0xFFFFFFFF;
	[tilespmem:s1+$0x0] =	vst v33;
	v35 =	vnsel vm1, $0x0, v38;
	vm1 =	vgt.s32 v37, $0x0  }
0x1cc: {  	v33 =	vld [tilespmem:s11+$0x50];
	vm2 =	vgt.s32 v39, $0x0;
	v40 =	vnsel vm1, $0x0, v37;
	vm1 =	veq.s32 v37, $0xFFFFFFFF  }
0x1cd: {  	vm3 =	veq.s32 v38, $0xFFFFFFFF;
	v35 =	vmin.u32 v35, $0xF4240;
	v37 =	vmin.u32 v34, $0xF4240  }
0x1ce: {  	vm5 =	veq.s32 v39, $0xFFFFFFFF;
	v38 =	vsel vm3, $0xF4240, v35;
	v34 =	vld [tilespmem:s11+$0x20];
	vm4 =	vgt.s32 v36, $0x0  }
.Ltmp3:
0x1cf: {  	v39 =	vnsel vm2, $0x0, v39;
	v40 =	vmin.u32 v40, $0xF4240;
	v35 =	vld [tilespmem:s11+$0x0];
	v41 =	vnsel vm4, $0x0, v36;
	(pc) =	sbr.rel @p0 .LBB2_8-.Ltmp3, $4  }
0x1d0: {  	v39 =	vmin.u32 v39, $0xF4240;
	v40 =	vsel vm1, $0xF4240, v40;
	v41 =	vmin.u32 v41, $0xF4240  }
0x1d1: {  	vm1 =	veq.s32 v36, $0xFFFFFFFF;
	v36 =	vsel vm5, $0xF4240, v39;
	v39 =	vsel vm0, $0xF4240, v37  }
0x1d2: {  	v38 =	vadd.s32 v0, v38;
	v37 =	vadd.s32 v0, v36;
	v39 =	vadd.s32 v0, v39  }
0x1d3: {  	vm0 =	vgt.s32 v33, $0x0;
	v36 =	vsel vm1, $0xF4240, v41;
	[tilespmem:s9+$0x10] =	vst v39;
	v39 =	vadd.s32 v0, v40  }
0x1d4: {  	v40 =	vld [tilespmem:s1+$0x10];
	[tilespmem:s1+$0x30] =	vst v38;
	vm1 =	vgt.s32 v35, $0x0;
	vm2 =	vgt.s32 v34, $0x0;
	vm3 =	veq.s32 v34, $0xFFFFFFFF  }
0x1d5: {  	vm4 =	veq.s32 v35, $0xFFFFFFFF;
	v47 =	vnsel vm0, $0x0, v33;
	vm5 =	veq.s32 v33, $0xFFFFFFFF;
	v38 =	vld [tilespmem:s11+$0x30];
	[tilespmem:s9+$0x40] =	vst v39  }
0x1d6: {  	v36 =	vadd.s32 v0, v36;
	v49 =	vnsel vm2, $0x0, v34;
	v50 =	vmin.u32 v47, $0xF4240;
	[tilespmem:s11+$0x70] =	vst v37  }
0x1d7: {  	v48 =	vnsel vm1, $0x0, v35;
	v34 =	vmin.u32 v49, $0xF4240;
	v35 =	vsel vm5, $0xF4240, v50;
	v37 =	vld [tilespmem:s1+$0x40]  }
0x1d8: {  	v33 =	vmin.u32 v48, $0xF4240;
	v34 =	vsel vm3, $0xF4240, v34;
	v35 =	vadd.s32 v0, v35  }
0x1d9: {  	v33 =	vsel vm4, $0xF4240, v33;
	v34 =	vadd.s32 v0, v34;
	vm6 =	vgt.s32 v40, $0x0  }
0x1da: {  	v33 =	vadd.s32 v0, v33;
	vm8 =	veq.s32 v40, $0xFFFFFFFF;
	v51 =	vnsel vm6, $0x0, v40  }
0x1db: {  	[tilespmem:s11+$0x60] =	vst v36;
	vm7 =	vgt.s32 v38, $0x0;
	vm10 =	veq.s32 v38, $0xFFFFFFFF;
	v52 =	vmin.u32 v51, $0xF4240  }
0x1dc: {  	[tilespmem:s11+$0x50] =	vst v35;
	v53 =	vnsel vm7, $0x0, v38;
	vm9 =	vgt.s32 v37, $0x0;
	v35 =	vsel vm8, $0xF4240, v52  }
0x1dd: {  	[tilespmem:s11+$0x20] =	vst v34;
	v55 =	vmin.u32 v53, $0xF4240;
	vm11 =	veq.s32 v37, $0xFFFFFFFF;
	v54 =	vnsel vm9, $0x0, v37  }
0x1de: {  	[tilespmem:s11+$0x0] =	vst v33;
	v56 =	vadd.s32 v0, v35;
	v33 =	vsel vm10, $0xF4240, v55;
	v57 =	vmin.u32 v54, $0xF4240  }
0x1df: {  	[tilespmem:s1+$0x10] =	vst v56;
	v33 =	vadd.s32 v0, v33;
	v58 =	vsel vm11, $0xF4240, v57  }
0x1e0: {  	[tilespmem:s11+$0x30] =	vst v33;
	v34 =	vadd.s32 v0, v58  }
0x1e1: {  	v59 =	vld [tilespmem:s11+$0x10];
	[tilespmem:s1+$0x40] =	vst v34  }
0x1e2: {  	v60 =	vld [tilespmem:s11+$0x40];
	_ =	sdelay $0x3  }
0x1e3: {  	vm12 =	vgt.s32 v59, $0x0  }
0x1e4: {  	v61 =	vnsel vm12, $0x0, v59;
	vm13 =	vgt.s32 v60, $0x0  }
0x1e5: {  	vm14 =	veq.s32 v59, $0xFFFFFFFF;
	v34 =	vmin.u32 v61, $0xF4240;
	v62 =	vnsel vm13, $0x0, v60  }
0x1e6: {  	vm15 =	veq.s32 v60, $0xFFFFFFFF;
	v34 =	vsel vm14, $0xF4240, v34;
	v63 =	vmin.u32 v62, $0xF4240  }
0x1e7: {  	v34 =	vadd.s32 v0, v34;
	v33 =	vsel vm15, $0xF4240, v63  }
0x1e8: {  	[tilespmem:s11+$0x10] =	vst v34;
	v33 =	vadd.s32 v0, v33  }
0x1e9: {  	s0 =	simm.s32 $0x1000;
	s1 =	simm.s32 $0x0;
	[tilespmem:s11+$0x40] =	vst v33  }
0x1ea: {  	[tilespmem:s0], [sflag:$0x1] =	stream.indirect.gather [hbm4b:s8+s29], $0x10, s1, s29, $0xb8;
	[tilespmem:$0x1F000] =	vst v63  }
0x1eb: {  	s22 =	simm.s32 $0x1800  }
0x1ec: {  	[tilespmem:s22], [sflag:$0x1] =	stream.indirect.gather [hbm4b:s8+s29], $0x10, s29, s29, $0xb8;
	[tilespmem:$0x1F000] =	vst v63  }
0x1ed: {  	s23 =	simm.s32 $0x100;
	s2 =	simm.s32 $0x2000  }
0x1ee: {  	[tilespmem:s2], [sflag:$0x1] =	stream.indirect.gather [hbm4b:s8+s29], $0x10, s23, s29, $0xb8;
	[tilespmem:$0x1F000] =	vst v63  }
0x1ef: {  	s24 =	simm.s32 $0x180;
	s25 =	simm.s32 $0x2800  }
0x1f0: {  	[tilespmem:s25], [sflag:$0x1] =	stream.indirect.gather [hbm4b:s8+s29], $0x10, s24, s29, $0xb8;
	[tilespmem:$0x1F000] =	vst v63  }
0x1f1: {  	s26 =	simm.s32 $0x200;
	s28 =	simm.s32 $0x3000  }
0x1f2: {  	[tilespmem:s28], [sflag:$0x1] =	stream.indirect.gather [hbm4b:s8+s29], $0x10, s26, s29, $0xb8;
	[tilespmem:$0x1F000] =	vst v63  }
0x1f3: {  	s30 =	simm.s32 $0x280;
	s31 =	simm.s32 $0x3800  }
0x1f4: {  	[tilespmem:s31], [sflag:$0x1] =	stream.indirect.gather [hbm4b:s8+s29], $0x10, s30, s29, $0xb8;
	[tilespmem:$0x1F000] =	vst v63  }
0x1f5: {  	s3 =	simm.s32 $0x4000;
	s2 =	simm.s32 $0x300  }
0x1f6: {  	[tilespmem:s3], [sflag:$0x1] =	stream.indirect.gather [hbm4b:s8+s29], $0x10, s2, s29, $0xb8;
	[tilespmem:$0x1F000] =	vst v63  }
0x1f7: {  	s9 =	simm.s32 $0x380;
	s11 =	simm.s32 $0x4800  }
0x1f8: {  	[tilespmem:s11], [sflag:$0x1] =	stream.indirect.gather [hbm4b:s8+s29], $0x10, s9, s29, $0xb8;
	[tilespmem:$0x1F000] =	vst v63  }
0x1f9: {  	s12 =	simm.s32 $0x400;
	s13 =	simm.s32 $0x5000  }
0x1fa: {  	[tilespmem:s13], [sflag:$0x1] =	stream.indirect.gather [hbm4b:s8+s29], $0x10, s12, s29, $0xb8;
	[tilespmem:$0x1F000] =	vst v63  }
0x1fb: {  	s14 =	simm.s32 $0x480;
	s15 =	simm.s32 $0x5800  }
0x1fc: {  	[tilespmem:s15], [sflag:$0x1] =	stream.indirect.gather [hbm4b:s8+s29], $0x10, s14, s29, $0xb8;
	[tilespmem:$0x1F000] =	vst v63  }
0x1fd: {  	s17 =	simm.s32 $0x500;
	s19 =	simm.s32 $0x6000  }
0x1fe: {  	[tilespmem:s19], [sflag:$0x1] =	stream.indirect.gather [hbm4b:s8+s29], $0x10, s17, s29, $0xb8;
	[tilespmem:$0x1F000] =	vst v63  }
0x1ff: {  	s20 =	simm.s32 $0x580;
	s21 =	simm.s32 $0x6800  }
0x200: {  	[tilespmem:s21], [sflag:$0x1] =	stream.indirect.gather [hbm4b:s8+s29], $0x10, s20, s29, $0xb8;
	[tilespmem:$0x1F000] =	vst v63  }
0x201: {  	s22 =	simm.s32 $0x600;
	s23 =	simm.s32 $0x7000  }
0x202: {  	[tilespmem:s23], [sflag:$0x1] =	stream.indirect.gather [hbm4b:s8+s29], $0x10, s22, s29, $0xb8;
	[tilespmem:$0x1F000] =	vst v63  }
0x203: {  	s24 =	simm.s32 $0x680;
	s25 =	simm.s32 $0x7800  }
0x204: {  	[tilespmem:s25], [sflag:$0x1] =	stream.indirect.gather [hbm4b:s8+s29], $0x10, s24, s29, $0xb8;
	[tilespmem:$0x1F000] =	vst v63  }
0x205: {  	s26 =	simm.s32 $0x700;
	s28 =	simm.s32 $0x8000  }
0x206: {  	[tilespmem:s28], [sflag:$0x1] =	stream.indirect.gather [hbm4b:s8+s29], $0x10, s26, s29, $0xb8;
	[tilespmem:$0x1F000] =	vst v63  }
0x207: {  	p0 =	por $0x1, $0x1;
	s30 =	simm.s32 $0x780;
	s31 =	simm.s32 $0x8800  }
0x208: {  	[tilespmem:s31], [sflag:$0x1] =	stream.indirect.gather [hbm4b:s8+s29], $0x10, s30, s29, $0xb8;
	[tilespmem:$0x1F000] =	vst v63  }
.LBB2_10:
0x209: {  	p1 =	seq.s32 s1, $0x31  }
.Ltmp4:
0x20a: {  	_ = 	snop;
	(pc) =	sbr.rel @p1 .LBB2_14-.Ltmp4, $2  }
0x20b: {  	_ =	sdelay $0x2  }
0x20c: {  	s20 =	sadd.s32 s5, s1;
	s21 =	sand.u32 $0x1, s1  }
0x20d: {  	s0 =	simm.s32 $0x1  }
0x20e: {  	s2 =	sadd.s32 $0x1, s20;
	s28 =	rddreg [dreg:$0x0];
	s30 =	simm.s32 $0x400  }
0x20f: {  	s3 =	sshll.u32 s2, $0x8;
	s9 =	sshll.u32 s2, $0xB;
	s2 =	sshll.u32 s2, $0x1  }
0x210: {  	s0 =	simm.s32 @!p0 $0x0;
	s3 =	sand.u32 $0xFFFC000, s3;
	s11 =	sand.u32 $0x3800, s9  }
0x211: {  	s2 =	sand.u32 $0x70, s2;
	s9 =	sxor.u32 $0x1, s21;
	s0 =	sshll.u32 s0, $0xB  }
0x212: {  	s3 =	sor.u32 s11, s3;
	s2 =	sadd.s32 s28, s2;
	s0 =	sor.u32 $0x40, s0  }
0x213: {  	s31 =	simm.s32 $0xA;
	s22 =	sshll.u32 s9, $0xB;
	s2 =	sadd.s32 s3, s2;
	v33 =	vmov s0  }
0x214: {  	[tilespmem:s22], [sflag:$0xA] =	stream.strided.gather [hbm4b:s2+s29], $0x800, s30, s29, $0x38;
	[tilespmem:$0x1F000] =	vst v63  }
0x215: {  	_ =	swait.ge [sflag:s31], $0x800  }
0x216: {  	[sflag:s31] =	ssyncset.done $0x0  }
0x217: {  	s11 =	simm.s32 $0x0;
	[sflag:s31] =	ssyncadd.s32 $0xFFFFF800  }
0x218: {  	v34 =	vld.idx.msk [tilespmem:v33+s11+$0xFFFFFFC0 ss:$0x1], $0xffff;
	_ =	sdelay $0x4  }
0x219: {  	vm0 =	vgt.s32 v34, $0x0  }
0x21a: {  	v35 =	vnsel vm0, $0x0, v34  }
0x21b: {  	vm13 =	veq.s32 v34, $0xFFFFFFFF;
	v35 =	vmin.u32 v35, $0xF4240  }
0x21c: {  	v34 =	vsel vm13, $0xF4240, v35  }
0x21d: {  	v34 =	vadd.s32 v0, v34  }
0x21e: {  	[tilespmem:v33+s11+$0xFFFFFFC0 ss:$0x1] =	vst.idx.msk $0xffff, v34  }
0x21f: {  	v34 =	vld.idx.msk [tilespmem:v33+s11+$0xFFFFFFD0 ss:$0x1], $0xffff;
	_ =	sdelay $0x4  }
0x220: {  	vm14 =	vgt.s32 v34, $0x0  }
0x221: {  	v57 =	vnsel vm14, $0x0, v34  }
0x222: {  	vm15 =	veq.s32 v34, $0xFFFFFFFF;
	v35 =	vmin.u32 v57, $0xF4240  }
0x223: {  	v34 =	vsel vm15, $0xF4240, v35  }
0x224: {  	v34 =	vadd.s32 v0, v34  }
0x225: {  	[tilespmem:v33+s11+$0xFFFFFFD0 ss:$0x1] =	vst.idx.msk $0xffff, v34  }
0x226: {  	v34 =	vld.idx.msk [tilespmem:v33+s11+$0xFFFFFFE0 ss:$0x1], $0xffff;
	_ =	sdelay $0x4  }
0x227: {  	vm4 =	vgt.s32 v34, $0x0  }
0x228: {  	v58 =	vnsel vm4, $0x0, v34  }
0x229: {  	vm5 =	veq.s32 v34, $0xFFFFFFFF;
	v35 =	vmin.u32 v58, $0xF4240  }
0x22a: {  	v34 =	vsel vm5, $0xF4240, v35  }
0x22b: {  	v34 =	vadd.s32 v0, v34  }
0x22c: {  	[tilespmem:v33+s11+$0xFFFFFFE0 ss:$0x1] =	vst.idx.msk $0xffff, v34  }
0x22d: {  	v34 =	vld.idx.msk [tilespmem:v33+s11+$0xFFFFFFF0 ss:$0x1], $0xffff;
	_ =	sdelay $0x4  }
0x22e: {  	vm6 =	vgt.s32 v34, $0x0  }
0x22f: {  	v59 =	vnsel vm6, $0x0, v34  }
0x230: {  	vm7 =	veq.s32 v34, $0xFFFFFFFF;
	v35 =	vmin.u32 v59, $0xF4240  }
0x231: {  	v34 =	vsel vm7, $0xF4240, v35  }
0x232: {  	v34 =	vadd.s32 v0, v34  }
0x233: {  	[tilespmem:v33+s11+$0xFFFFFFF0 ss:$0x1] =	vst.idx.msk $0xffff, v34  }
0x234: {  	v34 =	vld.idx.msk [tilespmem:v33+s11+$0x0 ss:$0x1], $0xffff;
	_ =	sdelay $0x4  }
0x235: {  	vm8 =	vgt.s32 v34, $0x0  }
0x236: {  	v60 =	vnsel vm8, $0x0, v34  }
0x237: {  	vm9 =	veq.s32 v34, $0xFFFFFFFF;
	v35 =	vmin.u32 v60, $0xF4240  }
0x238: {  	v34 =	vsel vm9, $0xF4240, v35  }
0x239: {  	v34 =	vadd.s32 v0, v34  }
0x23a: {  	[tilespmem:v33+s11+$0x0 ss:$0x1] =	vst.idx.msk $0xffff, v34  }
0x23b: {  	v34 =	vld.idx.msk [tilespmem:v33+s11+$0x10 ss:$0x1], $0xffff;
	_ =	sdelay $0x4  }
0x23c: {  	vm10 =	vgt.s32 v34, $0x0  }
0x23d: {  	v61 =	vnsel vm10, $0x0, v34  }
0x23e: {  	vm11 =	veq.s32 v34, $0xFFFFFFFF;
	v35 =	vmin.u32 v61, $0xF4240  }
0x23f: {  	v34 =	vsel vm11, $0xF4240, v35  }
0x240: {  	v34 =	vadd.s32 v0, v34  }
0x241: {  	[tilespmem:v33+s11+$0x10 ss:$0x1] =	vst.idx.msk $0xffff, v34  }
0x242: {  	v34 =	vld.idx.msk [tilespmem:v33+s11+$0x20 ss:$0x1], $0xffff;
	_ =	sdelay $0x4  }
0x243: {  	vm12 =	vgt.s32 v34, $0x0  }
0x244: {  	v62 =	vnsel vm12, $0x0, v34  }
0x245: {  	vm13 =	veq.s32 v34, $0xFFFFFFFF;
	v35 =	vmin.u32 v62, $0xF4240  }
0x246: {  	v34 =	vsel vm13, $0xF4240, v35  }
0x247: {  	v34 =	vadd.s32 v0, v34  }
0x248: {  	[tilespmem:v33+s11+$0x20 ss:$0x1] =	vst.idx.msk $0xffff, v34  }
0x249: {  	v34 =	vld.idx.msk [tilespmem:v33+s11+$0x30 ss:$0x1], $0xffff;
	_ =	sdelay $0x4  }
0x24a: {  	vm14 =	vgt.s32 v34, $0x0  }
0x24b: {  	v63 =	vnsel vm14, $0x0, v34  }
0x24c: {  	vm15 =	veq.s32 v34, $0xFFFFFFFF;
	v35 =	vmin.u32 v63, $0xF4240  }
0x24d: {  	v34 =	vsel vm15, $0xF4240, v35  }
0x24e: {  	s0 =	simm.s32 $0x200;
	s2 =	simm.s32 $0x400;
	v34 =	vadd.s32 v0, v34  }
.LBB2_12:
0x24f: {  	p1 =	seq.s32 s2, $0x1E00  }
0x250: {  	[tilespmem:v33+s11+$0x30 ss:$0x1] =	vst.idx.msk $0xffff, v34;
	s11 =	sshra.s32 s0, $0x2;
	s0 =	smov.u32 s2;
	s2 =	sadd.s32 $0x200, s2  }
0x251: {  	v34 =	vld.idx.msk [tilespmem:v33+s11+$0xFFFFFFC0 ss:$0x1], $0xffff;
	_ =	sdelay $0x5  }
0x252: {  	vm0 =	vgt.s32 v34, $0x0  }
0x253: {  	v35 =	vnsel vm0, $0x0, v34  }
0x254: {  	vm0 =	veq.s32 v34, $0xFFFFFFFF;
	v35 =	vmin.u32 v35, $0xF4240  }
0x255: {  	v34 =	vsel vm0, $0xF4240, v35  }
0x256: {  	v34 =	vadd.s32 v0, v34  }
0x257: {  	[tilespmem:v33+s11+$0xFFFFFFC0 ss:$0x1] =	vst.idx.msk $0xffff, v34  }
0x258: {  	v34 =	vld.idx.msk [tilespmem:v33+s11+$0xFFFFFFD0 ss:$0x1], $0xffff;
	_ =	sdelay $0x5  }
0x259: {  	vm0 =	vgt.s32 v34, $0x0  }
0x25a: {  	v35 =	vnsel vm0, $0x0, v34  }
0x25b: {  	vm0 =	veq.s32 v34, $0xFFFFFFFF;
	v35 =	vmin.u32 v35, $0xF4240  }
0x25c: {  	v34 =	vsel vm0, $0xF4240, v35  }
0x25d: {  	v34 =	vadd.s32 v0, v34  }
0x25e: {  	[tilespmem:v33+s11+$0xFFFFFFD0 ss:$0x1] =	vst.idx.msk $0xffff, v34  }
0x25f: {  	v34 =	vld.idx.msk [tilespmem:v33+s11+$0xFFFFFFE0 ss:$0x1], $0xffff;
	_ =	sdelay $0x5  }
0x260: {  	vm0 =	vgt.s32 v34, $0x0  }
0x261: {  	v35 =	vnsel vm0, $0x0, v34  }
0x262: {  	vm0 =	veq.s32 v34, $0xFFFFFFFF;
	v35 =	vmin.u32 v35, $0xF4240  }
0x263: {  	v34 =	vsel vm0, $0xF4240, v35  }
0x264: {  	v34 =	vadd.s32 v0, v34  }
0x265: {  	[tilespmem:v33+s11+$0xFFFFFFE0 ss:$0x1] =	vst.idx.msk $0xffff, v34  }
0x266: {  	v34 =	vld.idx.msk [tilespmem:v33+s11+$0xFFFFFFF0 ss:$0x1], $0xffff;
	_ =	sdelay $0x5  }
0x267: {  	vm0 =	vgt.s32 v34, $0x0  }
0x268: {  	v35 =	vnsel vm0, $0x0, v34  }
0x269: {  	vm0 =	veq.s32 v34, $0xFFFFFFFF;
	v35 =	vmin.u32 v35, $0xF4240  }
0x26a: {  	v34 =	vsel vm0, $0xF4240, v35  }
0x26b: {  	v34 =	vadd.s32 v0, v34  }
0x26c: {  	[tilespmem:v33+s11+$0xFFFFFFF0 ss:$0x1] =	vst.idx.msk $0xffff, v34  }
0x26d: {  	v34 =	vld.idx.msk [tilespmem:v33+s11+$0x0 ss:$0x1], $0xffff;
	_ =	sdelay $0x5  }
0x26e: {  	vm0 =	vgt.s32 v34, $0x0  }
0x26f: {  	v35 =	vnsel vm0, $0x0, v34  }
0x270: {  	vm0 =	veq.s32 v34, $0xFFFFFFFF;
	v35 =	vmin.u32 v35, $0xF4240  }
0x271: {  	v34 =	vsel vm0, $0xF4240, v35  }
0x272: {  	v34 =	vadd.s32 v0, v34  }
0x273: {  	[tilespmem:v33+s11+$0x0 ss:$0x1] =	vst.idx.msk $0xffff, v34  }
0x274: {  	v34 =	vld.idx.msk [tilespmem:v33+s11+$0x10 ss:$0x1], $0xffff;
	_ =	sdelay $0x5  }
0x275: {  	vm0 =	vgt.s32 v34, $0x0  }
0x276: {  	v35 =	vnsel vm0, $0x0, v34  }
0x277: {  	vm0 =	veq.s32 v34, $0xFFFFFFFF;
	v35 =	vmin.u32 v35, $0xF4240  }
0x278: {  	v34 =	vsel vm0, $0xF4240, v35  }
0x279: {  	v34 =	vadd.s32 v0, v34  }
0x27a: {  	[tilespmem:v33+s11+$0x10 ss:$0x1] =	vst.idx.msk $0xffff, v34  }
0x27b: {  	v34 =	vld.idx.msk [tilespmem:v33+s11+$0x20 ss:$0x1], $0xffff;
	_ =	sdelay $0x5  }
0x27c: {  	vm0 =	vgt.s32 v34, $0x0  }
0x27d: {  	v35 =	vnsel vm0, $0x0, v34  }
0x27e: {  	vm0 =	veq.s32 v34, $0xFFFFFFFF;
	v35 =	vmin.u32 v35, $0xF4240  }
0x27f: {  	v34 =	vsel vm0, $0xF4240, v35  }
0x280: {  	v34 =	vadd.s32 v0, v34  }
0x281: {  	[tilespmem:v33+s11+$0x20 ss:$0x1] =	vst.idx.msk $0xffff, v34  }
0x282: {  	v34 =	vld.idx.msk [tilespmem:v33+s11+$0x30 ss:$0x1], $0xffff;
	_ =	sdelay $0x5  }
.Ltmp5:
0x283: {  	vm0 =	vgt.s32 v34, $0x0;
	(pc) =	sbr.rel @!p1 .LBB2_12-.Ltmp5, $4  }
0x284: {  	v35 =	vnsel vm0, $0x0, v34  }
0x285: {  	vm0 =	veq.s32 v34, $0xFFFFFFFF;
	v35 =	vmin.u32 v35, $0xF4240  }
0x286: {  	v34 =	vsel vm0, $0xF4240, v35  }
0x287: {  	v34 =	vadd.s32 v0, v34  }
0x288: {  	_ =	sdelay $0x3  }
0x289: {  	s0 =	sshra.s32 s0, $0x2;
	[tilespmem:v33+s11+$0x30 ss:$0x1] =	vst.idx.msk $0xffff, v34  }
0x28a: {  	v34 =	vld.idx.msk [tilespmem:v33+s0+$0xFFFFFFC0 ss:$0x1], $0xffff;
	_ =	sdelay $0x4  }
0x28b: {  	vm0 =	vgt.s32 v34, $0x0  }
0x28c: {  	v35 =	vnsel vm0, $0x0, v34  }
0x28d: {  	vm13 =	veq.s32 v34, $0xFFFFFFFF;
	v35 =	vmin.u32 v35, $0xF4240  }
0x28e: {  	v34 =	vsel vm13, $0xF4240, v35  }
0x28f: {  	v34 =	vadd.s32 v0, v34  }
0x290: {  	[tilespmem:v33+s0+$0xFFFFFFC0 ss:$0x1] =	vst.idx.msk $0xffff, v34  }
0x291: {  	v34 =	vld.idx.msk [tilespmem:v33+s0+$0xFFFFFFD0 ss:$0x1], $0xffff;
	_ =	sdelay $0x4  }
0x292: {  	vm14 =	vgt.s32 v34, $0x0  }
0x293: {  	v57 =	vnsel vm14, $0x0, v34  }
0x294: {  	vm15 =	veq.s32 v34, $0xFFFFFFFF;
	v35 =	vmin.u32 v57, $0xF4240  }
0x295: {  	v34 =	vsel vm15, $0xF4240, v35  }
0x296: {  	v34 =	vadd.s32 v0, v34  }
0x297: {  	[tilespmem:v33+s0+$0xFFFFFFD0 ss:$0x1] =	vst.idx.msk $0xffff, v34  }
0x298: {  	v34 =	vld.idx.msk [tilespmem:v33+s0+$0xFFFFFFE0 ss:$0x1], $0xffff;
	_ =	sdelay $0x4  }
0x299: {  	vm4 =	vgt.s32 v34, $0x0  }
0x29a: {  	v58 =	vnsel vm4, $0x0, v34  }
0x29b: {  	vm5 =	veq.s32 v34, $0xFFFFFFFF;
	v35 =	vmin.u32 v58, $0xF4240  }
0x29c: {  	v34 =	vsel vm5, $0xF4240, v35  }
0x29d: {  	v34 =	vadd.s32 v0, v34  }
0x29e: {  	[tilespmem:v33+s0+$0xFFFFFFE0 ss:$0x1] =	vst.idx.msk $0xffff, v34  }
0x29f: {  	v34 =	vld.idx.msk [tilespmem:v33+s0+$0xFFFFFFF0 ss:$0x1], $0xffff;
	_ =	sdelay $0x4  }
0x2a0: {  	vm6 =	vgt.s32 v34, $0x0  }
0x2a1: {  	v59 =	vnsel vm6, $0x0, v34  }
0x2a2: {  	vm7 =	veq.s32 v34, $0xFFFFFFFF;
	v35 =	vmin.u32 v59, $0xF4240  }
0x2a3: {  	v34 =	vsel vm7, $0xF4240, v35  }
0x2a4: {  	v34 =	vadd.s32 v0, v34  }
0x2a5: {  	[tilespmem:v33+s0+$0xFFFFFFF0 ss:$0x1] =	vst.idx.msk $0xffff, v34  }
0x2a6: {  	v34 =	vld.idx.msk [tilespmem:v33+s0+$0x0 ss:$0x1], $0xffff;
	_ =	sdelay $0x4  }
0x2a7: {  	vm8 =	vgt.s32 v34, $0x0  }
0x2a8: {  	v60 =	vnsel vm8, $0x0, v34  }
0x2a9: {  	vm9 =	veq.s32 v34, $0xFFFFFFFF;
	v35 =	vmin.u32 v60, $0xF4240  }
0x2aa: {  	v34 =	vsel vm9, $0xF4240, v35  }
0x2ab: {  	v34 =	vadd.s32 v0, v34  }
0x2ac: {  	[tilespmem:v33+s0+$0x0 ss:$0x1] =	vst.idx.msk $0xffff, v34  }
0x2ad: {  	v34 =	vld.idx.msk [tilespmem:v33+s0+$0x10 ss:$0x1], $0xffff;
	_ =	sdelay $0x4  }
0x2ae: {  	vm10 =	vgt.s32 v34, $0x0  }
0x2af: {  	v61 =	vnsel vm10, $0x0, v34  }
0x2b0: {  	vm11 =	veq.s32 v34, $0xFFFFFFFF;
	v35 =	vmin.u32 v61, $0xF4240  }
0x2b1: {  	v34 =	vsel vm11, $0xF4240, v35  }
0x2b2: {  	v34 =	vadd.s32 v0, v34  }
0x2b3: {  	[tilespmem:v33+s0+$0x10 ss:$0x1] =	vst.idx.msk $0xffff, v34  }
0x2b4: {  	v34 =	vld.idx.msk [tilespmem:v33+s0+$0x20 ss:$0x1], $0xffff;
	_ =	sdelay $0x4  }
0x2b5: {  	vm12 =	vgt.s32 v34, $0x0  }
0x2b6: {  	v62 =	vnsel vm12, $0x0, v34  }
0x2b7: {  	vm13 =	veq.s32 v34, $0xFFFFFFFF;
	v35 =	vmin.u32 v62, $0xF4240  }
0x2b8: {  	v34 =	vsel vm13, $0xF4240, v35  }
0x2b9: {  	v34 =	vadd.s32 v0, v34  }
0x2ba: {  	[tilespmem:v33+s0+$0x20 ss:$0x1] =	vst.idx.msk $0xffff, v34  }
0x2bb: {  	v34 =	vld.idx.msk [tilespmem:v33+s0+$0x30 ss:$0x1], $0xffff;
	_ =	sdelay $0x4  }
0x2bc: {  	vm14 =	vgt.s32 v34, $0x0  }
0x2bd: {  	v63 =	vnsel vm14, $0x0, v34  }
0x2be: {  	vm15 =	veq.s32 v34, $0xFFFFFFFF;
	v35 =	vmin.u32 v63, $0xF4240  }
0x2bf: {  	v34 =	vsel vm15, $0xF4240, v35  }
0x2c0: {  	v34 =	vadd.s32 v0, v34  }
0x2c1: {  	[tilespmem:v33+s0+$0x30 ss:$0x1] =	vst.idx.msk $0xffff, v34;
	s0 =	sshll.u32 s9, $0xF  }
0x2c2: {  	s3 =	sadd.s32 $0x1, s9;
	s2 =	sor.u32 $0x1000, s0  }
0x2c3: {  	[tilespmem:s2], [sflag:s3] =	stream.indirect.gather [hbm4b:s8+s29], $0x10, s22, s29, $0xb8;
	[tilespmem:$0x1F000] =	vst v63  }
0x2c4: {  	s12 =	sadd.s32 $0x80, s22;
	s11 =	sor.u32 $0x1800, s0  }
0x2c5: {  	[tilespmem:s11], [sflag:s3] =	stream.indirect.gather [hbm4b:s8+s29], $0x10, s12, s29, $0xb8;
	[tilespmem:$0x1F000] =	vst v63  }
0x2c6: {  	s14 =	sadd.s32 $0x100, s22;
	s13 =	sor.u32 $0x2000, s0  }
0x2c7: {  	[tilespmem:s13], [sflag:s3] =	stream.indirect.gather [hbm4b:s8+s29], $0x10, s14, s29, $0xb8;
	[tilespmem:$0x1F000] =	vst v63  }
0x2c8: {  	s17 =	sadd.s32 $0x180, s22;
	s15 =	sor.u32 $0x2800, s0  }
0x2c9: {  	[tilespmem:s15], [sflag:s3] =	stream.indirect.gather [hbm4b:s8+s29], $0x10, s17, s29, $0xb8;
	[tilespmem:$0x1F000] =	vst v63  }
0x2ca: {  	s23 =	sadd.s32 $0x200, s22;
	s19 =	sor.u32 $0x3000, s0  }
0x2cb: {  	[tilespmem:s19], [sflag:s3] =	stream.indirect.gather [hbm4b:s8+s29], $0x10, s23, s29, $0xb8;
	[tilespmem:$0x1F000] =	vst v63  }
0x2cc: {  	s25 =	sadd.s32 $0x280, s22;
	s24 =	sor.u32 $0x3800, s0  }
0x2cd: {  	[tilespmem:s24], [sflag:s3] =	stream.indirect.gather [hbm4b:s8+s29], $0x10, s25, s29, $0xb8;
	[tilespmem:$0x1F000] =	vst v63  }
0x2ce: {  	s28 =	sadd.s32 $0x300, s22;
	s26 =	sor.u32 $0x4000, s0  }
0x2cf: {  	[tilespmem:s26], [sflag:s3] =	stream.indirect.gather [hbm4b:s8+s29], $0x10, s28, s29, $0xb8;
	[tilespmem:$0x1F000] =	vst v63  }
0x2d0: {  	s31 =	sadd.s32 $0x380, s22;
	s30 =	sor.u32 $0x4800, s0  }
0x2d1: {  	[tilespmem:s30], [sflag:s3] =	stream.indirect.gather [hbm4b:s8+s29], $0x10, s31, s29, $0xb8;
	[tilespmem:$0x1F000] =	vst v63  }
0x2d2: {  	s9 =	sor.u32 $0x5000, s0;
	s11 =	sadd.s32 $0x400, s22  }
0x2d3: {  	[tilespmem:s9], [sflag:s3] =	stream.indirect.gather [hbm4b:s8+s29], $0x10, s11, s29, $0xb8;
	[tilespmem:$0x1F000] =	vst v63  }
0x2d4: {  	s12 =	sor.u32 $0x5800, s0;
	s13 =	sadd.s32 $0x480, s22  }
0x2d5: {  	[tilespmem:s12], [sflag:s3] =	stream.indirect.gather [hbm4b:s8+s29], $0x10, s13, s29, $0xb8;
	[tilespmem:$0x1F000] =	vst v63  }
0x2d6: {  	s14 =	sor.u32 $0x6000, s0;
	s15 =	sadd.s32 $0x500, s22  }
0x2d7: {  	[tilespmem:s14], [sflag:s3] =	stream.indirect.gather [hbm4b:s8+s29], $0x10, s15, s29, $0xb8;
	[tilespmem:$0x1F000] =	vst v63  }
0x2d8: {  	s17 =	sor.u32 $0x6800, s0;
	s19 =	sadd.s32 $0x580, s22  }
0x2d9: {  	[tilespmem:s17], [sflag:s3] =	stream.indirect.gather [hbm4b:s8+s29], $0x10, s19, s29, $0xb8;
	[tilespmem:$0x1F000] =	vst v63  }
0x2da: {  	s23 =	sor.u32 $0x7000, s0;
	s24 =	sadd.s32 $0x600, s22  }
0x2db: {  	[tilespmem:s23], [sflag:s3] =	stream.indirect.gather [hbm4b:s8+s29], $0x10, s24, s29, $0xb8;
	[tilespmem:$0x1F000] =	vst v63  }
0x2dc: {  	s25 =	sor.u32 $0x7800, s0;
	s26 =	sadd.s32 $0x680, s22  }
0x2dd: {  	[tilespmem:s25], [sflag:s3] =	stream.indirect.gather [hbm4b:s8+s29], $0x10, s26, s29, $0xb8;
	[tilespmem:$0x1F000] =	vst v63  }
0x2de: {  	s28 =	sadd.s32 $0x8000, s0;
	s30 =	sadd.s32 $0x700, s22  }
0x2df: {  	[tilespmem:s28], [sflag:s3] =	stream.indirect.gather [hbm4b:s8+s29], $0x10, s30, s29, $0xb8;
	[tilespmem:$0x1F000] =	vst v63  }
0x2e0: {  	s0 =	sadd.s32 $0x8800, s0;
	s31 =	sadd.s32 $0x780, s22  }
0x2e1: {  	[tilespmem:s0], [sflag:s3] =	stream.indirect.gather [hbm4b:s8+s29], $0x10, s31, s29, $0xb8;
	[tilespmem:$0x1F000] =	vst v63  }
.LBB2_14:
0x2e2: {  	s0 =	sadd.s32 $0x1, s21  }
0x2e3: {  	_ =	swait.ge [sflag:s0], $0x800  }
0x2e4: {  	[sflag:s0] =	ssyncset.done $0x0  }
0x2e5: {  	[sflag:s0] =	ssyncadd.s32 $0xFFFFF800  }
0x2e6: {  	_ =	swait.ge [sflag:s0], $0x800  }
0x2e7: {  	[sflag:s0] =	ssyncset.done $0x0  }
0x2e8: {  	[sflag:s0] =	ssyncadd.s32 $0xFFFFF800  }
0x2e9: {  	_ =	swait.ge [sflag:s0], $0x800  }
0x2ea: {  	[sflag:s0] =	ssyncset.done $0x0  }
0x2eb: {  	[sflag:s0] =	ssyncadd.s32 $0xFFFFF800  }
0x2ec: {  	_ =	swait.ge [sflag:s0], $0x800  }
0x2ed: {  	[sflag:s0] =	ssyncset.done $0x0  }
0x2ee: {  	[sflag:s0] =	ssyncadd.s32 $0xFFFFF800  }
0x2ef: {  	_ =	swait.ge [sflag:s0], $0x800  }
0x2f0: {  	[sflag:s0] =	ssyncset.done $0x0  }
0x2f1: {  	[sflag:s0] =	ssyncadd.s32 $0xFFFFF800  }
0x2f2: {  	_ =	swait.ge [sflag:s0], $0x800  }
0x2f3: {  	[sflag:s0] =	ssyncset.done $0x0  }
0x2f4: {  	[sflag:s0] =	ssyncadd.s32 $0xFFFFF800  }
0x2f5: {  	_ =	swait.ge [sflag:s0], $0x800  }
0x2f6: {  	[sflag:s0] =	ssyncset.done $0x0  }
0x2f7: {  	[sflag:s0] =	ssyncadd.s32 $0xFFFFF800  }
0x2f8: {  	_ =	swait.ge [sflag:s0], $0x800  }
0x2f9: {  	[sflag:s0] =	ssyncset.done $0x0  }
0x2fa: {  	[sflag:s0] =	ssyncadd.s32 $0xFFFFF800  }
0x2fb: {  	_ =	swait.ge [sflag:s0], $0x800  }
0x2fc: {  	[sflag:s0] =	ssyncset.done $0x0  }
0x2fd: {  	[sflag:s0] =	ssyncadd.s32 $0xFFFFF800  }
0x2fe: {  	_ =	swait.ge [sflag:s0], $0x800  }
0x2ff: {  	[sflag:s0] =	ssyncset.done $0x0  }
0x300: {  	[sflag:s0] =	ssyncadd.s32 $0xFFFFF800  }
0x301: {  	_ =	swait.ge [sflag:s0], $0x800  }
0x302: {  	[sflag:s0] =	ssyncset.done $0x0  }
0x303: {  	[sflag:s0] =	ssyncadd.s32 $0xFFFFF800  }
0x304: {  	_ =	swait.ge [sflag:s0], $0x800  }
0x305: {  	[sflag:s0] =	ssyncset.done $0x0  }
0x306: {  	[sflag:s0] =	ssyncadd.s32 $0xFFFFF800  }
0x307: {  	_ =	swait.ge [sflag:s0], $0x800  }
0x308: {  	[sflag:s0] =	ssyncset.done $0x0  }
0x309: {  	[sflag:s0] =	ssyncadd.s32 $0xFFFFF800  }
0x30a: {  	_ =	swait.ge [sflag:s0], $0x800  }
0x30b: {  	[sflag:s0] =	ssyncset.done $0x0  }
0x30c: {  	[sflag:s0] =	ssyncadd.s32 $0xFFFFF800  }
0x30d: {  	_ =	swait.ge [sflag:s0], $0x800  }
0x30e: {  	[sflag:s0] =	ssyncset.done $0x0  }
0x30f: {  	[sflag:s0] =	ssyncadd.s32 $0xFFFFF800  }
0x310: {  	_ =	swait.ge [sflag:s0], $0x800  }
0x311: {  	p1 =	seq.s32 s1, $0x0;
	[sflag:s0] =	ssyncset.done $0x0  }
0x312: {  	v33 =	vlaneseq.u32;
	[sflag:s0] =	ssyncadd.s32 $0xFFFFF800;
	s0 =	simm.s32 @!p1 $0x3  }
0x313: {  	v34 =	vshll.u32 v33, $0x4;
	_ =	swait.ge @!p1 [sflag:s0], $0x4000  }
0x314: {  	v35 =	vor.u32 $0xF, v34;
	[sflag:s0] =	ssyncset.done @!p1 $0x0  }
0x315: {  	v36 =	vor.u32 $0xE, v34;
	[sflag:s0] =	ssyncadd.s32 @!p1 $0xFFFFC000  }
0x316: {  	v37 =	vor.u32 $0xD, v34;
	_ =	swait.ge @!p1 [sflag:s0], $0x4000  }
0x317: {  	s2 =	sshll.u32 s21, $0xF;
	v38 =	vor.u32 $0xC, v34;
	[sflag:s0] =	ssyncset.done @!p1 $0x0  }
0x318: {  	s21 =	sor.u32 $0x1000, s2;
	v39 =	vor.u32 $0xB, v34;
	[sflag:s0] =	ssyncadd.s32 @!p1 $0xFFFFC000  }
0x319: {  	v40 =	vor.u32 $0xA, v34;
	v35 =	vld.idx.msk [tilespmem:v35+s21+$0x0], $0xffff  }
0x31a: {  	v41 =	vor.u32 $0x9, v34;
	v36 =	vld.idx.msk [tilespmem:v36+s21+$0x0], $0xffff  }
0x31b: {  	v42 =	vor.u32 $0x8, v34;
	v37 =	vld.idx.msk [tilespmem:v37+s21+$0x0], $0xffff  }
0x31c: {  	v43 =	vor.u32 $0x6, v34;
	v38 =	vld.idx.msk [tilespmem:v38+s21+$0x0], $0xffff  }
0x31d: {  	v44 =	vor.u32 $0x7, v34;
	v39 =	vld.idx.msk [tilespmem:v39+s21+$0x0], $0xffff  }
0x31e: {  	v45 =	vor.u32 $0x5, v34;
	v40 =	vld.idx.msk [tilespmem:v40+s21+$0x0], $0xffff  }
0x31f: {  	v46 =	vor.u32 $0x4, v34;
	v41 =	vld.idx.msk [tilespmem:v41+s21+$0x0], $0xffff  }
0x320: {  	v47 =	vor.u32 $0x3, v34;
	v42 =	vld.idx.msk [tilespmem:v42+s21+$0x0], $0xffff  }
0x321: {  	v48 =	vor.u32 $0x2, v34;
	v43 =	vld.idx.msk [tilespmem:v43+s21+$0x0], $0xffff  }
0x322: {  	v49 =	vor.u32 $0x1, v34;
	v44 =	vld.idx.msk [tilespmem:v44+s21+$0x0], $0xffff  }
0x323: {  	v45 =	vld.idx.msk [tilespmem:v45+s21+$0x0], $0xffff  }
0x324: {  	s30 =	simm.s32 $0x0;
	v46 =	vld.idx.msk [tilespmem:v46+s21+$0x0], $0xffff  }
0x325: {  	s31 =	sand.u32 $0x3C00, s30;
	v47 =	vld.idx.msk [tilespmem:v47+s21+$0x0], $0xffff  }
0x326: {  	s9 =	sand.u32 $0x60, s30;
	s3 =	sadd.s32 $0x11000, s31;
	v48 =	vld.idx.msk [tilespmem:v48+s21+$0x0], $0xffff  }
0x327: {  	s11 =	sor.u32 s9, s3;
	v49 =	vld.idx.msk [tilespmem:v49+s21+$0x0], $0xffff  }
0x328: {  	v50 =	vld.idx.msk [tilespmem:v34+s21+$0x0], $0xffff;
	[tilespmem:s11+$0x380] =	vst v44  }
0x329: {  	[tilespmem:s11+$0x280] =	vst v45  }
0x32a: {  	[tilespmem:s11+$0x200] =	vst v46  }
0x32b: {  	[tilespmem:s11+$0x180] =	vst v47  }
0x32c: {  	[tilespmem:s11+$0x100] =	vst v48  }
0x32d: {  	[tilespmem:s11+$0x80] =	vst v49  }
0x32e: {  	s0 =	sadd.s32 $0x15000, s31;
	[tilespmem:s11+$0x0] =	vst v50  }
0x32f: {  	s12 =	sadd.s32 $0x15080, s31;
	s13 =	sor.u32 s9, s0;
	[tilespmem:s11+$0x300] =	vst v43  }
0x330: {  	s17 =	sadd.s32 $0x15100, s31;
	s14 =	sor.u32 s9, s12;
	[tilespmem:s13+$0x0] =	vst v42  }
0x331: {  	s19 =	sadd.s32 $0x15180, s31;
	s15 =	sor.u32 s9, s17;
	[tilespmem:s14+$0x0] =	vst v41  }
0x332: {  	s26 =	sadd.s32 $0x15200, s31;
	s22 =	sor.u32 s9, s19;
	[tilespmem:s15+$0x0] =	vst v40  }
0x333: {  	s28 =	sadd.s32 $0x15280, s31;
	v58 =	vadd.s32 $0x10E, v34;
	s23 =	sor.u32 s9, s26;
	[tilespmem:s22+$0x0] =	vst v39  }
0x334: {  	s25 =	sadd.s32 $0x15300, s31;
	v59 =	vadd.s32 $0x10F, v34;
	s24 =	sor.u32 s9, s28;
	[tilespmem:s23+$0x0] =	vst v38  }
0x335: {  	s2 =	sadd.s32 $0x15380, s31;
	v60 =	vadd.s32 $0x10D, v34;
	s30 =	sor.u32 s9, s25;
	[tilespmem:s24+$0x0] =	vst v37  }
0x336: {  	v61 =	vadd.s32 $0x10B, v34;
	s31 =	sor.u32 s9, s2;
	[tilespmem:s30+$0x0] =	vst v36  }
0x337: {  	v62 =	vadd.s32 $0x10A, v34;
	[tilespmem:s31+$0x0] =	vst v35  }
0x338: {  	v63 =	vadd.s32 $0x109, v34;
	v49 =	vld.idx.msk [tilespmem:v58+s21+$0x0], $0xffff  }
0x339: {  	v42 =	vadd.s32 $0x108, v34;
	v50 =	vld.idx.msk [tilespmem:v59+s21+$0x0], $0xffff  }
0x33a: {  	v43 =	vadd.s32 $0x100, v34;
	v53 =	vld.idx.msk [tilespmem:v60+s21+$0x0], $0xffff  }
0x33b: {  	v44 =	vadd.s32 $0x107, v34;
	v54 =	vld.idx.msk [tilespmem:v61+s21+$0x0], $0xffff  }
0x33c: {  	v45 =	vadd.s32 $0x106, v34;
	v55 =	vld.idx.msk [tilespmem:v62+s21+$0x0], $0xffff  }
0x33d: {  	v46 =	vadd.s32 $0x105, v34;
	v56 =	vld.idx.msk [tilespmem:v63+s21+$0x0], $0xffff  }
0x33e: {  	v47 =	vadd.s32 $0x10C, v34;
	v57 =	vld.idx.msk [tilespmem:v42+s21+$0x0], $0xffff  }
0x33f: {  	v48 =	vadd.s32 $0x104, v34;
	v38 =	vld.idx.msk [tilespmem:v43+s21+$0x0], $0xffff  }
0x340: {  	v51 =	vadd.s32 $0x102, v34;
	v59 =	vld.idx.msk [tilespmem:v44+s21+$0x0], $0xffff  }
0x341: {  	v52 =	vadd.s32 $0x103, v34;
	v60 =	vld.idx.msk [tilespmem:v45+s21+$0x0], $0xffff  }
0x342: {  	v34 =	vadd.s32 $0x101, v34;
	v43 =	vld.idx.msk [tilespmem:v46+s21+$0x0], $0xffff  }
0x343: {  	v58 =	vld.idx.msk [tilespmem:v47+s21+$0x0], $0xffff  }
0x344: {  	v44 =	vld.idx.msk [tilespmem:v48+s21+$0x0], $0xffff  }
0x345: {  	s15 =	sor.u32 $0x10, s9;
	v37 =	vadd.s32 $0x20, v33;
	v46 =	vld.idx.msk [tilespmem:v51+s21+$0x0], $0xffff  }
0x346: {  	s24 =	sor.u32 s15, s3;
	v33 =	vshll.u32 v37, $0x4;
	v51 =	vld.idx.msk [tilespmem:v52+s21+$0x0], $0xffff  }
0x347: {  	v35 =	vor.u32 $0x1, v33;
	v61 =	vld.idx.msk [tilespmem:v34+s21+$0x0], $0xffff;
	[tilespmem:s24+$0x0] =	vst v38  }
0x348: {  	v36 =	vor.u32 $0x2, v33;
	v39 =	vor.u32 $0x7, v33;
	v40 =	vor.u32 $0x4, v33;
	[tilespmem:s24+$0x280] =	vst v43  }
0x349: {  	s13 =	simm.s32 $0x100;
	v41 =	vor.u32 $0x5, v33;
	v42 =	vor.u32 $0x6, v33;
	v45 =	vor.u32 $0xA, v33;
	[tilespmem:s24+$0x200] =	vst v44  }
0x34a: {  	s11 =	sand.u32 $0x3C00, s13;
	v47 =	vor.u32 $0xC, v33;
	v48 =	vor.u32 $0xD, v33;
	v52 =	vor.u32 $0xF, v33;
	[tilespmem:s24+$0x100] =	vst v46  }
0x34b: {  	s14 =	simm.s32 $0x20;
	s9 =	sadd.s32 $0x11000, s11;
	s22 =	simm.s32 $0x2;
	v34 =	vadd.s32 $0x100, v33;
	v38 =	vor.u32 $0x3, v33;
	v43 =	vor.u32 $0x8, v33;
	[tilespmem:s24+$0x180] =	vst v51  }
0x34c: {  	s23 =	sor.u32 s15, s12;
	s12 =	simm.s32 $0x20;
	s3 =	sor.u32 s15, s0;
	v44 =	vor.u32 $0x9, v33;
	v46 =	vor.u32 $0xB, v33;
	v51 =	vor.u32 $0xE, v33;
	[tilespmem:s24+$0x80] =	vst v61  }
.LBB2_15:
0x34d: {  	s22 =	sadd.s32 $0x2, s22;
	v37 =	vadd.s32 $0x20, v37;
	s14 =	sadd.s32 $0x20, s14;
	s13 =	sadd.s32 $0x100, s13;
	[tilespmem:s24+$0x300] =	vst v60  }
0x34e: {  	s30 =	sand.u32 $0x3C00, s13;
	p1 =	slt.u32 s22, $0x7E;
	[tilespmem:s24+$0x380] =	vst v59  }
0x34f: {  	s0 =	sadd.s32 $0x11000, s30  }
0x350: {  	[tilespmem:s3+$0x0] =	vst v57  }
0x351: {  	s3 =	sor.u32 s15, s17;
	[tilespmem:s23+$0x0] =	vst v56  }
0x352: {  	[tilespmem:s3+$0x0] =	vst v55;
	s3 =	sor.u32 s15, s19  }
0x353: {  	[tilespmem:s3+$0x0] =	vst v54;
	s3 =	sor.u32 s15, s26  }
0x354: {  	[tilespmem:s3+$0x0] =	vst v58;
	s3 =	sor.u32 s15, s28  }
0x355: {  	[tilespmem:s3+$0x0] =	vst v53;
	s3 =	sor.u32 s15, s25  }
0x356: {  	s2 =	sor.u32 s15, s2;
	[tilespmem:s3+$0x0] =	vst v49  }
0x357: {  	[tilespmem:s2+$0x0] =	vst v50  }
0x358: {  	v49 =	vld.idx.msk [tilespmem:v52+s21+$0x0], $0xffff  }
0x359: {  	v50 =	vld.idx.msk [tilespmem:v51+s21+$0x0], $0xffff  }
0x35a: {  	v53 =	vld.idx.msk [tilespmem:v48+s21+$0x0], $0xffff  }
0x35b: {  	v54 =	vld.idx.msk [tilespmem:v47+s21+$0x0], $0xffff  }
0x35c: {  	v55 =	vld.idx.msk [tilespmem:v46+s21+$0x0], $0xffff  }
0x35d: {  	v56 =	vld.idx.msk [tilespmem:v45+s21+$0x0], $0xffff  }
0x35e: {  	v57 =	vld.idx.msk [tilespmem:v44+s21+$0x0], $0xffff  }
0x35f: {  	v58 =	vld.idx.msk [tilespmem:v43+s21+$0x0], $0xffff  }
0x360: {  	v48 =	vld.idx.msk [tilespmem:v42+s21+$0x0], $0xffff  }
0x361: {  	v39 =	vld.idx.msk [tilespmem:v39+s21+$0x0], $0xffff  }
0x362: {  	v41 =	vld.idx.msk [tilespmem:v41+s21+$0x0], $0xffff  }
0x363: {  	v40 =	vld.idx.msk [tilespmem:v40+s21+$0x0], $0xffff  }
0x364: {  	v38 =	vld.idx.msk [tilespmem:v38+s21+$0x0], $0xffff  }
0x365: {  	v42 =	vld.idx.msk [tilespmem:v36+s21+$0x0], $0xffff  }
0x366: {  	s24 =	sand.u32 $0x60, s12;
	s12 =	smov.u32 s14;
	v43 =	vld.idx.msk [tilespmem:v35+s21+$0x0], $0xffff  }
0x367: {  	s15 =	sor.u32 $0x10, s24;
	s2 =	sor.u32 s24, s9;
	v45 =	vld.idx.msk [tilespmem:v33+s21+$0x0], $0xffff  }
0x368: {  	[tilespmem:s2+$0x380] =	vst v39  }
0x369: {  	[tilespmem:s2+$0x280] =	vst v41  }
0x36a: {  	[tilespmem:s2+$0x200] =	vst v40  }
0x36b: {  	v61 =	vshll.u32 v37, $0x4;
	[tilespmem:s2+$0x180] =	vst v38  }
0x36c: {  	v36 =	vor.u32 $0x2, v61;
	v35 =	vor.u32 $0x1, v61;
	v39 =	vor.u32 $0x7, v61;
	[tilespmem:s2+$0x100] =	vst v42  }
0x36d: {  	v40 =	vor.u32 $0x4, v61;
	v38 =	vor.u32 $0x3, v61;
	v42 =	vor.u32 $0x6, v61;
	[tilespmem:s2+$0x80] =	vst v43  }
0x36e: {  	s3 =	sadd.s32 $0x15000, s11;
	v44 =	vor.u32 $0x9, v61;
	v41 =	vor.u32 $0x5, v61;
	v43 =	vor.u32 $0x8, v61;
	[tilespmem:s2+$0x0] =	vst v45  }
0x36f: {  	s19 =	sadd.s32 $0x15080, s11;
	v47 =	vor.u32 $0xC, v61;
	v46 =	vor.u32 $0xB, v61;
	v45 =	vor.u32 $0xA, v61;
	[tilespmem:s2+$0x300] =	vst v48;
	s2 =	sor.u32 s24, s3;
	s3 =	sor.u32 s15, s3  }
0x370: {  	s17 =	sadd.s32 $0x15100, s11;
	s23 =	sor.u32 s15, s19;
	v52 =	vor.u32 $0xF, v61;
	v51 =	vor.u32 $0xE, v61;
	v48 =	vor.u32 $0xD, v61;
	[tilespmem:s2+$0x0] =	vst v58;
	s2 =	sor.u32 s24, s19  }
0x371: {  	s19 =	sadd.s32 $0x15180, s11;
	[tilespmem:s2+$0x0] =	vst v57;
	s2 =	sor.u32 s24, s17  }
0x372: {  	s26 =	sadd.s32 $0x15200, s11;
	[tilespmem:s2+$0x0] =	vst v56;
	s2 =	sor.u32 s24, s19  }
0x373: {  	s28 =	sadd.s32 $0x15280, s11;
	[tilespmem:s2+$0x0] =	vst v55;
	s2 =	sor.u32 s24, s26;
	v55 =	vadd.s32 $0x10E, v33  }
0x374: {  	s25 =	sadd.s32 $0x15300, s11;
	[tilespmem:s2+$0x0] =	vst v54;
	s2 =	sor.u32 s24, s28;
	v54 =	vadd.s32 $0x10F, v33  }
0x375: {  	s31 =	sor.u32 s24, s25;
	[tilespmem:s2+$0x0] =	vst v53;
	s2 =	sadd.s32 $0x15380, s11;
	v53 =	vadd.s32 $0x10D, v33;
	s11 =	smov.u32 s30  }
0x376: {  	v56 =	vadd.s32 $0x10B, v33;
	[tilespmem:s31+$0x0] =	vst v50;
	s24 =	sor.u32 s24, s2  }
0x377: {  	v57 =	vadd.s32 $0x10A, v33;
	[tilespmem:s24+$0x0] =	vst v49  }
0x378: {  	v58 =	vadd.s32 $0x109, v33;
	v49 =	vld.idx.msk [tilespmem:v55+s21+$0x0], $0xffff  }
0x379: {  	v59 =	vadd.s32 $0x108, v33;
	v50 =	vld.idx.msk [tilespmem:v54+s21+$0x0], $0xffff  }
0x37a: {  	v53 =	vld.idx.msk [tilespmem:v53+s21+$0x0], $0xffff  }
0x37b: {  	v60 =	vadd.s32 $0x107, v33;
	v54 =	vld.idx.msk [tilespmem:v56+s21+$0x0], $0xffff  }
0x37c: {  	v62 =	vadd.s32 $0x106, v33;
	v55 =	vld.idx.msk [tilespmem:v57+s21+$0x0], $0xffff  }
0x37d: {  	v63 =	vadd.s32 $0x105, v33;
	v56 =	vld.idx.msk [tilespmem:v58+s21+$0x0], $0xffff  }
0x37e: {  	v58 =	vadd.s32 $0x10C, v33;
	v57 =	vld.idx.msk [tilespmem:v59+s21+$0x0], $0xffff  }
0x37f: {  	v1 =	vld.idx.msk [tilespmem:v34+s21+$0x0], $0xffff;
	v34 =	vadd.s32 $0x104, v33  }
0x380: {  	v2 =	vadd.s32 $0x102, v33;
	v59 =	vld.idx.msk [tilespmem:v60+s21+$0x0], $0xffff  }
0x381: {  	v3 =	vadd.s32 $0x103, v33;
	v60 =	vld.idx.msk [tilespmem:v62+s21+$0x0], $0xffff  }
0x382: {  	v62 =	vadd.s32 $0x101, v33;
	v33 =	vmov v61;
	v63 =	vld.idx.msk [tilespmem:v63+s21+$0x0], $0xffff  }
0x383: {  	v58 =	vld.idx.msk [tilespmem:v58+s21+$0x0], $0xffff  }
0x384: {  	v61 =	vld.idx.msk [tilespmem:v34+s21+$0x0], $0xffff  }
0x385: {  	v2 =	vld.idx.msk [tilespmem:v2+s21+$0x0], $0xffff  }
0x386: {  	v3 =	vld.idx.msk [tilespmem:v3+s21+$0x0], $0xffff  }
0x387: {  	s24 =	sor.u32 s15, s9;
	s9 =	smov.u32 s0;
	v34 =	vadd.s32 $0x100, v33;
	v62 =	vld.idx.msk [tilespmem:v62+s21+$0x0], $0xffff  }
0x388: {  	[tilespmem:s24+$0x0] =	vst v1  }
.Ltmp6:
0x389: {  	[tilespmem:s24+$0x280] =	vst v63;
	(pc) =	sbr.rel @p1 .LBB2_15-.Ltmp6, $4  }
0x38a: {  	[tilespmem:s24+$0x200] =	vst v61  }
0x38b: {  	[tilespmem:s24+$0x100] =	vst v2  }
0x38c: {  	[tilespmem:s24+$0x180] =	vst v3  }
0x38d: {  	[tilespmem:s24+$0x80] =	vst v62  }
0x38e: {  	[tilespmem:s24+$0x300] =	vst v60  }
0x38f: {  	[tilespmem:s24+$0x380] =	vst v59  }
0x390: {  	[tilespmem:s3+$0x0] =	vst v57  }
0x391: {  	s0 =	sor.u32 s15, s17;
	[tilespmem:s23+$0x0] =	vst v56  }
0x392: {  	s23 =	sor.u32 s15, s19;
	[tilespmem:s0+$0x0] =	vst v55  }
0x393: {  	s24 =	sor.u32 s15, s26;
	[tilespmem:s23+$0x0] =	vst v54  }
0x394: {  	s26 =	sor.u32 s15, s28;
	[tilespmem:s24+$0x0] =	vst v58  }
0x395: {  	s28 =	sor.u32 s15, s25;
	[tilespmem:s26+$0x0] =	vst v53  }
0x396: {  	s30 =	sor.u32 s15, s2;
	[tilespmem:s28+$0x0] =	vst v49  }
0x397: {  	[tilespmem:s30+$0x0] =	vst v50  }
0x398: {  	v1 =	vld.idx.msk [tilespmem:v52+s21+$0x0], $0xffff  }
0x399: {  	v2 =	vld.idx.msk [tilespmem:v51+s21+$0x0], $0xffff  }
0x39a: {  	v3 =	vld.idx.msk [tilespmem:v48+s21+$0x0], $0xffff  }
0x39b: {  	v37 =	vld.idx.msk [tilespmem:v47+s21+$0x0], $0xffff  }
0x39c: {  	v46 =	vld.idx.msk [tilespmem:v46+s21+$0x0], $0xffff  }
0x39d: {  	v45 =	vld.idx.msk [tilespmem:v45+s21+$0x0], $0xffff  }
0x39e: {  	v44 =	vld.idx.msk [tilespmem:v44+s21+$0x0], $0xffff  }
0x39f: {  	v43 =	vld.idx.msk [tilespmem:v43+s21+$0x0], $0xffff  }
0x3a0: {  	v42 =	vld.idx.msk [tilespmem:v42+s21+$0x0], $0xffff  }
0x3a1: {  	v39 =	vld.idx.msk [tilespmem:v39+s21+$0x0], $0xffff  }
0x3a2: {  	v41 =	vld.idx.msk [tilespmem:v41+s21+$0x0], $0xffff  }
0x3a3: {  	v40 =	vld.idx.msk [tilespmem:v40+s21+$0x0], $0xffff  }
0x3a4: {  	v38 =	vld.idx.msk [tilespmem:v38+s21+$0x0], $0xffff  }
0x3a5: {  	s31 =	sand.u32 $0x60, s12;
	v36 =	vld.idx.msk [tilespmem:v36+s21+$0x0], $0xffff  }
0x3a6: {  	s14 =	sor.u32 s31, s9;
	v35 =	vld.idx.msk [tilespmem:v35+s21+$0x0], $0xffff  }
0x3a7: {  	v51 =	vld.idx.msk [tilespmem:v33+s21+$0x0], $0xffff;
	[tilespmem:s14+$0x380] =	vst v39  }
0x3a8: {  	[tilespmem:s14+$0x280] =	vst v41  }
0x3a9: {  	[tilespmem:s14+$0x200] =	vst v40  }
0x3aa: {  	[tilespmem:s14+$0x180] =	vst v38  }
0x3ab: {  	[tilespmem:s14+$0x100] =	vst v36  }
0x3ac: {  	[tilespmem:s14+$0x80] =	vst v35  }
0x3ad: {  	s0 =	sadd.s32 $0x15000, s11;
	[tilespmem:s14+$0x0] =	vst v51  }
0x3ae: {  	s3 =	sadd.s32 $0x15080, s11;
	s12 =	sor.u32 s31, s0;
	[tilespmem:s14+$0x300] =	vst v42  }
0x3af: {  	s13 =	sor.u32 s31, s3;
	[tilespmem:s12+$0x0] =	vst v43;
	s12 =	sadd.s32 $0x15100, s11  }
0x3b0: {  	s15 =	sadd.s32 $0x15180, s11;
	[tilespmem:s13+$0x0] =	vst v44;
	s14 =	sor.u32 s31, s12  }
0x3b1: {  	s19 =	sadd.s32 $0x15200, s11;
	s17 =	sor.u32 s31, s15;
	[tilespmem:s14+$0x0] =	vst v45  }
0x3b2: {  	s22 =	sor.u32 s31, s19;
	s23 =	sadd.s32 $0x15280, s11;
	v52 =	vadd.s32 $0x10E, v33;
	[tilespmem:s17+$0x0] =	vst v46  }
0x3b3: {  	s25 =	sadd.s32 $0x15300, s11;
	s24 =	sor.u32 s31, s23;
	v53 =	vadd.s32 $0x10F, v33;
	[tilespmem:s22+$0x0] =	vst v37  }
0x3b4: {  	v54 =	vadd.s32 $0x109, v33;
	s26 =	sor.u32 s31, s25;
	s28 =	sadd.s32 $0x15380, s11;
	[tilespmem:s24+$0x0] =	vst v3  }
0x3b5: {  	v55 =	vadd.s32 $0x108, v33;
	s30 =	sor.u32 s31, s28;
	[tilespmem:s26+$0x0] =	vst v2  }
0x3b6: {  	[tilespmem:s30+$0x0] =	vst v1  }
0x3b7: {  	v56 =	vadd.s32 $0x107, v33;
	v35 =	vld.idx.msk [tilespmem:v52+s21+$0x0], $0xffff  }
0x3b8: {  	v57 =	vadd.s32 $0x106, v33;
	v36 =	vld.idx.msk [tilespmem:v53+s21+$0x0], $0xffff  }
0x3b9: {  	v58 =	vadd.s32 $0x105, v33;
	v37 =	vld.idx.msk [tilespmem:v54+s21+$0x0], $0xffff  }
0x3ba: {  	v59 =	vadd.s32 $0x10C, v33;
	v38 =	vld.idx.msk [tilespmem:v55+s21+$0x0], $0xffff  }
0x3bb: {  	v60 =	vadd.s32 $0x104, v33;
	v34 =	vld.idx.msk [tilespmem:v34+s21+$0x0], $0xffff  }
0x3bc: {  	v61 =	vadd.s32 $0x102, v33;
	v39 =	vld.idx.msk [tilespmem:v56+s21+$0x0], $0xffff  }
0x3bd: {  	v62 =	vadd.s32 $0x103, v33;
	v40 =	vld.idx.msk [tilespmem:v57+s21+$0x0], $0xffff  }
0x3be: {  	v63 =	vadd.s32 $0x101, v33;
	v41 =	vld.idx.msk [tilespmem:v58+s21+$0x0], $0xffff  }
0x3bf: {  	v3 =	vadd.s32 $0x10D, v33;
	v42 =	vld.idx.msk [tilespmem:v59+s21+$0x0], $0xffff  }
0x3c0: {  	v2 =	vadd.s32 $0x10B, v33;
	v43 =	vld.idx.msk [tilespmem:v60+s21+$0x0], $0xffff  }
0x3c1: {  	v1 =	vadd.s32 $0x10A, v33;
	v44 =	vld.idx.msk [tilespmem:v61+s21+$0x0], $0xffff  }
0x3c2: {  	v45 =	vld.idx.msk [tilespmem:v62+s21+$0x0], $0xffff  }
0x3c3: {  	v33 =	vld.idx.msk [tilespmem:v63+s21+$0x0], $0xffff  }
0x3c4: {  	s2 =	sor.u32 $0x10, s31;
	v3 =	vld.idx.msk [tilespmem:v3+s21+$0x0], $0xffff  }
0x3c5: {  	s31 =	sor.u32 s2, s9;
	v2 =	vld.idx.msk [tilespmem:v2+s21+$0x0], $0xffff  }
0x3c6: {  	v1 =	vld.idx.msk [tilespmem:v1+s21+$0x0], $0xffff;
	[tilespmem:s31+$0x0] =	vst v34  }
0x3c7: {  	[tilespmem:s31+$0x280] =	vst v41  }
0x3c8: {  	[tilespmem:s31+$0x200] =	vst v43  }
0x3c9: {  	[tilespmem:s31+$0x100] =	vst v44  }
0x3ca: {  	[tilespmem:s31+$0x180] =	vst v45  }
0x3cb: {  	[tilespmem:s31+$0x80] =	vst v33  }
0x3cc: {  	[tilespmem:s31+$0x300] =	vst v40  }
0x3cd: {  	s0 =	sor.u32 s2, s0;
	[tilespmem:s31+$0x380] =	vst v39  }
0x3ce: {  	s3 =	sor.u32 s2, s3;
	[tilespmem:s0+$0x0] =	vst v38  }
0x3cf: {  	s12 =	sor.u32 s2, s12;
	[tilespmem:s3+$0x0] =	vst v37  }
0x3d0: {  	s1 =	sadd.s32 $0x1, s1;
	s14 =	sor.u32 s2, s15;
	[tilespmem:s12+$0x0] =	vst v1  }
0x3d1: {  	p1 =	sne.s32 s1, $0x32;
	s15 =	sor.u32 s2, s19;
	s17 =	sor.u32 s2, s23;
	[tilespmem:s14+$0x0] =	vst v2  }
0x3d2: {  	s23 =	sor.u32 s2, s25;
	s22 =	sshll.u32 s20, $0xC;
	s21 =	sshll.u32 s20, $0xB;
	[tilespmem:s15+$0x0] =	vst v42  }
0x3d3: {  	s9 =	sand.u32 $0xFFF8000, s22;
	s24 =	sor.u32 s2, s28;
	s3 =	sand.u32 $0x3800, s21;
	[tilespmem:s17+$0x0] =	vst v3  }
.Ltmp7:
0x3d4: {  	s26 =	rddreg [dreg:$0x2];
	s25 =	sor.u32 s3, s9;
	[tilespmem:s23+$0x0] =	vst v35;
	(pc) =	sbr.rel @p1 .LBB2_10-.Ltmp7, $4  }
0x3d5: {  	s28 =	simm.s32 $0x11000;
	s0 =	sadd.s32 s26, s25;
	[tilespmem:s24+$0x0] =	vst v36  }
0x3d6: {  	v1 =	vld [tilespmem:$0x1FFD0];
	[hbm4b:s0+s4] =	stream.linear.scatter [tilespmem:s28], [sflag:$0x3], $0x4000, $0x38  }
0x3d7: {  	p0 =	por !p0, !p0;
	s31 =	simm.s32 $0x15000;
	s30 =	sadd.s32 s25, s18;
	v2 =	vld [tilespmem:$0x1FFE0]  }
0x3d8: {  	v3 =	vld [tilespmem:$0x1FFF0];
	[hbm4b:s30+s4] =	stream.linear.scatter [tilespmem:s31], [sflag:$0x3], $0x4000, $0x38  }
0x3d9: {  	s1 =	simm.s32 $0x3  }
0x3da: {  	_ =	swait.ge [sflag:s1], $0x4000  }
0x3db: {  	[sflag:s1] =	ssyncset.done $0x0  }
0x3dc: {  	[sflag:s1] =	ssyncadd.s32 $0xFFFFC000  }
0x3dd: {  	_ =	swait.ge [sflag:s1], $0x4000  }
0x3de: {  	s2 =	rddreg [dreg:$0xc]  }
0x3df: {  	s0 =	rddreg [dreg:$0xb];
	s2 =	sadd.s32 $0x1, s2  }
0x3e0: {  	p0 =	sne.s32 s2, s0  }
.Ltmp8:
0x3e1: {  	_ = 	snop;
	(pc) =	sbr.rel @p0 .LBB2_1-.Ltmp8, $3  }
0x3e2: {  	_ =	sdelay $0x1  }
0x3e3: {  	[sflag:s1] =	ssyncset.done $0x0  }
0x3e4: {  	[sflag:s1] =	ssyncadd.s32 $0xFFFFC000  }
0x3e5: {  	_ =	sfence.sel $0x180000  }
0x3e6: {  	[bflag:$0x0] =	sbarrier.arrive $0xFFFF  }
0x3e7: {  	_ =	strace $0x90000047  }
0x3e8: {  	s0 =	stileid.u32;
	[bflag:$0x2] =	sbarrier.arrive $0xFFFF  }
0x3e9: {  	p0 =	sne.s32 s0, $0x0;
	s0 =	rddreg [dreg:$0x3]  }
0x3ea: {  	s0 =	sadd.s32 @!p0 $0x100000, s0  }
0x3eb: {  	[sflag:s0] =	ssyncadd.tile.s32 @!p0 $0x1;
	_ =	shalt  }
.Lfunc_end2:
_tile_overlayer_lowered:
.L_overlay_start_2:
0x3ec: {  	(tag) =	ssettag $0x2  }
0x3ed: {  	s0 =	rddreg [dreg:$0x0];
	s2 =	stileid.u32  }
0x3ee: {  	s1 =	rddreg [dreg:$0x1];
	p0 =	sne.s32 s2, $0x0  }
0x3ef: {  	s3 =	rddreg [dreg:$0x2];
	[bflag:$0x3] =	sbarrier.arrive $0xFFFF;
	s2 =	simm.s32 @!p0 $0x1C0A  }
0x3f0: {  	[timem:s3], [sflag:s2] =	dma.local @!p0 [hbm:s0], s1  }
0x3f1: {  	s0 =	simm.s32 @!p0 $0xA  }
0x3f2: {  	_ =	swait.ge @!p0 [sflag:s0], s1  }
0x3f3: {  	s1 =	ssub.s32 @!p0 $0x0, s1;
	[sflag:s0] =	ssyncset.done @!p0 $0x0  }
0x3f4: {  	[sflag:s0] =	ssyncadd.s32 @!p0 s1  }
0x3f5: {  	[bflag:$0x3] =	sbarrier.arrive $0xFFFF  }
0x3f6: {  	_ =	shalt  }

</sc_bundles>
